<compile_context>
chip_gen: v7x
topology: tpu7x:2x2x1
jax: 0.10.2.dev20260603
libtpu: 0.0.44.dev20260713+nightly
codegen_flags: <defaults>
</compile_context>

<pallas_src>
import functools

import jax
import jax.numpy as jnp
from jax import lax
from jax.experimental import pallas as pl
from jax.experimental.pallas import tpu as pltpu
from jax.experimental.pallas import tpu_sc as plsc

TOP_K = 50
MIN_KEEP = 5
D_MODEL = 2048
VOCAB = 100000
BATCH = 8

V_BLK = 2000
N_BLK = VOCAB // V_BLK
V_PAD = 2048

L = 16
BPW = 13
W_WORDS = BPW * V_PAD
CAP = 512
CBUF = 640
MCAP = 4 * CBUF
MCHUNKS = MCAP // L
CMAXPAD = MCHUNKS
NEG = float("-inf")
POS = float("inf")
BIG = 2**31 - 1


def _logits_body(hs_ref, g_ref, b_ref, w_ref, out_ref):
    x = hs_ref[...]
    mean = jnp.mean(x, axis=-1, keepdims=True)
    var = jnp.mean((x - mean) ** 2, axis=-1, keepdims=True)
    h = (x - mean) * lax.rsqrt(var + 1e-5) * g_ref[...][None, :] + b_ref[...][None, :]
    w = w_ref[...]
    res = lax.dot_general(
        h, w, (((1,), (1,)), ((), ())), preferred_element_type=jnp.float32
    )
    padded = jnp.concatenate(
        [res, jnp.full((BATCH, V_PAD - V_BLK), NEG, jnp.float32)], axis=1)
    out_ref[...] = padded.reshape(BATCH * V_PAD)


def _scalar(x):
    return jnp.max(x) if getattr(x, "ndim", 0) else x


def _sc_body(logits_hbm, tp_hbm, tm_hbm, probs_hbm, tok_hbm,
             staged, valsb, idxsb, merged_v, merged_i, cntb, cmax,
             topv, topi, vec16f, vec16i, mx4, pt16, tm16,
             sh_mx, sh_cnt, sh_v, sh_i, sem):
    c = lax.axis_index("c")
    s = lax.axis_index("s")
    rloc = lax.rem(s, 4)
    q = lax.div(s, 4)
    r = 4 * c + rloc
    lane = lax.iota(jnp.int32, 16)

    start = 13 * q - jnp.maximum(0, q - 2)
    end = 13 * (q + 1) - jnp.maximum(0, q - 1)

    descs = []
    for j in range(BPW):
        b = jnp.minimum(start + j, N_BLK - 1)
        descs.append(pltpu.async_copy(
            logits_hbm.at[pl.ds((b * BATCH + r) * V_PAD, V_PAD)],
            staged.at[pl.ds(j * V_PAD, V_PAD)], sem))
    for d in descs:
        d.wait()

    mvec = jnp.full((L,), POS, jnp.float32)
    for j in range(BPW):
        def mbody(cc, acc):
            for u in range(8):
                acc = jnp.maximum(
                    acc, staged[pl.ds(j * V_PAD + (cc * 8 + u) * L, L)])
            return acc
        macc = lax.fori_loop(0, V_PAD // L // 8, mbody,
                             jnp.full((L,), NEG, jnp.float32))
        mvec = jnp.where(lane == j, jnp.full((L,), jnp.max(macc)), mvec)
    vec16f[pl.ds(0, L)] = mvec
    pltpu.sync_copy(vec16f, sh_mx.at[s])
    plsc.subcore_barrier()

    for qq in range(4):
        pltpu.sync_copy(sh_mx.at[4 * qq + rloc], mx4.at[pl.ds(qq * 128, 128)])
    tmin = jnp.full((L,), POS, jnp.float32)
    for qq in range(4):
        tmin = jnp.minimum(tmin, mx4[pl.ds(qq * 128, L)])
    tsp = jnp.full((L,), jnp.min(tmin))

    def cbody(k8, cnt):
        vs, gs, ms, pcs = [], [], [], []
        for u in range(8):
            k = k8 * 8 + u
            v = staged[pl.ds(k * L, L)]
            j = lax.div(k, V_PAD // L)
            gidx = jnp.full((L,), start * V_BLK + k * L - j * (V_PAD - V_BLK),
                            jnp.int32) + lane
            mask = (v >= tsp) & (gidx < jnp.full((L,), end * V_BLK, jnp.int32))
            vs.append(v)
            gs.append(gidx)
            ms.append(mask)
            pcs.append(_scalar(plsc.all_reduce_population_count(mask)))
        for u in range(8):
            mask = ms[u] & (jnp.full((L,), cnt, jnp.int32) < CAP)
            plsc.store_compressed(valsb.at[pl.ds(cnt, L)], vs[u], mask=mask)
            plsc.store_compressed(idxsb.at[pl.ds(cnt, L)], gs[u], mask=mask)
            cnt = cnt + pcs[u]
        return cnt

    cnt = lax.fori_loop(0, W_WORDS // L // 8, cbody, jnp.int32(0))
    cnt = jnp.minimum(cnt, CAP)

    vec16i[pl.ds(0, L)] = jnp.full((L,), cnt, jnp.int32)
    pltpu.sync_copy(vec16i, sh_cnt.at[s])
    pltpu.sync_copy(valsb, sh_v.at[s])
    pltpu.sync_copy(idxsb, sh_i.at[s])
    plsc.subcore_barrier()

    @pl.when(s < 4)
    def _leader():
        for qq in range(4):
            pltpu.sync_copy(sh_v.at[4 * qq + s], merged_v.at[pl.ds(qq * CBUF, CBUF)])
            pltpu.sync_copy(sh_i.at[4 * qq + s], merged_i.at[pl.ds(qq * CBUF, CBUF)])
            pltpu.sync_copy(sh_cnt.at[4 * qq + s], cntb.at[pl.ds(qq * 128, 128)])
        pltpu.sync_copy(tp_hbm, pt16)
        pltpu.sync_copy(tm_hbm, tm16)

        def clean(t, _):
            qq = lax.div(t, CBUF // L)
            cq = cntb[pl.ds(qq * 128, L)]
            pos = jnp.full((L,), (t - qq * (CBUF // L)) * L, jnp.int32) + lane
            v = jnp.where(pos < cq, merged_v[pl.ds(t * L, L)], NEG)
            merged_v[pl.ds(t * L, L)] = v
            plsc.store_scatter(cmax, [jnp.full((L,), t, jnp.int32)],
                               jnp.full((L,), jnp.max(v)), mask=lane == 0)
            return 0

        lax.fori_loop(0, MCHUNKS, clean, 0)

        for cc in range(8):
            topv[pl.ds(cc * L, L)] = jnp.full((L,), NEG, jnp.float32)
            topi[pl.ds(cc * L, L)] = jnp.full((L,), jnp.int32(0))

        def extract(i, _):
            macc = jnp.full((L,), NEG, jnp.float32)
            for tt in range(CMAXPAD // L):
                macc = jnp.maximum(macc, cmax[pl.ds(tt * L, L)])
            m = jnp.max(macc)
            msp = jnp.full((L,), m)
            cidx = jnp.full((L,), BIG, jnp.int32)
            for tt in range(CMAXPAD // L):
                cm = cmax[pl.ds(tt * L, L)]
                pos = jnp.full((L,), tt * L, jnp.int32) + lane
                cidx = jnp.minimum(cidx, jnp.where(cm == msp, pos, BIG))
            cstar = jnp.min(cidx)
            v = merged_v[pl.ds(cstar * L, L)]
            lanei = _scalar(plsc.all_reduce_ffs(v == msp))
            lsp = jnp.full((L,), lanei, jnp.int32)
            gv = merged_i[pl.ds(cstar * L, L)]
            tok = jnp.min(jnp.where(lane == lsp, gv, BIG))
            v2 = jnp.where(lane == lsp, NEG, v)
            merged_v[pl.ds(cstar * L, L)] = v2
            plsc.store_scatter(cmax, [jnp.full((L,), cstar, jnp.int32)],
                               jnp.full((L,), jnp.max(v2)), mask=lane == 0)
            plsc.store_scatter(topv, [jnp.full((L,), i, jnp.int32)],
                               msp, mask=lane == 0)
            plsc.store_scatter(topi, [jnp.full((L,), i, jnp.int32)],
                               jnp.full((L,), tok), mask=lane == 0)
            return 0

        lax.fori_loop(0, TOP_K, extract, 0)

        tpv = pt16[pl.ds(0, L)]
        tmv = tm16[pl.ds(0, L)]
        tl = [topv[pl.ds(cc * L, L)] / tmv for cc in range(4)]
        m1 = jnp.max(jnp.maximum(jnp.maximum(tl[0], tl[1]),
                                 jnp.maximum(tl[2], tl[3])))
        poss = [jnp.full((L,), cc * L, jnp.int32) + lane for cc in range(4)]
        e = [jnp.where(poss[cc] < TOP_K,
                       jnp.exp(tl[cc] - jnp.full((L,), m1)),
                       jnp.float32(0.0)) for cc in range(4)]
        ssum = jnp.max(jnp.full((L,), jnp.sum(e[0]) + jnp.sum(e[1])
                                      + jnp.sum(e[2]) + jnp.sum(e[3])))
        fl = []
        car = jnp.float32(0.0)
        for cc in range(4):
            p = e[cc] / jnp.full((L,), ssum)
            cu = plsc.cumsum(p) + jnp.full((L,), car)
            car = car + jnp.sum(p)
            keep = (cu < tpv) | (poss[cc] < MIN_KEEP)
            fl.append(jnp.where(keep, tl[cc], jnp.float32(-1000.0)))
        m2 = jnp.max(jnp.maximum(jnp.maximum(fl[0], fl[1]),
                                 jnp.maximum(fl[2], fl[3])))
        e2 = [jnp.where(poss[cc] < TOP_K,
                        jnp.exp(fl[cc] - jnp.full((L,), m2)),
                        jnp.float32(0.0)) for cc in range(4)]
        s2 = jnp.max(jnp.full((L,), jnp.sum(e2[0]) + jnp.sum(e2[1])
                                    + jnp.sum(e2[2]) + jnp.sum(e2[3])))
        for cc in range(4):
            topv[pl.ds(cc * L, L)] = e2[cc] / jnp.full((L,), s2)
        pltpu.sync_copy(topv, probs_hbm.at[r])
        pltpu.sync_copy(topi, tok_hbm.at[r])


def _make_sc_sampler():
    mesh = plsc.VectorSubcoreMesh(core_axis_name="c", subcore_axis_name="s")

    return pl.kernel(
        _sc_body,
        out_type=[
            jax.ShapeDtypeStruct((BATCH, 128), jnp.float32),
            jax.ShapeDtypeStruct((BATCH, 128), jnp.int32),
        ],
        mesh=mesh,
        compiler_params=pltpu.CompilerParams(needs_layout_passes=False),
        scratch_types=[
            pltpu.VMEM((W_WORDS,), jnp.float32),
            pltpu.VMEM((CBUF,), jnp.float32),
            pltpu.VMEM((CBUF,), jnp.int32),
            pltpu.VMEM((MCAP,), jnp.float32),
            pltpu.VMEM((MCAP,), jnp.int32),
            pltpu.VMEM((512,), jnp.int32),
            pltpu.VMEM((CMAXPAD,), jnp.float32),
            pltpu.VMEM((128,), jnp.float32),
            pltpu.VMEM((128,), jnp.int32),
            pltpu.VMEM((128,), jnp.float32),
            pltpu.VMEM((128,), jnp.int32),
            pltpu.VMEM((512,), jnp.float32),
            pltpu.VMEM((128,), jnp.float32),
            pltpu.VMEM((128,), jnp.float32),
            pltpu.VMEM_SHARED((16, 128), jnp.float32),
            pltpu.VMEM_SHARED((16, 128), jnp.int32),
            pltpu.VMEM_SHARED((16, CBUF), jnp.float32),
            pltpu.VMEM_SHARED((16, CBUF), jnp.int32),
            pltpu.SemaphoreType.DMA,
        ],
    )


@functools.partial(jax.jit, static_argnames=("interpret",))
def kernel(hidden_states, top_p, temperature, ln_gamma, ln_beta, lm_head_w,
           interpret=False):
    logits = pl.pallas_call(
        _logits_body,
        grid=(N_BLK,),
        in_specs=[
            pl.BlockSpec((BATCH, D_MODEL), lambda i: (0, 0)),
            pl.BlockSpec((D_MODEL,), lambda i: (0,)),
            pl.BlockSpec((D_MODEL,), lambda i: (0,)),
            pl.BlockSpec((V_BLK, D_MODEL), lambda i: (i, 0)),
        ],
        out_specs=pl.BlockSpec((BATCH * V_PAD,), lambda i: (i,)),
        out_shape=jax.ShapeDtypeStruct((N_BLK * BATCH * V_PAD,), jnp.float32),
        interpret=interpret,
    )(hidden_states, ln_gamma, ln_beta, lm_head_w)

    tp16 = jnp.broadcast_to(top_p.astype(jnp.float32), (128,))
    tm16 = jnp.broadcast_to(temperature.astype(jnp.float32), (128,))
    probs64, tok64 = _make_sc_sampler()(logits, tp16, tm16)
    return probs64[:, :TOP_K], tok64[:, :TOP_K]

# --- scband reference (transcript-rebuilt; emitter-appended) ---
"""Pipeline reference for scband-lm-head-with-sample-head-39333310497459 (READ-ONLY COPY).

The authoritative reference and input builder live on the scoring server;
editing this copy changes nothing except your own understanding.
"""

import jax, jax.numpy as jnp
import numpy as np

TOP_K = 50
MIN_KEEP = 5
D_MODEL = 2048
VOCAB = 100000
BATCH = 8

def setup_inputs(seed: int = 0):
    key = jax.random.key(seed)
    k1, k2, k3 = jax.random.split(key, 3)
    hidden_states = jax.random.normal(k1, (BATCH, D_MODEL), dtype=jnp.float32)
    top_p = jax.random.uniform(k2, (1,), dtype=jnp.float32)
    temperature = jnp.ones((1,), dtype=jnp.float32)
    ln_gamma = jnp.ones((D_MODEL,), dtype=jnp.float32)
    ln_beta = jnp.zeros((D_MODEL,), dtype=jnp.float32)
    lm_head_w = jax.random.normal(k3, (VOCAB, D_MODEL), dtype=jnp.float32) * 0.02
    return {"hidden_states": hidden_states, "top_p": top_p, "temperature": temperature, "ln_gamma": ln_gamma, "ln_beta": ln_beta, "lm_head_w": lm_head_w}

def reference(hidden_states, top_p, temperature, ln_gamma, ln_beta, lm_head_w):
    # ln_f: LayerNorm over last dim
    mean = jnp.mean(hidden_states, axis=-1, keepdims=True)
    var = jnp.mean((hidden_states - mean) ** 2, axis=-1, keepdims=True)
    h = (hidden_states - mean) / jnp.sqrt(var + 1e-5) * ln_gamma + ln_beta
    # lm_head: Linear(d_model -> vocab), no bias
    m_logits = jnp.dot(h, lm_head_w.T).astype(jnp.float32)
    # top-k
    logits, token = jax.lax.top_k(m_logits, TOP_K)
    logits = logits / temperature
    # top-p (nucleus) masking over the top-k logits
    probs_sorted = jax.nn.softmax(logits, axis=1)
    cumulative_probs = jnp.cumsum(probs_sorted, axis=1)
    keep_matrix = jnp.zeros((1, TOP_K), dtype=bool).at[0, :MIN_KEEP].set(True)
    mask = (cumulative_probs < top_p) | keep_matrix
    filtered_logits = jnp.where(mask, logits, jnp.float32(-1000.0))
    probs = jax.nn.softmax(filtered_logits, axis=1)
    return (probs, token)

if __name__ == "__main__":
    import jax
    _d = setup_inputs()
    print(jax.jit(kernel)(*tuple(_d.values())))

</pallas_src>

<mosaic_0001>
#map = affine_map<(d0, d1) -> (0)>
#map1 = affine_map<(d0, d1) -> (0, 0)>
module attributes {stable_mosaic.version = 14 : i64} {
  func.func @_sc_body(%arg0: i32, %arg1: i32, %arg2: memref<819200xf32, #tpu.memory_space<hbm>>, %arg3: memref<128xf32, #tpu.memory_space<hbm>>, %arg4: memref<128xf32, #tpu.memory_space<hbm>>, %arg5: memref<8x128xf32, #tpu.memory_space<hbm>>, %arg6: memref<8x128xi32, #tpu.memory_space<hbm>>, %arg7: memref<26624xf32, #tpu.memory_space<vmem>>, %arg8: memref<640xf32, #tpu.memory_space<vmem>>, %arg9: memref<640xi32, #tpu.memory_space<vmem>>, %arg10: memref<2560xf32, #tpu.memory_space<vmem>>, %arg11: memref<2560xi32, #tpu.memory_space<vmem>>, %arg12: memref<512xi32, #tpu.memory_space<vmem>>, %arg13: memref<160xf32, #tpu.memory_space<vmem>>, %arg14: memref<128xf32, #tpu.memory_space<vmem>>, %arg15: memref<128xi32, #tpu.memory_space<vmem>>, %arg16: memref<128xf32, #tpu.memory_space<vmem>>, %arg17: memref<128xi32, #tpu.memory_space<vmem>>, %arg18: memref<512xf32, #tpu.memory_space<vmem>>, %arg19: memref<128xf32, #tpu.memory_space<vmem>>, %arg20: memref<128xf32, #tpu.memory_space<vmem>>, %arg21: memref<16x128xf32, #tpu.memory_space<vmem_shared>>, %arg22: memref<16x128xi32, #tpu.memory_space<vmem_shared>>, %arg23: memref<16x640xf32, #tpu.memory_space<vmem_shared>>, %arg24: memref<16x640xi32, #tpu.memory_space<vmem_shared>>, %arg25: memref<!tpu.dma_semaphore, #tpu.memory_space<semaphore_mem>>) attributes {dimension_semantics = [#tpu.dimension_semantics<core_parallel>, #tpu.dimension_semantics<subcore_parallel>], iteration_bounds = array<i64: 2, 16>, scalar_prefetch = 0 : i64, scratch_operands = 19 : i64, tpu.core_type = #tpu.core_type<sc_vector_subcore>, window_params = [{transform_indices = #map}, {transform_indices = #map}, {transform_indices = #map}, {transform_indices = #map1}, {transform_indices = #map1}]} {
    %rem3A = arith.constant 4 : i32
    %rem3A_0 = arith.remsi %arg1, %rem3A : i32
    %div3A = arith.constant 4 : i32
    %div3A_1 = arith.divsi %arg1, %div3A : i32
    %mul3A = arith.constant 4 : i32
    %mul3A_2 = arith.muli %mul3A, %arg0 : i32
    %add3A = arith.addi %mul3A_2, %rem3A_0 : i32
    %iota3A = tpu.iota {dimensions = array<i32: 0>} : vector<16xi32>
    %mul3A_3 = arith.constant 13 : i32
    %mul3A_4 = arith.muli %mul3A_3, %div3A_1 : i32
    %sub3A = arith.constant 2 : i32
    %sub3A_5 = arith.subi %div3A_1, %sub3A : i32
    %max3A = arith.constant 0 : i32
    %max3A_6 = arith.maxsi %max3A, %sub3A_5 : i32
    %sub3A_7 = arith.subi %mul3A_4, %max3A_6 : i32
    %add3A_8 = arith.constant 1 : i32
    %add3A_9 = arith.addi %div3A_1, %add3A_8 : i32
    %mul3A_10 = arith.constant 13 : i32
    %mul3A_11 = arith.muli %mul3A_10, %add3A_9 : i32
    %sub3A_12 = arith.constant 1 : i32
    %sub3A_13 = arith.subi %div3A_1, %sub3A_12 : i32
    %max3A_14 = arith.constant 0 : i32
    %max3A_15 = arith.maxsi %max3A_14, %sub3A_13 : i32
    %sub3A_16 = arith.subi %mul3A_11, %max3A_15 : i32
    %add3A_17 = arith.constant 0 : i32
    %add3A_18 = arith.addi %sub3A_7, %add3A_17 : i32
    %min3A = arith.constant 49 : i32
    %min3A_19 = arith.minsi %add3A_18, %min3A : i32
    %mul3A_20 = arith.constant 8 : i32
    %mul3A_21 = arith.muli %min3A_19, %mul3A_20 : i32
    %add3A_22 = arith.addi %mul3A_21, %add3A : i32
    %mul3A_23 = arith.constant 2048 : i32
    %mul3A_24 = arith.muli %add3A_22, %mul3A_23 : i32
    %dma_start3A = arith.constant 0 : i32
    %dma_start3A_25 = tpu.memref_slice %arg7[%dma_start3A] : memref<26624xf32, #tpu.memory_space<vmem>> -> memref<2048xf32, #tpu.memory_space<vmem>>
    %dma_start3A_26 = tpu.memref_slice %arg2[%mul3A_24] : memref<819200xf32, #tpu.memory_space<hbm>> -> memref<2048xf32, #tpu.memory_space<hbm>>
    %dma_start3A_27 = arith.constant 0 : i32
    %dma_start3A_28 = tpu.memref_slice %arg7[%dma_start3A_27] : memref<26624xf32, #tpu.memory_space<vmem>> -> memref<2048xf32, #tpu.memory_space<vmem>>
    %dma_start3A_29 = tpu.memref_slice %arg2[%mul3A_24] : memref<819200xf32, #tpu.memory_space<hbm>> -> memref<2048xf32, #tpu.memory_space<hbm>>
    tpu.enqueue_dma source(%dma_start3A_29 : memref<2048xf32, #tpu.memory_space<hbm>>) target(%dma_start3A_28 : memref<2048xf32, #tpu.memory_space<vmem>>) target_semaphore(%arg25 : memref<!tpu.dma_semaphore, #tpu.memory_space<semaphore_mem>>)
    %add3A_30 = arith.constant 1 : i32
    %add3A_31 = arith.addi %sub3A_7, %add3A_30 : i32
    %min3A_32 = arith.constant 49 : i32
    %min3A_33 = arith.minsi %add3A_31, %min3A_32 : i32
    %mul3A_34 = arith.constant 8 : i32
    %mul3A_35 = arith.muli %min3A_33, %mul3A_34 : i32
    %add3A_36 = arith.addi %mul3A_35, %add3A : i32
    %mul3A_37 = arith.constant 2048 : i32
    %mul3A_38 = arith.muli %add3A_36, %mul3A_37 : i32
    %dma_start3A_39 = arith.constant 2048 : i32
    %dma_start3A_40 = tpu.memref_slice %arg7[%dma_start3A_39] : memref<26624xf32, #tpu.memory_space<vmem>> -> memref<2048xf32, #tpu.memory_space<vmem>>
    %dma_start3A_41 = tpu.memref_slice %arg2[%mul3A_38] : memref<819200xf32, #tpu.memory_space<hbm>> -> memref<2048xf32, #tpu.memory_space<hbm>>
    %dma_start3A_42 = arith.constant 2048 : i32
    %dma_start3A_43 = tpu.memref_slice %arg7[%dma_start3A_42] : memref<26624xf32, #tpu.memory_space<vmem>> -> memref<2048xf32, #tpu.memory_space<vmem>>
    %dma_start3A_44 = tpu.memref_slice %arg2[%mul3A_38] : memref<819200xf32, #tpu.memory_space<hbm>> -> memref<2048xf32, #tpu.memory_space<hbm>>
    tpu.enqueue_dma source(%dma_start3A_44 : memref<2048xf32, #tpu.memory_space<hbm>>) target(%dma_start3A_43 : memref<2048xf32, #tpu.memory_space<vmem>>) target_semaphore(%arg25 : memref<!tpu.dma_semaphore, #tpu.memory_space<semaphore_mem>>)
    %add3A_45 = arith.constant 2 : i32
    %add3A_46 = arith.addi %sub3A_7, %add3A_45 : i32
    %min3A_47 = arith.constant 49 : i32
    %min3A_48 = arith.minsi %add3A_46, %min3A_47 : i32
    %mul3A_49 = arith.constant 8 : i32
    %mul3A_50 = arith.muli %min3A_48, %mul3A_49 : i32
    %add3A_51 = arith.addi %mul3A_50, %add3A : i32
    %mul3A_52 = arith.constant 2048 : i32
    %mul3A_53 = arith.muli %add3A_51, %mul3A_52 : i32
    %dma_start3A_54 = arith.constant 4096 : i32
    %dma_start3A_55 = tpu.memref_slice %arg7[%dma_start3A_54] : memref<26624xf32, #tpu.memory_space<vmem>> -> memref<2048xf32, #tpu.memory_space<vmem>>
    %dma_start3A_56 = tpu.memref_slice %arg2[%mul3A_53] : memref<819200xf32, #tpu.memory_space<hbm>> -> memref<2048xf32, #tpu.memory_space<hbm>>
    %dma_start3A_57 = arith.constant 4096 : i32
    %dma_start3A_58 = tpu.memref_slice %arg7[%dma_start3A_57] : memref<26624xf32, #tpu.memory_space<vmem>> -> memref<2048xf32, #tpu.memory_space<vmem>>
    %dma_start3A_59 = tpu.memref_slice %arg2[%mul3A_53] : memref<819200xf32, #tpu.memory_space<hbm>> -> memref<2048xf32, #tpu.memory_space<hbm>>
    tpu.enqueue_dma source(%dma_start3A_59 : memref<2048xf32, #tpu.memory_space<hbm>>) target(%dma_start3A_58 : memref<2048xf32, #tpu.memory_space<vmem>>) target_semaphore(%arg25 : memref<!tpu.dma_semaphore, #tpu.memory_space<semaphore_mem>>)
    %add3A_60 = arith.constant 3 : i32
    %add3A_61 = arith.addi %sub3A_7, %add3A_60 : i32
    %min3A_62 = arith.constant 49 : i32
    %min3A_63 = arith.minsi %add3A_61, %min3A_62 : i32
    %mul3A_64 = arith.constant 8 : i32
    %mul3A_65 = arith.muli %min3A_63, %mul3A_64 : i32
    %add3A_66 = arith.addi %mul3A_65, %add3A : i32
    %mul3A_67 = arith.constant 2048 : i32
    %mul3A_68 = arith.muli %add3A_66, %mul3A_67 : i32
    %dma_start3A_69 = arith.constant 6144 : i32
    %dma_start3A_70 = tpu.memref_slice %arg7[%dma_start3A_69] : memref<26624xf32, #tpu.memory_space<vmem>> -> memref<2048xf32, #tpu.memory_space<vmem>>
    %dma_start3A_71 = tpu.memref_slice %arg2[%mul3A_68] : memref<819200xf32, #tpu.memory_space<hbm>> -> memref<2048xf32, #tpu.memory_space<hbm>>
    %dma_start3A_72 = arith.constant 6144 : i32
    %dma_start3A_73 = tpu.memref_slice %arg7[%dma_start3A_72] : memref<26624xf32, #tpu.memory_space<vmem>> -> memref<2048xf32, #tpu.memory_space<vmem>>
    %dma_start3A_74 = tpu.memref_slice %arg2[%mul3A_68] : memref<819200xf32, #tpu.memory_space<hbm>> -> memref<2048xf32, #tpu.memory_space<hbm>>
    tpu.enqueue_dma source(%dma_start3A_74 : memref<2048xf32, #tpu.memory_space<hbm>>) target(%dma_start3A_73 : memref<2048xf32, #tpu.memory_space<vmem>>) target_semaphore(%arg25 : memref<!tpu.dma_semaphore, #tpu.memory_space<semaphore_mem>>)
    %add3A_75 = arith.constant 4 : i32
    %add3A_76 = arith.addi %sub3A_7, %add3A_75 : i32
    %min3A_77 = arith.constant 49 : i32
    %min3A_78 = arith.minsi %add3A_76, %min3A_77 : i32
    %mul3A_79 = arith.constant 8 : i32
    %mul3A_80 = arith.muli %min3A_78, %mul3A_79 : i32
    %add3A_81 = arith.addi %mul3A_80, %add3A : i32
    %mul3A_82 = arith.constant 2048 : i32
    %mul3A_83 = arith.muli %add3A_81, %mul3A_82 : i32
    %dma_start3A_84 = arith.constant 8192 : i32
    %dma_start3A_85 = tpu.memref_slice %arg7[%dma_start3A_84] : memref<26624xf32, #tpu.memory_space<vmem>> -> memref<2048xf32, #tpu.memory_space<vmem>>
    %dma_start3A_86 = tpu.memref_slice %arg2[%mul3A_83] : memref<819200xf32, #tpu.memory_space<hbm>> -> memref<2048xf32, #tpu.memory_space<hbm>>
    %dma_start3A_87 = arith.constant 8192 : i32
    %dma_start3A_88 = tpu.memref_slice %arg7[%dma_start3A_87] : memref<26624xf32, #tpu.memory_space<vmem>> -> memref<2048xf32, #tpu.memory_space<vmem>>
    %dma_start3A_89 = tpu.memref_slice %arg2[%mul3A_83] : memref<819200xf32, #tpu.memory_space<hbm>> -> memref<2048xf32, #tpu.memory_space<hbm>>
    tpu.enqueue_dma source(%dma_start3A_89 : memref<2048xf32, #tpu.memory_space<hbm>>) target(%dma_start3A_88 : memref<2048xf32, #tpu.memory_space<vmem>>) target_semaphore(%arg25 : memref<!tpu.dma_semaphore, #tpu.memory_space<semaphore_mem>>)
    %add3A_90 = arith.constant 5 : i32
    %add3A_91 = arith.addi %sub3A_7, %add3A_90 : i32
    %min3A_92 = arith.constant 49 : i32
    %min3A_93 = arith.minsi %add3A_91, %min3A_92 : i32
    %mul3A_94 = arith.constant 8 : i32
    %mul3A_95 = arith.muli %min3A_93, %mul3A_94 : i32
    %add3A_96 = arith.addi %mul3A_95, %add3A : i32
    %mul3A_97 = arith.constant 2048 : i32
    %mul3A_98 = arith.muli %add3A_96, %mul3A_97 : i32
    %dma_start3A_99 = arith.constant 10240 : i32
    %dma_start3A_100 = tpu.memref_slice %arg7[%dma_start3A_99] : memref<26624xf32, #tpu.memory_space<vmem>> -> memref<2048xf32, #tpu.memory_space<vmem>>
    %dma_start3A_101 = tpu.memref_slice %arg2[%mul3A_98] : memref<819200xf32, #tpu.memory_space<hbm>> -> memref<2048xf32, #tpu.memory_space<hbm>>
    %dma_start3A_102 = arith.constant 10240 : i32
    %dma_start3A_103 = tpu.memref_slice %arg7[%dma_start3A_102] : memref<26624xf32, #tpu.memory_space<vmem>> -> memref<2048xf32, #tpu.memory_space<vmem>>
    %dma_start3A_104 = tpu.memref_slice %arg2[%mul3A_98] : memref<819200xf32, #tpu.memory_space<hbm>> -> memref<2048xf32, #tpu.memory_space<hbm>>
    tpu.enqueue_dma source(%dma_start3A_104 : memref<2048xf32, #tpu.memory_space<hbm>>) target(%dma_start3A_103 : memref<2048xf32, #tpu.memory_space<vmem>>) target_semaphore(%arg25 : memref<!tpu.dma_semaphore, #tpu.memory_space<semaphore_mem>>)
    %add3A_105 = arith.constant 6 : i32
    %add3A_106 = arith.addi %sub3A_7, %add3A_105 : i32
    %min3A_107 = arith.constant 49 : i32
    %min3A_108 = arith.minsi %add3A_106, %min3A_107 : i32
    %mul3A_109 = arith.constant 8 : i32
    %mul3A_110 = arith.muli %min3A_108, %mul3A_109 : i32
    %add3A_111 = arith.addi %mul3A_110, %add3A : i32
    %mul3A_112 = arith.constant 2048 : i32
    %mul3A_113 = arith.muli %add3A_111, %mul3A_112 : i32
    %dma_start3A_114 = arith.constant 12288 : i32
    %dma_start3A_115 = tpu.memref_slice %arg7[%dma_start3A_114] : memref<26624xf32, #tpu.memory_space<vmem>> -> memref<2048xf32, #tpu.memory_space<vmem>>
    %dma_start3A_116 = tpu.memref_slice %arg2[%mul3A_113] : memref<819200xf32, #tpu.memory_space<hbm>> -> memref<2048xf32, #tpu.memory_space<hbm>>
    %dma_start3A_117 = arith.constant 12288 : i32
    %dma_start3A_118 = tpu.memref_slice %arg7[%dma_start3A_117] : memref<26624xf32, #tpu.memory_space<vmem>> -> memref<2048xf32, #tpu.memory_space<vmem>>
    %dma_start3A_119 = tpu.memref_slice %arg2[%mul3A_113] : memref<819200xf32, #tpu.memory_space<hbm>> -> memref<2048xf32, #tpu.memory_space<hbm>>
    tpu.enqueue_dma source(%dma_start3A_119 : memref<2048xf32, #tpu.memory_space<hbm>>) target(%dma_start3A_118 : memref<2048xf32, #tpu.memory_space<vmem>>) target_semaphore(%arg25 : memref<!tpu.dma_semaphore, #tpu.memory_space<semaphore_mem>>)
    %add3A_120 = arith.constant 7 : i32
    %add3A_121 = arith.addi %sub3A_7, %add3A_120 : i32
    %min3A_122 = arith.constant 49 : i32
    %min3A_123 = arith.minsi %add3A_121, %min3A_122 : i32
    %mul3A_124 = arith.constant 8 : i32
    %mul3A_125 = arith.muli %min3A_123, %mul3A_124 : i32
    %add3A_126 = arith.addi %mul3A_125, %add3A : i32
    %mul3A_127 = arith.constant 2048 : i32
    %mul3A_128 = arith.muli %add3A_126, %mul3A_127 : i32
    %dma_start3A_129 = arith.constant 14336 : i32
    %dma_start3A_130 = tpu.memref_slice %arg7[%dma_start3A_129] : memref<26624xf32, #tpu.memory_space<vmem>> -> memref<2048xf32, #tpu.memory_space<vmem>>
    %dma_start3A_131 = tpu.memref_slice %arg2[%mul3A_128] : memref<819200xf32, #tpu.memory_space<hbm>> -> memref<2048xf32, #tpu.memory_space<hbm>>
    %dma_start3A_132 = arith.constant 14336 : i32
    %dma_start3A_133 = tpu.memref_slice %arg7[%dma_start3A_132] : memref<26624xf32, #tpu.memory_space<vmem>> -> memref<2048xf32, #tpu.memory_space<vmem>>
    %dma_start3A_134 = tpu.memref_slice %arg2[%mul3A_128] : memref<819200xf32, #tpu.memory_space<hbm>> -> memref<2048xf32, #tpu.memory_space<hbm>>
    tpu.enqueue_dma source(%dma_start3A_134 : memref<2048xf32, #tpu.memory_space<hbm>>) target(%dma_start3A_133 : memref<2048xf32, #tpu.memory_space<vmem>>) target_semaphore(%arg25 : memref<!tpu.dma_semaphore, #tpu.memory_space<semaphore_mem>>)
    %add3A_135 = arith.constant 8 : i32
    %add3A_136 = arith.addi %sub3A_7, %add3A_135 : i32
    %min3A_137 = arith.constant 49 : i32
    %min3A_138 = arith.minsi %add3A_136, %min3A_137 : i32
    %mul3A_139 = arith.constant 8 : i32
    %mul3A_140 = arith.muli %min3A_138, %mul3A_139 : i32
    %add3A_141 = arith.addi %mul3A_140, %add3A : i32
    %mul3A_142 = arith.constant 2048 : i32
    %mul3A_143 = arith.muli %add3A_141, %mul3A_142 : i32
    %dma_start3A_144 = arith.constant 16384 : i32
    %dma_start3A_145 = tpu.memref_slice %arg7[%dma_start3A_144] : memref<26624xf32, #tpu.memory_space<vmem>> -> memref<2048xf32, #tpu.memory_space<vmem>>
    %dma_start3A_146 = tpu.memref_slice %arg2[%mul3A_143] : memref<819200xf32, #tpu.memory_space<hbm>> -> memref<2048xf32, #tpu.memory_space<hbm>>
    %dma_start3A_147 = arith.constant 16384 : i32
    %dma_start3A_148 = tpu.memref_slice %arg7[%dma_start3A_147] : memref<26624xf32, #tpu.memory_space<vmem>> -> memref<2048xf32, #tpu.memory_space<vmem>>
    %dma_start3A_149 = tpu.memref_slice %arg2[%mul3A_143] : memref<819200xf32, #tpu.memory_space<hbm>> -> memref<2048xf32, #tpu.memory_space<hbm>>
    tpu.enqueue_dma source(%dma_start3A_149 : memref<2048xf32, #tpu.memory_space<hbm>>) target(%dma_start3A_148 : memref<2048xf32, #tpu.memory_space<vmem>>) target_semaphore(%arg25 : memref<!tpu.dma_semaphore, #tpu.memory_space<semaphore_mem>>)
    %add3A_150 = arith.constant 9 : i32
    %add3A_151 = arith.addi %sub3A_7, %add3A_150 : i32
    %min3A_152 = arith.constant 49 : i32
    %min3A_153 = arith.minsi %add3A_151, %min3A_152 : i32
    %mul3A_154 = arith.constant 8 : i32
    %mul3A_155 = arith.muli %min3A_153, %mul3A_154 : i32
    %add3A_156 = arith.addi %mul3A_155, %add3A : i32
    %mul3A_157 = arith.constant 2048 : i32
    %mul3A_158 = arith.muli %add3A_156, %mul3A_157 : i32
    %dma_start3A_159 = arith.constant 18432 : i32
    %dma_start3A_160 = tpu.memref_slice %arg7[%dma_start3A_159] : memref<26624xf32, #tpu.memory_space<vmem>> -> memref<2048xf32, #tpu.memory_space<vmem>>
    %dma_start3A_161 = tpu.memref_slice %arg2[%mul3A_158] : memref<819200xf32, #tpu.memory_space<hbm>> -> memref<2048xf32, #tpu.memory_space<hbm>>
    %dma_start3A_162 = arith.constant 18432 : i32
    %dma_start3A_163 = tpu.memref_slice %arg7[%dma_start3A_162] : memref<26624xf32, #tpu.memory_space<vmem>> -> memref<2048xf32, #tpu.memory_space<vmem>>
    %dma_start3A_164 = tpu.memref_slice %arg2[%mul3A_158] : memref<819200xf32, #tpu.memory_space<hbm>> -> memref<2048xf32, #tpu.memory_space<hbm>>
    tpu.enqueue_dma source(%dma_start3A_164 : memref<2048xf32, #tpu.memory_space<hbm>>) target(%dma_start3A_163 : memref<2048xf32, #tpu.memory_space<vmem>>) target_semaphore(%arg25 : memref<!tpu.dma_semaphore, #tpu.memory_space<semaphore_mem>>)
    %add3A_165 = arith.constant 10 : i32
    %add3A_166 = arith.addi %sub3A_7, %add3A_165 : i32
    %min3A_167 = arith.constant 49 : i32
    %min3A_168 = arith.minsi %add3A_166, %min3A_167 : i32
    %mul3A_169 = arith.constant 8 : i32
    %mul3A_170 = arith.muli %min3A_168, %mul3A_169 : i32
    %add3A_171 = arith.addi %mul3A_170, %add3A : i32
    %mul3A_172 = arith.constant 2048 : i32
    %mul3A_173 = arith.muli %add3A_171, %mul3A_172 : i32
    %dma_start3A_174 = arith.constant 20480 : i32
    %dma_start3A_175 = tpu.memref_slice %arg7[%dma_start3A_174] : memref<26624xf32, #tpu.memory_space<vmem>> -> memref<2048xf32, #tpu.memory_space<vmem>>
    %dma_start3A_176 = tpu.memref_slice %arg2[%mul3A_173] : memref<819200xf32, #tpu.memory_space<hbm>> -> memref<2048xf32, #tpu.memory_space<hbm>>
    %dma_start3A_177 = arith.constant 20480 : i32
    %dma_start3A_178 = tpu.memref_slice %arg7[%dma_start3A_177] : memref<26624xf32, #tpu.memory_space<vmem>> -> memref<2048xf32, #tpu.memory_space<vmem>>
    %dma_start3A_179 = tpu.memref_slice %arg2[%mul3A_173] : memref<819200xf32, #tpu.memory_space<hbm>> -> memref<2048xf32, #tpu.memory_space<hbm>>
    tpu.enqueue_dma source(%dma_start3A_179 : memref<2048xf32, #tpu.memory_space<hbm>>) target(%dma_start3A_178 : memref<2048xf32, #tpu.memory_space<vmem>>) target_semaphore(%arg25 : memref<!tpu.dma_semaphore, #tpu.memory_space<semaphore_mem>>)
    %add3A_180 = arith.constant 11 : i32
    %add3A_181 = arith.addi %sub3A_7, %add3A_180 : i32
    %min3A_182 = arith.constant 49 : i32
    %min3A_183 = arith.minsi %add3A_181, %min3A_182 : i32
    %mul3A_184 = arith.constant 8 : i32
    %mul3A_185 = arith.muli %min3A_183, %mul3A_184 : i32
    %add3A_186 = arith.addi %mul3A_185, %add3A : i32
    %mul3A_187 = arith.constant 2048 : i32
    %mul3A_188 = arith.muli %add3A_186, %mul3A_187 : i32
    %dma_start3A_189 = arith.constant 22528 : i32
    %dma_start3A_190 = tpu.memref_slice %arg7[%dma_start3A_189] : memref<26624xf32, #tpu.memory_space<vmem>> -> memref<2048xf32, #tpu.memory_space<vmem>>
    %dma_start3A_191 = tpu.memref_slice %arg2[%mul3A_188] : memref<819200xf32, #tpu.memory_space<hbm>> -> memref<2048xf32, #tpu.memory_space<hbm>>
    %dma_start3A_192 = arith.constant 22528 : i32
    %dma_start3A_193 = tpu.memref_slice %arg7[%dma_start3A_192] : memref<26624xf32, #tpu.memory_space<vmem>> -> memref<2048xf32, #tpu.memory_space<vmem>>
    %dma_start3A_194 = tpu.memref_slice %arg2[%mul3A_188] : memref<819200xf32, #tpu.memory_space<hbm>> -> memref<2048xf32, #tpu.memory_space<hbm>>
    tpu.enqueue_dma source(%dma_start3A_194 : memref<2048xf32, #tpu.memory_space<hbm>>) target(%dma_start3A_193 : memref<2048xf32, #tpu.memory_space<vmem>>) target_semaphore(%arg25 : memref<!tpu.dma_semaphore, #tpu.memory_space<semaphore_mem>>)
    %add3A_195 = arith.constant 12 : i32
    %add3A_196 = arith.addi %sub3A_7, %add3A_195 : i32
    %min3A_197 = arith.constant 49 : i32
    %min3A_198 = arith.minsi %add3A_196, %min3A_197 : i32
    %mul3A_199 = arith.constant 8 : i32
    %mul3A_200 = arith.muli %min3A_198, %mul3A_199 : i32
    %add3A_201 = arith.addi %mul3A_200, %add3A : i32
    %mul3A_202 = arith.constant 2048 : i32
    %mul3A_203 = arith.muli %add3A_201, %mul3A_202 : i32
    %dma_start3A_204 = arith.constant 24576 : i32
    %dma_start3A_205 = tpu.memref_slice %arg7[%dma_start3A_204] : memref<26624xf32, #tpu.memory_space<vmem>> -> memref<2048xf32, #tpu.memory_space<vmem>>
    %dma_start3A_206 = tpu.memref_slice %arg2[%mul3A_203] : memref<819200xf32, #tpu.memory_space<hbm>> -> memref<2048xf32, #tpu.memory_space<hbm>>
    %dma_start3A_207 = arith.constant 24576 : i32
    %dma_start3A_208 = tpu.memref_slice %arg7[%dma_start3A_207] : memref<26624xf32, #tpu.memory_space<vmem>> -> memref<2048xf32, #tpu.memory_space<vmem>>
    %dma_start3A_209 = tpu.memref_slice %arg2[%mul3A_203] : memref<819200xf32, #tpu.memory_space<hbm>> -> memref<2048xf32, #tpu.memory_space<hbm>>
    tpu.enqueue_dma source(%dma_start3A_209 : memref<2048xf32, #tpu.memory_space<hbm>>) target(%dma_start3A_208 : memref<2048xf32, #tpu.memory_space<vmem>>) target_semaphore(%arg25 : memref<!tpu.dma_semaphore, #tpu.memory_space<semaphore_mem>>)
    %dma_wait3A = arith.constant 0 : i32
    %dma_wait3A_210 = tpu.memref_slice %arg7[%dma_wait3A] : memref<26624xf32, #tpu.memory_space<vmem>> -> memref<2048xf32, #tpu.memory_space<vmem>>
    %dma_wait3A_211 = tpu.memref_slice %arg2[%mul3A_24] : memref<819200xf32, #tpu.memory_space<hbm>> -> memref<2048xf32, #tpu.memory_space<hbm>>
    %dma_wait3A_212 = arith.constant 0 : i32
    %dma_wait3A_213 = tpu.memref_slice %arg7[%dma_wait3A_212] : memref<26624xf32, #tpu.memory_space<vmem>> -> memref<2048xf32, #tpu.memory_space<vmem>>
    %dma_wait3A_214 = tpu.memref_slice %arg2[%mul3A_24] : memref<819200xf32, #tpu.memory_space<hbm>> -> memref<2048xf32, #tpu.memory_space<hbm>>
    tpu.wait_dma2 semaphore(%arg25 : memref<!tpu.dma_semaphore, #tpu.memory_space<semaphore_mem>>) src(%dma_wait3A_214 : memref<2048xf32, #tpu.memory_space<hbm>>) dst(%dma_wait3A_213 : memref<2048xf32, #tpu.memory_space<vmem>>)
    %dma_wait3A_215 = arith.constant 2048 : i32
    %dma_wait3A_216 = tpu.memref_slice %arg7[%dma_wait3A_215] : memref<26624xf32, #tpu.memory_space<vmem>> -> memref<2048xf32, #tpu.memory_space<vmem>>
    %dma_wait3A_217 = tpu.memref_slice %arg2[%mul3A_38] : memref<819200xf32, #tpu.memory_space<hbm>> -> memref<2048xf32, #tpu.memory_space<hbm>>
    %dma_wait3A_218 = arith.constant 2048 : i32
    %dma_wait3A_219 = tpu.memref_slice %arg7[%dma_wait3A_218] : memref<26624xf32, #tpu.memory_space<vmem>> -> memref<2048xf32, #tpu.memory_space<vmem>>
    %dma_wait3A_220 = tpu.memref_slice %arg2[%mul3A_38] : memref<819200xf32, #tpu.memory_space<hbm>> -> memref<2048xf32, #tpu.memory_space<hbm>>
    tpu.wait_dma2 semaphore(%arg25 : memref<!tpu.dma_semaphore, #tpu.memory_space<semaphore_mem>>) src(%dma_wait3A_220 : memref<2048xf32, #tpu.memory_space<hbm>>) dst(%dma_wait3A_219 : memref<2048xf32, #tpu.memory_space<vmem>>)
    %dma_wait3A_221 = arith.constant 4096 : i32
    %dma_wait3A_222 = tpu.memref_slice %arg7[%dma_wait3A_221] : memref<26624xf32, #tpu.memory_space<vmem>> -> memref<2048xf32, #tpu.memory_space<vmem>>
    %dma_wait3A_223 = tpu.memref_slice %arg2[%mul3A_53] : memref<819200xf32, #tpu.memory_space<hbm>> -> memref<2048xf32, #tpu.memory_space<hbm>>
    %dma_wait3A_224 = arith.constant 4096 : i32
    %dma_wait3A_225 = tpu.memref_slice %arg7[%dma_wait3A_224] : memref<26624xf32, #tpu.memory_space<vmem>> -> memref<2048xf32, #tpu.memory_space<vmem>>
    %dma_wait3A_226 = tpu.memref_slice %arg2[%mul3A_53] : memref<819200xf32, #tpu.memory_space<hbm>> -> memref<2048xf32, #tpu.memory_space<hbm>>
    tpu.wait_dma2 semaphore(%arg25 : memref<!tpu.dma_semaphore, #tpu.memory_space<semaphore_mem>>) src(%dma_wait3A_226 : memref<2048xf32, #tpu.memory_space<hbm>>) dst(%dma_wait3A_225 : memref<2048xf32, #tpu.memory_space<vmem>>)
    %dma_wait3A_227 = arith.constant 6144 : i32
    %dma_wait3A_228 = tpu.memref_slice %arg7[%dma_wait3A_227] : memref<26624xf32, #tpu.memory_space<vmem>> -> memref<2048xf32, #tpu.memory_space<vmem>>
    %dma_wait3A_229 = tpu.memref_slice %arg2[%mul3A_68] : memref<819200xf32, #tpu.memory_space<hbm>> -> memref<2048xf32, #tpu.memory_space<hbm>>
    %dma_wait3A_230 = arith.constant 6144 : i32
    %dma_wait3A_231 = tpu.memref_slice %arg7[%dma_wait3A_230] : memref<26624xf32, #tpu.memory_space<vmem>> -> memref<2048xf32, #tpu.memory_space<vmem>>
    %dma_wait3A_232 = tpu.memref_slice %arg2[%mul3A_68] : memref<819200xf32, #tpu.memory_space<hbm>> -> memref<2048xf32, #tpu.memory_space<hbm>>
    tpu.wait_dma2 semaphore(%arg25 : memref<!tpu.dma_semaphore, #tpu.memory_space<semaphore_mem>>) src(%dma_wait3A_232 : memref<2048xf32, #tpu.memory_space<hbm>>) dst(%dma_wait3A_231 : memref<2048xf32, #tpu.memory_space<vmem>>)
    %dma_wait3A_233 = arith.constant 8192 : i32
    %dma_wait3A_234 = tpu.memref_slice %arg7[%dma_wait3A_233] : memref<26624xf32, #tpu.memory_space<vmem>> -> memref<2048xf32, #tpu.memory_space<vmem>>
    %dma_wait3A_235 = tpu.memref_slice %arg2[%mul3A_83] : memref<819200xf32, #tpu.memory_space<hbm>> -> memref<2048xf32, #tpu.memory_space<hbm>>
    %dma_wait3A_236 = arith.constant 8192 : i32
    %dma_wait3A_237 = tpu.memref_slice %arg7[%dma_wait3A_236] : memref<26624xf32, #tpu.memory_space<vmem>> -> memref<2048xf32, #tpu.memory_space<vmem>>
    %dma_wait3A_238 = tpu.memref_slice %arg2[%mul3A_83] : memref<819200xf32, #tpu.memory_space<hbm>> -> memref<2048xf32, #tpu.memory_space<hbm>>
    tpu.wait_dma2 semaphore(%arg25 : memref<!tpu.dma_semaphore, #tpu.memory_space<semaphore_mem>>) src(%dma_wait3A_238 : memref<2048xf32, #tpu.memory_space<hbm>>) dst(%dma_wait3A_237 : memref<2048xf32, #tpu.memory_space<vmem>>)
    %dma_wait3A_239 = arith.constant 10240 : i32
    %dma_wait3A_240 = tpu.memref_slice %arg7[%dma_wait3A_239] : memref<26624xf32, #tpu.memory_space<vmem>> -> memref<2048xf32, #tpu.memory_space<vmem>>
    %dma_wait3A_241 = tpu.memref_slice %arg2[%mul3A_98] : memref<819200xf32, #tpu.memory_space<hbm>> -> memref<2048xf32, #tpu.memory_space<hbm>>
    %dma_wait3A_242 = arith.constant 10240 : i32
    %dma_wait3A_243 = tpu.memref_slice %arg7[%dma_wait3A_242] : memref<26624xf32, #tpu.memory_space<vmem>> -> memref<2048xf32, #tpu.memory_space<vmem>>
    %dma_wait3A_244 = tpu.memref_slice %arg2[%mul3A_98] : memref<819200xf32, #tpu.memory_space<hbm>> -> memref<2048xf32, #tpu.memory_space<hbm>>
    tpu.wait_dma2 semaphore(%arg25 : memref<!tpu.dma_semaphore, #tpu.memory_space<semaphore_mem>>) src(%dma_wait3A_244 : memref<2048xf32, #tpu.memory_space<hbm>>) dst(%dma_wait3A_243 : memref<2048xf32, #tpu.memory_space<vmem>>)
    %dma_wait3A_245 = arith.constant 12288 : i32
    %dma_wait3A_246 = tpu.memref_slice %arg7[%dma_wait3A_245] : memref<26624xf32, #tpu.memory_space<vmem>> -> memref<2048xf32, #tpu.memory_space<vmem>>
    %dma_wait3A_247 = tpu.memref_slice %arg2[%mul3A_113] : memref<819200xf32, #tpu.memory_space<hbm>> -> memref<2048xf32, #tpu.memory_space<hbm>>
    %dma_wait3A_248 = arith.constant 12288 : i32
    %dma_wait3A_249 = tpu.memref_slice %arg7[%dma_wait3A_248] : memref<26624xf32, #tpu.memory_space<vmem>> -> memref<2048xf32, #tpu.memory_space<vmem>>
    %dma_wait3A_250 = tpu.memref_slice %arg2[%mul3A_113] : memref<819200xf32, #tpu.memory_space<hbm>> -> memref<2048xf32, #tpu.memory_space<hbm>>
    tpu.wait_dma2 semaphore(%arg25 : memref<!tpu.dma_semaphore, #tpu.memory_space<semaphore_mem>>) src(%dma_wait3A_250 : memref<2048xf32, #tpu.memory_space<hbm>>) dst(%dma_wait3A_249 : memref<2048xf32, #tpu.memory_space<vmem>>)
    %dma_wait3A_251 = arith.constant 14336 : i32
    %dma_wait3A_252 = tpu.memref_slice %arg7[%dma_wait3A_251] : memref<26624xf32, #tpu.memory_space<vmem>> -> memref<2048xf32, #tpu.memory_space<vmem>>
    %dma_wait3A_253 = tpu.memref_slice %arg2[%mul3A_128] : memref<819200xf32, #tpu.memory_space<hbm>> -> memref<2048xf32, #tpu.memory_space<hbm>>
    %dma_wait3A_254 = arith.constant 14336 : i32
    %dma_wait3A_255 = tpu.memref_slice %arg7[%dma_wait3A_254] : memref<26624xf32, #tpu.memory_space<vmem>> -> memref<2048xf32, #tpu.memory_space<vmem>>
    %dma_wait3A_256 = tpu.memref_slice %arg2[%mul3A_128] : memref<819200xf32, #tpu.memory_space<hbm>> -> memref<2048xf32, #tpu.memory_space<hbm>>
    tpu.wait_dma2 semaphore(%arg25 : memref<!tpu.dma_semaphore, #tpu.memory_space<semaphore_mem>>) src(%dma_wait3A_256 : memref<2048xf32, #tpu.memory_space<hbm>>) dst(%dma_wait3A_255 : memref<2048xf32, #tpu.memory_space<vmem>>)
    %dma_wait3A_257 = arith.constant 16384 : i32
    %dma_wait3A_258 = tpu.memref_slice %arg7[%dma_wait3A_257] : memref<26624xf32, #tpu.memory_space<vmem>> -> memref<2048xf32, #tpu.memory_space<vmem>>
    %dma_wait3A_259 = tpu.memref_slice %arg2[%mul3A_143] : memref<819200xf32, #tpu.memory_space<hbm>> -> memref<2048xf32, #tpu.memory_space<hbm>>
    %dma_wait3A_260 = arith.constant 16384 : i32
    %dma_wait3A_261 = tpu.memref_slice %arg7[%dma_wait3A_260] : memref<26624xf32, #tpu.memory_space<vmem>> -> memref<2048xf32, #tpu.memory_space<vmem>>
    %dma_wait3A_262 = tpu.memref_slice %arg2[%mul3A_143] : memref<819200xf32, #tpu.memory_space<hbm>> -> memref<2048xf32, #tpu.memory_space<hbm>>
    tpu.wait_dma2 semaphore(%arg25 : memref<!tpu.dma_semaphore, #tpu.memory_space<semaphore_mem>>) src(%dma_wait3A_262 : memref<2048xf32, #tpu.memory_space<hbm>>) dst(%dma_wait3A_261 : memref<2048xf32, #tpu.memory_space<vmem>>)
    %dma_wait3A_263 = arith.constant 18432 : i32
    %dma_wait3A_264 = tpu.memref_slice %arg7[%dma_wait3A_263] : memref<26624xf32, #tpu.memory_space<vmem>> -> memref<2048xf32, #tpu.memory_space<vmem>>
    %dma_wait3A_265 = tpu.memref_slice %arg2[%mul3A_158] : memref<819200xf32, #tpu.memory_space<hbm>> -> memref<2048xf32, #tpu.memory_space<hbm>>
    %dma_wait3A_266 = arith.constant 18432 : i32
    %dma_wait3A_267 = tpu.memref_slice %arg7[%dma_wait3A_266] : memref<26624xf32, #tpu.memory_space<vmem>> -> memref<2048xf32, #tpu.memory_space<vmem>>
    %dma_wait3A_268 = tpu.memref_slice %arg2[%mul3A_158] : memref<819200xf32, #tpu.memory_space<hbm>> -> memref<2048xf32, #tpu.memory_space<hbm>>
    tpu.wait_dma2 semaphore(%arg25 : memref<!tpu.dma_semaphore, #tpu.memory_space<semaphore_mem>>) src(%dma_wait3A_268 : memref<2048xf32, #tpu.memory_space<hbm>>) dst(%dma_wait3A_267 : memref<2048xf32, #tpu.memory_space<vmem>>)
    %dma_wait3A_269 = arith.constant 20480 : i32
    %dma_wait3A_270 = tpu.memref_slice %arg7[%dma_wait3A_269] : memref<26624xf32, #tpu.memory_space<vmem>> -> memref<2048xf32, #tpu.memory_space<vmem>>
    %dma_wait3A_271 = tpu.memref_slice %arg2[%mul3A_173] : memref<819200xf32, #tpu.memory_space<hbm>> -> memref<2048xf32, #tpu.memory_space<hbm>>
    %dma_wait3A_272 = arith.constant 20480 : i32
    %dma_wait3A_273 = tpu.memref_slice %arg7[%dma_wait3A_272] : memref<26624xf32, #tpu.memory_space<vmem>> -> memref<2048xf32, #tpu.memory_space<vmem>>
    %dma_wait3A_274 = tpu.memref_slice %arg2[%mul3A_173] : memref<819200xf32, #tpu.memory_space<hbm>> -> memref<2048xf32, #tpu.memory_space<hbm>>
    tpu.wait_dma2 semaphore(%arg25 : memref<!tpu.dma_semaphore, #tpu.memory_space<semaphore_mem>>) src(%dma_wait3A_274 : memref<2048xf32, #tpu.memory_space<hbm>>) dst(%dma_wait3A_273 : memref<2048xf32, #tpu.memory_space<vmem>>)
    %dma_wait3A_275 = arith.constant 22528 : i32
    %dma_wait3A_276 = tpu.memref_slice %arg7[%dma_wait3A_275] : memref<26624xf32, #tpu.memory_space<vmem>> -> memref<2048xf32, #tpu.memory_space<vmem>>
    %dma_wait3A_277 = tpu.memref_slice %arg2[%mul3A_188] : memref<819200xf32, #tpu.memory_space<hbm>> -> memref<2048xf32, #tpu.memory_space<hbm>>
    %dma_wait3A_278 = arith.constant 22528 : i32
    %dma_wait3A_279 = tpu.memref_slice %arg7[%dma_wait3A_278] : memref<26624xf32, #tpu.memory_space<vmem>> -> memref<2048xf32, #tpu.memory_space<vmem>>
    %dma_wait3A_280 = tpu.memref_slice %arg2[%mul3A_188] : memref<819200xf32, #tpu.memory_space<hbm>> -> memref<2048xf32, #tpu.memory_space<hbm>>
    tpu.wait_dma2 semaphore(%arg25 : memref<!tpu.dma_semaphore, #tpu.memory_space<semaphore_mem>>) src(%dma_wait3A_280 : memref<2048xf32, #tpu.memory_space<hbm>>) dst(%dma_wait3A_279 : memref<2048xf32, #tpu.memory_space<vmem>>)
    %dma_wait3A_281 = arith.constant 24576 : i32
    %dma_wait3A_282 = tpu.memref_slice %arg7[%dma_wait3A_281] : memref<26624xf32, #tpu.memory_space<vmem>> -> memref<2048xf32, #tpu.memory_space<vmem>>
    %dma_wait3A_283 = tpu.memref_slice %arg2[%mul3A_203] : memref<819200xf32, #tpu.memory_space<hbm>> -> memref<2048xf32, #tpu.memory_space<hbm>>
    %dma_wait3A_284 = arith.constant 24576 : i32
    %dma_wait3A_285 = tpu.memref_slice %arg7[%dma_wait3A_284] : memref<26624xf32, #tpu.memory_space<vmem>> -> memref<2048xf32, #tpu.memory_space<vmem>>
    %dma_wait3A_286 = tpu.memref_slice %arg2[%mul3A_203] : memref<819200xf32, #tpu.memory_space<hbm>> -> memref<2048xf32, #tpu.memory_space<hbm>>
    tpu.wait_dma2 semaphore(%arg25 : memref<!tpu.dma_semaphore, #tpu.memory_space<semaphore_mem>>) src(%dma_wait3A_286 : memref<2048xf32, #tpu.memory_space<hbm>>) dst(%dma_wait3A_285 : memref<2048xf32, #tpu.memory_space<vmem>>)
    %broadcast_in_dim3A = arith.constant 0x7F800000 : f32
    %broadcast_in_dim3A_287 = vector.broadcast %broadcast_in_dim3A : f32 to vector<16xf32>
    %broadcast_in_dim3A_288 = arith.constant 0xFF800000 : f32
    %broadcast_in_dim3A_289 = vector.broadcast %broadcast_in_dim3A_288 : f32 to vector<16xf32>
    %scan3A = arith.constant 0 : i32
    %scan3A_290 = arith.constant 16 : i32
    %scan3A_291 = arith.addi %scan3A, %scan3A_290 : i32
    %scan3A_292 = arith.constant 1 : i32
    %scan3A_293 = scf.for %scan3A_546 = %scan3A to %scan3A_291 step %scan3A_292 iter_args(%scan3A_547 = %broadcast_in_dim3A_289) -> (vector<16xf32>)  : i32 {
      %mul3A_548 = arith.constant 8 : i32
      %mul3A_549 = arith.muli %scan3A_546, %mul3A_548 : i32
      %add3A_550 = arith.constant 0 : i32
      %add3A_551 = arith.addi %mul3A_549, %add3A_550 : i32
      %mul3A_552 = arith.constant 16 : i32
      %mul3A_553 = arith.muli %add3A_551, %mul3A_552 : i32
      %add3A_554 = arith.constant 0 : i32
      %add3A_555 = arith.addi %add3A_554, %mul3A_553 : i32
      %get3A_556 = arith.index_cast %add3A_555 : i32 to index
      %get3A_557 = tpu.vector_load %arg7[%get3A_556] {strides = array<i32>} : memref<26624xf32, #tpu.memory_space<vmem>>, vector<16xf32>,
      %max3A_558 = arith.maximumf %scan3A_547, %get3A_557 : vector<16xf32>
      %mul3A_559 = arith.constant 8 : i32
      %mul3A_560 = arith.muli %scan3A_546, %mul3A_559 : i32
      %add3A_561 = arith.constant 1 : i32
      %add3A_562 = arith.addi %mul3A_560, %add3A_561 : i32
      %mul3A_563 = arith.constant 16 : i32
      %mul3A_564 = arith.muli %add3A_562, %mul3A_563 : i32
      %add3A_565 = arith.constant 0 : i32
      %add3A_566 = arith.addi %add3A_565, %mul3A_564 : i32
      %get3A_567 = arith.index_cast %add3A_566 : i32 to index
      %get3A_568 = tpu.vector_load %arg7[%get3A_567] {strides = array<i32>} : memref<26624xf32, #tpu.memory_space<vmem>>, vector<16xf32>,
      %max3A_569 = arith.maximumf %max3A_558, %get3A_568 : vector<16xf32>
      %mul3A_570 = arith.constant 8 : i32
      %mul3A_571 = arith.muli %scan3A_546, %mul3A_570 : i32
      %add3A_572 = arith.constant 2 : i32
      %add3A_573 = arith.addi %mul3A_571, %add3A_572 : i32
      %mul3A_574 = arith.constant 16 : i32
      %mul3A_575 = arith.muli %add3A_573, %mul3A_574 : i32
      %add3A_576 = arith.constant 0 : i32
      %add3A_577 = arith.addi %add3A_576, %mul3A_575 : i32
      %get3A_578 = arith.index_cast %add3A_577 : i32 to index
      %get3A_579 = tpu.vector_load %arg7[%get3A_578] {strides = array<i32>} : memref<26624xf32, #tpu.memory_space<vmem>>, vector<16xf32>,
      %max3A_580 = arith.maximumf %max3A_569, %get3A_579 : vector<16xf32>
      %mul3A_581 = arith.constant 8 : i32
      %mul3A_582 = arith.muli %scan3A_546, %mul3A_581 : i32
      %add3A_583 = arith.constant 3 : i32
      %add3A_584 = arith.addi %mul3A_582, %add3A_583 : i32
      %mul3A_585 = arith.constant 16 : i32
      %mul3A_586 = arith.muli %add3A_584, %mul3A_585 : i32
      %add3A_587 = arith.constant 0 : i32
      %add3A_588 = arith.addi %add3A_587, %mul3A_586 : i32
      %get3A_589 = arith.index_cast %add3A_588 : i32 to index
      %get3A_590 = tpu.vector_load %arg7[%get3A_589] {strides = array<i32>} : memref<26624xf32, #tpu.memory_space<vmem>>, vector<16xf32>,
      %max3A_591 = arith.maximumf %max3A_580, %get3A_590 : vector<16xf32>
      %mul3A_592 = arith.constant 8 : i32
      %mul3A_593 = arith.muli %scan3A_546, %mul3A_592 : i32
      %add3A_594 = arith.constant 4 : i32
      %add3A_595 = arith.addi %mul3A_593, %add3A_594 : i32
      %mul3A_596 = arith.constant 16 : i32
      %mul3A_597 = arith.muli %add3A_595, %mul3A_596 : i32
      %add3A_598 = arith.constant 0 : i32
      %add3A_599 = arith.addi %add3A_598, %mul3A_597 : i32
      %get3A_600 = arith.index_cast %add3A_599 : i32 to index
      %get3A_601 = tpu.vector_load %arg7[%get3A_600] {strides = array<i32>} : memref<26624xf32, #tpu.memory_space<vmem>>, vector<16xf32>,
      %max3A_602 = arith.maximumf %max3A_591, %get3A_601 : vector<16xf32>
      %mul3A_603 = arith.constant 8 : i32
      %mul3A_604 = arith.muli %scan3A_546, %mul3A_603 : i32
      %add3A_605 = arith.constant 5 : i32
      %add3A_606 = arith.addi %mul3A_604, %add3A_605 : i32
      %mul3A_607 = arith.constant 16 : i32
      %mul3A_608 = arith.muli %add3A_606, %mul3A_607 : i32
      %add3A_609 = arith.constant 0 : i32
      %add3A_610 = arith.addi %add3A_609, %mul3A_608 : i32
      %get3A_611 = arith.index_cast %add3A_610 : i32 to index
      %get3A_612 = tpu.vector_load %arg7[%get3A_611] {strides = array<i32>} : memref<26624xf32, #tpu.memory_space<vmem>>, vector<16xf32>,
      %max3A_613 = arith.maximumf %max3A_602, %get3A_612 : vector<16xf32>
      %mul3A_614 = arith.constant 8 : i32
      %mul3A_615 = arith.muli %scan3A_546, %mul3A_614 : i32
      %add3A_616 = arith.constant 6 : i32
      %add3A_617 = arith.addi %mul3A_615, %add3A_616 : i32
      %mul3A_618 = arith.constant 16 : i32
      %mul3A_619 = arith.muli %add3A_617, %mul3A_618 : i32
      %add3A_620 = arith.constant 0 : i32
      %add3A_621 = arith.addi %add3A_620, %mul3A_619 : i32
      %get3A_622 = arith.index_cast %add3A_621 : i32 to index
      %get3A_623 = tpu.vector_load %arg7[%get3A_622] {strides = array<i32>} : memref<26624xf32, #tpu.memory_space<vmem>>, vector<16xf32>,
      %max3A_624 = arith.maximumf %max3A_613, %get3A_623 : vector<16xf32>
      %mul3A_625 = arith.constant 8 : i32
      %mul3A_626 = arith.muli %scan3A_546, %mul3A_625 : i32
      %add3A_627 = arith.constant 7 : i32
      %add3A_628 = arith.addi %mul3A_626, %add3A_627 : i32
      %mul3A_629 = arith.constant 16 : i32
      %mul3A_630 = arith.muli %add3A_628, %mul3A_629 : i32
      %add3A_631 = arith.constant 0 : i32
      %add3A_632 = arith.addi %add3A_631, %mul3A_630 : i32
      %get3A_633 = arith.index_cast %add3A_632 : i32 to index
      %get3A_634 = tpu.vector_load %arg7[%get3A_633] {strides = array<i32>} : memref<26624xf32, #tpu.memory_space<vmem>>, vector<16xf32>,
      %max3A_635 = arith.maximumf %max3A_624, %get3A_634 : vector<16xf32>
      scf.yield %max3A_635 : vector<16xf32>
    }
    %scan3A_294 = arith.constant 16 : i32
    %eq3A = arith.constant 0 : i32
    %eq3A_295 = vector.broadcast %eq3A : i32 to vector<16xi32>
    %eq3A_296 = arith.cmpi eq, %iota3A, %eq3A_295 : vector<16xi32>
    %reduce_max3A = arith.constant true
    %reduce_max3A_297 = vector.broadcast %reduce_max3A : i1 to vector<16xi1>
    %reduce_max3A_298 = tpu.scan <max>, %scan3A_293 masked %reduce_max3A_297 : vector<16xf32>, vector<16xi1> -> vector<16xf32>
    %reduce_max3A_299 = vector.extract %reduce_max3A_298[15] : f32 from vector<16xf32>
    %broadcast_in_dim3A_300 = vector.broadcast %reduce_max3A_299 : f32 to vector<16xf32>
    %select_n3A = arith.select %eq3A_296, %broadcast_in_dim3A_300, %broadcast_in_dim3A_287 : vector<16xi1>, vector<16xf32>
    %broadcast_in_dim3A_301 = arith.constant 0xFF800000 : f32
    %broadcast_in_dim3A_302 = vector.broadcast %broadcast_in_dim3A_301 : f32 to vector<16xf32>
    %scan3A_303 = arith.constant 0 : i32
    %scan3A_304 = arith.constant 16 : i32
    %scan3A_305 = arith.addi %scan3A_303, %scan3A_304 : i32
    %scan3A_306 = arith.constant 1 : i32
    %scan3A_307 = scf.for %scan3A_546 = %scan3A_303 to %scan3A_305 step %scan3A_306 iter_args(%scan3A_547 = %broadcast_in_dim3A_302) -> (vector<16xf32>)  : i32 {
      %mul3A_548 = arith.constant 8 : i32
      %mul3A_549 = arith.muli %scan3A_546, %mul3A_548 : i32
      %add3A_550 = arith.constant 0 : i32
      %add3A_551 = arith.addi %mul3A_549, %add3A_550 : i32
      %mul3A_552 = arith.constant 16 : i32
      %mul3A_553 = arith.muli %add3A_551, %mul3A_552 : i32
      %add3A_554 = arith.constant 2048 : i32
      %add3A_555 = arith.addi %add3A_554, %mul3A_553 : i32
      %get3A_556 = arith.index_cast %add3A_555 : i32 to index
      %get3A_557 = tpu.vector_load %arg7[%get3A_556] {strides = array<i32>} : memref<26624xf32, #tpu.memory_space<vmem>>, vector<16xf32>,
      %max3A_558 = arith.maximumf %scan3A_547, %get3A_557 : vector<16xf32>
      %mul3A_559 = arith.constant 8 : i32
      %mul3A_560 = arith.muli %scan3A_546, %mul3A_559 : i32
      %add3A_561 = arith.constant 1 : i32
      %add3A_562 = arith.addi %mul3A_560, %add3A_561 : i32
      %mul3A_563 = arith.constant 16 : i32
      %mul3A_564 = arith.muli %add3A_562, %mul3A_563 : i32
      %add3A_565 = arith.constant 2048 : i32
      %add3A_566 = arith.addi %add3A_565, %mul3A_564 : i32
      %get3A_567 = arith.index_cast %add3A_566 : i32 to index
      %get3A_568 = tpu.vector_load %arg7[%get3A_567] {strides = array<i32>} : memref<26624xf32, #tpu.memory_space<vmem>>, vector<16xf32>,
      %max3A_569 = arith.maximumf %max3A_558, %get3A_568 : vector<16xf32>
      %mul3A_570 = arith.constant 8 : i32
      %mul3A_571 = arith.muli %scan3A_546, %mul3A_570 : i32
      %add3A_572 = arith.constant 2 : i32
      %add3A_573 = arith.addi %mul3A_571, %add3A_572 : i32
      %mul3A_574 = arith.constant 16 : i32
      %mul3A_575 = arith.muli %add3A_573, %mul3A_574 : i32
      %add3A_576 = arith.constant 2048 : i32
      %add3A_577 = arith.addi %add3A_576, %mul3A_575 : i32
      %get3A_578 = arith.index_cast %add3A_577 : i32 to index
      %get3A_579 = tpu.vector_load %arg7[%get3A_578] {strides = array<i32>} : memref<26624xf32, #tpu.memory_space<vmem>>, vector<16xf32>,
      %max3A_580 = arith.maximumf %max3A_569, %get3A_579 : vector<16xf32>
      %mul3A_581 = arith.constant 8 : i32
      %mul3A_582 = arith.muli %scan3A_546, %mul3A_581 : i32
      %add3A_583 = arith.constant 3 : i32
      %add3A_584 = arith.addi %mul3A_582, %add3A_583 : i32
      %mul3A_585 = arith.constant 16 : i32
      %mul3A_586 = arith.muli %add3A_584, %mul3A_585 : i32
      %add3A_587 = arith.constant 2048 : i32
      %add3A_588 = arith.addi %add3A_587, %mul3A_586 : i32
      %get3A_589 = arith.index_cast %add3A_588 : i32 to index
      %get3A_590 = tpu.vector_load %arg7[%get3A_589] {strides = array<i32>} : memref<26624xf32, #tpu.memory_space<vmem>>, vector<16xf32>,
      %max3A_591 = arith.maximumf %max3A_580, %get3A_590 : vector<16xf32>
      %mul3A_592 = arith.constant 8 : i32
      %mul3A_593 = arith.muli %scan3A_546, %mul3A_592 : i32
      %add3A_594 = arith.constant 4 : i32
      %add3A_595 = arith.addi %mul3A_593, %add3A_594 : i32
      %mul3A_596 = arith.constant 16 : i32
      %mul3A_597 = arith.muli %add3A_595, %mul3A_596 : i32
      %add3A_598 = arith.constant 2048 : i32
      %add3A_599 = arith.addi %add3A_598, %mul3A_597 : i32
      %get3A_600 = arith.index_cast %add3A_599 : i32 to index
      %get3A_601 = tpu.vector_load %arg7[%get3A_600] {strides = array<i32>} : memref<26624xf32, #tpu.memory_space<vmem>>, vector<16xf32>,
      %max3A_602 = arith.maximumf %max3A_591, %get3A_601 : vector<16xf32>
      %mul3A_603 = arith.constant 8 : i32
      %mul3A_604 = arith.muli %scan3A_546, %mul3A_603 : i32
      %add3A_605 = arith.constant 5 : i32
      %add3A_606 = arith.addi %mul3A_604, %add3A_605 : i32
      %mul3A_607 = arith.constant 16 : i32
      %mul3A_608 = arith.muli %add3A_606, %mul3A_607 : i32
      %add3A_609 = arith.constant 2048 : i32
      %add3A_610 = arith.addi %add3A_609, %mul3A_608 : i32
      %get3A_611 = arith.index_cast %add3A_610 : i32 to index
      %get3A_612 = tpu.vector_load %arg7[%get3A_611] {strides = array<i32>} : memref<26624xf32, #tpu.memory_space<vmem>>, vector<16xf32>,
      %max3A_613 = arith.maximumf %max3A_602, %get3A_612 : vector<16xf32>
      %mul3A_614 = arith.constant 8 : i32
      %mul3A_615 = arith.muli %scan3A_546, %mul3A_614 : i32
      %add3A_616 = arith.constant 6 : i32
      %add3A_617 = arith.addi %mul3A_615, %add3A_616 : i32
      %mul3A_618 = arith.constant 16 : i32
      %mul3A_619 = arith.muli %add3A_617, %mul3A_618 : i32
      %add3A_620 = arith.constant 2048 : i32
      %add3A_621 = arith.addi %add3A_620, %mul3A_619 : i32
      %get3A_622 = arith.index_cast %add3A_621 : i32 to index
      %get3A_623 = tpu.vector_load %arg7[%get3A_622] {strides = array<i32>} : memref<26624xf32, #tpu.memory_space<vmem>>, vector<16xf32>,
      %max3A_624 = arith.maximumf %max3A_613, %get3A_623 : vector<16xf32>
      %mul3A_625 = arith.constant 8 : i32
      %mul3A_626 = arith.muli %scan3A_546, %mul3A_625 : i32
      %add3A_627 = arith.constant 7 : i32
      %add3A_628 = arith.addi %mul3A_626, %add3A_627 : i32
      %mul3A_629 = arith.constant 16 : i32
      %mul3A_630 = arith.muli %add3A_628, %mul3A_629 : i32
      %add3A_631 = arith.constant 2048 : i32
      %add3A_632 = arith.addi %add3A_631, %mul3A_630 : i32
      %get3A_633 = arith.index_cast %add3A_632 : i32 to index
      %get3A_634 = tpu.vector_load %arg7[%get3A_633] {strides = array<i32>} : memref<26624xf32, #tpu.memory_space<vmem>>, vector<16xf32>,
      %max3A_635 = arith.maximumf %max3A_624, %get3A_634 : vector<16xf32>
      scf.yield %max3A_635 : vector<16xf32>
    }
    %scan3A_308 = arith.constant 16 : i32
    %eq3A_309 = arith.constant 1 : i32
    %eq3A_310 = vector.broadcast %eq3A_309 : i32 to vector<16xi32>
    %eq3A_311 = arith.cmpi eq, %iota3A, %eq3A_310 : vector<16xi32>
    %reduce_max3A_312 = arith.constant true
    %reduce_max3A_313 = vector.broadcast %reduce_max3A_312 : i1 to vector<16xi1>
    %reduce_max3A_314 = tpu.scan <max>, %scan3A_307 masked %reduce_max3A_313 : vector<16xf32>, vector<16xi1> -> vector<16xf32>
    %reduce_max3A_315 = vector.extract %reduce_max3A_314[15] : f32 from vector<16xf32>
    %broadcast_in_dim3A_316 = vector.broadcast %reduce_max3A_315 : f32 to vector<16xf32>
    %select_n3A_317 = arith.select %eq3A_311, %broadcast_in_dim3A_316, %select_n3A : vector<16xi1>, vector<16xf32>
    %broadcast_in_dim3A_318 = arith.constant 0xFF800000 : f32
    %broadcast_in_dim3A_319 = vector.broadcast %broadcast_in_dim3A_318 : f32 to vector<16xf32>
    %scan3A_320 = arith.constant 0 : i32
    %scan3A_321 = arith.constant 16 : i32
    %scan3A_322 = arith.addi %scan3A_320, %scan3A_321 : i32
    %scan3A_323 = arith.constant 1 : i32
    %scan3A_324 = scf.for %scan3A_546 = %scan3A_320 to %scan3A_322 step %scan3A_323 iter_args(%scan3A_547 = %broadcast_in_dim3A_319) -> (vector<16xf32>)  : i32 {
      %mul3A_548 = arith.constant 8 : i32
      %mul3A_549 = arith.muli %scan3A_546, %mul3A_548 : i32
      %add3A_550 = arith.constant 0 : i32
      %add3A_551 = arith.addi %mul3A_549, %add3A_550 : i32
      %mul3A_552 = arith.constant 16 : i32
      %mul3A_553 = arith.muli %add3A_551, %mul3A_552 : i32
      %add3A_554 = arith.constant 4096 : i32
      %add3A_555 = arith.addi %add3A_554, %mul3A_553 : i32
      %get3A_556 = arith.index_cast %add3A_555 : i32 to index
      %get3A_557 = tpu.vector_load %arg7[%get3A_556] {strides = array<i32>} : memref<26624xf32, #tpu.memory_space<vmem>>, vector<16xf32>,
      %max3A_558 = arith.maximumf %scan3A_547, %get3A_557 : vector<16xf32>
      %mul3A_559 = arith.constant 8 : i32
      %mul3A_560 = arith.muli %scan3A_546, %mul3A_559 : i32
      %add3A_561 = arith.constant 1 : i32
      %add3A_562 = arith.addi %mul3A_560, %add3A_561 : i32
      %mul3A_563 = arith.constant 16 : i32
      %mul3A_564 = arith.muli %add3A_562, %mul3A_563 : i32
      %add3A_565 = arith.constant 4096 : i32
      %add3A_566 = arith.addi %add3A_565, %mul3A_564 : i32
      %get3A_567 = arith.index_cast %add3A_566 : i32 to index
      %get3A_568 = tpu.vector_load %arg7[%get3A_567] {strides = array<i32>} : memref<26624xf32, #tpu.memory_space<vmem>>, vector<16xf32>,
      %max3A_569 = arith.maximumf %max3A_558, %get3A_568 : vector<16xf32>
      %mul3A_570 = arith.constant 8 : i32
      %mul3A_571 = arith.muli %scan3A_546, %mul3A_570 : i32
      %add3A_572 = arith.constant 2 : i32
      %add3A_573 = arith.addi %mul3A_571, %add3A_572 : i32
      %mul3A_574 = arith.constant 16 : i32
      %mul3A_575 = arith.muli %add3A_573, %mul3A_574 : i32
      %add3A_576 = arith.constant 4096 : i32
      %add3A_577 = arith.addi %add3A_576, %mul3A_575 : i32
      %get3A_578 = arith.index_cast %add3A_577 : i32 to index
      %get3A_579 = tpu.vector_load %arg7[%get3A_578] {strides = array<i32>} : memref<26624xf32, #tpu.memory_space<vmem>>, vector<16xf32>,
      %max3A_580 = arith.maximumf %max3A_569, %get3A_579 : vector<16xf32>
      %mul3A_581 = arith.constant 8 : i32
      %mul3A_582 = arith.muli %scan3A_546, %mul3A_581 : i32
      %add3A_583 = arith.constant 3 : i32
      %add3A_584 = arith.addi %mul3A_582, %add3A_583 : i32
      %mul3A_585 = arith.constant 16 : i32
      %mul3A_586 = arith.muli %add3A_584, %mul3A_585 : i32
      %add3A_587 = arith.constant 4096 : i32
      %add3A_588 = arith.addi %add3A_587, %mul3A_586 : i32
      %get3A_589 = arith.index_cast %add3A_588 : i32 to index
      %get3A_590 = tpu.vector_load %arg7[%get3A_589] {strides = array<i32>} : memref<26624xf32, #tpu.memory_space<vmem>>, vector<16xf32>,
      %max3A_591 = arith.maximumf %max3A_580, %get3A_590 : vector<16xf32>
      %mul3A_592 = arith.constant 8 : i32
      %mul3A_593 = arith.muli %scan3A_546, %mul3A_592 : i32
      %add3A_594 = arith.constant 4 : i32
      %add3A_595 = arith.addi %mul3A_593, %add3A_594 : i32
      %mul3A_596 = arith.constant 16 : i32
      %mul3A_597 = arith.muli %add3A_595, %mul3A_596 : i32
      %add3A_598 = arith.constant 4096 : i32
      %add3A_599 = arith.addi %add3A_598, %mul3A_597 : i32
      %get3A_600 = arith.index_cast %add3A_599 : i32 to index
      %get3A_601 = tpu.vector_load %arg7[%get3A_600] {strides = array<i32>} : memref<26624xf32, #tpu.memory_space<vmem>>, vector<16xf32>,
      %max3A_602 = arith.maximumf %max3A_591, %get3A_601 : vector<16xf32>
      %mul3A_603 = arith.constant 8 : i32
      %mul3A_604 = arith.muli %scan3A_546, %mul3A_603 : i32
      %add3A_605 = arith.constant 5 : i32
      %add3A_606 = arith.addi %mul3A_604, %add3A_605 : i32
      %mul3A_607 = arith.constant 16 : i32
      %mul3A_608 = arith.muli %add3A_606, %mul3A_607 : i32
      %add3A_609 = arith.constant 4096 : i32
      %add3A_610 = arith.addi %add3A_609, %mul3A_608 : i32
      %get3A_611 = arith.index_cast %add3A_610 : i32 to index
      %get3A_612 = tpu.vector_load %arg7[%get3A_611] {strides = array<i32>} : memref<26624xf32, #tpu.memory_space<vmem>>, vector<16xf32>,
      %max3A_613 = arith.maximumf %max3A_602, %get3A_612 : vector<16xf32>
      %mul3A_614 = arith.constant 8 : i32
      %mul3A_615 = arith.muli %scan3A_546, %mul3A_614 : i32
      %add3A_616 = arith.constant 6 : i32
      %add3A_617 = arith.addi %mul3A_615, %add3A_616 : i32
      %mul3A_618 = arith.constant 16 : i32
      %mul3A_619 = arith.muli %add3A_617, %mul3A_618 : i32
      %add3A_620 = arith.constant 4096 : i32
      %add3A_621 = arith.addi %add3A_620, %mul3A_619 : i32
      %get3A_622 = arith.index_cast %add3A_621 : i32 to index
      %get3A_623 = tpu.vector_load %arg7[%get3A_622] {strides = array<i32>} : memref<26624xf32, #tpu.memory_space<vmem>>, vector<16xf32>,
      %max3A_624 = arith.maximumf %max3A_613, %get3A_623 : vector<16xf32>
      %mul3A_625 = arith.constant 8 : i32
      %mul3A_626 = arith.muli %scan3A_546, %mul3A_625 : i32
      %add3A_627 = arith.constant 7 : i32
      %add3A_628 = arith.addi %mul3A_626, %add3A_627 : i32
      %mul3A_629 = arith.constant 16 : i32
      %mul3A_630 = arith.muli %add3A_628, %mul3A_629 : i32
      %add3A_631 = arith.constant 4096 : i32
      %add3A_632 = arith.addi %add3A_631, %mul3A_630 : i32
      %get3A_633 = arith.index_cast %add3A_632 : i32 to index
      %get3A_634 = tpu.vector_load %arg7[%get3A_633] {strides = array<i32>} : memref<26624xf32, #tpu.memory_space<vmem>>, vector<16xf32>,
      %max3A_635 = arith.maximumf %max3A_624, %get3A_634 : vector<16xf32>
      scf.yield %max3A_635 : vector<16xf32>
    }
    %scan3A_325 = arith.constant 16 : i32
    %eq3A_326 = arith.constant 2 : i32
    %eq3A_327 = vector.broadcast %eq3A_326 : i32 to vector<16xi32>
    %eq3A_328 = arith.cmpi eq, %iota3A, %eq3A_327 : vector<16xi32>
    %reduce_max3A_329 = arith.constant true
    %reduce_max3A_330 = vector.broadcast %reduce_max3A_329 : i1 to vector<16xi1>
    %reduce_max3A_331 = tpu.scan <max>, %scan3A_324 masked %reduce_max3A_330 : vector<16xf32>, vector<16xi1> -> vector<16xf32>
    %reduce_max3A_332 = vector.extract %reduce_max3A_331[15] : f32 from vector<16xf32>
    %broadcast_in_dim3A_333 = vector.broadcast %reduce_max3A_332 : f32 to vector<16xf32>
    %select_n3A_334 = arith.select %eq3A_328, %broadcast_in_dim3A_333, %select_n3A_317 : vector<16xi1>, vector<16xf32>
    %broadcast_in_dim3A_335 = arith.constant 0xFF800000 : f32
    %broadcast_in_dim3A_336 = vector.broadcast %broadcast_in_dim3A_335 : f32 to vector<16xf32>
    %scan3A_337 = arith.constant 0 : i32
    %scan3A_338 = arith.constant 16 : i32
    %scan3A_339 = arith.addi %scan3A_337, %scan3A_338 : i32
    %scan3A_340 = arith.constant 1 : i32
    %scan3A_341 = scf.for %scan3A_546 = %scan3A_337 to %scan3A_339 step %scan3A_340 iter_args(%scan3A_547 = %broadcast_in_dim3A_336) -> (vector<16xf32>)  : i32 {
      %mul3A_548 = arith.constant 8 : i32
      %mul3A_549 = arith.muli %scan3A_546, %mul3A_548 : i32
      %add3A_550 = arith.constant 0 : i32
      %add3A_551 = arith.addi %mul3A_549, %add3A_550 : i32
      %mul3A_552 = arith.constant 16 : i32
      %mul3A_553 = arith.muli %add3A_551, %mul3A_552 : i32
      %add3A_554 = arith.constant 6144 : i32
      %add3A_555 = arith.addi %add3A_554, %mul3A_553 : i32
      %get3A_556 = arith.index_cast %add3A_555 : i32 to index
      %get3A_557 = tpu.vector_load %arg7[%get3A_556] {strides = array<i32>} : memref<26624xf32, #tpu.memory_space<vmem>>, vector<16xf32>,
      %max3A_558 = arith.maximumf %scan3A_547, %get3A_557 : vector<16xf32>
      %mul3A_559 = arith.constant 8 : i32
      %mul3A_560 = arith.muli %scan3A_546, %mul3A_559 : i32
      %add3A_561 = arith.constant 1 : i32
      %add3A_562 = arith.addi %mul3A_560, %add3A_561 : i32
      %mul3A_563 = arith.constant 16 : i32
      %mul3A_564 = arith.muli %add3A_562, %mul3A_563 : i32
      %add3A_565 = arith.constant 6144 : i32
      %add3A_566 = arith.addi %add3A_565, %mul3A_564 : i32
      %get3A_567 = arith.index_cast %add3A_566 : i32 to index
      %get3A_568 = tpu.vector_load %arg7[%get3A_567] {strides = array<i32>} : memref<26624xf32, #tpu.memory_space<vmem>>, vector<16xf32>,
      %max3A_569 = arith.maximumf %max3A_558, %get3A_568 : vector<16xf32>
      %mul3A_570 = arith.constant 8 : i32
      %mul3A_571 = arith.muli %scan3A_546, %mul3A_570 : i32
      %add3A_572 = arith.constant 2 : i32
      %add3A_573 = arith.addi %mul3A_571, %add3A_572 : i32
      %mul3A_574 = arith.constant 16 : i32
      %mul3A_575 = arith.muli %add3A_573, %mul3A_574 : i32
      %add3A_576 = arith.constant 6144 : i32
      %add3A_577 = arith.addi %add3A_576, %mul3A_575 : i32
      %get3A_578 = arith.index_cast %add3A_577 : i32 to index
      %get3A_579 = tpu.vector_load %arg7[%get3A_578] {strides = array<i32>} : memref<26624xf32, #tpu.memory_space<vmem>>, vector<16xf32>,
      %max3A_580 = arith.maximumf %max3A_569, %get3A_579 : vector<16xf32>
      %mul3A_581 = arith.constant 8 : i32
      %mul3A_582 = arith.muli %scan3A_546, %mul3A_581 : i32
      %add3A_583 = arith.constant 3 : i32
      %add3A_584 = arith.addi %mul3A_582, %add3A_583 : i32
      %mul3A_585 = arith.constant 16 : i32
      %mul3A_586 = arith.muli %add3A_584, %mul3A_585 : i32
      %add3A_587 = arith.constant 6144 : i32
      %add3A_588 = arith.addi %add3A_587, %mul3A_586 : i32
      %get3A_589 = arith.index_cast %add3A_588 : i32 to index
      %get3A_590 = tpu.vector_load %arg7[%get3A_589] {strides = array<i32>} : memref<26624xf32, #tpu.memory_space<vmem>>, vector<16xf32>,
      %max3A_591 = arith.maximumf %max3A_580, %get3A_590 : vector<16xf32>
      %mul3A_592 = arith.constant 8 : i32
      %mul3A_593 = arith.muli %scan3A_546, %mul3A_592 : i32
      %add3A_594 = arith.constant 4 : i32
      %add3A_595 = arith.addi %mul3A_593, %add3A_594 : i32
      %mul3A_596 = arith.constant 16 : i32
      %mul3A_597 = arith.muli %add3A_595, %mul3A_596 : i32
      %add3A_598 = arith.constant 6144 : i32
      %add3A_599 = arith.addi %add3A_598, %mul3A_597 : i32
      %get3A_600 = arith.index_cast %add3A_599 : i32 to index
      %get3A_601 = tpu.vector_load %arg7[%get3A_600] {strides = array<i32>} : memref<26624xf32, #tpu.memory_space<vmem>>, vector<16xf32>,
      %max3A_602 = arith.maximumf %max3A_591, %get3A_601 : vector<16xf32>
      %mul3A_603 = arith.constant 8 : i32
      %mul3A_604 = arith.muli %scan3A_546, %mul3A_603 : i32
      %add3A_605 = arith.constant 5 : i32
      %add3A_606 = arith.addi %mul3A_604, %add3A_605 : i32
      %mul3A_607 = arith.constant 16 : i32
      %mul3A_608 = arith.muli %add3A_606, %mul3A_607 : i32
      %add3A_609 = arith.constant 6144 : i32
      %add3A_610 = arith.addi %add3A_609, %mul3A_608 : i32
      %get3A_611 = arith.index_cast %add3A_610 : i32 to index
      %get3A_612 = tpu.vector_load %arg7[%get3A_611] {strides = array<i32>} : memref<26624xf32, #tpu.memory_space<vmem>>, vector<16xf32>,
      %max3A_613 = arith.maximumf %max3A_602, %get3A_612 : vector<16xf32>
      %mul3A_614 = arith.constant 8 : i32
      %mul3A_615 = arith.muli %scan3A_546, %mul3A_614 : i32
      %add3A_616 = arith.constant 6 : i32
      %add3A_617 = arith.addi %mul3A_615, %add3A_616 : i32
      %mul3A_618 = arith.constant 16 : i32
      %mul3A_619 = arith.muli %add3A_617, %mul3A_618 : i32
      %add3A_620 = arith.constant 6144 : i32
      %add3A_621 = arith.addi %add3A_620, %mul3A_619 : i32
      %get3A_622 = arith.index_cast %add3A_621 : i32 to index
      %get3A_623 = tpu.vector_load %arg7[%get3A_622] {strides = array<i32>} : memref<26624xf32, #tpu.memory_space<vmem>>, vector<16xf32>,
      %max3A_624 = arith.maximumf %max3A_613, %get3A_623 : vector<16xf32>
      %mul3A_625 = arith.constant 8 : i32
      %mul3A_626 = arith.muli %scan3A_546, %mul3A_625 : i32
      %add3A_627 = arith.constant 7 : i32
      %add3A_628 = arith.addi %mul3A_626, %add3A_627 : i32
      %mul3A_629 = arith.constant 16 : i32
      %mul3A_630 = arith.muli %add3A_628, %mul3A_629 : i32
      %add3A_631 = arith.constant 6144 : i32
      %add3A_632 = arith.addi %add3A_631, %mul3A_630 : i32
      %get3A_633 = arith.index_cast %add3A_632 : i32 to index
      %get3A_634 = tpu.vector_load %arg7[%get3A_633] {strides = array<i32>} : memref<26624xf32, #tpu.memory_space<vmem>>, vector<16xf32>,
      %max3A_635 = arith.maximumf %max3A_624, %get3A_634 : vector<16xf32>
      scf.yield %max3A_635 : vector<16xf32>
    }
    %scan3A_342 = arith.constant 16 : i32
    %eq3A_343 = arith.constant 3 : i32
    %eq3A_344 = vector.broadcast %eq3A_343 : i32 to vector<16xi32>
    %eq3A_345 = arith.cmpi eq, %iota3A, %eq3A_344 : vector<16xi32>
    %reduce_max3A_346 = arith.constant true
    %reduce_max3A_347 = vector.broadcast %reduce_max3A_346 : i1 to vector<16xi1>
    %reduce_max3A_348 = tpu.scan <max>, %scan3A_341 masked %reduce_max3A_347 : vector<16xf32>, vector<16xi1> -> vector<16xf32>
    %reduce_max3A_349 = vector.extract %reduce_max3A_348[15] : f32 from vector<16xf32>
    %broadcast_in_dim3A_350 = vector.broadcast %reduce_max3A_349 : f32 to vector<16xf32>
    %select_n3A_351 = arith.select %eq3A_345, %broadcast_in_dim3A_350, %select_n3A_334 : vector<16xi1>, vector<16xf32>
    %broadcast_in_dim3A_352 = arith.constant 0xFF800000 : f32
    %broadcast_in_dim3A_353 = vector.broadcast %broadcast_in_dim3A_352 : f32 to vector<16xf32>
    %scan3A_354 = arith.constant 0 : i32
    %scan3A_355 = arith.constant 16 : i32
    %scan3A_356 = arith.addi %scan3A_354, %scan3A_355 : i32
    %scan3A_357 = arith.constant 1 : i32
    %scan3A_358 = scf.for %scan3A_546 = %scan3A_354 to %scan3A_356 step %scan3A_357 iter_args(%scan3A_547 = %broadcast_in_dim3A_353) -> (vector<16xf32>)  : i32 {
      %mul3A_548 = arith.constant 8 : i32
      %mul3A_549 = arith.muli %scan3A_546, %mul3A_548 : i32
      %add3A_550 = arith.constant 0 : i32
      %add3A_551 = arith.addi %mul3A_549, %add3A_550 : i32
      %mul3A_552 = arith.constant 16 : i32
      %mul3A_553 = arith.muli %add3A_551, %mul3A_552 : i32
      %add3A_554 = arith.constant 8192 : i32
      %add3A_555 = arith.addi %add3A_554, %mul3A_553 : i32
      %get3A_556 = arith.index_cast %add3A_555 : i32 to index
      %get3A_557 = tpu.vector_load %arg7[%get3A_556] {strides = array<i32>} : memref<26624xf32, #tpu.memory_space<vmem>>, vector<16xf32>,
      %max3A_558 = arith.maximumf %scan3A_547, %get3A_557 : vector<16xf32>
      %mul3A_559 = arith.constant 8 : i32
      %mul3A_560 = arith.muli %scan3A_546, %mul3A_559 : i32
      %add3A_561 = arith.constant 1 : i32
      %add3A_562 = arith.addi %mul3A_560, %add3A_561 : i32
      %mul3A_563 = arith.constant 16 : i32
      %mul3A_564 = arith.muli %add3A_562, %mul3A_563 : i32
      %add3A_565 = arith.constant 8192 : i32
      %add3A_566 = arith.addi %add3A_565, %mul3A_564 : i32
      %get3A_567 = arith.index_cast %add3A_566 : i32 to index
      %get3A_568 = tpu.vector_load %arg7[%get3A_567] {strides = array<i32>} : memref<26624xf32, #tpu.memory_space<vmem>>, vector<16xf32>,
      %max3A_569 = arith.maximumf %max3A_558, %get3A_568 : vector<16xf32>
      %mul3A_570 = arith.constant 8 : i32
      %mul3A_571 = arith.muli %scan3A_546, %mul3A_570 : i32
      %add3A_572 = arith.constant 2 : i32
      %add3A_573 = arith.addi %mul3A_571, %add3A_572 : i32
      %mul3A_574 = arith.constant 16 : i32
      %mul3A_575 = arith.muli %add3A_573, %mul3A_574 : i32
      %add3A_576 = arith.constant 8192 : i32
      %add3A_577 = arith.addi %add3A_576, %mul3A_575 : i32
      %get3A_578 = arith.index_cast %add3A_577 : i32 to index
      %get3A_579 = tpu.vector_load %arg7[%get3A_578] {strides = array<i32>} : memref<26624xf32, #tpu.memory_space<vmem>>, vector<16xf32>,
      %max3A_580 = arith.maximumf %max3A_569, %get3A_579 : vector<16xf32>
      %mul3A_581 = arith.constant 8 : i32
      %mul3A_582 = arith.muli %scan3A_546, %mul3A_581 : i32
      %add3A_583 = arith.constant 3 : i32
      %add3A_584 = arith.addi %mul3A_582, %add3A_583 : i32
      %mul3A_585 = arith.constant 16 : i32
      %mul3A_586 = arith.muli %add3A_584, %mul3A_585 : i32
      %add3A_587 = arith.constant 8192 : i32
      %add3A_588 = arith.addi %add3A_587, %mul3A_586 : i32
      %get3A_589 = arith.index_cast %add3A_588 : i32 to index
      %get3A_590 = tpu.vector_load %arg7[%get3A_589] {strides = array<i32>} : memref<26624xf32, #tpu.memory_space<vmem>>, vector<16xf32>,
      %max3A_591 = arith.maximumf %max3A_580, %get3A_590 : vector<16xf32>
      %mul3A_592 = arith.constant 8 : i32
      %mul3A_593 = arith.muli %scan3A_546, %mul3A_592 : i32
      %add3A_594 = arith.constant 4 : i32
      %add3A_595 = arith.addi %mul3A_593, %add3A_594 : i32
      %mul3A_596 = arith.constant 16 : i32
      %mul3A_597 = arith.muli %add3A_595, %mul3A_596 : i32
      %add3A_598 = arith.constant 8192 : i32
      %add3A_599 = arith.addi %add3A_598, %mul3A_597 : i32
      %get3A_600 = arith.index_cast %add3A_599 : i32 to index
      %get3A_601 = tpu.vector_load %arg7[%get3A_600] {strides = array<i32>} : memref<26624xf32, #tpu.memory_space<vmem>>, vector<16xf32>,
      %max3A_602 = arith.maximumf %max3A_591, %get3A_601 : vector<16xf32>
      %mul3A_603 = arith.constant 8 : i32
      %mul3A_604 = arith.muli %scan3A_546, %mul3A_603 : i32
      %add3A_605 = arith.constant 5 : i32
      %add3A_606 = arith.addi %mul3A_604, %add3A_605 : i32
      %mul3A_607 = arith.constant 16 : i32
      %mul3A_608 = arith.muli %add3A_606, %mul3A_607 : i32
      %add3A_609 = arith.constant 8192 : i32
      %add3A_610 = arith.addi %add3A_609, %mul3A_608 : i32
      %get3A_611 = arith.index_cast %add3A_610 : i32 to index
      %get3A_612 = tpu.vector_load %arg7[%get3A_611] {strides = array<i32>} : memref<26624xf32, #tpu.memory_space<vmem>>, vector<16xf32>,
      %max3A_613 = arith.maximumf %max3A_602, %get3A_612 : vector<16xf32>
      %mul3A_614 = arith.constant 8 : i32
      %mul3A_615 = arith.muli %scan3A_546, %mul3A_614 : i32
      %add3A_616 = arith.constant 6 : i32
      %add3A_617 = arith.addi %mul3A_615, %add3A_616 : i32
      %mul3A_618 = arith.constant 16 : i32
      %mul3A_619 = arith.muli %add3A_617, %mul3A_618 : i32
      %add3A_620 = arith.constant 8192 : i32
      %add3A_621 = arith.addi %add3A_620, %mul3A_619 : i32
      %get3A_622 = arith.index_cast %add3A_621 : i32 to index
      %get3A_623 = tpu.vector_load %arg7[%get3A_622] {strides = array<i32>} : memref<26624xf32, #tpu.memory_space<vmem>>, vector<16xf32>,
      %max3A_624 = arith.maximumf %max3A_613, %get3A_623 : vector<16xf32>
      %mul3A_625 = arith.constant 8 : i32
      %mul3A_626 = arith.muli %scan3A_546, %mul3A_625 : i32
      %add3A_627 = arith.constant 7 : i32
      %add3A_628 = arith.addi %mul3A_626, %add3A_627 : i32
      %mul3A_629 = arith.constant 16 : i32
      %mul3A_630 = arith.muli %add3A_628, %mul3A_629 : i32
      %add3A_631 = arith.constant 8192 : i32
      %add3A_632 = arith.addi %add3A_631, %mul3A_630 : i32
      %get3A_633 = arith.index_cast %add3A_632 : i32 to index
      %get3A_634 = tpu.vector_load %arg7[%get3A_633] {strides = array<i32>} : memref<26624xf32, #tpu.memory_space<vmem>>, vector<16xf32>,
      %max3A_635 = arith.maximumf %max3A_624, %get3A_634 : vector<16xf32>
      scf.yield %max3A_635 : vector<16xf32>
    }
    %scan3A_359 = arith.constant 16 : i32
    %eq3A_360 = arith.constant 4 : i32
    %eq3A_361 = vector.broadcast %eq3A_360 : i32 to vector<16xi32>
    %eq3A_362 = arith.cmpi eq, %iota3A, %eq3A_361 : vector<16xi32>
    %reduce_max3A_363 = arith.constant true
    %reduce_max3A_364 = vector.broadcast %reduce_max3A_363 : i1 to vector<16xi1>
    %reduce_max3A_365 = tpu.scan <max>, %scan3A_358 masked %reduce_max3A_364 : vector<16xf32>, vector<16xi1> -> vector<16xf32>
    %reduce_max3A_366 = vector.extract %reduce_max3A_365[15] : f32 from vector<16xf32>
    %broadcast_in_dim3A_367 = vector.broadcast %reduce_max3A_366 : f32 to vector<16xf32>
    %select_n3A_368 = arith.select %eq3A_362, %broadcast_in_dim3A_367, %select_n3A_351 : vector<16xi1>, vector<16xf32>
    %broadcast_in_dim3A_369 = arith.constant 0xFF800000 : f32
    %broadcast_in_dim3A_370 = vector.broadcast %broadcast_in_dim3A_369 : f32 to vector<16xf32>
    %scan3A_371 = arith.constant 0 : i32
    %scan3A_372 = arith.constant 16 : i32
    %scan3A_373 = arith.addi %scan3A_371, %scan3A_372 : i32
    %scan3A_374 = arith.constant 1 : i32
    %scan3A_375 = scf.for %scan3A_546 = %scan3A_371 to %scan3A_373 step %scan3A_374 iter_args(%scan3A_547 = %broadcast_in_dim3A_370) -> (vector<16xf32>)  : i32 {
      %mul3A_548 = arith.constant 8 : i32
      %mul3A_549 = arith.muli %scan3A_546, %mul3A_548 : i32
      %add3A_550 = arith.constant 0 : i32
      %add3A_551 = arith.addi %mul3A_549, %add3A_550 : i32
      %mul3A_552 = arith.constant 16 : i32
      %mul3A_553 = arith.muli %add3A_551, %mul3A_552 : i32
      %add3A_554 = arith.constant 10240 : i32
      %add3A_555 = arith.addi %add3A_554, %mul3A_553 : i32
      %get3A_556 = arith.index_cast %add3A_555 : i32 to index
      %get3A_557 = tpu.vector_load %arg7[%get3A_556] {strides = array<i32>} : memref<26624xf32, #tpu.memory_space<vmem>>, vector<16xf32>,
      %max3A_558 = arith.maximumf %scan3A_547, %get3A_557 : vector<16xf32>
      %mul3A_559 = arith.constant 8 : i32
      %mul3A_560 = arith.muli %scan3A_546, %mul3A_559 : i32
      %add3A_561 = arith.constant 1 : i32
      %add3A_562 = arith.addi %mul3A_560, %add3A_561 : i32
      %mul3A_563 = arith.constant 16 : i32
      %mul3A_564 = arith.muli %add3A_562, %mul3A_563 : i32
      %add3A_565 = arith.constant 10240 : i32
      %add3A_566 = arith.addi %add3A_565, %mul3A_564 : i32
      %get3A_567 = arith.index_cast %add3A_566 : i32 to index
      %get3A_568 = tpu.vector_load %arg7[%get3A_567] {strides = array<i32>} : memref<26624xf32, #tpu.memory_space<vmem>>, vector<16xf32>,
      %max3A_569 = arith.maximumf %max3A_558, %get3A_568 : vector<16xf32>
      %mul3A_570 = arith.constant 8 : i32
      %mul3A_571 = arith.muli %scan3A_546, %mul3A_570 : i32
      %add3A_572 = arith.constant 2 : i32
      %add3A_573 = arith.addi %mul3A_571, %add3A_572 : i32
      %mul3A_574 = arith.constant 16 : i32
      %mul3A_575 = arith.muli %add3A_573, %mul3A_574 : i32
      %add3A_576 = arith.constant 10240 : i32
      %add3A_577 = arith.addi %add3A_576, %mul3A_575 : i32
      %get3A_578 = arith.index_cast %add3A_577 : i32 to index
      %get3A_579 = tpu.vector_load %arg7[%get3A_578] {strides = array<i32>} : memref<26624xf32, #tpu.memory_space<vmem>>, vector<16xf32>,
      %max3A_580 = arith.maximumf %max3A_569, %get3A_579 : vector<16xf32>
      %mul3A_581 = arith.constant 8 : i32
      %mul3A_582 = arith.muli %scan3A_546, %mul3A_581 : i32
      %add3A_583 = arith.constant 3 : i32
      %add3A_584 = arith.addi %mul3A_582, %add3A_583 : i32
      %mul3A_585 = arith.constant 16 : i32
      %mul3A_586 = arith.muli %add3A_584, %mul3A_585 : i32
      %add3A_587 = arith.constant 10240 : i32
      %add3A_588 = arith.addi %add3A_587, %mul3A_586 : i32
      %get3A_589 = arith.index_cast %add3A_588 : i32 to index
      %get3A_590 = tpu.vector_load %arg7[%get3A_589] {strides = array<i32>} : memref<26624xf32, #tpu.memory_space<vmem>>, vector<16xf32>,
      %max3A_591 = arith.maximumf %max3A_580, %get3A_590 : vector<16xf32>
      %mul3A_592 = arith.constant 8 : i32
      %mul3A_593 = arith.muli %scan3A_546, %mul3A_592 : i32
      %add3A_594 = arith.constant 4 : i32
      %add3A_595 = arith.addi %mul3A_593, %add3A_594 : i32
      %mul3A_596 = arith.constant 16 : i32
      %mul3A_597 = arith.muli %add3A_595, %mul3A_596 : i32
      %add3A_598 = arith.constant 10240 : i32
      %add3A_599 = arith.addi %add3A_598, %mul3A_597 : i32
      %get3A_600 = arith.index_cast %add3A_599 : i32 to index
      %get3A_601 = tpu.vector_load %arg7[%get3A_600] {strides = array<i32>} : memref<26624xf32, #tpu.memory_space<vmem>>, vector<16xf32>,
      %max3A_602 = arith.maximumf %max3A_591, %get3A_601 : vector<16xf32>
      %mul3A_603 = arith.constant 8 : i32
      %mul3A_604 = arith.muli %scan3A_546, %mul3A_603 : i32
      %add3A_605 = arith.constant 5 : i32
      %add3A_606 = arith.addi %mul3A_604, %add3A_605 : i32
      %mul3A_607 = arith.constant 16 : i32
      %mul3A_608 = arith.muli %add3A_606, %mul3A_607 : i32
      %add3A_609 = arith.constant 10240 : i32
      %add3A_610 = arith.addi %add3A_609, %mul3A_608 : i32
      %get3A_611 = arith.index_cast %add3A_610 : i32 to index
      %get3A_612 = tpu.vector_load %arg7[%get3A_611] {strides = array<i32>} : memref<26624xf32, #tpu.memory_space<vmem>>, vector<16xf32>,
      %max3A_613 = arith.maximumf %max3A_602, %get3A_612 : vector<16xf32>
      %mul3A_614 = arith.constant 8 : i32
      %mul3A_615 = arith.muli %scan3A_546, %mul3A_614 : i32
      %add3A_616 = arith.constant 6 : i32
      %add3A_617 = arith.addi %mul3A_615, %add3A_616 : i32
      %mul3A_618 = arith.constant 16 : i32
      %mul3A_619 = arith.muli %add3A_617, %mul3A_618 : i32
      %add3A_620 = arith.constant 10240 : i32
      %add3A_621 = arith.addi %add3A_620, %mul3A_619 : i32
      %get3A_622 = arith.index_cast %add3A_621 : i32 to index
      %get3A_623 = tpu.vector_load %arg7[%get3A_622] {strides = array<i32>} : memref<26624xf32, #tpu.memory_space<vmem>>, vector<16xf32>,
      %max3A_624 = arith.maximumf %max3A_613, %get3A_623 : vector<16xf32>
      %mul3A_625 = arith.constant 8 : i32
      %mul3A_626 = arith.muli %scan3A_546, %mul3A_625 : i32
      %add3A_627 = arith.constant 7 : i32
      %add3A_628 = arith.addi %mul3A_626, %add3A_627 : i32
      %mul3A_629 = arith.constant 16 : i32
      %mul3A_630 = arith.muli %add3A_628, %mul3A_629 : i32
      %add3A_631 = arith.constant 10240 : i32
      %add3A_632 = arith.addi %add3A_631, %mul3A_630 : i32
      %get3A_633 = arith.index_cast %add3A_632 : i32 to index
      %get3A_634 = tpu.vector_load %arg7[%get3A_633] {strides = array<i32>} : memref<26624xf32, #tpu.memory_space<vmem>>, vector<16xf32>,
      %max3A_635 = arith.maximumf %max3A_624, %get3A_634 : vector<16xf32>
      scf.yield %max3A_635 : vector<16xf32>
    }
    %scan3A_376 = arith.constant 16 : i32
    %eq3A_377 = arith.constant 5 : i32
    %eq3A_378 = vector.broadcast %eq3A_377 : i32 to vector<16xi32>
    %eq3A_379 = arith.cmpi eq, %iota3A, %eq3A_378 : vector<16xi32>
    %reduce_max3A_380 = arith.constant true
    %reduce_max3A_381 = vector.broadcast %reduce_max3A_380 : i1 to vector<16xi1>
    %reduce_max3A_382 = tpu.scan <max>, %scan3A_375 masked %reduce_max3A_381 : vector<16xf32>, vector<16xi1> -> vector<16xf32>
    %reduce_max3A_383 = vector.extract %reduce_max3A_382[15] : f32 from vector<16xf32>
    %broadcast_in_dim3A_384 = vector.broadcast %reduce_max3A_383 : f32 to vector<16xf32>
    %select_n3A_385 = arith.select %eq3A_379, %broadcast_in_dim3A_384, %select_n3A_368 : vector<16xi1>, vector<16xf32>
    %broadcast_in_dim3A_386 = arith.constant 0xFF800000 : f32
    %broadcast_in_dim3A_387 = vector.broadcast %broadcast_in_dim3A_386 : f32 to vector<16xf32>
    %scan3A_388 = arith.constant 0 : i32
    %scan3A_389 = arith.constant 16 : i32
    %scan3A_390 = arith.addi %scan3A_388, %scan3A_389 : i32
    %scan3A_391 = arith.constant 1 : i32
    %scan3A_392 = scf.for %scan3A_546 = %scan3A_388 to %scan3A_390 step %scan3A_391 iter_args(%scan3A_547 = %broadcast_in_dim3A_387) -> (vector<16xf32>)  : i32 {
      %mul3A_548 = arith.constant 8 : i32
      %mul3A_549 = arith.muli %scan3A_546, %mul3A_548 : i32
      %add3A_550 = arith.constant 0 : i32
      %add3A_551 = arith.addi %mul3A_549, %add3A_550 : i32
      %mul3A_552 = arith.constant 16 : i32
      %mul3A_553 = arith.muli %add3A_551, %mul3A_552 : i32
      %add3A_554 = arith.constant 12288 : i32
      %add3A_555 = arith.addi %add3A_554, %mul3A_553 : i32
      %get3A_556 = arith.index_cast %add3A_555 : i32 to index
      %get3A_557 = tpu.vector_load %arg7[%get3A_556] {strides = array<i32>} : memref<26624xf32, #tpu.memory_space<vmem>>, vector<16xf32>,
      %max3A_558 = arith.maximumf %scan3A_547, %get3A_557 : vector<16xf32>
      %mul3A_559 = arith.constant 8 : i32
      %mul3A_560 = arith.muli %scan3A_546, %mul3A_559 : i32
      %add3A_561 = arith.constant 1 : i32
      %add3A_562 = arith.addi %mul3A_560, %add3A_561 : i32
      %mul3A_563 = arith.constant 16 : i32
      %mul3A_564 = arith.muli %add3A_562, %mul3A_563 : i32
      %add3A_565 = arith.constant 12288 : i32
      %add3A_566 = arith.addi %add3A_565, %mul3A_564 : i32
      %get3A_567 = arith.index_cast %add3A_566 : i32 to index
      %get3A_568 = tpu.vector_load %arg7[%get3A_567] {strides = array<i32>} : memref<26624xf32, #tpu.memory_space<vmem>>, vector<16xf32>,
      %max3A_569 = arith.maximumf %max3A_558, %get3A_568 : vector<16xf32>
      %mul3A_570 = arith.constant 8 : i32
      %mul3A_571 = arith.muli %scan3A_546, %mul3A_570 : i32
      %add3A_572 = arith.constant 2 : i32
      %add3A_573 = arith.addi %mul3A_571, %add3A_572 : i32
      %mul3A_574 = arith.constant 16 : i32
      %mul3A_575 = arith.muli %add3A_573, %mul3A_574 : i32
      %add3A_576 = arith.constant 12288 : i32
      %add3A_577 = arith.addi %add3A_576, %mul3A_575 : i32
      %get3A_578 = arith.index_cast %add3A_577 : i32 to index
      %get3A_579 = tpu.vector_load %arg7[%get3A_578] {strides = array<i32>} : memref<26624xf32, #tpu.memory_space<vmem>>, vector<16xf32>,
      %max3A_580 = arith.maximumf %max3A_569, %get3A_579 : vector<16xf32>
      %mul3A_581 = arith.constant 8 : i32
      %mul3A_582 = arith.muli %scan3A_546, %mul3A_581 : i32
      %add3A_583 = arith.constant 3 : i32
      %add3A_584 = arith.addi %mul3A_582, %add3A_583 : i32
      %mul3A_585 = arith.constant 16 : i32
      %mul3A_586 = arith.muli %add3A_584, %mul3A_585 : i32
      %add3A_587 = arith.constant 12288 : i32
      %add3A_588 = arith.addi %add3A_587, %mul3A_586 : i32
      %get3A_589 = arith.index_cast %add3A_588 : i32 to index
      %get3A_590 = tpu.vector_load %arg7[%get3A_589] {strides = array<i32>} : memref<26624xf32, #tpu.memory_space<vmem>>, vector<16xf32>,
      %max3A_591 = arith.maximumf %max3A_580, %get3A_590 : vector<16xf32>
      %mul3A_592 = arith.constant 8 : i32
      %mul3A_593 = arith.muli %scan3A_546, %mul3A_592 : i32
      %add3A_594 = arith.constant 4 : i32
      %add3A_595 = arith.addi %mul3A_593, %add3A_594 : i32
      %mul3A_596 = arith.constant 16 : i32
      %mul3A_597 = arith.muli %add3A_595, %mul3A_596 : i32
      %add3A_598 = arith.constant 12288 : i32
      %add3A_599 = arith.addi %add3A_598, %mul3A_597 : i32
      %get3A_600 = arith.index_cast %add3A_599 : i32 to index
      %get3A_601 = tpu.vector_load %arg7[%get3A_600] {strides = array<i32>} : memref<26624xf32, #tpu.memory_space<vmem>>, vector<16xf32>,
      %max3A_602 = arith.maximumf %max3A_591, %get3A_601 : vector<16xf32>
      %mul3A_603 = arith.constant 8 : i32
      %mul3A_604 = arith.muli %scan3A_546, %mul3A_603 : i32
      %add3A_605 = arith.constant 5 : i32
      %add3A_606 = arith.addi %mul3A_604, %add3A_605 : i32
      %mul3A_607 = arith.constant 16 : i32
      %mul3A_608 = arith.muli %add3A_606, %mul3A_607 : i32
      %add3A_609 = arith.constant 12288 : i32
      %add3A_610 = arith.addi %add3A_609, %mul3A_608 : i32
      %get3A_611 = arith.index_cast %add3A_610 : i32 to index
      %get3A_612 = tpu.vector_load %arg7[%get3A_611] {strides = array<i32>} : memref<26624xf32, #tpu.memory_space<vmem>>, vector<16xf32>,
      %max3A_613 = arith.maximumf %max3A_602, %get3A_612 : vector<16xf32>
      %mul3A_614 = arith.constant 8 : i32
      %mul3A_615 = arith.muli %scan3A_546, %mul3A_614 : i32
      %add3A_616 = arith.constant 6 : i32
      %add3A_617 = arith.addi %mul3A_615, %add3A_616 : i32
      %mul3A_618 = arith.constant 16 : i32
      %mul3A_619 = arith.muli %add3A_617, %mul3A_618 : i32
      %add3A_620 = arith.constant 12288 : i32
      %add3A_621 = arith.addi %add3A_620, %mul3A_619 : i32
      %get3A_622 = arith.index_cast %add3A_621 : i32 to index
      %get3A_623 = tpu.vector_load %arg7[%get3A_622] {strides = array<i32>} : memref<26624xf32, #tpu.memory_space<vmem>>, vector<16xf32>,
      %max3A_624 = arith.maximumf %max3A_613, %get3A_623 : vector<16xf32>
      %mul3A_625 = arith.constant 8 : i32
      %mul3A_626 = arith.muli %scan3A_546, %mul3A_625 : i32
      %add3A_627 = arith.constant 7 : i32
      %add3A_628 = arith.addi %mul3A_626, %add3A_627 : i32
      %mul3A_629 = arith.constant 16 : i32
      %mul3A_630 = arith.muli %add3A_628, %mul3A_629 : i32
      %add3A_631 = arith.constant 12288 : i32
      %add3A_632 = arith.addi %add3A_631, %mul3A_630 : i32
      %get3A_633 = arith.index_cast %add3A_632 : i32 to index
      %get3A_634 = tpu.vector_load %arg7[%get3A_633] {strides = array<i32>} : memref<26624xf32, #tpu.memory_space<vmem>>, vector<16xf32>,
      %max3A_635 = arith.maximumf %max3A_624, %get3A_634 : vector<16xf32>
      scf.yield %max3A_635 : vector<16xf32>
    }
    %scan3A_393 = arith.constant 16 : i32
    %eq3A_394 = arith.constant 6 : i32
    %eq3A_395 = vector.broadcast %eq3A_394 : i32 to vector<16xi32>
    %eq3A_396 = arith.cmpi eq, %iota3A, %eq3A_395 : vector<16xi32>
    %reduce_max3A_397 = arith.constant true
    %reduce_max3A_398 = vector.broadcast %reduce_max3A_397 : i1 to vector<16xi1>
    %reduce_max3A_399 = tpu.scan <max>, %scan3A_392 masked %reduce_max3A_398 : vector<16xf32>, vector<16xi1> -> vector<16xf32>
    %reduce_max3A_400 = vector.extract %reduce_max3A_399[15] : f32 from vector<16xf32>
    %broadcast_in_dim3A_401 = vector.broadcast %reduce_max3A_400 : f32 to vector<16xf32>
    %select_n3A_402 = arith.select %eq3A_396, %broadcast_in_dim3A_401, %select_n3A_385 : vector<16xi1>, vector<16xf32>
    %broadcast_in_dim3A_403 = arith.constant 0xFF800000 : f32
    %broadcast_in_dim3A_404 = vector.broadcast %broadcast_in_dim3A_403 : f32 to vector<16xf32>
    %scan3A_405 = arith.constant 0 : i32
    %scan3A_406 = arith.constant 16 : i32
    %scan3A_407 = arith.addi %scan3A_405, %scan3A_406 : i32
    %scan3A_408 = arith.constant 1 : i32
    %scan3A_409 = scf.for %scan3A_546 = %scan3A_405 to %scan3A_407 step %scan3A_408 iter_args(%scan3A_547 = %broadcast_in_dim3A_404) -> (vector<16xf32>)  : i32 {
      %mul3A_548 = arith.constant 8 : i32
      %mul3A_549 = arith.muli %scan3A_546, %mul3A_548 : i32
      %add3A_550 = arith.constant 0 : i32
      %add3A_551 = arith.addi %mul3A_549, %add3A_550 : i32
      %mul3A_552 = arith.constant 16 : i32
      %mul3A_553 = arith.muli %add3A_551, %mul3A_552 : i32
      %add3A_554 = arith.constant 14336 : i32
      %add3A_555 = arith.addi %add3A_554, %mul3A_553 : i32
      %get3A_556 = arith.index_cast %add3A_555 : i32 to index
      %get3A_557 = tpu.vector_load %arg7[%get3A_556] {strides = array<i32>} : memref<26624xf32, #tpu.memory_space<vmem>>, vector<16xf32>,
      %max3A_558 = arith.maximumf %scan3A_547, %get3A_557 : vector<16xf32>
      %mul3A_559 = arith.constant 8 : i32
      %mul3A_560 = arith.muli %scan3A_546, %mul3A_559 : i32
      %add3A_561 = arith.constant 1 : i32
      %add3A_562 = arith.addi %mul3A_560, %add3A_561 : i32
      %mul3A_563 = arith.constant 16 : i32
      %mul3A_564 = arith.muli %add3A_562, %mul3A_563 : i32
      %add3A_565 = arith.constant 14336 : i32
      %add3A_566 = arith.addi %add3A_565, %mul3A_564 : i32
      %get3A_567 = arith.index_cast %add3A_566 : i32 to index
      %get3A_568 = tpu.vector_load %arg7[%get3A_567] {strides = array<i32>} : memref<26624xf32, #tpu.memory_space<vmem>>, vector<16xf32>,
      %max3A_569 = arith.maximumf %max3A_558, %get3A_568 : vector<16xf32>
      %mul3A_570 = arith.constant 8 : i32
      %mul3A_571 = arith.muli %scan3A_546, %mul3A_570 : i32
      %add3A_572 = arith.constant 2 : i32
      %add3A_573 = arith.addi %mul3A_571, %add3A_572 : i32
      %mul3A_574 = arith.constant 16 : i32
      %mul3A_575 = arith.muli %add3A_573, %mul3A_574 : i32
      %add3A_576 = arith.constant 14336 : i32
      %add3A_577 = arith.addi %add3A_576, %mul3A_575 : i32
      %get3A_578 = arith.index_cast %add3A_577 : i32 to index
      %get3A_579 = tpu.vector_load %arg7[%get3A_578] {strides = array<i32>} : memref<26624xf32, #tpu.memory_space<vmem>>, vector<16xf32>,
      %max3A_580 = arith.maximumf %max3A_569, %get3A_579 : vector<16xf32>
      %mul3A_581 = arith.constant 8 : i32
      %mul3A_582 = arith.muli %scan3A_546, %mul3A_581 : i32
      %add3A_583 = arith.constant 3 : i32
      %add3A_584 = arith.addi %mul3A_582, %add3A_583 : i32
      %mul3A_585 = arith.constant 16 : i32
      %mul3A_586 = arith.muli %add3A_584, %mul3A_585 : i32
      %add3A_587 = arith.constant 14336 : i32
      %add3A_588 = arith.addi %add3A_587, %mul3A_586 : i32
      %get3A_589 = arith.index_cast %add3A_588 : i32 to index
      %get3A_590 = tpu.vector_load %arg7[%get3A_589] {strides = array<i32>} : memref<26624xf32, #tpu.memory_space<vmem>>, vector<16xf32>,
      %max3A_591 = arith.maximumf %max3A_580, %get3A_590 : vector<16xf32>
      %mul3A_592 = arith.constant 8 : i32
      %mul3A_593 = arith.muli %scan3A_546, %mul3A_592 : i32
      %add3A_594 = arith.constant 4 : i32
      %add3A_595 = arith.addi %mul3A_593, %add3A_594 : i32
      %mul3A_596 = arith.constant 16 : i32
      %mul3A_597 = arith.muli %add3A_595, %mul3A_596 : i32
      %add3A_598 = arith.constant 14336 : i32
      %add3A_599 = arith.addi %add3A_598, %mul3A_597 : i32
      %get3A_600 = arith.index_cast %add3A_599 : i32 to index
      %get3A_601 = tpu.vector_load %arg7[%get3A_600] {strides = array<i32>} : memref<26624xf32, #tpu.memory_space<vmem>>, vector<16xf32>,
      %max3A_602 = arith.maximumf %max3A_591, %get3A_601 : vector<16xf32>
      %mul3A_603 = arith.constant 8 : i32
      %mul3A_604 = arith.muli %scan3A_546, %mul3A_603 : i32
      %add3A_605 = arith.constant 5 : i32
      %add3A_606 = arith.addi %mul3A_604, %add3A_605 : i32
      %mul3A_607 = arith.constant 16 : i32
      %mul3A_608 = arith.muli %add3A_606, %mul3A_607 : i32
      %add3A_609 = arith.constant 14336 : i32
      %add3A_610 = arith.addi %add3A_609, %mul3A_608 : i32
      %get3A_611 = arith.index_cast %add3A_610 : i32 to index
      %get3A_612 = tpu.vector_load %arg7[%get3A_611] {strides = array<i32>} : memref<26624xf32, #tpu.memory_space<vmem>>, vector<16xf32>,
      %max3A_613 = arith.maximumf %max3A_602, %get3A_612 : vector<16xf32>
      %mul3A_614 = arith.constant 8 : i32
      %mul3A_615 = arith.muli %scan3A_546, %mul3A_614 : i32
      %add3A_616 = arith.constant 6 : i32
      %add3A_617 = arith.addi %mul3A_615, %add3A_616 : i32
      %mul3A_618 = arith.constant 16 : i32
      %mul3A_619 = arith.muli %add3A_617, %mul3A_618 : i32
      %add3A_620 = arith.constant 14336 : i32
      %add3A_621 = arith.addi %add3A_620, %mul3A_619 : i32
      %get3A_622 = arith.index_cast %add3A_621 : i32 to index
      %get3A_623 = tpu.vector_load %arg7[%get3A_622] {strides = array<i32>} : memref<26624xf32, #tpu.memory_space<vmem>>, vector<16xf32>,
      %max3A_624 = arith.maximumf %max3A_613, %get3A_623 : vector<16xf32>
      %mul3A_625 = arith.constant 8 : i32
      %mul3A_626 = arith.muli %scan3A_546, %mul3A_625 : i32
      %add3A_627 = arith.constant 7 : i32
      %add3A_628 = arith.addi %mul3A_626, %add3A_627 : i32
      %mul3A_629 = arith.constant 16 : i32
      %mul3A_630 = arith.muli %add3A_628, %mul3A_629 : i32
      %add3A_631 = arith.constant 14336 : i32
      %add3A_632 = arith.addi %add3A_631, %mul3A_630 : i32
      %get3A_633 = arith.index_cast %add3A_632 : i32 to index
      %get3A_634 = tpu.vector_load %arg7[%get3A_633] {strides = array<i32>} : memref<26624xf32, #tpu.memory_space<vmem>>, vector<16xf32>,
      %max3A_635 = arith.maximumf %max3A_624, %get3A_634 : vector<16xf32>
      scf.yield %max3A_635 : vector<16xf32>
    }
    %scan3A_410 = arith.constant 16 : i32
    %eq3A_411 = arith.constant 7 : i32
    %eq3A_412 = vector.broadcast %eq3A_411 : i32 to vector<16xi32>
    %eq3A_413 = arith.cmpi eq, %iota3A, %eq3A_412 : vector<16xi32>
    %reduce_max3A_414 = arith.constant true
    %reduce_max3A_415 = vector.broadcast %reduce_max3A_414 : i1 to vector<16xi1>
    %reduce_max3A_416 = tpu.scan <max>, %scan3A_409 masked %reduce_max3A_415 : vector<16xf32>, vector<16xi1> -> vector<16xf32>
    %reduce_max3A_417 = vector.extract %reduce_max3A_416[15] : f32 from vector<16xf32>
    %broadcast_in_dim3A_418 = vector.broadcast %reduce_max3A_417 : f32 to vector<16xf32>
    %select_n3A_419 = arith.select %eq3A_413, %broadcast_in_dim3A_418, %select_n3A_402 : vector<16xi1>, vector<16xf32>
    %broadcast_in_dim3A_420 = arith.constant 0xFF800000 : f32
    %broadcast_in_dim3A_421 = vector.broadcast %broadcast_in_dim3A_420 : f32 to vector<16xf32>
    %scan3A_422 = arith.constant 0 : i32
    %scan3A_423 = arith.constant 16 : i32
    %scan3A_424 = arith.addi %scan3A_422, %scan3A_423 : i32
    %scan3A_425 = arith.constant 1 : i32
    %scan3A_426 = scf.for %scan3A_546 = %scan3A_422 to %scan3A_424 step %scan3A_425 iter_args(%scan3A_547 = %broadcast_in_dim3A_421) -> (vector<16xf32>)  : i32 {
      %mul3A_548 = arith.constant 8 : i32
      %mul3A_549 = arith.muli %scan3A_546, %mul3A_548 : i32
      %add3A_550 = arith.constant 0 : i32
      %add3A_551 = arith.addi %mul3A_549, %add3A_550 : i32
      %mul3A_552 = arith.constant 16 : i32
      %mul3A_553 = arith.muli %add3A_551, %mul3A_552 : i32
      %add3A_554 = arith.constant 16384 : i32
      %add3A_555 = arith.addi %add3A_554, %mul3A_553 : i32
      %get3A_556 = arith.index_cast %add3A_555 : i32 to index
      %get3A_557 = tpu.vector_load %arg7[%get3A_556] {strides = array<i32>} : memref<26624xf32, #tpu.memory_space<vmem>>, vector<16xf32>,
      %max3A_558 = arith.maximumf %scan3A_547, %get3A_557 : vector<16xf32>
      %mul3A_559 = arith.constant 8 : i32
      %mul3A_560 = arith.muli %scan3A_546, %mul3A_559 : i32
      %add3A_561 = arith.constant 1 : i32
      %add3A_562 = arith.addi %mul3A_560, %add3A_561 : i32
      %mul3A_563 = arith.constant 16 : i32
      %mul3A_564 = arith.muli %add3A_562, %mul3A_563 : i32
      %add3A_565 = arith.constant 16384 : i32
      %add3A_566 = arith.addi %add3A_565, %mul3A_564 : i32
      %get3A_567 = arith.index_cast %add3A_566 : i32 to index
      %get3A_568 = tpu.vector_load %arg7[%get3A_567] {strides = array<i32>} : memref<26624xf32, #tpu.memory_space<vmem>>, vector<16xf32>,
      %max3A_569 = arith.maximumf %max3A_558, %get3A_568 : vector<16xf32>
      %mul3A_570 = arith.constant 8 : i32
      %mul3A_571 = arith.muli %scan3A_546, %mul3A_570 : i32
      %add3A_572 = arith.constant 2 : i32
      %add3A_573 = arith.addi %mul3A_571, %add3A_572 : i32
      %mul3A_574 = arith.constant 16 : i32
      %mul3A_575 = arith.muli %add3A_573, %mul3A_574 : i32
      %add3A_576 = arith.constant 16384 : i32
      %add3A_577 = arith.addi %add3A_576, %mul3A_575 : i32
      %get3A_578 = arith.index_cast %add3A_577 : i32 to index
      %get3A_579 = tpu.vector_load %arg7[%get3A_578] {strides = array<i32>} : memref<26624xf32, #tpu.memory_space<vmem>>, vector<16xf32>,
      %max3A_580 = arith.maximumf %max3A_569, %get3A_579 : vector<16xf32>
      %mul3A_581 = arith.constant 8 : i32
      %mul3A_582 = arith.muli %scan3A_546, %mul3A_581 : i32
      %add3A_583 = arith.constant 3 : i32
      %add3A_584 = arith.addi %mul3A_582, %add3A_583 : i32
      %mul3A_585 = arith.constant 16 : i32
      %mul3A_586 = arith.muli %add3A_584, %mul3A_585 : i32
      %add3A_587 = arith.constant 16384 : i32
      %add3A_588 = arith.addi %add3A_587, %mul3A_586 : i32
      %get3A_589 = arith.index_cast %add3A_588 : i32 to index
      %get3A_590 = tpu.vector_load %arg7[%get3A_589] {strides = array<i32>} : memref<26624xf32, #tpu.memory_space<vmem>>, vector<16xf32>,
      %max3A_591 = arith.maximumf %max3A_580, %get3A_590 : vector<16xf32>
      %mul3A_592 = arith.constant 8 : i32
      %mul3A_593 = arith.muli %scan3A_546, %mul3A_592 : i32
      %add3A_594 = arith.constant 4 : i32
      %add3A_595 = arith.addi %mul3A_593, %add3A_594 : i32
      %mul3A_596 = arith.constant 16 : i32
      %mul3A_597 = arith.muli %add3A_595, %mul3A_596 : i32
      %add3A_598 = arith.constant 16384 : i32
      %add3A_599 = arith.addi %add3A_598, %mul3A_597 : i32
      %get3A_600 = arith.index_cast %add3A_599 : i32 to index
      %get3A_601 = tpu.vector_load %arg7[%get3A_600] {strides = array<i32>} : memref<26624xf32, #tpu.memory_space<vmem>>, vector<16xf32>,
      %max3A_602 = arith.maximumf %max3A_591, %get3A_601 : vector<16xf32>
      %mul3A_603 = arith.constant 8 : i32
      %mul3A_604 = arith.muli %scan3A_546, %mul3A_603 : i32
      %add3A_605 = arith.constant 5 : i32
      %add3A_606 = arith.addi %mul3A_604, %add3A_605 : i32
      %mul3A_607 = arith.constant 16 : i32
      %mul3A_608 = arith.muli %add3A_606, %mul3A_607 : i32
      %add3A_609 = arith.constant 16384 : i32
      %add3A_610 = arith.addi %add3A_609, %mul3A_608 : i32
      %get3A_611 = arith.index_cast %add3A_610 : i32 to index
      %get3A_612 = tpu.vector_load %arg7[%get3A_611] {strides = array<i32>} : memref<26624xf32, #tpu.memory_space<vmem>>, vector<16xf32>,
      %max3A_613 = arith.maximumf %max3A_602, %get3A_612 : vector<16xf32>
      %mul3A_614 = arith.constant 8 : i32
      %mul3A_615 = arith.muli %scan3A_546, %mul3A_614 : i32
      %add3A_616 = arith.constant 6 : i32
      %add3A_617 = arith.addi %mul3A_615, %add3A_616 : i32
      %mul3A_618 = arith.constant 16 : i32
      %mul3A_619 = arith.muli %add3A_617, %mul3A_618 : i32
      %add3A_620 = arith.constant 16384 : i32
      %add3A_621 = arith.addi %add3A_620, %mul3A_619 : i32
      %get3A_622 = arith.index_cast %add3A_621 : i32 to index
      %get3A_623 = tpu.vector_load %arg7[%get3A_622] {strides = array<i32>} : memref<26624xf32, #tpu.memory_space<vmem>>, vector<16xf32>,
      %max3A_624 = arith.maximumf %max3A_613, %get3A_623 : vector<16xf32>
      %mul3A_625 = arith.constant 8 : i32
      %mul3A_626 = arith.muli %scan3A_546, %mul3A_625 : i32
      %add3A_627 = arith.constant 7 : i32
      %add3A_628 = arith.addi %mul3A_626, %add3A_627 : i32
      %mul3A_629 = arith.constant 16 : i32
      %mul3A_630 = arith.muli %add3A_628, %mul3A_629 : i32
      %add3A_631 = arith.constant 16384 : i32
      %add3A_632 = arith.addi %add3A_631, %mul3A_630 : i32
      %get3A_633 = arith.index_cast %add3A_632 : i32 to index
      %get3A_634 = tpu.vector_load %arg7[%get3A_633] {strides = array<i32>} : memref<26624xf32, #tpu.memory_space<vmem>>, vector<16xf32>,
      %max3A_635 = arith.maximumf %max3A_624, %get3A_634 : vector<16xf32>
      scf.yield %max3A_635 : vector<16xf32>
    }
    %scan3A_427 = arith.constant 16 : i32
    %eq3A_428 = arith.constant 8 : i32
    %eq3A_429 = vector.broadcast %eq3A_428 : i32 to vector<16xi32>
    %eq3A_430 = arith.cmpi eq, %iota3A, %eq3A_429 : vector<16xi32>
    %reduce_max3A_431 = arith.constant true
    %reduce_max3A_432 = vector.broadcast %reduce_max3A_431 : i1 to vector<16xi1>
    %reduce_max3A_433 = tpu.scan <max>, %scan3A_426 masked %reduce_max3A_432 : vector<16xf32>, vector<16xi1> -> vector<16xf32>
    %reduce_max3A_434 = vector.extract %reduce_max3A_433[15] : f32 from vector<16xf32>
    %broadcast_in_dim3A_435 = vector.broadcast %reduce_max3A_434 : f32 to vector<16xf32>
    %select_n3A_436 = arith.select %eq3A_430, %broadcast_in_dim3A_435, %select_n3A_419 : vector<16xi1>, vector<16xf32>
    %broadcast_in_dim3A_437 = arith.constant 0xFF800000 : f32
    %broadcast_in_dim3A_438 = vector.broadcast %broadcast_in_dim3A_437 : f32 to vector<16xf32>
    %scan3A_439 = arith.constant 0 : i32
    %scan3A_440 = arith.constant 16 : i32
    %scan3A_441 = arith.addi %scan3A_439, %scan3A_440 : i32
    %scan3A_442 = arith.constant 1 : i32
    %scan3A_443 = scf.for %scan3A_546 = %scan3A_439 to %scan3A_441 step %scan3A_442 iter_args(%scan3A_547 = %broadcast_in_dim3A_438) -> (vector<16xf32>)  : i32 {
      %mul3A_548 = arith.constant 8 : i32
      %mul3A_549 = arith.muli %scan3A_546, %mul3A_548 : i32
      %add3A_550 = arith.constant 0 : i32
      %add3A_551 = arith.addi %mul3A_549, %add3A_550 : i32
      %mul3A_552 = arith.constant 16 : i32
      %mul3A_553 = arith.muli %add3A_551, %mul3A_552 : i32
      %add3A_554 = arith.constant 18432 : i32
      %add3A_555 = arith.addi %add3A_554, %mul3A_553 : i32
      %get3A_556 = arith.index_cast %add3A_555 : i32 to index
      %get3A_557 = tpu.vector_load %arg7[%get3A_556] {strides = array<i32>} : memref<26624xf32, #tpu.memory_space<vmem>>, vector<16xf32>,
      %max3A_558 = arith.maximumf %scan3A_547, %get3A_557 : vector<16xf32>
      %mul3A_559 = arith.constant 8 : i32
      %mul3A_560 = arith.muli %scan3A_546, %mul3A_559 : i32
      %add3A_561 = arith.constant 1 : i32
      %add3A_562 = arith.addi %mul3A_560, %add3A_561 : i32
      %mul3A_563 = arith.constant 16 : i32
      %mul3A_564 = arith.muli %add3A_562, %mul3A_563 : i32
      %add3A_565 = arith.constant 18432 : i32
      %add3A_566 = arith.addi %add3A_565, %mul3A_564 : i32
      %get3A_567 = arith.index_cast %add3A_566 : i32 to index
      %get3A_568 = tpu.vector_load %arg7[%get3A_567] {strides = array<i32>} : memref<26624xf32, #tpu.memory_space<vmem>>, vector<16xf32>,
      %max3A_569 = arith.maximumf %max3A_558, %get3A_568 : vector<16xf32>
      %mul3A_570 = arith.constant 8 : i32
      %mul3A_571 = arith.muli %scan3A_546, %mul3A_570 : i32
      %add3A_572 = arith.constant 2 : i32
      %add3A_573 = arith.addi %mul3A_571, %add3A_572 : i32
      %mul3A_574 = arith.constant 16 : i32
      %mul3A_575 = arith.muli %add3A_573, %mul3A_574 : i32
      %add3A_576 = arith.constant 18432 : i32
      %add3A_577 = arith.addi %add3A_576, %mul3A_575 : i32
      %get3A_578 = arith.index_cast %add3A_577 : i32 to index
      %get3A_579 = tpu.vector_load %arg7[%get3A_578] {strides = array<i32>} : memref<26624xf32, #tpu.memory_space<vmem>>, vector<16xf32>,
      %max3A_580 = arith.maximumf %max3A_569, %get3A_579 : vector<16xf32>
      %mul3A_581 = arith.constant 8 : i32
      %mul3A_582 = arith.muli %scan3A_546, %mul3A_581 : i32
      %add3A_583 = arith.constant 3 : i32
      %add3A_584 = arith.addi %mul3A_582, %add3A_583 : i32
      %mul3A_585 = arith.constant 16 : i32
      %mul3A_586 = arith.muli %add3A_584, %mul3A_585 : i32
      %add3A_587 = arith.constant 18432 : i32
      %add3A_588 = arith.addi %add3A_587, %mul3A_586 : i32
      %get3A_589 = arith.index_cast %add3A_588 : i32 to index
      %get3A_590 = tpu.vector_load %arg7[%get3A_589] {strides = array<i32>} : memref<26624xf32, #tpu.memory_space<vmem>>, vector<16xf32>,
      %max3A_591 = arith.maximumf %max3A_580, %get3A_590 : vector<16xf32>
      %mul3A_592 = arith.constant 8 : i32
      %mul3A_593 = arith.muli %scan3A_546, %mul3A_592 : i32
      %add3A_594 = arith.constant 4 : i32
      %add3A_595 = arith.addi %mul3A_593, %add3A_594 : i32
      %mul3A_596 = arith.constant 16 : i32
      %mul3A_597 = arith.muli %add3A_595, %mul3A_596 : i32
      %add3A_598 = arith.constant 18432 : i32
      %add3A_599 = arith.addi %add3A_598, %mul3A_597 : i32
      %get3A_600 = arith.index_cast %add3A_599 : i32 to index
      %get3A_601 = tpu.vector_load %arg7[%get3A_600] {strides = array<i32>} : memref<26624xf32, #tpu.memory_space<vmem>>, vector<16xf32>,
      %max3A_602 = arith.maximumf %max3A_591, %get3A_601 : vector<16xf32>
      %mul3A_603 = arith.constant 8 : i32
      %mul3A_604 = arith.muli %scan3A_546, %mul3A_603 : i32
      %add3A_605 = arith.constant 5 : i32
      %add3A_606 = arith.addi %mul3A_604, %add3A_605 : i32
      %mul3A_607 = arith.constant 16 : i32
      %mul3A_608 = arith.muli %add3A_606, %mul3A_607 : i32
      %add3A_609 = arith.constant 18432 : i32
      %add3A_610 = arith.addi %add3A_609, %mul3A_608 : i32
      %get3A_611 = arith.index_cast %add3A_610 : i32 to index
      %get3A_612 = tpu.vector_load %arg7[%get3A_611] {strides = array<i32>} : memref<26624xf32, #tpu.memory_space<vmem>>, vector<16xf32>,
      %max3A_613 = arith.maximumf %max3A_602, %get3A_612 : vector<16xf32>
      %mul3A_614 = arith.constant 8 : i32
      %mul3A_615 = arith.muli %scan3A_546, %mul3A_614 : i32
      %add3A_616 = arith.constant 6 : i32
      %add3A_617 = arith.addi %mul3A_615, %add3A_616 : i32
      %mul3A_618 = arith.constant 16 : i32
      %mul3A_619 = arith.muli %add3A_617, %mul3A_618 : i32
      %add3A_620 = arith.constant 18432 : i32
      %add3A_621 = arith.addi %add3A_620, %mul3A_619 : i32
      %get3A_622 = arith.index_cast %add3A_621 : i32 to index
      %get3A_623 = tpu.vector_load %arg7[%get3A_622] {strides = array<i32>} : memref<26624xf32, #tpu.memory_space<vmem>>, vector<16xf32>,
      %max3A_624 = arith.maximumf %max3A_613, %get3A_623 : vector<16xf32>
      %mul3A_625 = arith.constant 8 : i32
      %mul3A_626 = arith.muli %scan3A_546, %mul3A_625 : i32
      %add3A_627 = arith.constant 7 : i32
      %add3A_628 = arith.addi %mul3A_626, %add3A_627 : i32
      %mul3A_629 = arith.constant 16 : i32
      %mul3A_630 = arith.muli %add3A_628, %mul3A_629 : i32
      %add3A_631 = arith.constant 18432 : i32
      %add3A_632 = arith.addi %add3A_631, %mul3A_630 : i32
      %get3A_633 = arith.index_cast %add3A_632 : i32 to index
      %get3A_634 = tpu.vector_load %arg7[%get3A_633] {strides = array<i32>} : memref<26624xf32, #tpu.memory_space<vmem>>, vector<16xf32>,
      %max3A_635 = arith.maximumf %max3A_624, %get3A_634 : vector<16xf32>
      scf.yield %max3A_635 : vector<16xf32>
    }
    %scan3A_444 = arith.constant 16 : i32
    %eq3A_445 = arith.constant 9 : i32
    %eq3A_446 = vector.broadcast %eq3A_445 : i32 to vector<16xi32>
    %eq3A_447 = arith.cmpi eq, %iota3A, %eq3A_446 : vector<16xi32>
    %reduce_max3A_448 = arith.constant true
    %reduce_max3A_449 = vector.broadcast %reduce_max3A_448 : i1 to vector<16xi1>
    %reduce_max3A_450 = tpu.scan <max>, %scan3A_443 masked %reduce_max3A_449 : vector<16xf32>, vector<16xi1> -> vector<16xf32>
    %reduce_max3A_451 = vector.extract %reduce_max3A_450[15] : f32 from vector<16xf32>
    %broadcast_in_dim3A_452 = vector.broadcast %reduce_max3A_451 : f32 to vector<16xf32>
    %select_n3A_453 = arith.select %eq3A_447, %broadcast_in_dim3A_452, %select_n3A_436 : vector<16xi1>, vector<16xf32>
    %broadcast_in_dim3A_454 = arith.constant 0xFF800000 : f32
    %broadcast_in_dim3A_455 = vector.broadcast %broadcast_in_dim3A_454 : f32 to vector<16xf32>
    %scan3A_456 = arith.constant 0 : i32
    %scan3A_457 = arith.constant 16 : i32
    %scan3A_458 = arith.addi %scan3A_456, %scan3A_457 : i32
    %scan3A_459 = arith.constant 1 : i32
    %scan3A_460 = scf.for %scan3A_546 = %scan3A_456 to %scan3A_458 step %scan3A_459 iter_args(%scan3A_547 = %broadcast_in_dim3A_455) -> (vector<16xf32>)  : i32 {
      %mul3A_548 = arith.constant 8 : i32
      %mul3A_549 = arith.muli %scan3A_546, %mul3A_548 : i32
      %add3A_550 = arith.constant 0 : i32
      %add3A_551 = arith.addi %mul3A_549, %add3A_550 : i32
      %mul3A_552 = arith.constant 16 : i32
      %mul3A_553 = arith.muli %add3A_551, %mul3A_552 : i32
      %add3A_554 = arith.constant 20480 : i32
      %add3A_555 = arith.addi %add3A_554, %mul3A_553 : i32
      %get3A_556 = arith.index_cast %add3A_555 : i32 to index
      %get3A_557 = tpu.vector_load %arg7[%get3A_556] {strides = array<i32>} : memref<26624xf32, #tpu.memory_space<vmem>>, vector<16xf32>,
      %max3A_558 = arith.maximumf %scan3A_547, %get3A_557 : vector<16xf32>
      %mul3A_559 = arith.constant 8 : i32
      %mul3A_560 = arith.muli %scan3A_546, %mul3A_559 : i32
      %add3A_561 = arith.constant 1 : i32
      %add3A_562 = arith.addi %mul3A_560, %add3A_561 : i32
      %mul3A_563 = arith.constant 16 : i32
      %mul3A_564 = arith.muli %add3A_562, %mul3A_563 : i32
      %add3A_565 = arith.constant 20480 : i32
      %add3A_566 = arith.addi %add3A_565, %mul3A_564 : i32
      %get3A_567 = arith.index_cast %add3A_566 : i32 to index
      %get3A_568 = tpu.vector_load %arg7[%get3A_567] {strides = array<i32>} : memref<26624xf32, #tpu.memory_space<vmem>>, vector<16xf32>,
      %max3A_569 = arith.maximumf %max3A_558, %get3A_568 : vector<16xf32>
      %mul3A_570 = arith.constant 8 : i32
      %mul3A_571 = arith.muli %scan3A_546, %mul3A_570 : i32
      %add3A_572 = arith.constant 2 : i32
      %add3A_573 = arith.addi %mul3A_571, %add3A_572 : i32
      %mul3A_574 = arith.constant 16 : i32
      %mul3A_575 = arith.muli %add3A_573, %mul3A_574 : i32
      %add3A_576 = arith.constant 20480 : i32
      %add3A_577 = arith.addi %add3A_576, %mul3A_575 : i32
      %get3A_578 = arith.index_cast %add3A_577 : i32 to index
      %get3A_579 = tpu.vector_load %arg7[%get3A_578] {strides = array<i32>} : memref<26624xf32, #tpu.memory_space<vmem>>, vector<16xf32>,
      %max3A_580 = arith.maximumf %max3A_569, %get3A_579 : vector<16xf32>
      %mul3A_581 = arith.constant 8 : i32
      %mul3A_582 = arith.muli %scan3A_546, %mul3A_581 : i32
      %add3A_583 = arith.constant 3 : i32
      %add3A_584 = arith.addi %mul3A_582, %add3A_583 : i32
      %mul3A_585 = arith.constant 16 : i32
      %mul3A_586 = arith.muli %add3A_584, %mul3A_585 : i32
      %add3A_587 = arith.constant 20480 : i32
      %add3A_588 = arith.addi %add3A_587, %mul3A_586 : i32
      %get3A_589 = arith.index_cast %add3A_588 : i32 to index
      %get3A_590 = tpu.vector_load %arg7[%get3A_589] {strides = array<i32>} : memref<26624xf32, #tpu.memory_space<vmem>>, vector<16xf32>,
      %max3A_591 = arith.maximumf %max3A_580, %get3A_590 : vector<16xf32>
      %mul3A_592 = arith.constant 8 : i32
      %mul3A_593 = arith.muli %scan3A_546, %mul3A_592 : i32
      %add3A_594 = arith.constant 4 : i32
      %add3A_595 = arith.addi %mul3A_593, %add3A_594 : i32
      %mul3A_596 = arith.constant 16 : i32
      %mul3A_597 = arith.muli %add3A_595, %mul3A_596 : i32
      %add3A_598 = arith.constant 20480 : i32
      %add3A_599 = arith.addi %add3A_598, %mul3A_597 : i32
      %get3A_600 = arith.index_cast %add3A_599 : i32 to index
      %get3A_601 = tpu.vector_load %arg7[%get3A_600] {strides = array<i32>} : memref<26624xf32, #tpu.memory_space<vmem>>, vector<16xf32>,
      %max3A_602 = arith.maximumf %max3A_591, %get3A_601 : vector<16xf32>
      %mul3A_603 = arith.constant 8 : i32
      %mul3A_604 = arith.muli %scan3A_546, %mul3A_603 : i32
      %add3A_605 = arith.constant 5 : i32
      %add3A_606 = arith.addi %mul3A_604, %add3A_605 : i32
      %mul3A_607 = arith.constant 16 : i32
      %mul3A_608 = arith.muli %add3A_606, %mul3A_607 : i32
      %add3A_609 = arith.constant 20480 : i32
      %add3A_610 = arith.addi %add3A_609, %mul3A_608 : i32
      %get3A_611 = arith.index_cast %add3A_610 : i32 to index
      %get3A_612 = tpu.vector_load %arg7[%get3A_611] {strides = array<i32>} : memref<26624xf32, #tpu.memory_space<vmem>>, vector<16xf32>,
      %max3A_613 = arith.maximumf %max3A_602, %get3A_612 : vector<16xf32>
      %mul3A_614 = arith.constant 8 : i32
      %mul3A_615 = arith.muli %scan3A_546, %mul3A_614 : i32
      %add3A_616 = arith.constant 6 : i32
      %add3A_617 = arith.addi %mul3A_615, %add3A_616 : i32
      %mul3A_618 = arith.constant 16 : i32
      %mul3A_619 = arith.muli %add3A_617, %mul3A_618 : i32
      %add3A_620 = arith.constant 20480 : i32
      %add3A_621 = arith.addi %add3A_620, %mul3A_619 : i32
      %get3A_622 = arith.index_cast %add3A_621 : i32 to index
      %get3A_623 = tpu.vector_load %arg7[%get3A_622] {strides = array<i32>} : memref<26624xf32, #tpu.memory_space<vmem>>, vector<16xf32>,
      %max3A_624 = arith.maximumf %max3A_613, %get3A_623 : vector<16xf32>
      %mul3A_625 = arith.constant 8 : i32
      %mul3A_626 = arith.muli %scan3A_546, %mul3A_625 : i32
      %add3A_627 = arith.constant 7 : i32
      %add3A_628 = arith.addi %mul3A_626, %add3A_627 : i32
      %mul3A_629 = arith.constant 16 : i32
      %mul3A_630 = arith.muli %add3A_628, %mul3A_629 : i32
      %add3A_631 = arith.constant 20480 : i32
      %add3A_632 = arith.addi %add3A_631, %mul3A_630 : i32
      %get3A_633 = arith.index_cast %add3A_632 : i32 to index
      %get3A_634 = tpu.vector_load %arg7[%get3A_633] {strides = array<i32>} : memref<26624xf32, #tpu.memory_space<vmem>>, vector<16xf32>,
      %max3A_635 = arith.maximumf %max3A_624, %get3A_634 : vector<16xf32>
      scf.yield %max3A_635 : vector<16xf32>
    }
    %scan3A_461 = arith.constant 16 : i32
    %eq3A_462 = arith.constant 10 : i32
    %eq3A_463 = vector.broadcast %eq3A_462 : i32 to vector<16xi32>
    %eq3A_464 = arith.cmpi eq, %iota3A, %eq3A_463 : vector<16xi32>
    %reduce_max3A_465 = arith.constant true
    %reduce_max3A_466 = vector.broadcast %reduce_max3A_465 : i1 to vector<16xi1>
    %reduce_max3A_467 = tpu.scan <max>, %scan3A_460 masked %reduce_max3A_466 : vector<16xf32>, vector<16xi1> -> vector<16xf32>
    %reduce_max3A_468 = vector.extract %reduce_max3A_467[15] : f32 from vector<16xf32>
    %broadcast_in_dim3A_469 = vector.broadcast %reduce_max3A_468 : f32 to vector<16xf32>
    %select_n3A_470 = arith.select %eq3A_464, %broadcast_in_dim3A_469, %select_n3A_453 : vector<16xi1>, vector<16xf32>
    %broadcast_in_dim3A_471 = arith.constant 0xFF800000 : f32
    %broadcast_in_dim3A_472 = vector.broadcast %broadcast_in_dim3A_471 : f32 to vector<16xf32>
    %scan3A_473 = arith.constant 0 : i32
    %scan3A_474 = arith.constant 16 : i32
    %scan3A_475 = arith.addi %scan3A_473, %scan3A_474 : i32
    %scan3A_476 = arith.constant 1 : i32
    %scan3A_477 = scf.for %scan3A_546 = %scan3A_473 to %scan3A_475 step %scan3A_476 iter_args(%scan3A_547 = %broadcast_in_dim3A_472) -> (vector<16xf32>)  : i32 {
      %mul3A_548 = arith.constant 8 : i32
      %mul3A_549 = arith.muli %scan3A_546, %mul3A_548 : i32
      %add3A_550 = arith.constant 0 : i32
      %add3A_551 = arith.addi %mul3A_549, %add3A_550 : i32
      %mul3A_552 = arith.constant 16 : i32
      %mul3A_553 = arith.muli %add3A_551, %mul3A_552 : i32
      %add3A_554 = arith.constant 22528 : i32
      %add3A_555 = arith.addi %add3A_554, %mul3A_553 : i32
      %get3A_556 = arith.index_cast %add3A_555 : i32 to index
      %get3A_557 = tpu.vector_load %arg7[%get3A_556] {strides = array<i32>} : memref<26624xf32, #tpu.memory_space<vmem>>, vector<16xf32>,
      %max3A_558 = arith.maximumf %scan3A_547, %get3A_557 : vector<16xf32>
      %mul3A_559 = arith.constant 8 : i32
      %mul3A_560 = arith.muli %scan3A_546, %mul3A_559 : i32
      %add3A_561 = arith.constant 1 : i32
      %add3A_562 = arith.addi %mul3A_560, %add3A_561 : i32
      %mul3A_563 = arith.constant 16 : i32
      %mul3A_564 = arith.muli %add3A_562, %mul3A_563 : i32
      %add3A_565 = arith.constant 22528 : i32
      %add3A_566 = arith.addi %add3A_565, %mul3A_564 : i32
      %get3A_567 = arith.index_cast %add3A_566 : i32 to index
      %get3A_568 = tpu.vector_load %arg7[%get3A_567] {strides = array<i32>} : memref<26624xf32, #tpu.memory_space<vmem>>, vector<16xf32>,
      %max3A_569 = arith.maximumf %max3A_558, %get3A_568 : vector<16xf32>
      %mul3A_570 = arith.constant 8 : i32
      %mul3A_571 = arith.muli %scan3A_546, %mul3A_570 : i32
      %add3A_572 = arith.constant 2 : i32
      %add3A_573 = arith.addi %mul3A_571, %add3A_572 : i32
      %mul3A_574 = arith.constant 16 : i32
      %mul3A_575 = arith.muli %add3A_573, %mul3A_574 : i32
      %add3A_576 = arith.constant 22528 : i32
      %add3A_577 = arith.addi %add3A_576, %mul3A_575 : i32
      %get3A_578 = arith.index_cast %add3A_577 : i32 to index
      %get3A_579 = tpu.vector_load %arg7[%get3A_578] {strides = array<i32>} : memref<26624xf32, #tpu.memory_space<vmem>>, vector<16xf32>,
      %max3A_580 = arith.maximumf %max3A_569, %get3A_579 : vector<16xf32>
      %mul3A_581 = arith.constant 8 : i32
      %mul3A_582 = arith.muli %scan3A_546, %mul3A_581 : i32
      %add3A_583 = arith.constant 3 : i32
      %add3A_584 = arith.addi %mul3A_582, %add3A_583 : i32
      %mul3A_585 = arith.constant 16 : i32
      %mul3A_586 = arith.muli %add3A_584, %mul3A_585 : i32
      %add3A_587 = arith.constant 22528 : i32
      %add3A_588 = arith.addi %add3A_587, %mul3A_586 : i32
      %get3A_589 = arith.index_cast %add3A_588 : i32 to index
      %get3A_590 = tpu.vector_load %arg7[%get3A_589] {strides = array<i32>} : memref<26624xf32, #tpu.memory_space<vmem>>, vector<16xf32>,
      %max3A_591 = arith.maximumf %max3A_580, %get3A_590 : vector<16xf32>
      %mul3A_592 = arith.constant 8 : i32
      %mul3A_593 = arith.muli %scan3A_546, %mul3A_592 : i32
      %add3A_594 = arith.constant 4 : i32
      %add3A_595 = arith.addi %mul3A_593, %add3A_594 : i32
      %mul3A_596 = arith.constant 16 : i32
      %mul3A_597 = arith.muli %add3A_595, %mul3A_596 : i32
      %add3A_598 = arith.constant 22528 : i32
      %add3A_599 = arith.addi %add3A_598, %mul3A_597 : i32
      %get3A_600 = arith.index_cast %add3A_599 : i32 to index
      %get3A_601 = tpu.vector_load %arg7[%get3A_600] {strides = array<i32>} : memref<26624xf32, #tpu.memory_space<vmem>>, vector<16xf32>,
      %max3A_602 = arith.maximumf %max3A_591, %get3A_601 : vector<16xf32>
      %mul3A_603 = arith.constant 8 : i32
      %mul3A_604 = arith.muli %scan3A_546, %mul3A_603 : i32
      %add3A_605 = arith.constant 5 : i32
      %add3A_606 = arith.addi %mul3A_604, %add3A_605 : i32
      %mul3A_607 = arith.constant 16 : i32
      %mul3A_608 = arith.muli %add3A_606, %mul3A_607 : i32
      %add3A_609 = arith.constant 22528 : i32
      %add3A_610 = arith.addi %add3A_609, %mul3A_608 : i32
      %get3A_611 = arith.index_cast %add3A_610 : i32 to index
      %get3A_612 = tpu.vector_load %arg7[%get3A_611] {strides = array<i32>} : memref<26624xf32, #tpu.memory_space<vmem>>, vector<16xf32>,
      %max3A_613 = arith.maximumf %max3A_602, %get3A_612 : vector<16xf32>
      %mul3A_614 = arith.constant 8 : i32
      %mul3A_615 = arith.muli %scan3A_546, %mul3A_614 : i32
      %add3A_616 = arith.constant 6 : i32
      %add3A_617 = arith.addi %mul3A_615, %add3A_616 : i32
      %mul3A_618 = arith.constant 16 : i32
      %mul3A_619 = arith.muli %add3A_617, %mul3A_618 : i32
      %add3A_620 = arith.constant 22528 : i32
      %add3A_621 = arith.addi %add3A_620, %mul3A_619 : i32
      %get3A_622 = arith.index_cast %add3A_621 : i32 to index
      %get3A_623 = tpu.vector_load %arg7[%get3A_622] {strides = array<i32>} : memref<26624xf32, #tpu.memory_space<vmem>>, vector<16xf32>,
      %max3A_624 = arith.maximumf %max3A_613, %get3A_623 : vector<16xf32>
      %mul3A_625 = arith.constant 8 : i32
      %mul3A_626 = arith.muli %scan3A_546, %mul3A_625 : i32
      %add3A_627 = arith.constant 7 : i32
      %add3A_628 = arith.addi %mul3A_626, %add3A_627 : i32
      %mul3A_629 = arith.constant 16 : i32
      %mul3A_630 = arith.muli %add3A_628, %mul3A_629 : i32
      %add3A_631 = arith.constant 22528 : i32
      %add3A_632 = arith.addi %add3A_631, %mul3A_630 : i32
      %get3A_633 = arith.index_cast %add3A_632 : i32 to index
      %get3A_634 = tpu.vector_load %arg7[%get3A_633] {strides = array<i32>} : memref<26624xf32, #tpu.memory_space<vmem>>, vector<16xf32>,
      %max3A_635 = arith.maximumf %max3A_624, %get3A_634 : vector<16xf32>
      scf.yield %max3A_635 : vector<16xf32>
    }
    %scan3A_478 = arith.constant 16 : i32
    %eq3A_479 = arith.constant 11 : i32
    %eq3A_480 = vector.broadcast %eq3A_479 : i32 to vector<16xi32>
    %eq3A_481 = arith.cmpi eq, %iota3A, %eq3A_480 : vector<16xi32>
    %reduce_max3A_482 = arith.constant true
    %reduce_max3A_483 = vector.broadcast %reduce_max3A_482 : i1 to vector<16xi1>
    %reduce_max3A_484 = tpu.scan <max>, %scan3A_477 masked %reduce_max3A_483 : vector<16xf32>, vector<16xi1> -> vector<16xf32>
    %reduce_max3A_485 = vector.extract %reduce_max3A_484[15] : f32 from vector<16xf32>
    %broadcast_in_dim3A_486 = vector.broadcast %reduce_max3A_485 : f32 to vector<16xf32>
    %select_n3A_487 = arith.select %eq3A_481, %broadcast_in_dim3A_486, %select_n3A_470 : vector<16xi1>, vector<16xf32>
    %broadcast_in_dim3A_488 = arith.constant 0xFF800000 : f32
    %broadcast_in_dim3A_489 = vector.broadcast %broadcast_in_dim3A_488 : f32 to vector<16xf32>
    %scan3A_490 = arith.constant 0 : i32
    %scan3A_491 = arith.constant 16 : i32
    %scan3A_492 = arith.addi %scan3A_490, %scan3A_491 : i32
    %scan3A_493 = arith.constant 1 : i32
    %scan3A_494 = scf.for %scan3A_546 = %scan3A_490 to %scan3A_492 step %scan3A_493 iter_args(%scan3A_547 = %broadcast_in_dim3A_489) -> (vector<16xf32>)  : i32 {
      %mul3A_548 = arith.constant 8 : i32
      %mul3A_549 = arith.muli %scan3A_546, %mul3A_548 : i32
      %add3A_550 = arith.constant 0 : i32
      %add3A_551 = arith.addi %mul3A_549, %add3A_550 : i32
      %mul3A_552 = arith.constant 16 : i32
      %mul3A_553 = arith.muli %add3A_551, %mul3A_552 : i32
      %add3A_554 = arith.constant 24576 : i32
      %add3A_555 = arith.addi %add3A_554, %mul3A_553 : i32
      %get3A_556 = arith.index_cast %add3A_555 : i32 to index
      %get3A_557 = tpu.vector_load %arg7[%get3A_556] {strides = array<i32>} : memref<26624xf32, #tpu.memory_space<vmem>>, vector<16xf32>,
      %max3A_558 = arith.maximumf %scan3A_547, %get3A_557 : vector<16xf32>
      %mul3A_559 = arith.constant 8 : i32
      %mul3A_560 = arith.muli %scan3A_546, %mul3A_559 : i32
      %add3A_561 = arith.constant 1 : i32
      %add3A_562 = arith.addi %mul3A_560, %add3A_561 : i32
      %mul3A_563 = arith.constant 16 : i32
      %mul3A_564 = arith.muli %add3A_562, %mul3A_563 : i32
      %add3A_565 = arith.constant 24576 : i32
      %add3A_566 = arith.addi %add3A_565, %mul3A_564 : i32
      %get3A_567 = arith.index_cast %add3A_566 : i32 to index
      %get3A_568 = tpu.vector_load %arg7[%get3A_567] {strides = array<i32>} : memref<26624xf32, #tpu.memory_space<vmem>>, vector<16xf32>,
      %max3A_569 = arith.maximumf %max3A_558, %get3A_568 : vector<16xf32>
      %mul3A_570 = arith.constant 8 : i32
      %mul3A_571 = arith.muli %scan3A_546, %mul3A_570 : i32
      %add3A_572 = arith.constant 2 : i32
      %add3A_573 = arith.addi %mul3A_571, %add3A_572 : i32
      %mul3A_574 = arith.constant 16 : i32
      %mul3A_575 = arith.muli %add3A_573, %mul3A_574 : i32
      %add3A_576 = arith.constant 24576 : i32
      %add3A_577 = arith.addi %add3A_576, %mul3A_575 : i32
      %get3A_578 = arith.index_cast %add3A_577 : i32 to index
      %get3A_579 = tpu.vector_load %arg7[%get3A_578] {strides = array<i32>} : memref<26624xf32, #tpu.memory_space<vmem>>, vector<16xf32>,
      %max3A_580 = arith.maximumf %max3A_569, %get3A_579 : vector<16xf32>
      %mul3A_581 = arith.constant 8 : i32
      %mul3A_582 = arith.muli %scan3A_546, %mul3A_581 : i32
      %add3A_583 = arith.constant 3 : i32
      %add3A_584 = arith.addi %mul3A_582, %add3A_583 : i32
      %mul3A_585 = arith.constant 16 : i32
      %mul3A_586 = arith.muli %add3A_584, %mul3A_585 : i32
      %add3A_587 = arith.constant 24576 : i32
      %add3A_588 = arith.addi %add3A_587, %mul3A_586 : i32
      %get3A_589 = arith.index_cast %add3A_588 : i32 to index
      %get3A_590 = tpu.vector_load %arg7[%get3A_589] {strides = array<i32>} : memref<26624xf32, #tpu.memory_space<vmem>>, vector<16xf32>,
      %max3A_591 = arith.maximumf %max3A_580, %get3A_590 : vector<16xf32>
      %mul3A_592 = arith.constant 8 : i32
      %mul3A_593 = arith.muli %scan3A_546, %mul3A_592 : i32
      %add3A_594 = arith.constant 4 : i32
      %add3A_595 = arith.addi %mul3A_593, %add3A_594 : i32
      %mul3A_596 = arith.constant 16 : i32
      %mul3A_597 = arith.muli %add3A_595, %mul3A_596 : i32
      %add3A_598 = arith.constant 24576 : i32
      %add3A_599 = arith.addi %add3A_598, %mul3A_597 : i32
      %get3A_600 = arith.index_cast %add3A_599 : i32 to index
      %get3A_601 = tpu.vector_load %arg7[%get3A_600] {strides = array<i32>} : memref<26624xf32, #tpu.memory_space<vmem>>, vector<16xf32>,
      %max3A_602 = arith.maximumf %max3A_591, %get3A_601 : vector<16xf32>
      %mul3A_603 = arith.constant 8 : i32
      %mul3A_604 = arith.muli %scan3A_546, %mul3A_603 : i32
      %add3A_605 = arith.constant 5 : i32
      %add3A_606 = arith.addi %mul3A_604, %add3A_605 : i32
      %mul3A_607 = arith.constant 16 : i32
      %mul3A_608 = arith.muli %add3A_606, %mul3A_607 : i32
      %add3A_609 = arith.constant 24576 : i32
      %add3A_610 = arith.addi %add3A_609, %mul3A_608 : i32
      %get3A_611 = arith.index_cast %add3A_610 : i32 to index
      %get3A_612 = tpu.vector_load %arg7[%get3A_611] {strides = array<i32>} : memref<26624xf32, #tpu.memory_space<vmem>>, vector<16xf32>,
      %max3A_613 = arith.maximumf %max3A_602, %get3A_612 : vector<16xf32>
      %mul3A_614 = arith.constant 8 : i32
      %mul3A_615 = arith.muli %scan3A_546, %mul3A_614 : i32
      %add3A_616 = arith.constant 6 : i32
      %add3A_617 = arith.addi %mul3A_615, %add3A_616 : i32
      %mul3A_618 = arith.constant 16 : i32
      %mul3A_619 = arith.muli %add3A_617, %mul3A_618 : i32
      %add3A_620 = arith.constant 24576 : i32
      %add3A_621 = arith.addi %add3A_620, %mul3A_619 : i32
      %get3A_622 = arith.index_cast %add3A_621 : i32 to index
      %get3A_623 = tpu.vector_load %arg7[%get3A_622] {strides = array<i32>} : memref<26624xf32, #tpu.memory_space<vmem>>, vector<16xf32>,
      %max3A_624 = arith.maximumf %max3A_613, %get3A_623 : vector<16xf32>
      %mul3A_625 = arith.constant 8 : i32
      %mul3A_626 = arith.muli %scan3A_546, %mul3A_625 : i32
      %add3A_627 = arith.constant 7 : i32
      %add3A_628 = arith.addi %mul3A_626, %add3A_627 : i32
      %mul3A_629 = arith.constant 16 : i32
      %mul3A_630 = arith.muli %add3A_628, %mul3A_629 : i32
      %add3A_631 = arith.constant 24576 : i32
      %add3A_632 = arith.addi %add3A_631, %mul3A_630 : i32
      %get3A_633 = arith.index_cast %add3A_632 : i32 to index
      %get3A_634 = tpu.vector_load %arg7[%get3A_633] {strides = array<i32>} : memref<26624xf32, #tpu.memory_space<vmem>>, vector<16xf32>,
      %max3A_635 = arith.maximumf %max3A_624, %get3A_634 : vector<16xf32>
      scf.yield %max3A_635 : vector<16xf32>
    }
    %scan3A_495 = arith.constant 16 : i32
    %eq3A_496 = arith.constant 12 : i32
    %eq3A_497 = vector.broadcast %eq3A_496 : i32 to vector<16xi32>
    %eq3A_498 = arith.cmpi eq, %iota3A, %eq3A_497 : vector<16xi32>
    %reduce_max3A_499 = arith.constant true
    %reduce_max3A_500 = vector.broadcast %reduce_max3A_499 : i1 to vector<16xi1>
    %reduce_max3A_501 = tpu.scan <max>, %scan3A_494 masked %reduce_max3A_500 : vector<16xf32>, vector<16xi1> -> vector<16xf32>
    %reduce_max3A_502 = vector.extract %reduce_max3A_501[15] : f32 from vector<16xf32>
    %broadcast_in_dim3A_503 = vector.broadcast %reduce_max3A_502 : f32 to vector<16xf32>
    %select_n3A_504 = arith.select %eq3A_498, %broadcast_in_dim3A_503, %select_n3A_487 : vector<16xi1>, vector<16xf32>
    %swap3A = arith.constant 0 : index
    %swap3A_505 = tpu.vector_load %arg16[%swap3A] {strides = array<i32>} : memref<128xf32, #tpu.memory_space<vmem>>, vector<16xf32>,
    tpu.vector_store %arg16[%swap3A], %select_n3A_504 {strides = array<i32>} : memref<128xf32, #tpu.memory_space<vmem>>, vector<16xf32>,
    "tpu.region"() ({
      %run_scoped3A = tpu.sem_alloc : memref<!tpu.dma_semaphore, #tpu.memory_space<semaphore_mem>>
      %dma_start3A_546 = arith.constant 0 : i32
      %dma_start3A_547 = tpu.memref_slice %arg21[%arg1, %dma_start3A_546] : memref<16x128xf32, #tpu.memory_space<vmem_shared>> -> memref<1x128xf32, #tpu.memory_space<vmem_shared>>
      %dma_start3A_548 = tpu.memref_squeeze %dma_start3A_547 : memref<1x128xf32, #tpu.memory_space<vmem_shared>> -> memref<128xf32, #tpu.memory_space<vmem_shared>>
      %dma_start3A_549 = arith.constant 0 : i32
      %dma_start3A_550 = tpu.memref_slice %arg21[%arg1, %dma_start3A_549] : memref<16x128xf32, #tpu.memory_space<vmem_shared>> -> memref<1x128xf32, #tpu.memory_space<vmem_shared>>
      %dma_start3A_551 = tpu.memref_squeeze %dma_start3A_550 : memref<1x128xf32, #tpu.memory_space<vmem_shared>> -> memref<128xf32, #tpu.memory_space<vmem_shared>>
      tpu.enqueue_dma source(%arg16 : memref<128xf32, #tpu.memory_space<vmem>>) target(%dma_start3A_551 : memref<128xf32, #tpu.memory_space<vmem_shared>>) target_semaphore(%run_scoped3A : memref<!tpu.dma_semaphore, #tpu.memory_space<semaphore_mem>>)
      %dma_wait3A_552 = arith.constant 0 : i32
      %dma_wait3A_553 = tpu.memref_slice %arg21[%arg1, %dma_wait3A_552] : memref<16x128xf32, #tpu.memory_space<vmem_shared>> -> memref<1x128xf32, #tpu.memory_space<vmem_shared>>
      %dma_wait3A_554 = tpu.memref_squeeze %dma_wait3A_553 : memref<1x128xf32, #tpu.memory_space<vmem_shared>> -> memref<128xf32, #tpu.memory_space<vmem_shared>>
      %dma_wait3A_555 = arith.constant 0 : i32
      %dma_wait3A_556 = tpu.memref_slice %arg21[%arg1, %dma_wait3A_555] : memref<16x128xf32, #tpu.memory_space<vmem_shared>> -> memref<1x128xf32, #tpu.memory_space<vmem_shared>>
      %dma_wait3A_557 = tpu.memref_squeeze %dma_wait3A_556 : memref<1x128xf32, #tpu.memory_space<vmem_shared>> -> memref<128xf32, #tpu.memory_space<vmem_shared>>
      tpu.wait_dma2 semaphore(%run_scoped3A : memref<!tpu.dma_semaphore, #tpu.memory_space<semaphore_mem>>) src(%arg16 : memref<128xf32, #tpu.memory_space<vmem>>) dst(%dma_wait3A_557 : memref<128xf32, #tpu.memory_space<vmem_shared>>)
      tpu.yield
    }) : () -> ()
    %barrier3A = arith.constant 0 : index
    tpu.barrier barrier_id(%barrier3A)
    %add3A_506 = arith.constant 0 : i32
    %add3A_507 = arith.addi %add3A_506, %rem3A_0 : i32
    "tpu.region"() ({
      %run_scoped3A = tpu.sem_alloc : memref<!tpu.dma_semaphore, #tpu.memory_space<semaphore_mem>>
      %dma_start3A_546 = arith.constant 0 : i32
      %dma_start3A_547 = tpu.memref_slice %arg18[%dma_start3A_546] : memref<512xf32, #tpu.memory_space<vmem>> -> memref<128xf32, #tpu.memory_space<vmem>>
      %dma_start3A_548 = arith.constant 0 : i32
      %dma_start3A_549 = tpu.memref_slice %arg21[%add3A_507, %dma_start3A_548] : memref<16x128xf32, #tpu.memory_space<vmem_shared>> -> memref<1x128xf32, #tpu.memory_space<vmem_shared>>
      %dma_start3A_550 = tpu.memref_squeeze %dma_start3A_549 : memref<1x128xf32, #tpu.memory_space<vmem_shared>> -> memref<128xf32, #tpu.memory_space<vmem_shared>>
      %dma_start3A_551 = arith.constant 0 : i32
      %dma_start3A_552 = tpu.memref_slice %arg18[%dma_start3A_551] : memref<512xf32, #tpu.memory_space<vmem>> -> memref<128xf32, #tpu.memory_space<vmem>>
      %dma_start3A_553 = arith.constant 0 : i32
      %dma_start3A_554 = tpu.memref_slice %arg21[%add3A_507, %dma_start3A_553] : memref<16x128xf32, #tpu.memory_space<vmem_shared>> -> memref<1x128xf32, #tpu.memory_space<vmem_shared>>
      %dma_start3A_555 = tpu.memref_squeeze %dma_start3A_554 : memref<1x128xf32, #tpu.memory_space<vmem_shared>> -> memref<128xf32, #tpu.memory_space<vmem_shared>>
      tpu.enqueue_dma source(%dma_start3A_555 : memref<128xf32, #tpu.memory_space<vmem_shared>>) target(%dma_start3A_552 : memref<128xf32, #tpu.memory_space<vmem>>) target_semaphore(%run_scoped3A : memref<!tpu.dma_semaphore, #tpu.memory_space<semaphore_mem>>)
      %dma_wait3A_556 = arith.constant 0 : i32
      %dma_wait3A_557 = tpu.memref_slice %arg18[%dma_wait3A_556] : memref<512xf32, #tpu.memory_space<vmem>> -> memref<128xf32, #tpu.memory_space<vmem>>
      %dma_wait3A_558 = arith.constant 0 : i32
      %dma_wait3A_559 = tpu.memref_slice %arg21[%add3A_507, %dma_wait3A_558] : memref<16x128xf32, #tpu.memory_space<vmem_shared>> -> memref<1x128xf32, #tpu.memory_space<vmem_shared>>
      %dma_wait3A_560 = tpu.memref_squeeze %dma_wait3A_559 : memref<1x128xf32, #tpu.memory_space<vmem_shared>> -> memref<128xf32, #tpu.memory_space<vmem_shared>>
      %dma_wait3A_561 = arith.constant 0 : i32
      %dma_wait3A_562 = tpu.memref_slice %arg18[%dma_wait3A_561] : memref<512xf32, #tpu.memory_space<vmem>> -> memref<128xf32, #tpu.memory_space<vmem>>
      %dma_wait3A_563 = arith.constant 0 : i32
      %dma_wait3A_564 = tpu.memref_slice %arg21[%add3A_507, %dma_wait3A_563] : memref<16x128xf32, #tpu.memory_space<vmem_shared>> -> memref<1x128xf32, #tpu.memory_space<vmem_shared>>
      %dma_wait3A_565 = tpu.memref_squeeze %dma_wait3A_564 : memref<1x128xf32, #tpu.memory_space<vmem_shared>> -> memref<128xf32, #tpu.memory_space<vmem_shared>>
      tpu.wait_dma2 semaphore(%run_scoped3A : memref<!tpu.dma_semaphore, #tpu.memory_space<semaphore_mem>>) src(%dma_wait3A_565 : memref<128xf32, #tpu.memory_space<vmem_shared>>) dst(%dma_wait3A_562 : memref<128xf32, #tpu.memory_space<vmem>>)
      tpu.yield
    }) : () -> ()
    %add3A_508 = arith.constant 4 : i32
    %add3A_509 = arith.addi %add3A_508, %rem3A_0 : i32
    "tpu.region"() ({
      %run_scoped3A = tpu.sem_alloc : memref<!tpu.dma_semaphore, #tpu.memory_space<semaphore_mem>>
      %dma_start3A_546 = arith.constant 128 : i32
      %dma_start3A_547 = tpu.memref_slice %arg18[%dma_start3A_546] : memref<512xf32, #tpu.memory_space<vmem>> -> memref<128xf32, #tpu.memory_space<vmem>>
      %dma_start3A_548 = arith.constant 0 : i32
      %dma_start3A_549 = tpu.memref_slice %arg21[%add3A_509, %dma_start3A_548] : memref<16x128xf32, #tpu.memory_space<vmem_shared>> -> memref<1x128xf32, #tpu.memory_space<vmem_shared>>
      %dma_start3A_550 = tpu.memref_squeeze %dma_start3A_549 : memref<1x128xf32, #tpu.memory_space<vmem_shared>> -> memref<128xf32, #tpu.memory_space<vmem_shared>>
      %dma_start3A_551 = arith.constant 128 : i32
      %dma_start3A_552 = tpu.memref_slice %arg18[%dma_start3A_551] : memref<512xf32, #tpu.memory_space<vmem>> -> memref<128xf32, #tpu.memory_space<vmem>>
      %dma_start3A_553 = arith.constant 0 : i32
      %dma_start3A_554 = tpu.memref_slice %arg21[%add3A_509, %dma_start3A_553] : memref<16x128xf32, #tpu.memory_space<vmem_shared>> -> memref<1x128xf32, #tpu.memory_space<vmem_shared>>
      %dma_start3A_555 = tpu.memref_squeeze %dma_start3A_554 : memref<1x128xf32, #tpu.memory_space<vmem_shared>> -> memref<128xf32, #tpu.memory_space<vmem_shared>>
      tpu.enqueue_dma source(%dma_start3A_555 : memref<128xf32, #tpu.memory_space<vmem_shared>>) target(%dma_start3A_552 : memref<128xf32, #tpu.memory_space<vmem>>) target_semaphore(%run_scoped3A : memref<!tpu.dma_semaphore, #tpu.memory_space<semaphore_mem>>)
      %dma_wait3A_556 = arith.constant 128 : i32
      %dma_wait3A_557 = tpu.memref_slice %arg18[%dma_wait3A_556] : memref<512xf32, #tpu.memory_space<vmem>> -> memref<128xf32, #tpu.memory_space<vmem>>
      %dma_wait3A_558 = arith.constant 0 : i32
      %dma_wait3A_559 = tpu.memref_slice %arg21[%add3A_509, %dma_wait3A_558] : memref<16x128xf32, #tpu.memory_space<vmem_shared>> -> memref<1x128xf32, #tpu.memory_space<vmem_shared>>
      %dma_wait3A_560 = tpu.memref_squeeze %dma_wait3A_559 : memref<1x128xf32, #tpu.memory_space<vmem_shared>> -> memref<128xf32, #tpu.memory_space<vmem_shared>>
      %dma_wait3A_561 = arith.constant 128 : i32
      %dma_wait3A_562 = tpu.memref_slice %arg18[%dma_wait3A_561] : memref<512xf32, #tpu.memory_space<vmem>> -> memref<128xf32, #tpu.memory_space<vmem>>
      %dma_wait3A_563 = arith.constant 0 : i32
      %dma_wait3A_564 = tpu.memref_slice %arg21[%add3A_509, %dma_wait3A_563] : memref<16x128xf32, #tpu.memory_space<vmem_shared>> -> memref<1x128xf32, #tpu.memory_space<vmem_shared>>
      %dma_wait3A_565 = tpu.memref_squeeze %dma_wait3A_564 : memref<1x128xf32, #tpu.memory_space<vmem_shared>> -> memref<128xf32, #tpu.memory_space<vmem_shared>>
      tpu.wait_dma2 semaphore(%run_scoped3A : memref<!tpu.dma_semaphore, #tpu.memory_space<semaphore_mem>>) src(%dma_wait3A_565 : memref<128xf32, #tpu.memory_space<vmem_shared>>) dst(%dma_wait3A_562 : memref<128xf32, #tpu.memory_space<vmem>>)
      tpu.yield
    }) : () -> ()
    %add3A_510 = arith.constant 8 : i32
    %add3A_511 = arith.addi %add3A_510, %rem3A_0 : i32
    "tpu.region"() ({
      %run_scoped3A = tpu.sem_alloc : memref<!tpu.dma_semaphore, #tpu.memory_space<semaphore_mem>>
      %dma_start3A_546 = arith.constant 256 : i32
      %dma_start3A_547 = tpu.memref_slice %arg18[%dma_start3A_546] : memref<512xf32, #tpu.memory_space<vmem>> -> memref<128xf32, #tpu.memory_space<vmem>>
      %dma_start3A_548 = arith.constant 0 : i32
      %dma_start3A_549 = tpu.memref_slice %arg21[%add3A_511, %dma_start3A_548] : memref<16x128xf32, #tpu.memory_space<vmem_shared>> -> memref<1x128xf32, #tpu.memory_space<vmem_shared>>
      %dma_start3A_550 = tpu.memref_squeeze %dma_start3A_549 : memref<1x128xf32, #tpu.memory_space<vmem_shared>> -> memref<128xf32, #tpu.memory_space<vmem_shared>>
      %dma_start3A_551 = arith.constant 256 : i32
      %dma_start3A_552 = tpu.memref_slice %arg18[%dma_start3A_551] : memref<512xf32, #tpu.memory_space<vmem>> -> memref<128xf32, #tpu.memory_space<vmem>>
      %dma_start3A_553 = arith.constant 0 : i32
      %dma_start3A_554 = tpu.memref_slice %arg21[%add3A_511, %dma_start3A_553] : memref<16x128xf32, #tpu.memory_space<vmem_shared>> -> memref<1x128xf32, #tpu.memory_space<vmem_shared>>
      %dma_start3A_555 = tpu.memref_squeeze %dma_start3A_554 : memref<1x128xf32, #tpu.memory_space<vmem_shared>> -> memref<128xf32, #tpu.memory_space<vmem_shared>>
      tpu.enqueue_dma source(%dma_start3A_555 : memref<128xf32, #tpu.memory_space<vmem_shared>>) target(%dma_start3A_552 : memref<128xf32, #tpu.memory_space<vmem>>) target_semaphore(%run_scoped3A : memref<!tpu.dma_semaphore, #tpu.memory_space<semaphore_mem>>)
      %dma_wait3A_556 = arith.constant 256 : i32
      %dma_wait3A_557 = tpu.memref_slice %arg18[%dma_wait3A_556] : memref<512xf32, #tpu.memory_space<vmem>> -> memref<128xf32, #tpu.memory_space<vmem>>
      %dma_wait3A_558 = arith.constant 0 : i32
      %dma_wait3A_559 = tpu.memref_slice %arg21[%add3A_511, %dma_wait3A_558] : memref<16x128xf32, #tpu.memory_space<vmem_shared>> -> memref<1x128xf32, #tpu.memory_space<vmem_shared>>
      %dma_wait3A_560 = tpu.memref_squeeze %dma_wait3A_559 : memref<1x128xf32, #tpu.memory_space<vmem_shared>> -> memref<128xf32, #tpu.memory_space<vmem_shared>>
      %dma_wait3A_561 = arith.constant 256 : i32
      %dma_wait3A_562 = tpu.memref_slice %arg18[%dma_wait3A_561] : memref<512xf32, #tpu.memory_space<vmem>> -> memref<128xf32, #tpu.memory_space<vmem>>
      %dma_wait3A_563 = arith.constant 0 : i32
      %dma_wait3A_564 = tpu.memref_slice %arg21[%add3A_511, %dma_wait3A_563] : memref<16x128xf32, #tpu.memory_space<vmem_shared>> -> memref<1x128xf32, #tpu.memory_space<vmem_shared>>
      %dma_wait3A_565 = tpu.memref_squeeze %dma_wait3A_564 : memref<1x128xf32, #tpu.memory_space<vmem_shared>> -> memref<128xf32, #tpu.memory_space<vmem_shared>>
      tpu.wait_dma2 semaphore(%run_scoped3A : memref<!tpu.dma_semaphore, #tpu.memory_space<semaphore_mem>>) src(%dma_wait3A_565 : memref<128xf32, #tpu.memory_space<vmem_shared>>) dst(%dma_wait3A_562 : memref<128xf32, #tpu.memory_space<vmem>>)
      tpu.yield
    }) : () -> ()
    %add3A_512 = arith.constant 12 : i32
    %add3A_513 = arith.addi %add3A_512, %rem3A_0 : i32
    "tpu.region"() ({
      %run_scoped3A = tpu.sem_alloc : memref<!tpu.dma_semaphore, #tpu.memory_space<semaphore_mem>>
      %dma_start3A_546 = arith.constant 384 : i32
      %dma_start3A_547 = tpu.memref_slice %arg18[%dma_start3A_546] : memref<512xf32, #tpu.memory_space<vmem>> -> memref<128xf32, #tpu.memory_space<vmem>>
      %dma_start3A_548 = arith.constant 0 : i32
      %dma_start3A_549 = tpu.memref_slice %arg21[%add3A_513, %dma_start3A_548] : memref<16x128xf32, #tpu.memory_space<vmem_shared>> -> memref<1x128xf32, #tpu.memory_space<vmem_shared>>
      %dma_start3A_550 = tpu.memref_squeeze %dma_start3A_549 : memref<1x128xf32, #tpu.memory_space<vmem_shared>> -> memref<128xf32, #tpu.memory_space<vmem_shared>>
      %dma_start3A_551 = arith.constant 384 : i32
      %dma_start3A_552 = tpu.memref_slice %arg18[%dma_start3A_551] : memref<512xf32, #tpu.memory_space<vmem>> -> memref<128xf32, #tpu.memory_space<vmem>>
      %dma_start3A_553 = arith.constant 0 : i32
      %dma_start3A_554 = tpu.memref_slice %arg21[%add3A_513, %dma_start3A_553] : memref<16x128xf32, #tpu.memory_space<vmem_shared>> -> memref<1x128xf32, #tpu.memory_space<vmem_shared>>
      %dma_start3A_555 = tpu.memref_squeeze %dma_start3A_554 : memref<1x128xf32, #tpu.memory_space<vmem_shared>> -> memref<128xf32, #tpu.memory_space<vmem_shared>>
      tpu.enqueue_dma source(%dma_start3A_555 : memref<128xf32, #tpu.memory_space<vmem_shared>>) target(%dma_start3A_552 : memref<128xf32, #tpu.memory_space<vmem>>) target_semaphore(%run_scoped3A : memref<!tpu.dma_semaphore, #tpu.memory_space<semaphore_mem>>)
      %dma_wait3A_556 = arith.constant 384 : i32
      %dma_wait3A_557 = tpu.memref_slice %arg18[%dma_wait3A_556] : memref<512xf32, #tpu.memory_space<vmem>> -> memref<128xf32, #tpu.memory_space<vmem>>
      %dma_wait3A_558 = arith.constant 0 : i32
      %dma_wait3A_559 = tpu.memref_slice %arg21[%add3A_513, %dma_wait3A_558] : memref<16x128xf32, #tpu.memory_space<vmem_shared>> -> memref<1x128xf32, #tpu.memory_space<vmem_shared>>
      %dma_wait3A_560 = tpu.memref_squeeze %dma_wait3A_559 : memref<1x128xf32, #tpu.memory_space<vmem_shared>> -> memref<128xf32, #tpu.memory_space<vmem_shared>>
      %dma_wait3A_561 = arith.constant 384 : i32
      %dma_wait3A_562 = tpu.memref_slice %arg18[%dma_wait3A_561] : memref<512xf32, #tpu.memory_space<vmem>> -> memref<128xf32, #tpu.memory_space<vmem>>
      %dma_wait3A_563 = arith.constant 0 : i32
      %dma_wait3A_564 = tpu.memref_slice %arg21[%add3A_513, %dma_wait3A_563] : memref<16x128xf32, #tpu.memory_space<vmem_shared>> -> memref<1x128xf32, #tpu.memory_space<vmem_shared>>
      %dma_wait3A_565 = tpu.memref_squeeze %dma_wait3A_564 : memref<1x128xf32, #tpu.memory_space<vmem_shared>> -> memref<128xf32, #tpu.memory_space<vmem_shared>>
      tpu.wait_dma2 semaphore(%run_scoped3A : memref<!tpu.dma_semaphore, #tpu.memory_space<semaphore_mem>>) src(%dma_wait3A_565 : memref<128xf32, #tpu.memory_space<vmem_shared>>) dst(%dma_wait3A_562 : memref<128xf32, #tpu.memory_space<vmem>>)
      tpu.yield
    }) : () -> ()
    %broadcast_in_dim3A_514 = arith.constant 0x7F800000 : f32
    %broadcast_in_dim3A_515 = vector.broadcast %broadcast_in_dim3A_514 : f32 to vector<16xf32>
    %get3A = arith.constant 0 : index
    %get3A_516 = tpu.vector_load %arg18[%get3A] {strides = array<i32>} : memref<512xf32, #tpu.memory_space<vmem>>, vector<16xf32>,
    %min3A_517 = arith.minimumf %broadcast_in_dim3A_515, %get3A_516 : vector<16xf32>
    %get3A_518 = arith.constant 128 : index
    %get3A_519 = tpu.vector_load %arg18[%get3A_518] {strides = array<i32>} : memref<512xf32, #tpu.memory_space<vmem>>, vector<16xf32>,
    %min3A_520 = arith.minimumf %min3A_517, %get3A_519 : vector<16xf32>
    %get3A_521 = arith.constant 256 : index
    %get3A_522 = tpu.vector_load %arg18[%get3A_521] {strides = array<i32>} : memref<512xf32, #tpu.memory_space<vmem>>, vector<16xf32>,
    %min3A_523 = arith.minimumf %min3A_520, %get3A_522 : vector<16xf32>
    %get3A_524 = arith.constant 384 : index
    %get3A_525 = tpu.vector_load %arg18[%get3A_524] {strides = array<i32>} : memref<512xf32, #tpu.memory_space<vmem>>, vector<16xf32>,
    %min3A_526 = arith.minimumf %min3A_523, %get3A_525 : vector<16xf32>
    %reduce_min3A = arith.constant true
    %reduce_min3A_527 = vector.broadcast %reduce_min3A : i1 to vector<16xi1>
    %reduce_min3A_528 = tpu.scan <min>, %min3A_526 masked %reduce_min3A_527 : vector<16xf32>, vector<16xi1> -> vector<16xf32>
    %reduce_min3A_529 = vector.extract %reduce_min3A_528[15] : f32 from vector<16xf32>
    %broadcast_in_dim3A_530 = vector.broadcast %reduce_min3A_529 : f32 to vector<16xf32>
    %scan3A_531 = arith.constant 0 : i32
    %scan3A_532 = arith.constant 0 : i32
    %scan3A_533 = arith.constant 208 : i32
    %scan3A_534 = arith.addi %scan3A_532, %scan3A_533 : i32
    %scan3A_535 = arith.constant 1 : i32
    %scan3A_536 = scf.for %scan3A_546 = %scan3A_532 to %scan3A_534 step %scan3A_535 iter_args(%scan3A_547 = %scan3A_531) -> (i32)  : i32 {
      %mul3A_548 = arith.constant 8 : i32
      %mul3A_549 = arith.muli %scan3A_546, %mul3A_548 : i32
      %add3A_550 = arith.constant 0 : i32
      %add3A_551 = arith.addi %mul3A_549, %add3A_550 : i32
      %mul3A_552 = arith.constant 16 : i32
      %mul3A_553 = arith.muli %add3A_551, %mul3A_552 : i32
      %get3A_554 = arith.index_cast %mul3A_553 : i32 to index
      %get3A_555 = tpu.vector_load %arg7[%get3A_554] {strides = array<i32>} : memref<26624xf32, #tpu.memory_space<vmem>>, vector<16xf32>,
      %div3A_556 = arith.constant 128 : i32
      %div3A_557 = arith.divsi %add3A_551, %div3A_556 : i32
      %mul3A_558 = arith.constant 2000 : i32
      %mul3A_559 = arith.muli %sub3A_7, %mul3A_558 : i32
      %mul3A_560 = arith.constant 16 : i32
      %mul3A_561 = arith.muli %add3A_551, %mul3A_560 : i32
      %add3A_562 = arith.addi %mul3A_559, %mul3A_561 : i32
      %mul3A_563 = arith.constant 48 : i32
      %mul3A_564 = arith.muli %div3A_557, %mul3A_563 : i32
      %sub3A_565 = arith.subi %add3A_562, %mul3A_564 : i32
      %broadcast_in_dim3A_566 = vector.broadcast %sub3A_565 : i32 to vector<16xi32>
      %add3A_567 = arith.addi %broadcast_in_dim3A_566, %iota3A : vector<16xi32>
      %ge3A = arith.cmpf oge, %get3A_555, %broadcast_in_dim3A_530 : vector<16xf32>
      %mul3A_568 = arith.constant 2000 : i32
      %mul3A_569 = arith.muli %sub3A_16, %mul3A_568 : i32
      %broadcast_in_dim3A_570 = vector.broadcast %mul3A_569 : i32 to vector<16xi32>
      %lt3A_571 = arith.cmpi slt, %add3A_567, %broadcast_in_dim3A_570 : vector<16xi32>
      %and3A = arith.andi %ge3A, %lt3A_571 : vector<16xi1>
      %all_reduce_population_count3A = tpu.all_reduce %and3A {dim = 0 : i64, kind = #tpu.reduction_kind<sum>} : vector<16xi1> -> vector<16xi32>
      %reduce_max3A_572 = arith.constant true
      %reduce_max3A_573 = vector.broadcast %reduce_max3A_572 : i1 to vector<16xi1>
      %reduce_max3A_574 = arith.constant -2147483648 : i32
      %reduce_max3A_575 = vector.broadcast %reduce_max3A_574 : i32 to vector<16xi32>
      %reduce_max3A_576 = arith.xori %all_reduce_population_count3A, %reduce_max3A_575 : vector<16xi32>
      %reduce_max3A_577 = tpu.scan <max>, %reduce_max3A_576 masked %reduce_max3A_573 : vector<16xi32>, vector<16xi1> -> vector<16xi32>
      %reduce_max3A_578 = arith.xori %reduce_max3A_577, %reduce_max3A_575 : vector<16xi32>
      %reduce_max3A_579 = vector.extract %reduce_max3A_578[15] : i32 from vector<16xi32>
      %mul3A_580 = arith.constant 8 : i32
      %mul3A_581 = arith.muli %scan3A_546, %mul3A_580 : i32
      %add3A_582 = arith.constant 1 : i32
      %add3A_583 = arith.addi %mul3A_581, %add3A_582 : i32
      %mul3A_584 = arith.constant 16 : i32
      %mul3A_585 = arith.muli %add3A_583, %mul3A_584 : i32
      %get3A_586 = arith.index_cast %mul3A_585 : i32 to index
      %get3A_587 = tpu.vector_load %arg7[%get3A_586] {strides = array<i32>} : memref<26624xf32, #tpu.memory_space<vmem>>, vector<16xf32>,
      %div3A_588 = arith.constant 128 : i32
      %div3A_589 = arith.divsi %add3A_583, %div3A_588 : i32
      %mul3A_590 = arith.constant 2000 : i32
      %mul3A_591 = arith.muli %sub3A_7, %mul3A_590 : i32
      %mul3A_592 = arith.constant 16 : i32
      %mul3A_593 = arith.muli %add3A_583, %mul3A_592 : i32
      %add3A_594 = arith.addi %mul3A_591, %mul3A_593 : i32
      %mul3A_595 = arith.constant 48 : i32
      %mul3A_596 = arith.muli %div3A_589, %mul3A_595 : i32
      %sub3A_597 = arith.subi %add3A_594, %mul3A_596 : i32
      %broadcast_in_dim3A_598 = vector.broadcast %sub3A_597 : i32 to vector<16xi32>
      %add3A_599 = arith.addi %broadcast_in_dim3A_598, %iota3A : vector<16xi32>
      %ge3A_600 = arith.cmpf oge, %get3A_587, %broadcast_in_dim3A_530 : vector<16xf32>
      %mul3A_601 = arith.constant 2000 : i32
      %mul3A_602 = arith.muli %sub3A_16, %mul3A_601 : i32
      %broadcast_in_dim3A_603 = vector.broadcast %mul3A_602 : i32 to vector<16xi32>
      %lt3A_604 = arith.cmpi slt, %add3A_599, %broadcast_in_dim3A_603 : vector<16xi32>
      %and3A_605 = arith.andi %ge3A_600, %lt3A_604 : vector<16xi1>
      %all_reduce_population_count3A_606 = tpu.all_reduce %and3A_605 {dim = 0 : i64, kind = #tpu.reduction_kind<sum>} : vector<16xi1> -> vector<16xi32>
      %reduce_max3A_607 = arith.constant true
      %reduce_max3A_608 = vector.broadcast %reduce_max3A_607 : i1 to vector<16xi1>
      %reduce_max3A_609 = arith.constant -2147483648 : i32
      %reduce_max3A_610 = vector.broadcast %reduce_max3A_609 : i32 to vector<16xi32>
      %reduce_max3A_611 = arith.xori %all_reduce_population_count3A_606, %reduce_max3A_610 : vector<16xi32>
      %reduce_max3A_612 = tpu.scan <max>, %reduce_max3A_611 masked %reduce_max3A_608 : vector<16xi32>, vector<16xi1> -> vector<16xi32>
      %reduce_max3A_613 = arith.xori %reduce_max3A_612, %reduce_max3A_610 : vector<16xi32>
      %reduce_max3A_614 = vector.extract %reduce_max3A_613[15] : i32 from vector<16xi32>
      %mul3A_615 = arith.constant 8 : i32
      %mul3A_616 = arith.muli %scan3A_546, %mul3A_615 : i32
      %add3A_617 = arith.constant 2 : i32
      %add3A_618 = arith.addi %mul3A_616, %add3A_617 : i32
      %mul3A_619 = arith.constant 16 : i32
      %mul3A_620 = arith.muli %add3A_618, %mul3A_619 : i32
      %get3A_621 = arith.index_cast %mul3A_620 : i32 to index
      %get3A_622 = tpu.vector_load %arg7[%get3A_621] {strides = array<i32>} : memref<26624xf32, #tpu.memory_space<vmem>>, vector<16xf32>,
      %div3A_623 = arith.constant 128 : i32
      %div3A_624 = arith.divsi %add3A_618, %div3A_623 : i32
      %mul3A_625 = arith.constant 2000 : i32
      %mul3A_626 = arith.muli %sub3A_7, %mul3A_625 : i32
      %mul3A_627 = arith.constant 16 : i32
      %mul3A_628 = arith.muli %add3A_618, %mul3A_627 : i32
      %add3A_629 = arith.addi %mul3A_626, %mul3A_628 : i32
      %mul3A_630 = arith.constant 48 : i32
      %mul3A_631 = arith.muli %div3A_624, %mul3A_630 : i32
      %sub3A_632 = arith.subi %add3A_629, %mul3A_631 : i32
      %broadcast_in_dim3A_633 = vector.broadcast %sub3A_632 : i32 to vector<16xi32>
      %add3A_634 = arith.addi %broadcast_in_dim3A_633, %iota3A : vector<16xi32>
      %ge3A_635 = arith.cmpf oge, %get3A_622, %broadcast_in_dim3A_530 : vector<16xf32>
      %mul3A_636 = arith.constant 2000 : i32
      %mul3A_637 = arith.muli %sub3A_16, %mul3A_636 : i32
      %broadcast_in_dim3A_638 = vector.broadcast %mul3A_637 : i32 to vector<16xi32>
      %lt3A_639 = arith.cmpi slt, %add3A_634, %broadcast_in_dim3A_638 : vector<16xi32>
      %and3A_640 = arith.andi %ge3A_635, %lt3A_639 : vector<16xi1>
      %all_reduce_population_count3A_641 = tpu.all_reduce %and3A_640 {dim = 0 : i64, kind = #tpu.reduction_kind<sum>} : vector<16xi1> -> vector<16xi32>
      %reduce_max3A_642 = arith.constant true
      %reduce_max3A_643 = vector.broadcast %reduce_max3A_642 : i1 to vector<16xi1>
      %reduce_max3A_644 = arith.constant -2147483648 : i32
      %reduce_max3A_645 = vector.broadcast %reduce_max3A_644 : i32 to vector<16xi32>
      %reduce_max3A_646 = arith.xori %all_reduce_population_count3A_641, %reduce_max3A_645 : vector<16xi32>
      %reduce_max3A_647 = tpu.scan <max>, %reduce_max3A_646 masked %reduce_max3A_643 : vector<16xi32>, vector<16xi1> -> vector<16xi32>
      %reduce_max3A_648 = arith.xori %reduce_max3A_647, %reduce_max3A_645 : vector<16xi32>
      %reduce_max3A_649 = vector.extract %reduce_max3A_648[15] : i32 from vector<16xi32>
      %mul3A_650 = arith.constant 8 : i32
      %mul3A_651 = arith.muli %scan3A_546, %mul3A_650 : i32
      %add3A_652 = arith.constant 3 : i32
      %add3A_653 = arith.addi %mul3A_651, %add3A_652 : i32
      %mul3A_654 = arith.constant 16 : i32
      %mul3A_655 = arith.muli %add3A_653, %mul3A_654 : i32
      %get3A_656 = arith.index_cast %mul3A_655 : i32 to index
      %get3A_657 = tpu.vector_load %arg7[%get3A_656] {strides = array<i32>} : memref<26624xf32, #tpu.memory_space<vmem>>, vector<16xf32>,
      %div3A_658 = arith.constant 128 : i32
      %div3A_659 = arith.divsi %add3A_653, %div3A_658 : i32
      %mul3A_660 = arith.constant 2000 : i32
      %mul3A_661 = arith.muli %sub3A_7, %mul3A_660 : i32
      %mul3A_662 = arith.constant 16 : i32
      %mul3A_663 = arith.muli %add3A_653, %mul3A_662 : i32
      %add3A_664 = arith.addi %mul3A_661, %mul3A_663 : i32
      %mul3A_665 = arith.constant 48 : i32
      %mul3A_666 = arith.muli %div3A_659, %mul3A_665 : i32
      %sub3A_667 = arith.subi %add3A_664, %mul3A_666 : i32
      %broadcast_in_dim3A_668 = vector.broadcast %sub3A_667 : i32 to vector<16xi32>
      %add3A_669 = arith.addi %broadcast_in_dim3A_668, %iota3A : vector<16xi32>
      %ge3A_670 = arith.cmpf oge, %get3A_657, %broadcast_in_dim3A_530 : vector<16xf32>
      %mul3A_671 = arith.constant 2000 : i32
      %mul3A_672 = arith.muli %sub3A_16, %mul3A_671 : i32
      %broadcast_in_dim3A_673 = vector.broadcast %mul3A_672 : i32 to vector<16xi32>
      %lt3A_674 = arith.cmpi slt, %add3A_669, %broadcast_in_dim3A_673 : vector<16xi32>
      %and3A_675 = arith.andi %ge3A_670, %lt3A_674 : vector<16xi1>
      %all_reduce_population_count3A_676 = tpu.all_reduce %and3A_675 {dim = 0 : i64, kind = #tpu.reduction_kind<sum>} : vector<16xi1> -> vector<16xi32>
      %reduce_max3A_677 = arith.constant true
      %reduce_max3A_678 = vector.broadcast %reduce_max3A_677 : i1 to vector<16xi1>
      %reduce_max3A_679 = arith.constant -2147483648 : i32
      %reduce_max3A_680 = vector.broadcast %reduce_max3A_679 : i32 to vector<16xi32>
      %reduce_max3A_681 = arith.xori %all_reduce_population_count3A_676, %reduce_max3A_680 : vector<16xi32>
      %reduce_max3A_682 = tpu.scan <max>, %reduce_max3A_681 masked %reduce_max3A_678 : vector<16xi32>, vector<16xi1> -> vector<16xi32>
      %reduce_max3A_683 = arith.xori %reduce_max3A_682, %reduce_max3A_680 : vector<16xi32>
      %reduce_max3A_684 = vector.extract %reduce_max3A_683[15] : i32 from vector<16xi32>
      %mul3A_685 = arith.constant 8 : i32
      %mul3A_686 = arith.muli %scan3A_546, %mul3A_685 : i32
      %add3A_687 = arith.constant 4 : i32
      %add3A_688 = arith.addi %mul3A_686, %add3A_687 : i32
      %mul3A_689 = arith.constant 16 : i32
      %mul3A_690 = arith.muli %add3A_688, %mul3A_689 : i32
      %get3A_691 = arith.index_cast %mul3A_690 : i32 to index
      %get3A_692 = tpu.vector_load %arg7[%get3A_691] {strides = array<i32>} : memref<26624xf32, #tpu.memory_space<vmem>>, vector<16xf32>,
      %div3A_693 = arith.constant 128 : i32
      %div3A_694 = arith.divsi %add3A_688, %div3A_693 : i32
      %mul3A_695 = arith.constant 2000 : i32
      %mul3A_696 = arith.muli %sub3A_7, %mul3A_695 : i32
      %mul3A_697 = arith.constant 16 : i32
      %mul3A_698 = arith.muli %add3A_688, %mul3A_697 : i32
      %add3A_699 = arith.addi %mul3A_696, %mul3A_698 : i32
      %mul3A_700 = arith.constant 48 : i32
      %mul3A_701 = arith.muli %div3A_694, %mul3A_700 : i32
      %sub3A_702 = arith.subi %add3A_699, %mul3A_701 : i32
      %broadcast_in_dim3A_703 = vector.broadcast %sub3A_702 : i32 to vector<16xi32>
      %add3A_704 = arith.addi %broadcast_in_dim3A_703, %iota3A : vector<16xi32>
      %ge3A_705 = arith.cmpf oge, %get3A_692, %broadcast_in_dim3A_530 : vector<16xf32>
      %mul3A_706 = arith.constant 2000 : i32
      %mul3A_707 = arith.muli %sub3A_16, %mul3A_706 : i32
      %broadcast_in_dim3A_708 = vector.broadcast %mul3A_707 : i32 to vector<16xi32>
      %lt3A_709 = arith.cmpi slt, %add3A_704, %broadcast_in_dim3A_708 : vector<16xi32>
      %and3A_710 = arith.andi %ge3A_705, %lt3A_709 : vector<16xi1>
      %all_reduce_population_count3A_711 = tpu.all_reduce %and3A_710 {dim = 0 : i64, kind = #tpu.reduction_kind<sum>} : vector<16xi1> -> vector<16xi32>
      %reduce_max3A_712 = arith.constant true
      %reduce_max3A_713 = vector.broadcast %reduce_max3A_712 : i1 to vector<16xi1>
      %reduce_max3A_714 = arith.constant -2147483648 : i32
      %reduce_max3A_715 = vector.broadcast %reduce_max3A_714 : i32 to vector<16xi32>
      %reduce_max3A_716 = arith.xori %all_reduce_population_count3A_711, %reduce_max3A_715 : vector<16xi32>
      %reduce_max3A_717 = tpu.scan <max>, %reduce_max3A_716 masked %reduce_max3A_713 : vector<16xi32>, vector<16xi1> -> vector<16xi32>
      %reduce_max3A_718 = arith.xori %reduce_max3A_717, %reduce_max3A_715 : vector<16xi32>
      %reduce_max3A_719 = vector.extract %reduce_max3A_718[15] : i32 from vector<16xi32>
      %mul3A_720 = arith.constant 8 : i32
      %mul3A_721 = arith.muli %scan3A_546, %mul3A_720 : i32
      %add3A_722 = arith.constant 5 : i32
      %add3A_723 = arith.addi %mul3A_721, %add3A_722 : i32
      %mul3A_724 = arith.constant 16 : i32
      %mul3A_725 = arith.muli %add3A_723, %mul3A_724 : i32
      %get3A_726 = arith.index_cast %mul3A_725 : i32 to index
      %get3A_727 = tpu.vector_load %arg7[%get3A_726] {strides = array<i32>} : memref<26624xf32, #tpu.memory_space<vmem>>, vector<16xf32>,
      %div3A_728 = arith.constant 128 : i32
      %div3A_729 = arith.divsi %add3A_723, %div3A_728 : i32
      %mul3A_730 = arith.constant 2000 : i32
      %mul3A_731 = arith.muli %sub3A_7, %mul3A_730 : i32
      %mul3A_732 = arith.constant 16 : i32
      %mul3A_733 = arith.muli %add3A_723, %mul3A_732 : i32
      %add3A_734 = arith.addi %mul3A_731, %mul3A_733 : i32
      %mul3A_735 = arith.constant 48 : i32
      %mul3A_736 = arith.muli %div3A_729, %mul3A_735 : i32
      %sub3A_737 = arith.subi %add3A_734, %mul3A_736 : i32
      %broadcast_in_dim3A_738 = vector.broadcast %sub3A_737 : i32 to vector<16xi32>
      %add3A_739 = arith.addi %broadcast_in_dim3A_738, %iota3A : vector<16xi32>
      %ge3A_740 = arith.cmpf oge, %get3A_727, %broadcast_in_dim3A_530 : vector<16xf32>
      %mul3A_741 = arith.constant 2000 : i32
      %mul3A_742 = arith.muli %sub3A_16, %mul3A_741 : i32
      %broadcast_in_dim3A_743 = vector.broadcast %mul3A_742 : i32 to vector<16xi32>
      %lt3A_744 = arith.cmpi slt, %add3A_739, %broadcast_in_dim3A_743 : vector<16xi32>
      %and3A_745 = arith.andi %ge3A_740, %lt3A_744 : vector<16xi1>
      %all_reduce_population_count3A_746 = tpu.all_reduce %and3A_745 {dim = 0 : i64, kind = #tpu.reduction_kind<sum>} : vector<16xi1> -> vector<16xi32>
      %reduce_max3A_747 = arith.constant true
      %reduce_max3A_748 = vector.broadcast %reduce_max3A_747 : i1 to vector<16xi1>
      %reduce_max3A_749 = arith.constant -2147483648 : i32
      %reduce_max3A_750 = vector.broadcast %reduce_max3A_749 : i32 to vector<16xi32>
      %reduce_max3A_751 = arith.xori %all_reduce_population_count3A_746, %reduce_max3A_750 : vector<16xi32>
      %reduce_max3A_752 = tpu.scan <max>, %reduce_max3A_751 masked %reduce_max3A_748 : vector<16xi32>, vector<16xi1> -> vector<16xi32>
      %reduce_max3A_753 = arith.xori %reduce_max3A_752, %reduce_max3A_750 : vector<16xi32>
      %reduce_max3A_754 = vector.extract %reduce_max3A_753[15] : i32 from vector<16xi32>
      %mul3A_755 = arith.constant 8 : i32
      %mul3A_756 = arith.muli %scan3A_546, %mul3A_755 : i32
      %add3A_757 = arith.constant 6 : i32
      %add3A_758 = arith.addi %mul3A_756, %add3A_757 : i32
      %mul3A_759 = arith.constant 16 : i32
      %mul3A_760 = arith.muli %add3A_758, %mul3A_759 : i32
      %get3A_761 = arith.index_cast %mul3A_760 : i32 to index
      %get3A_762 = tpu.vector_load %arg7[%get3A_761] {strides = array<i32>} : memref<26624xf32, #tpu.memory_space<vmem>>, vector<16xf32>,
      %div3A_763 = arith.constant 128 : i32
      %div3A_764 = arith.divsi %add3A_758, %div3A_763 : i32
      %mul3A_765 = arith.constant 2000 : i32
      %mul3A_766 = arith.muli %sub3A_7, %mul3A_765 : i32
      %mul3A_767 = arith.constant 16 : i32
      %mul3A_768 = arith.muli %add3A_758, %mul3A_767 : i32
      %add3A_769 = arith.addi %mul3A_766, %mul3A_768 : i32
      %mul3A_770 = arith.constant 48 : i32
      %mul3A_771 = arith.muli %div3A_764, %mul3A_770 : i32
      %sub3A_772 = arith.subi %add3A_769, %mul3A_771 : i32
      %broadcast_in_dim3A_773 = vector.broadcast %sub3A_772 : i32 to vector<16xi32>
      %add3A_774 = arith.addi %broadcast_in_dim3A_773, %iota3A : vector<16xi32>
      %ge3A_775 = arith.cmpf oge, %get3A_762, %broadcast_in_dim3A_530 : vector<16xf32>
      %mul3A_776 = arith.constant 2000 : i32
      %mul3A_777 = arith.muli %sub3A_16, %mul3A_776 : i32
      %broadcast_in_dim3A_778 = vector.broadcast %mul3A_777 : i32 to vector<16xi32>
      %lt3A_779 = arith.cmpi slt, %add3A_774, %broadcast_in_dim3A_778 : vector<16xi32>
      %and3A_780 = arith.andi %ge3A_775, %lt3A_779 : vector<16xi1>
      %all_reduce_population_count3A_781 = tpu.all_reduce %and3A_780 {dim = 0 : i64, kind = #tpu.reduction_kind<sum>} : vector<16xi1> -> vector<16xi32>
      %reduce_max3A_782 = arith.constant true
      %reduce_max3A_783 = vector.broadcast %reduce_max3A_782 : i1 to vector<16xi1>
      %reduce_max3A_784 = arith.constant -2147483648 : i32
      %reduce_max3A_785 = vector.broadcast %reduce_max3A_784 : i32 to vector<16xi32>
      %reduce_max3A_786 = arith.xori %all_reduce_population_count3A_781, %reduce_max3A_785 : vector<16xi32>
      %reduce_max3A_787 = tpu.scan <max>, %reduce_max3A_786 masked %reduce_max3A_783 : vector<16xi32>, vector<16xi1> -> vector<16xi32>
      %reduce_max3A_788 = arith.xori %reduce_max3A_787, %reduce_max3A_785 : vector<16xi32>
      %reduce_max3A_789 = vector.extract %reduce_max3A_788[15] : i32 from vector<16xi32>
      %mul3A_790 = arith.constant 8 : i32
      %mul3A_791 = arith.muli %scan3A_546, %mul3A_790 : i32
      %add3A_792 = arith.constant 7 : i32
      %add3A_793 = arith.addi %mul3A_791, %add3A_792 : i32
      %mul3A_794 = arith.constant 16 : i32
      %mul3A_795 = arith.muli %add3A_793, %mul3A_794 : i32
      %get3A_796 = arith.index_cast %mul3A_795 : i32 to index
      %get3A_797 = tpu.vector_load %arg7[%get3A_796] {strides = array<i32>} : memref<26624xf32, #tpu.memory_space<vmem>>, vector<16xf32>,
      %div3A_798 = arith.constant 128 : i32
      %div3A_799 = arith.divsi %add3A_793, %div3A_798 : i32
      %mul3A_800 = arith.constant 2000 : i32
      %mul3A_801 = arith.muli %sub3A_7, %mul3A_800 : i32
      %mul3A_802 = arith.constant 16 : i32
      %mul3A_803 = arith.muli %add3A_793, %mul3A_802 : i32
      %add3A_804 = arith.addi %mul3A_801, %mul3A_803 : i32
      %mul3A_805 = arith.constant 48 : i32
      %mul3A_806 = arith.muli %div3A_799, %mul3A_805 : i32
      %sub3A_807 = arith.subi %add3A_804, %mul3A_806 : i32
      %broadcast_in_dim3A_808 = vector.broadcast %sub3A_807 : i32 to vector<16xi32>
      %add3A_809 = arith.addi %broadcast_in_dim3A_808, %iota3A : vector<16xi32>
      %ge3A_810 = arith.cmpf oge, %get3A_797, %broadcast_in_dim3A_530 : vector<16xf32>
      %mul3A_811 = arith.constant 2000 : i32
      %mul3A_812 = arith.muli %sub3A_16, %mul3A_811 : i32
      %broadcast_in_dim3A_813 = vector.broadcast %mul3A_812 : i32 to vector<16xi32>
      %lt3A_814 = arith.cmpi slt, %add3A_809, %broadcast_in_dim3A_813 : vector<16xi32>
      %and3A_815 = arith.andi %ge3A_810, %lt3A_814 : vector<16xi1>
      %all_reduce_population_count3A_816 = tpu.all_reduce %and3A_815 {dim = 0 : i64, kind = #tpu.reduction_kind<sum>} : vector<16xi1> -> vector<16xi32>
      %reduce_max3A_817 = arith.constant true
      %reduce_max3A_818 = vector.broadcast %reduce_max3A_817 : i1 to vector<16xi1>
      %reduce_max3A_819 = arith.constant -2147483648 : i32
      %reduce_max3A_820 = vector.broadcast %reduce_max3A_819 : i32 to vector<16xi32>
      %reduce_max3A_821 = arith.xori %all_reduce_population_count3A_816, %reduce_max3A_820 : vector<16xi32>
      %reduce_max3A_822 = tpu.scan <max>, %reduce_max3A_821 masked %reduce_max3A_818 : vector<16xi32>, vector<16xi1> -> vector<16xi32>
      %reduce_max3A_823 = arith.xori %reduce_max3A_822, %reduce_max3A_820 : vector<16xi32>
      %reduce_max3A_824 = vector.extract %reduce_max3A_823[15] : i32 from vector<16xi32>
      %broadcast_in_dim3A_825 = vector.broadcast %scan3A_547 : i32 to vector<16xi32>
      %lt3A_826 = arith.constant 512 : i32
      %lt3A_827 = vector.broadcast %lt3A_826 : i32 to vector<16xi32>
      %lt3A_828 = arith.cmpi slt, %broadcast_in_dim3A_825, %lt3A_827 : vector<16xi32>
      %and3A_829 = arith.andi %and3A, %lt3A_828 : vector<16xi1>
      %swap3A_830 = arith.index_cast %scan3A_547 : i32 to index
      %swap3A_831 = tpu.vector_load %arg8[%swap3A_830] masked %and3A_829 {strides = array<i32>} : memref<640xf32, #tpu.memory_space<vmem>>, vector<16xf32>, vector<16xi1>
      tpu.vector_store %arg8[%swap3A_830], %get3A_555 masked %and3A_829 {strides = array<i32>} : memref<640xf32, #tpu.memory_space<vmem>>, vector<16xf32>, vector<16xi1>
      %swap3A_832 = arith.index_cast %scan3A_547 : i32 to index
      %swap3A_833 = tpu.vector_load %arg9[%swap3A_832] masked %and3A_829 {strides = array<i32>} : memref<640xi32, #tpu.memory_space<vmem>>, vector<16xi32>, vector<16xi1>
      tpu.vector_store %arg9[%swap3A_832], %add3A_567 masked %and3A_829 {strides = array<i32>} : memref<640xi32, #tpu.memory_space<vmem>>, vector<16xi32>, vector<16xi1>
      %add3A_834 = arith.addi %scan3A_547, %reduce_max3A_579 : i32
      %broadcast_in_dim3A_835 = vector.broadcast %add3A_834 : i32 to vector<16xi32>
      %lt3A_836 = arith.constant 512 : i32
      %lt3A_837 = vector.broadcast %lt3A_836 : i32 to vector<16xi32>
      %lt3A_838 = arith.cmpi slt, %broadcast_in_dim3A_835, %lt3A_837 : vector<16xi32>
      %and3A_839 = arith.andi %and3A_605, %lt3A_838 : vector<16xi1>
      %swap3A_840 = arith.index_cast %add3A_834 : i32 to index
      %swap3A_841 = tpu.vector_load %arg8[%swap3A_840] masked %and3A_839 {strides = array<i32>} : memref<640xf32, #tpu.memory_space<vmem>>, vector<16xf32>, vector<16xi1>
      tpu.vector_store %arg8[%swap3A_840], %get3A_587 masked %and3A_839 {strides = array<i32>} : memref<640xf32, #tpu.memory_space<vmem>>, vector<16xf32>, vector<16xi1>
      %swap3A_842 = arith.index_cast %add3A_834 : i32 to index
      %swap3A_843 = tpu.vector_load %arg9[%swap3A_842] masked %and3A_839 {strides = array<i32>} : memref<640xi32, #tpu.memory_space<vmem>>, vector<16xi32>, vector<16xi1>
      tpu.vector_store %arg9[%swap3A_842], %add3A_599 masked %and3A_839 {strides = array<i32>} : memref<640xi32, #tpu.memory_space<vmem>>, vector<16xi32>, vector<16xi1>
      %add3A_844 = arith.addi %add3A_834, %reduce_max3A_614 : i32
      %broadcast_in_dim3A_845 = vector.broadcast %add3A_844 : i32 to vector<16xi32>
      %lt3A_846 = arith.constant 512 : i32
      %lt3A_847 = vector.broadcast %lt3A_846 : i32 to vector<16xi32>
      %lt3A_848 = arith.cmpi slt, %broadcast_in_dim3A_845, %lt3A_847 : vector<16xi32>
      %and3A_849 = arith.andi %and3A_640, %lt3A_848 : vector<16xi1>
      %swap3A_850 = arith.index_cast %add3A_844 : i32 to index
      %swap3A_851 = tpu.vector_load %arg8[%swap3A_850] masked %and3A_849 {strides = array<i32>} : memref<640xf32, #tpu.memory_space<vmem>>, vector<16xf32>, vector<16xi1>
      tpu.vector_store %arg8[%swap3A_850], %get3A_622 masked %and3A_849 {strides = array<i32>} : memref<640xf32, #tpu.memory_space<vmem>>, vector<16xf32>, vector<16xi1>
      %swap3A_852 = arith.index_cast %add3A_844 : i32 to index
      %swap3A_853 = tpu.vector_load %arg9[%swap3A_852] masked %and3A_849 {strides = array<i32>} : memref<640xi32, #tpu.memory_space<vmem>>, vector<16xi32>, vector<16xi1>
      tpu.vector_store %arg9[%swap3A_852], %add3A_634 masked %and3A_849 {strides = array<i32>} : memref<640xi32, #tpu.memory_space<vmem>>, vector<16xi32>, vector<16xi1>
      %add3A_854 = arith.addi %add3A_844, %reduce_max3A_649 : i32
      %broadcast_in_dim3A_855 = vector.broadcast %add3A_854 : i32 to vector<16xi32>
      %lt3A_856 = arith.constant 512 : i32
      %lt3A_857 = vector.broadcast %lt3A_856 : i32 to vector<16xi32>
      %lt3A_858 = arith.cmpi slt, %broadcast_in_dim3A_855, %lt3A_857 : vector<16xi32>
      %and3A_859 = arith.andi %and3A_675, %lt3A_858 : vector<16xi1>
      %swap3A_860 = arith.index_cast %add3A_854 : i32 to index
      %swap3A_861 = tpu.vector_load %arg8[%swap3A_860] masked %and3A_859 {strides = array<i32>} : memref<640xf32, #tpu.memory_space<vmem>>, vector<16xf32>, vector<16xi1>
      tpu.vector_store %arg8[%swap3A_860], %get3A_657 masked %and3A_859 {strides = array<i32>} : memref<640xf32, #tpu.memory_space<vmem>>, vector<16xf32>, vector<16xi1>
      %swap3A_862 = arith.index_cast %add3A_854 : i32 to index
      %swap3A_863 = tpu.vector_load %arg9[%swap3A_862] masked %and3A_859 {strides = array<i32>} : memref<640xi32, #tpu.memory_space<vmem>>, vector<16xi32>, vector<16xi1>
      tpu.vector_store %arg9[%swap3A_862], %add3A_669 masked %and3A_859 {strides = array<i32>} : memref<640xi32, #tpu.memory_space<vmem>>, vector<16xi32>, vector<16xi1>
      %add3A_864 = arith.addi %add3A_854, %reduce_max3A_684 : i32
      %broadcast_in_dim3A_865 = vector.broadcast %add3A_864 : i32 to vector<16xi32>
      %lt3A_866 = arith.constant 512 : i32
      %lt3A_867 = vector.broadcast %lt3A_866 : i32 to vector<16xi32>
      %lt3A_868 = arith.cmpi slt, %broadcast_in_dim3A_865, %lt3A_867 : vector<16xi32>
      %and3A_869 = arith.andi %and3A_710, %lt3A_868 : vector<16xi1>
      %swap3A_870 = arith.index_cast %add3A_864 : i32 to index
      %swap3A_871 = tpu.vector_load %arg8[%swap3A_870] masked %and3A_869 {strides = array<i32>} : memref<640xf32, #tpu.memory_space<vmem>>, vector<16xf32>, vector<16xi1>
      tpu.vector_store %arg8[%swap3A_870], %get3A_692 masked %and3A_869 {strides = array<i32>} : memref<640xf32, #tpu.memory_space<vmem>>, vector<16xf32>, vector<16xi1>
      %swap3A_872 = arith.index_cast %add3A_864 : i32 to index
      %swap3A_873 = tpu.vector_load %arg9[%swap3A_872] masked %and3A_869 {strides = array<i32>} : memref<640xi32, #tpu.memory_space<vmem>>, vector<16xi32>, vector<16xi1>
      tpu.vector_store %arg9[%swap3A_872], %add3A_704 masked %and3A_869 {strides = array<i32>} : memref<640xi32, #tpu.memory_space<vmem>>, vector<16xi32>, vector<16xi1>
      %add3A_874 = arith.addi %add3A_864, %reduce_max3A_719 : i32
      %broadcast_in_dim3A_875 = vector.broadcast %add3A_874 : i32 to vector<16xi32>
      %lt3A_876 = arith.constant 512 : i32
      %lt3A_877 = vector.broadcast %lt3A_876 : i32 to vector<16xi32>
      %lt3A_878 = arith.cmpi slt, %broadcast_in_dim3A_875, %lt3A_877 : vector<16xi32>
      %and3A_879 = arith.andi %and3A_745, %lt3A_878 : vector<16xi1>
      %swap3A_880 = arith.index_cast %add3A_874 : i32 to index
      %swap3A_881 = tpu.vector_load %arg8[%swap3A_880] masked %and3A_879 {strides = array<i32>} : memref<640xf32, #tpu.memory_space<vmem>>, vector<16xf32>, vector<16xi1>
      tpu.vector_store %arg8[%swap3A_880], %get3A_727 masked %and3A_879 {strides = array<i32>} : memref<640xf32, #tpu.memory_space<vmem>>, vector<16xf32>, vector<16xi1>
      %swap3A_882 = arith.index_cast %add3A_874 : i32 to index
      %swap3A_883 = tpu.vector_load %arg9[%swap3A_882] masked %and3A_879 {strides = array<i32>} : memref<640xi32, #tpu.memory_space<vmem>>, vector<16xi32>, vector<16xi1>
      tpu.vector_store %arg9[%swap3A_882], %add3A_739 masked %and3A_879 {strides = array<i32>} : memref<640xi32, #tpu.memory_space<vmem>>, vector<16xi32>, vector<16xi1>
      %add3A_884 = arith.addi %add3A_874, %reduce_max3A_754 : i32
      %broadcast_in_dim3A_885 = vector.broadcast %add3A_884 : i32 to vector<16xi32>
      %lt3A_886 = arith.constant 512 : i32
      %lt3A_887 = vector.broadcast %lt3A_886 : i32 to vector<16xi32>
      %lt3A_888 = arith.cmpi slt, %broadcast_in_dim3A_885, %lt3A_887 : vector<16xi32>
      %and3A_889 = arith.andi %and3A_780, %lt3A_888 : vector<16xi1>
      %swap3A_890 = arith.index_cast %add3A_884 : i32 to index
      %swap3A_891 = tpu.vector_load %arg8[%swap3A_890] masked %and3A_889 {strides = array<i32>} : memref<640xf32, #tpu.memory_space<vmem>>, vector<16xf32>, vector<16xi1>
      tpu.vector_store %arg8[%swap3A_890], %get3A_762 masked %and3A_889 {strides = array<i32>} : memref<640xf32, #tpu.memory_space<vmem>>, vector<16xf32>, vector<16xi1>
      %swap3A_892 = arith.index_cast %add3A_884 : i32 to index
      %swap3A_893 = tpu.vector_load %arg9[%swap3A_892] masked %and3A_889 {strides = array<i32>} : memref<640xi32, #tpu.memory_space<vmem>>, vector<16xi32>, vector<16xi1>
      tpu.vector_store %arg9[%swap3A_892], %add3A_774 masked %and3A_889 {strides = array<i32>} : memref<640xi32, #tpu.memory_space<vmem>>, vector<16xi32>, vector<16xi1>
      %add3A_894 = arith.addi %add3A_884, %reduce_max3A_789 : i32
      %broadcast_in_dim3A_895 = vector.broadcast %add3A_894 : i32 to vector<16xi32>
      %lt3A_896 = arith.constant 512 : i32
      %lt3A_897 = vector.broadcast %lt3A_896 : i32 to vector<16xi32>
      %lt3A_898 = arith.cmpi slt, %broadcast_in_dim3A_895, %lt3A_897 : vector<16xi32>
      %and3A_899 = arith.andi %and3A_815, %lt3A_898 : vector<16xi1>
      %swap3A_900 = arith.index_cast %add3A_894 : i32 to index
      %swap3A_901 = tpu.vector_load %arg8[%swap3A_900] masked %and3A_899 {strides = array<i32>} : memref<640xf32, #tpu.memory_space<vmem>>, vector<16xf32>, vector<16xi1>
      tpu.vector_store %arg8[%swap3A_900], %get3A_797 masked %and3A_899 {strides = array<i32>} : memref<640xf32, #tpu.memory_space<vmem>>, vector<16xf32>, vector<16xi1>
      %swap3A_902 = arith.index_cast %add3A_894 : i32 to index
      %swap3A_903 = tpu.vector_load %arg9[%swap3A_902] masked %and3A_899 {strides = array<i32>} : memref<640xi32, #tpu.memory_space<vmem>>, vector<16xi32>, vector<16xi1>
      tpu.vector_store %arg9[%swap3A_902], %add3A_809 masked %and3A_899 {strides = array<i32>} : memref<640xi32, #tpu.memory_space<vmem>>, vector<16xi32>, vector<16xi1>
      %add3A_904 = arith.addi %add3A_894, %reduce_max3A_824 : i32
      scf.yield %add3A_904 : i32
    }
    %scan3A_537 = arith.constant 208 : i32
    %min3A_538 = arith.constant 512 : i32
    %min3A_539 = arith.minsi %scan3A_536, %min3A_538 : i32
    %broadcast_in_dim3A_540 = vector.broadcast %min3A_539 : i32 to vector<16xi32>
    %swap3A_541 = arith.constant 0 : index
    %swap3A_542 = tpu.vector_load %arg17[%swap3A_541] {strides = array<i32>} : memref<128xi32, #tpu.memory_space<vmem>>, vector<16xi32>,
    tpu.vector_store %arg17[%swap3A_541], %broadcast_in_dim3A_540 {strides = array<i32>} : memref<128xi32, #tpu.memory_space<vmem>>, vector<16xi32>,
    "tpu.region"() ({
      %run_scoped3A = tpu.sem_alloc : memref<!tpu.dma_semaphore, #tpu.memory_space<semaphore_mem>>
      %dma_start3A_546 = arith.constant 0 : i32
      %dma_start3A_547 = tpu.memref_slice %arg22[%arg1, %dma_start3A_546] : memref<16x128xi32, #tpu.memory_space<vmem_shared>> -> memref<1x128xi32, #tpu.memory_space<vmem_shared>>
      %dma_start3A_548 = tpu.memref_squeeze %dma_start3A_547 : memref<1x128xi32, #tpu.memory_space<vmem_shared>> -> memref<128xi32, #tpu.memory_space<vmem_shared>>
      %dma_start3A_549 = arith.constant 0 : i32
      %dma_start3A_550 = tpu.memref_slice %arg22[%arg1, %dma_start3A_549] : memref<16x128xi32, #tpu.memory_space<vmem_shared>> -> memref<1x128xi32, #tpu.memory_space<vmem_shared>>
      %dma_start3A_551 = tpu.memref_squeeze %dma_start3A_550 : memref<1x128xi32, #tpu.memory_space<vmem_shared>> -> memref<128xi32, #tpu.memory_space<vmem_shared>>
      tpu.enqueue_dma source(%arg17 : memref<128xi32, #tpu.memory_space<vmem>>) target(%dma_start3A_551 : memref<128xi32, #tpu.memory_space<vmem_shared>>) target_semaphore(%run_scoped3A : memref<!tpu.dma_semaphore, #tpu.memory_space<semaphore_mem>>)
      %dma_wait3A_552 = arith.constant 0 : i32
      %dma_wait3A_553 = tpu.memref_slice %arg22[%arg1, %dma_wait3A_552] : memref<16x128xi32, #tpu.memory_space<vmem_shared>> -> memref<1x128xi32, #tpu.memory_space<vmem_shared>>
      %dma_wait3A_554 = tpu.memref_squeeze %dma_wait3A_553 : memref<1x128xi32, #tpu.memory_space<vmem_shared>> -> memref<128xi32, #tpu.memory_space<vmem_shared>>
      %dma_wait3A_555 = arith.constant 0 : i32
      %dma_wait3A_556 = tpu.memref_slice %arg22[%arg1, %dma_wait3A_555] : memref<16x128xi32, #tpu.memory_space<vmem_shared>> -> memref<1x128xi32, #tpu.memory_space<vmem_shared>>
      %dma_wait3A_557 = tpu.memref_squeeze %dma_wait3A_556 : memref<1x128xi32, #tpu.memory_space<vmem_shared>> -> memref<128xi32, #tpu.memory_space<vmem_shared>>
      tpu.wait_dma2 semaphore(%run_scoped3A : memref<!tpu.dma_semaphore, #tpu.memory_space<semaphore_mem>>) src(%arg17 : memref<128xi32, #tpu.memory_space<vmem>>) dst(%dma_wait3A_557 : memref<128xi32, #tpu.memory_space<vmem_shared>>)
      tpu.yield
    }) : () -> ()
    "tpu.region"() ({
      %run_scoped3A = tpu.sem_alloc : memref<!tpu.dma_semaphore, #tpu.memory_space<semaphore_mem>>
      %dma_start3A_546 = arith.constant 0 : i32
      %dma_start3A_547 = tpu.memref_slice %arg23[%arg1, %dma_start3A_546] : memref<16x640xf32, #tpu.memory_space<vmem_shared>> -> memref<1x640xf32, #tpu.memory_space<vmem_shared>>
      %dma_start3A_548 = tpu.memref_squeeze %dma_start3A_547 : memref<1x640xf32, #tpu.memory_space<vmem_shared>> -> memref<640xf32, #tpu.memory_space<vmem_shared>>
      %dma_start3A_549 = arith.constant 0 : i32
      %dma_start3A_550 = tpu.memref_slice %arg23[%arg1, %dma_start3A_549] : memref<16x640xf32, #tpu.memory_space<vmem_shared>> -> memref<1x640xf32, #tpu.memory_space<vmem_shared>>
      %dma_start3A_551 = tpu.memref_squeeze %dma_start3A_550 : memref<1x640xf32, #tpu.memory_space<vmem_shared>> -> memref<640xf32, #tpu.memory_space<vmem_shared>>
      tpu.enqueue_dma source(%arg8 : memref<640xf32, #tpu.memory_space<vmem>>) target(%dma_start3A_551 : memref<640xf32, #tpu.memory_space<vmem_shared>>) target_semaphore(%run_scoped3A : memref<!tpu.dma_semaphore, #tpu.memory_space<semaphore_mem>>)
      %dma_wait3A_552 = arith.constant 0 : i32
      %dma_wait3A_553 = tpu.memref_slice %arg23[%arg1, %dma_wait3A_552] : memref<16x640xf32, #tpu.memory_space<vmem_shared>> -> memref<1x640xf32, #tpu.memory_space<vmem_shared>>
      %dma_wait3A_554 = tpu.memref_squeeze %dma_wait3A_553 : memref<1x640xf32, #tpu.memory_space<vmem_shared>> -> memref<640xf32, #tpu.memory_space<vmem_shared>>
      %dma_wait3A_555 = arith.constant 0 : i32
      %dma_wait3A_556 = tpu.memref_slice %arg23[%arg1, %dma_wait3A_555] : memref<16x640xf32, #tpu.memory_space<vmem_shared>> -> memref<1x640xf32, #tpu.memory_space<vmem_shared>>
      %dma_wait3A_557 = tpu.memref_squeeze %dma_wait3A_556 : memref<1x640xf32, #tpu.memory_space<vmem_shared>> -> memref<640xf32, #tpu.memory_space<vmem_shared>>
      tpu.wait_dma2 semaphore(%run_scoped3A : memref<!tpu.dma_semaphore, #tpu.memory_space<semaphore_mem>>) src(%arg8 : memref<640xf32, #tpu.memory_space<vmem>>) dst(%dma_wait3A_557 : memref<640xf32, #tpu.memory_space<vmem_shared>>)
      tpu.yield
    }) : () -> ()
    "tpu.region"() ({
      %run_scoped3A = tpu.sem_alloc : memref<!tpu.dma_semaphore, #tpu.memory_space<semaphore_mem>>
      %dma_start3A_546 = arith.constant 0 : i32
      %dma_start3A_547 = tpu.memref_slice %arg24[%arg1, %dma_start3A_546] : memref<16x640xi32, #tpu.memory_space<vmem_shared>> -> memref<1x640xi32, #tpu.memory_space<vmem_shared>>
      %dma_start3A_548 = tpu.memref_squeeze %dma_start3A_547 : memref<1x640xi32, #tpu.memory_space<vmem_shared>> -> memref<640xi32, #tpu.memory_space<vmem_shared>>
      %dma_start3A_549 = arith.constant 0 : i32
      %dma_start3A_550 = tpu.memref_slice %arg24[%arg1, %dma_start3A_549] : memref<16x640xi32, #tpu.memory_space<vmem_shared>> -> memref<1x640xi32, #tpu.memory_space<vmem_shared>>
      %dma_start3A_551 = tpu.memref_squeeze %dma_start3A_550 : memref<1x640xi32, #tpu.memory_space<vmem_shared>> -> memref<640xi32, #tpu.memory_space<vmem_shared>>
      tpu.enqueue_dma source(%arg9 : memref<640xi32, #tpu.memory_space<vmem>>) target(%dma_start3A_551 : memref<640xi32, #tpu.memory_space<vmem_shared>>) target_semaphore(%run_scoped3A : memref<!tpu.dma_semaphore, #tpu.memory_space<semaphore_mem>>)
      %dma_wait3A_552 = arith.constant 0 : i32
      %dma_wait3A_553 = tpu.memref_slice %arg24[%arg1, %dma_wait3A_552] : memref<16x640xi32, #tpu.memory_space<vmem_shared>> -> memref<1x640xi32, #tpu.memory_space<vmem_shared>>
      %dma_wait3A_554 = tpu.memref_squeeze %dma_wait3A_553 : memref<1x640xi32, #tpu.memory_space<vmem_shared>> -> memref<640xi32, #tpu.memory_space<vmem_shared>>
      %dma_wait3A_555 = arith.constant 0 : i32
      %dma_wait3A_556 = tpu.memref_slice %arg24[%arg1, %dma_wait3A_555] : memref<16x640xi32, #tpu.memory_space<vmem_shared>> -> memref<1x640xi32, #tpu.memory_space<vmem_shared>>
      %dma_wait3A_557 = tpu.memref_squeeze %dma_wait3A_556 : memref<1x640xi32, #tpu.memory_space<vmem_shared>> -> memref<640xi32, #tpu.memory_space<vmem_shared>>
      tpu.wait_dma2 semaphore(%run_scoped3A : memref<!tpu.dma_semaphore, #tpu.memory_space<semaphore_mem>>) src(%arg9 : memref<640xi32, #tpu.memory_space<vmem>>) dst(%dma_wait3A_557 : memref<640xi32, #tpu.memory_space<vmem_shared>>)
      tpu.yield
    }) : () -> ()
    %barrier3A_543 = arith.constant 0 : index
    tpu.barrier barrier_id(%barrier3A_543)
    %lt3A = arith.constant 4 : i32
    %lt3A_544 = arith.cmpi slt, %arg1, %lt3A : i32
    %convert_element_type3A = arith.extui %lt3A_544 : i1 to i32
    %cond3A = arith.constant 0 : i32
    %cond3A_545 = arith.cmpi ne, %convert_element_type3A, %cond3A : i32
    scf.if %cond3A_545 {
      %add3A_546 = arith.constant 0 : i32
      %add3A_547 = arith.addi %add3A_546, %arg1 : i32
      "tpu.region"() ({
        %run_scoped3A = tpu.sem_alloc : memref<!tpu.dma_semaphore, #tpu.memory_space<semaphore_mem>>
        %dma_start3A_903 = arith.constant 0 : i32
        %dma_start3A_904 = tpu.memref_slice %arg10[%dma_start3A_903] : memref<2560xf32, #tpu.memory_space<vmem>> -> memref<640xf32, #tpu.memory_space<vmem>>
        %dma_start3A_905 = arith.constant 0 : i32
        %dma_start3A_906 = tpu.memref_slice %arg23[%add3A_547, %dma_start3A_905] : memref<16x640xf32, #tpu.memory_space<vmem_shared>> -> memref<1x640xf32, #tpu.memory_space<vmem_shared>>
        %dma_start3A_907 = tpu.memref_squeeze %dma_start3A_906 : memref<1x640xf32, #tpu.memory_space<vmem_shared>> -> memref<640xf32, #tpu.memory_space<vmem_shared>>
        %dma_start3A_908 = arith.constant 0 : i32
        %dma_start3A_909 = tpu.memref_slice %arg10[%dma_start3A_908] : memref<2560xf32, #tpu.memory_space<vmem>> -> memref<640xf32, #tpu.memory_space<vmem>>
        %dma_start3A_910 = arith.constant 0 : i32
        %dma_start3A_911 = tpu.memref_slice %arg23[%add3A_547, %dma_start3A_910] : memref<16x640xf32, #tpu.memory_space<vmem_shared>> -> memref<1x640xf32, #tpu.memory_space<vmem_shared>>
        %dma_start3A_912 = tpu.memref_squeeze %dma_start3A_911 : memref<1x640xf32, #tpu.memory_space<vmem_shared>> -> memref<640xf32, #tpu.memory_space<vmem_shared>>
        tpu.enqueue_dma source(%dma_start3A_912 : memref<640xf32, #tpu.memory_space<vmem_shared>>) target(%dma_start3A_909 : memref<640xf32, #tpu.memory_space<vmem>>) target_semaphore(%run_scoped3A : memref<!tpu.dma_semaphore, #tpu.memory_space<semaphore_mem>>)
        %dma_wait3A_913 = arith.constant 0 : i32
        %dma_wait3A_914 = tpu.memref_slice %arg10[%dma_wait3A_913] : memref<2560xf32, #tpu.memory_space<vmem>> -> memref<640xf32, #tpu.memory_space<vmem>>
        %dma_wait3A_915 = arith.constant 0 : i32
        %dma_wait3A_916 = tpu.memref_slice %arg23[%add3A_547, %dma_wait3A_915] : memref<16x640xf32, #tpu.memory_space<vmem_shared>> -> memref<1x640xf32, #tpu.memory_space<vmem_shared>>
        %dma_wait3A_917 = tpu.memref_squeeze %dma_wait3A_916 : memref<1x640xf32, #tpu.memory_space<vmem_shared>> -> memref<640xf32, #tpu.memory_space<vmem_shared>>
        %dma_wait3A_918 = arith.constant 0 : i32
        %dma_wait3A_919 = tpu.memref_slice %arg10[%dma_wait3A_918] : memref<2560xf32, #tpu.memory_space<vmem>> -> memref<640xf32, #tpu.memory_space<vmem>>
        %dma_wait3A_920 = arith.constant 0 : i32
        %dma_wait3A_921 = tpu.memref_slice %arg23[%add3A_547, %dma_wait3A_920] : memref<16x640xf32, #tpu.memory_space<vmem_shared>> -> memref<1x640xf32, #tpu.memory_space<vmem_shared>>
        %dma_wait3A_922 = tpu.memref_squeeze %dma_wait3A_921 : memref<1x640xf32, #tpu.memory_space<vmem_shared>> -> memref<640xf32, #tpu.memory_space<vmem_shared>>
        tpu.wait_dma2 semaphore(%run_scoped3A : memref<!tpu.dma_semaphore, #tpu.memory_space<semaphore_mem>>) src(%dma_wait3A_922 : memref<640xf32, #tpu.memory_space<vmem_shared>>) dst(%dma_wait3A_919 : memref<640xf32, #tpu.memory_space<vmem>>)
        tpu.yield
      }) : () -> ()
      %add3A_548 = arith.constant 0 : i32
      %add3A_549 = arith.addi %add3A_548, %arg1 : i32
      "tpu.region"() ({
        %run_scoped3A = tpu.sem_alloc : memref<!tpu.dma_semaphore, #tpu.memory_space<semaphore_mem>>
        %dma_start3A_903 = arith.constant 0 : i32
        %dma_start3A_904 = tpu.memref_slice %arg11[%dma_start3A_903] : memref<2560xi32, #tpu.memory_space<vmem>> -> memref<640xi32, #tpu.memory_space<vmem>>
        %dma_start3A_905 = arith.constant 0 : i32
        %dma_start3A_906 = tpu.memref_slice %arg24[%add3A_549, %dma_start3A_905] : memref<16x640xi32, #tpu.memory_space<vmem_shared>> -> memref<1x640xi32, #tpu.memory_space<vmem_shared>>
        %dma_start3A_907 = tpu.memref_squeeze %dma_start3A_906 : memref<1x640xi32, #tpu.memory_space<vmem_shared>> -> memref<640xi32, #tpu.memory_space<vmem_shared>>
        %dma_start3A_908 = arith.constant 0 : i32
        %dma_start3A_909 = tpu.memref_slice %arg11[%dma_start3A_908] : memref<2560xi32, #tpu.memory_space<vmem>> -> memref<640xi32, #tpu.memory_space<vmem>>
        %dma_start3A_910 = arith.constant 0 : i32
        %dma_start3A_911 = tpu.memref_slice %arg24[%add3A_549, %dma_start3A_910] : memref<16x640xi32, #tpu.memory_space<vmem_shared>> -> memref<1x640xi32, #tpu.memory_space<vmem_shared>>
        %dma_start3A_912 = tpu.memref_squeeze %dma_start3A_911 : memref<1x640xi32, #tpu.memory_space<vmem_shared>> -> memref<640xi32, #tpu.memory_space<vmem_shared>>
        tpu.enqueue_dma source(%dma_start3A_912 : memref<640xi32, #tpu.memory_space<vmem_shared>>) target(%dma_start3A_909 : memref<640xi32, #tpu.memory_space<vmem>>) target_semaphore(%run_scoped3A : memref<!tpu.dma_semaphore, #tpu.memory_space<semaphore_mem>>)
        %dma_wait3A_913 = arith.constant 0 : i32
        %dma_wait3A_914 = tpu.memref_slice %arg11[%dma_wait3A_913] : memref<2560xi32, #tpu.memory_space<vmem>> -> memref<640xi32, #tpu.memory_space<vmem>>
        %dma_wait3A_915 = arith.constant 0 : i32
        %dma_wait3A_916 = tpu.memref_slice %arg24[%add3A_549, %dma_wait3A_915] : memref<16x640xi32, #tpu.memory_space<vmem_shared>> -> memref<1x640xi32, #tpu.memory_space<vmem_shared>>
        %dma_wait3A_917 = tpu.memref_squeeze %dma_wait3A_916 : memref<1x640xi32, #tpu.memory_space<vmem_shared>> -> memref<640xi32, #tpu.memory_space<vmem_shared>>
        %dma_wait3A_918 = arith.constant 0 : i32
        %dma_wait3A_919 = tpu.memref_slice %arg11[%dma_wait3A_918] : memref<2560xi32, #tpu.memory_space<vmem>> -> memref<640xi32, #tpu.memory_space<vmem>>
        %dma_wait3A_920 = arith.constant 0 : i32
        %dma_wait3A_921 = tpu.memref_slice %arg24[%add3A_549, %dma_wait3A_920] : memref<16x640xi32, #tpu.memory_space<vmem_shared>> -> memref<1x640xi32, #tpu.memory_space<vmem_shared>>
        %dma_wait3A_922 = tpu.memref_squeeze %dma_wait3A_921 : memref<1x640xi32, #tpu.memory_space<vmem_shared>> -> memref<640xi32, #tpu.memory_space<vmem_shared>>
        tpu.wait_dma2 semaphore(%run_scoped3A : memref<!tpu.dma_semaphore, #tpu.memory_space<semaphore_mem>>) src(%dma_wait3A_922 : memref<640xi32, #tpu.memory_space<vmem_shared>>) dst(%dma_wait3A_919 : memref<640xi32, #tpu.memory_space<vmem>>)
        tpu.yield
      }) : () -> ()
      %add3A_550 = arith.constant 0 : i32
      %add3A_551 = arith.addi %add3A_550, %arg1 : i32
      "tpu.region"() ({
        %run_scoped3A = tpu.sem_alloc : memref<!tpu.dma_semaphore, #tpu.memory_space<semaphore_mem>>
        %dma_start3A_903 = arith.constant 0 : i32
        %dma_start3A_904 = tpu.memref_slice %arg12[%dma_start3A_903] : memref<512xi32, #tpu.memory_space<vmem>> -> memref<128xi32, #tpu.memory_space<vmem>>
        %dma_start3A_905 = arith.constant 0 : i32
        %dma_start3A_906 = tpu.memref_slice %arg22[%add3A_551, %dma_start3A_905] : memref<16x128xi32, #tpu.memory_space<vmem_shared>> -> memref<1x128xi32, #tpu.memory_space<vmem_shared>>
        %dma_start3A_907 = tpu.memref_squeeze %dma_start3A_906 : memref<1x128xi32, #tpu.memory_space<vmem_shared>> -> memref<128xi32, #tpu.memory_space<vmem_shared>>
        %dma_start3A_908 = arith.constant 0 : i32
        %dma_start3A_909 = tpu.memref_slice %arg12[%dma_start3A_908] : memref<512xi32, #tpu.memory_space<vmem>> -> memref<128xi32, #tpu.memory_space<vmem>>
        %dma_start3A_910 = arith.constant 0 : i32
        %dma_start3A_911 = tpu.memref_slice %arg22[%add3A_551, %dma_start3A_910] : memref<16x128xi32, #tpu.memory_space<vmem_shared>> -> memref<1x128xi32, #tpu.memory_space<vmem_shared>>
        %dma_start3A_912 = tpu.memref_squeeze %dma_start3A_911 : memref<1x128xi32, #tpu.memory_space<vmem_shared>> -> memref<128xi32, #tpu.memory_space<vmem_shared>>
        tpu.enqueue_dma source(%dma_start3A_912 : memref<128xi32, #tpu.memory_space<vmem_shared>>) target(%dma_start3A_909 : memref<128xi32, #tpu.memory_space<vmem>>) target_semaphore(%run_scoped3A : memref<!tpu.dma_semaphore, #tpu.memory_space<semaphore_mem>>)
        %dma_wait3A_913 = arith.constant 0 : i32
        %dma_wait3A_914 = tpu.memref_slice %arg12[%dma_wait3A_913] : memref<512xi32, #tpu.memory_space<vmem>> -> memref<128xi32, #tpu.memory_space<vmem>>
        %dma_wait3A_915 = arith.constant 0 : i32
        %dma_wait3A_916 = tpu.memref_slice %arg22[%add3A_551, %dma_wait3A_915] : memref<16x128xi32, #tpu.memory_space<vmem_shared>> -> memref<1x128xi32, #tpu.memory_space<vmem_shared>>
        %dma_wait3A_917 = tpu.memref_squeeze %dma_wait3A_916 : memref<1x128xi32, #tpu.memory_space<vmem_shared>> -> memref<128xi32, #tpu.memory_space<vmem_shared>>
        %dma_wait3A_918 = arith.constant 0 : i32
        %dma_wait3A_919 = tpu.memref_slice %arg12[%dma_wait3A_918] : memref<512xi32, #tpu.memory_space<vmem>> -> memref<128xi32, #tpu.memory_space<vmem>>
        %dma_wait3A_920 = arith.constant 0 : i32
        %dma_wait3A_921 = tpu.memref_slice %arg22[%add3A_551, %dma_wait3A_920] : memref<16x128xi32, #tpu.memory_space<vmem_shared>> -> memref<1x128xi32, #tpu.memory_space<vmem_shared>>
        %dma_wait3A_922 = tpu.memref_squeeze %dma_wait3A_921 : memref<1x128xi32, #tpu.memory_space<vmem_shared>> -> memref<128xi32, #tpu.memory_space<vmem_shared>>
        tpu.wait_dma2 semaphore(%run_scoped3A : memref<!tpu.dma_semaphore, #tpu.memory_space<semaphore_mem>>) src(%dma_wait3A_922 : memref<128xi32, #tpu.memory_space<vmem_shared>>) dst(%dma_wait3A_919 : memref<128xi32, #tpu.memory_space<vmem>>)
        tpu.yield
      }) : () -> ()
      %add3A_552 = arith.constant 4 : i32
      %add3A_553 = arith.addi %add3A_552, %arg1 : i32
      "tpu.region"() ({
        %run_scoped3A = tpu.sem_alloc : memref<!tpu.dma_semaphore, #tpu.memory_space<semaphore_mem>>
        %dma_start3A_903 = arith.constant 640 : i32
        %dma_start3A_904 = tpu.memref_slice %arg10[%dma_start3A_903] : memref<2560xf32, #tpu.memory_space<vmem>> -> memref<640xf32, #tpu.memory_space<vmem>>
        %dma_start3A_905 = arith.constant 0 : i32
        %dma_start3A_906 = tpu.memref_slice %arg23[%add3A_553, %dma_start3A_905] : memref<16x640xf32, #tpu.memory_space<vmem_shared>> -> memref<1x640xf32, #tpu.memory_space<vmem_shared>>
        %dma_start3A_907 = tpu.memref_squeeze %dma_start3A_906 : memref<1x640xf32, #tpu.memory_space<vmem_shared>> -> memref<640xf32, #tpu.memory_space<vmem_shared>>
        %dma_start3A_908 = arith.constant 640 : i32
        %dma_start3A_909 = tpu.memref_slice %arg10[%dma_start3A_908] : memref<2560xf32, #tpu.memory_space<vmem>> -> memref<640xf32, #tpu.memory_space<vmem>>
        %dma_start3A_910 = arith.constant 0 : i32
        %dma_start3A_911 = tpu.memref_slice %arg23[%add3A_553, %dma_start3A_910] : memref<16x640xf32, #tpu.memory_space<vmem_shared>> -> memref<1x640xf32, #tpu.memory_space<vmem_shared>>
        %dma_start3A_912 = tpu.memref_squeeze %dma_start3A_911 : memref<1x640xf32, #tpu.memory_space<vmem_shared>> -> memref<640xf32, #tpu.memory_space<vmem_shared>>
        tpu.enqueue_dma source(%dma_start3A_912 : memref<640xf32, #tpu.memory_space<vmem_shared>>) target(%dma_start3A_909 : memref<640xf32, #tpu.memory_space<vmem>>) target_semaphore(%run_scoped3A : memref<!tpu.dma_semaphore, #tpu.memory_space<semaphore_mem>>)
        %dma_wait3A_913 = arith.constant 640 : i32
        %dma_wait3A_914 = tpu.memref_slice %arg10[%dma_wait3A_913] : memref<2560xf32, #tpu.memory_space<vmem>> -> memref<640xf32, #tpu.memory_space<vmem>>
        %dma_wait3A_915 = arith.constant 0 : i32
        %dma_wait3A_916 = tpu.memref_slice %arg23[%add3A_553, %dma_wait3A_915] : memref<16x640xf32, #tpu.memory_space<vmem_shared>> -> memref<1x640xf32, #tpu.memory_space<vmem_shared>>
        %dma_wait3A_917 = tpu.memref_squeeze %dma_wait3A_916 : memref<1x640xf32, #tpu.memory_space<vmem_shared>> -> memref<640xf32, #tpu.memory_space<vmem_shared>>
        %dma_wait3A_918 = arith.constant 640 : i32
        %dma_wait3A_919 = tpu.memref_slice %arg10[%dma_wait3A_918] : memref<2560xf32, #tpu.memory_space<vmem>> -> memref<640xf32, #tpu.memory_space<vmem>>
        %dma_wait3A_920 = arith.constant 0 : i32
        %dma_wait3A_921 = tpu.memref_slice %arg23[%add3A_553, %dma_wait3A_920] : memref<16x640xf32, #tpu.memory_space<vmem_shared>> -> memref<1x640xf32, #tpu.memory_space<vmem_shared>>
        %dma_wait3A_922 = tpu.memref_squeeze %dma_wait3A_921 : memref<1x640xf32, #tpu.memory_space<vmem_shared>> -> memref<640xf32, #tpu.memory_space<vmem_shared>>
        tpu.wait_dma2 semaphore(%run_scoped3A : memref<!tpu.dma_semaphore, #tpu.memory_space<semaphore_mem>>) src(%dma_wait3A_922 : memref<640xf32, #tpu.memory_space<vmem_shared>>) dst(%dma_wait3A_919 : memref<640xf32, #tpu.memory_space<vmem>>)
        tpu.yield
      }) : () -> ()
      %add3A_554 = arith.constant 4 : i32
      %add3A_555 = arith.addi %add3A_554, %arg1 : i32
      "tpu.region"() ({
        %run_scoped3A = tpu.sem_alloc : memref<!tpu.dma_semaphore, #tpu.memory_space<semaphore_mem>>
        %dma_start3A_903 = arith.constant 640 : i32
        %dma_start3A_904 = tpu.memref_slice %arg11[%dma_start3A_903] : memref<2560xi32, #tpu.memory_space<vmem>> -> memref<640xi32, #tpu.memory_space<vmem>>
        %dma_start3A_905 = arith.constant 0 : i32
        %dma_start3A_906 = tpu.memref_slice %arg24[%add3A_555, %dma_start3A_905] : memref<16x640xi32, #tpu.memory_space<vmem_shared>> -> memref<1x640xi32, #tpu.memory_space<vmem_shared>>
        %dma_start3A_907 = tpu.memref_squeeze %dma_start3A_906 : memref<1x640xi32, #tpu.memory_space<vmem_shared>> -> memref<640xi32, #tpu.memory_space<vmem_shared>>
        %dma_start3A_908 = arith.constant 640 : i32
        %dma_start3A_909 = tpu.memref_slice %arg11[%dma_start3A_908] : memref<2560xi32, #tpu.memory_space<vmem>> -> memref<640xi32, #tpu.memory_space<vmem>>
        %dma_start3A_910 = arith.constant 0 : i32
        %dma_start3A_911 = tpu.memref_slice %arg24[%add3A_555, %dma_start3A_910] : memref<16x640xi32, #tpu.memory_space<vmem_shared>> -> memref<1x640xi32, #tpu.memory_space<vmem_shared>>
        %dma_start3A_912 = tpu.memref_squeeze %dma_start3A_911 : memref<1x640xi32, #tpu.memory_space<vmem_shared>> -> memref<640xi32, #tpu.memory_space<vmem_shared>>
        tpu.enqueue_dma source(%dma_start3A_912 : memref<640xi32, #tpu.memory_space<vmem_shared>>) target(%dma_start3A_909 : memref<640xi32, #tpu.memory_space<vmem>>) target_semaphore(%run_scoped3A : memref<!tpu.dma_semaphore, #tpu.memory_space<semaphore_mem>>)
        %dma_wait3A_913 = arith.constant 640 : i32
        %dma_wait3A_914 = tpu.memref_slice %arg11[%dma_wait3A_913] : memref<2560xi32, #tpu.memory_space<vmem>> -> memref<640xi32, #tpu.memory_space<vmem>>
        %dma_wait3A_915 = arith.constant 0 : i32
        %dma_wait3A_916 = tpu.memref_slice %arg24[%add3A_555, %dma_wait3A_915] : memref<16x640xi32, #tpu.memory_space<vmem_shared>> -> memref<1x640xi32, #tpu.memory_space<vmem_shared>>
        %dma_wait3A_917 = tpu.memref_squeeze %dma_wait3A_916 : memref<1x640xi32, #tpu.memory_space<vmem_shared>> -> memref<640xi32, #tpu.memory_space<vmem_shared>>
        %dma_wait3A_918 = arith.constant 640 : i32
        %dma_wait3A_919 = tpu.memref_slice %arg11[%dma_wait3A_918] : memref<2560xi32, #tpu.memory_space<vmem>> -> memref<640xi32, #tpu.memory_space<vmem>>
        %dma_wait3A_920 = arith.constant 0 : i32
        %dma_wait3A_921 = tpu.memref_slice %arg24[%add3A_555, %dma_wait3A_920] : memref<16x640xi32, #tpu.memory_space<vmem_shared>> -> memref<1x640xi32, #tpu.memory_space<vmem_shared>>
        %dma_wait3A_922 = tpu.memref_squeeze %dma_wait3A_921 : memref<1x640xi32, #tpu.memory_space<vmem_shared>> -> memref<640xi32, #tpu.memory_space<vmem_shared>>
        tpu.wait_dma2 semaphore(%run_scoped3A : memref<!tpu.dma_semaphore, #tpu.memory_space<semaphore_mem>>) src(%dma_wait3A_922 : memref<640xi32, #tpu.memory_space<vmem_shared>>) dst(%dma_wait3A_919 : memref<640xi32, #tpu.memory_space<vmem>>)
        tpu.yield
      }) : () -> ()
      %add3A_556 = arith.constant 4 : i32
      %add3A_557 = arith.addi %add3A_556, %arg1 : i32
      "tpu.region"() ({
        %run_scoped3A = tpu.sem_alloc : memref<!tpu.dma_semaphore, #tpu.memory_space<semaphore_mem>>
        %dma_start3A_903 = arith.constant 128 : i32
        %dma_start3A_904 = tpu.memref_slice %arg12[%dma_start3A_903] : memref<512xi32, #tpu.memory_space<vmem>> -> memref<128xi32, #tpu.memory_space<vmem>>
        %dma_start3A_905 = arith.constant 0 : i32
        %dma_start3A_906 = tpu.memref_slice %arg22[%add3A_557, %dma_start3A_905] : memref<16x128xi32, #tpu.memory_space<vmem_shared>> -> memref<1x128xi32, #tpu.memory_space<vmem_shared>>
        %dma_start3A_907 = tpu.memref_squeeze %dma_start3A_906 : memref<1x128xi32, #tpu.memory_space<vmem_shared>> -> memref<128xi32, #tpu.memory_space<vmem_shared>>
        %dma_start3A_908 = arith.constant 128 : i32
        %dma_start3A_909 = tpu.memref_slice %arg12[%dma_start3A_908] : memref<512xi32, #tpu.memory_space<vmem>> -> memref<128xi32, #tpu.memory_space<vmem>>
        %dma_start3A_910 = arith.constant 0 : i32
        %dma_start3A_911 = tpu.memref_slice %arg22[%add3A_557, %dma_start3A_910] : memref<16x128xi32, #tpu.memory_space<vmem_shared>> -> memref<1x128xi32, #tpu.memory_space<vmem_shared>>
        %dma_start3A_912 = tpu.memref_squeeze %dma_start3A_911 : memref<1x128xi32, #tpu.memory_space<vmem_shared>> -> memref<128xi32, #tpu.memory_space<vmem_shared>>
        tpu.enqueue_dma source(%dma_start3A_912 : memref<128xi32, #tpu.memory_space<vmem_shared>>) target(%dma_start3A_909 : memref<128xi32, #tpu.memory_space<vmem>>) target_semaphore(%run_scoped3A : memref<!tpu.dma_semaphore, #tpu.memory_space<semaphore_mem>>)
        %dma_wait3A_913 = arith.constant 128 : i32
        %dma_wait3A_914 = tpu.memref_slice %arg12[%dma_wait3A_913] : memref<512xi32, #tpu.memory_space<vmem>> -> memref<128xi32, #tpu.memory_space<vmem>>
        %dma_wait3A_915 = arith.constant 0 : i32
        %dma_wait3A_916 = tpu.memref_slice %arg22[%add3A_557, %dma_wait3A_915] : memref<16x128xi32, #tpu.memory_space<vmem_shared>> -> memref<1x128xi32, #tpu.memory_space<vmem_shared>>
        %dma_wait3A_917 = tpu.memref_squeeze %dma_wait3A_916 : memref<1x128xi32, #tpu.memory_space<vmem_shared>> -> memref<128xi32, #tpu.memory_space<vmem_shared>>
        %dma_wait3A_918 = arith.constant 128 : i32
        %dma_wait3A_919 = tpu.memref_slice %arg12[%dma_wait3A_918] : memref<512xi32, #tpu.memory_space<vmem>> -> memref<128xi32, #tpu.memory_space<vmem>>
        %dma_wait3A_920 = arith.constant 0 : i32
        %dma_wait3A_921 = tpu.memref_slice %arg22[%add3A_557, %dma_wait3A_920] : memref<16x128xi32, #tpu.memory_space<vmem_shared>> -> memref<1x128xi32, #tpu.memory_space<vmem_shared>>
        %dma_wait3A_922 = tpu.memref_squeeze %dma_wait3A_921 : memref<1x128xi32, #tpu.memory_space<vmem_shared>> -> memref<128xi32, #tpu.memory_space<vmem_shared>>
        tpu.wait_dma2 semaphore(%run_scoped3A : memref<!tpu.dma_semaphore, #tpu.memory_space<semaphore_mem>>) src(%dma_wait3A_922 : memref<128xi32, #tpu.memory_space<vmem_shared>>) dst(%dma_wait3A_919 : memref<128xi32, #tpu.memory_space<vmem>>)
        tpu.yield
      }) : () -> ()
      %add3A_558 = arith.constant 8 : i32
      %add3A_559 = arith.addi %add3A_558, %arg1 : i32
      "tpu.region"() ({
        %run_scoped3A = tpu.sem_alloc : memref<!tpu.dma_semaphore, #tpu.memory_space<semaphore_mem>>
        %dma_start3A_903 = arith.constant 1280 : i32
        %dma_start3A_904 = tpu.memref_slice %arg10[%dma_start3A_903] : memref<2560xf32, #tpu.memory_space<vmem>> -> memref<640xf32, #tpu.memory_space<vmem>>
        %dma_start3A_905 = arith.constant 0 : i32
        %dma_start3A_906 = tpu.memref_slice %arg23[%add3A_559, %dma_start3A_905] : memref<16x640xf32, #tpu.memory_space<vmem_shared>> -> memref<1x640xf32, #tpu.memory_space<vmem_shared>>
        %dma_start3A_907 = tpu.memref_squeeze %dma_start3A_906 : memref<1x640xf32, #tpu.memory_space<vmem_shared>> -> memref<640xf32, #tpu.memory_space<vmem_shared>>
        %dma_start3A_908 = arith.constant 1280 : i32
        %dma_start3A_909 = tpu.memref_slice %arg10[%dma_start3A_908] : memref<2560xf32, #tpu.memory_space<vmem>> -> memref<640xf32, #tpu.memory_space<vmem>>
        %dma_start3A_910 = arith.constant 0 : i32
        %dma_start3A_911 = tpu.memref_slice %arg23[%add3A_559, %dma_start3A_910] : memref<16x640xf32, #tpu.memory_space<vmem_shared>> -> memref<1x640xf32, #tpu.memory_space<vmem_shared>>
        %dma_start3A_912 = tpu.memref_squeeze %dma_start3A_911 : memref<1x640xf32, #tpu.memory_space<vmem_shared>> -> memref<640xf32, #tpu.memory_space<vmem_shared>>
        tpu.enqueue_dma source(%dma_start3A_912 : memref<640xf32, #tpu.memory_space<vmem_shared>>) target(%dma_start3A_909 : memref<640xf32, #tpu.memory_space<vmem>>) target_semaphore(%run_scoped3A : memref<!tpu.dma_semaphore, #tpu.memory_space<semaphore_mem>>)
        %dma_wait3A_913 = arith.constant 1280 : i32
        %dma_wait3A_914 = tpu.memref_slice %arg10[%dma_wait3A_913] : memref<2560xf32, #tpu.memory_space<vmem>> -> memref<640xf32, #tpu.memory_space<vmem>>
        %dma_wait3A_915 = arith.constant 0 : i32
        %dma_wait3A_916 = tpu.memref_slice %arg23[%add3A_559, %dma_wait3A_915] : memref<16x640xf32, #tpu.memory_space<vmem_shared>> -> memref<1x640xf32, #tpu.memory_space<vmem_shared>>
        %dma_wait3A_917 = tpu.memref_squeeze %dma_wait3A_916 : memref<1x640xf32, #tpu.memory_space<vmem_shared>> -> memref<640xf32, #tpu.memory_space<vmem_shared>>
        %dma_wait3A_918 = arith.constant 1280 : i32
        %dma_wait3A_919 = tpu.memref_slice %arg10[%dma_wait3A_918] : memref<2560xf32, #tpu.memory_space<vmem>> -> memref<640xf32, #tpu.memory_space<vmem>>
        %dma_wait3A_920 = arith.constant 0 : i32
        %dma_wait3A_921 = tpu.memref_slice %arg23[%add3A_559, %dma_wait3A_920] : memref<16x640xf32, #tpu.memory_space<vmem_shared>> -> memref<1x640xf32, #tpu.memory_space<vmem_shared>>
        %dma_wait3A_922 = tpu.memref_squeeze %dma_wait3A_921 : memref<1x640xf32, #tpu.memory_space<vmem_shared>> -> memref<640xf32, #tpu.memory_space<vmem_shared>>
        tpu.wait_dma2 semaphore(%run_scoped3A : memref<!tpu.dma_semaphore, #tpu.memory_space<semaphore_mem>>) src(%dma_wait3A_922 : memref<640xf32, #tpu.memory_space<vmem_shared>>) dst(%dma_wait3A_919 : memref<640xf32, #tpu.memory_space<vmem>>)
        tpu.yield
      }) : () -> ()
      %add3A_560 = arith.constant 8 : i32
      %add3A_561 = arith.addi %add3A_560, %arg1 : i32
      "tpu.region"() ({
        %run_scoped3A = tpu.sem_alloc : memref<!tpu.dma_semaphore, #tpu.memory_space<semaphore_mem>>
        %dma_start3A_903 = arith.constant 1280 : i32
        %dma_start3A_904 = tpu.memref_slice %arg11[%dma_start3A_903] : memref<2560xi32, #tpu.memory_space<vmem>> -> memref<640xi32, #tpu.memory_space<vmem>>
        %dma_start3A_905 = arith.constant 0 : i32
        %dma_start3A_906 = tpu.memref_slice %arg24[%add3A_561, %dma_start3A_905] : memref<16x640xi32, #tpu.memory_space<vmem_shared>> -> memref<1x640xi32, #tpu.memory_space<vmem_shared>>
        %dma_start3A_907 = tpu.memref_squeeze %dma_start3A_906 : memref<1x640xi32, #tpu.memory_space<vmem_shared>> -> memref<640xi32, #tpu.memory_space<vmem_shared>>
        %dma_start3A_908 = arith.constant 1280 : i32
        %dma_start3A_909 = tpu.memref_slice %arg11[%dma_start3A_908] : memref<2560xi32, #tpu.memory_space<vmem>> -> memref<640xi32, #tpu.memory_space<vmem>>
        %dma_start3A_910 = arith.constant 0 : i32
        %dma_start3A_911 = tpu.memref_slice %arg24[%add3A_561, %dma_start3A_910] : memref<16x640xi32, #tpu.memory_space<vmem_shared>> -> memref<1x640xi32, #tpu.memory_space<vmem_shared>>
        %dma_start3A_912 = tpu.memref_squeeze %dma_start3A_911 : memref<1x640xi32, #tpu.memory_space<vmem_shared>> -> memref<640xi32, #tpu.memory_space<vmem_shared>>
        tpu.enqueue_dma source(%dma_start3A_912 : memref<640xi32, #tpu.memory_space<vmem_shared>>) target(%dma_start3A_909 : memref<640xi32, #tpu.memory_space<vmem>>) target_semaphore(%run_scoped3A : memref<!tpu.dma_semaphore, #tpu.memory_space<semaphore_mem>>)
        %dma_wait3A_913 = arith.constant 1280 : i32
        %dma_wait3A_914 = tpu.memref_slice %arg11[%dma_wait3A_913] : memref<2560xi32, #tpu.memory_space<vmem>> -> memref<640xi32, #tpu.memory_space<vmem>>
        %dma_wait3A_915 = arith.constant 0 : i32
        %dma_wait3A_916 = tpu.memref_slice %arg24[%add3A_561, %dma_wait3A_915] : memref<16x640xi32, #tpu.memory_space<vmem_shared>> -> memref<1x640xi32, #tpu.memory_space<vmem_shared>>
        %dma_wait3A_917 = tpu.memref_squeeze %dma_wait3A_916 : memref<1x640xi32, #tpu.memory_space<vmem_shared>> -> memref<640xi32, #tpu.memory_space<vmem_shared>>
        %dma_wait3A_918 = arith.constant 1280 : i32
        %dma_wait3A_919 = tpu.memref_slice %arg11[%dma_wait3A_918] : memref<2560xi32, #tpu.memory_space<vmem>> -> memref<640xi32, #tpu.memory_space<vmem>>
        %dma_wait3A_920 = arith.constant 0 : i32
        %dma_wait3A_921 = tpu.memref_slice %arg24[%add3A_561, %dma_wait3A_920] : memref<16x640xi32, #tpu.memory_space<vmem_shared>> -> memref<1x640xi32, #tpu.memory_space<vmem_shared>>
        %dma_wait3A_922 = tpu.memref_squeeze %dma_wait3A_921 : memref<1x640xi32, #tpu.memory_space<vmem_shared>> -> memref<640xi32, #tpu.memory_space<vmem_shared>>
        tpu.wait_dma2 semaphore(%run_scoped3A : memref<!tpu.dma_semaphore, #tpu.memory_space<semaphore_mem>>) src(%dma_wait3A_922 : memref<640xi32, #tpu.memory_space<vmem_shared>>) dst(%dma_wait3A_919 : memref<640xi32, #tpu.memory_space<vmem>>)
        tpu.yield
      }) : () -> ()
      %add3A_562 = arith.constant 8 : i32
      %add3A_563 = arith.addi %add3A_562, %arg1 : i32
      "tpu.region"() ({
        %run_scoped3A = tpu.sem_alloc : memref<!tpu.dma_semaphore, #tpu.memory_space<semaphore_mem>>
        %dma_start3A_903 = arith.constant 256 : i32
        %dma_start3A_904 = tpu.memref_slice %arg12[%dma_start3A_903] : memref<512xi32, #tpu.memory_space<vmem>> -> memref<128xi32, #tpu.memory_space<vmem>>
        %dma_start3A_905 = arith.constant 0 : i32
        %dma_start3A_906 = tpu.memref_slice %arg22[%add3A_563, %dma_start3A_905] : memref<16x128xi32, #tpu.memory_space<vmem_shared>> -> memref<1x128xi32, #tpu.memory_space<vmem_shared>>
        %dma_start3A_907 = tpu.memref_squeeze %dma_start3A_906 : memref<1x128xi32, #tpu.memory_space<vmem_shared>> -> memref<128xi32, #tpu.memory_space<vmem_shared>>
        %dma_start3A_908 = arith.constant 256 : i32
        %dma_start3A_909 = tpu.memref_slice %arg12[%dma_start3A_908] : memref<512xi32, #tpu.memory_space<vmem>> -> memref<128xi32, #tpu.memory_space<vmem>>
        %dma_start3A_910 = arith.constant 0 : i32
        %dma_start3A_911 = tpu.memref_slice %arg22[%add3A_563, %dma_start3A_910] : memref<16x128xi32, #tpu.memory_space<vmem_shared>> -> memref<1x128xi32, #tpu.memory_space<vmem_shared>>
        %dma_start3A_912 = tpu.memref_squeeze %dma_start3A_911 : memref<1x128xi32, #tpu.memory_space<vmem_shared>> -> memref<128xi32, #tpu.memory_space<vmem_shared>>
        tpu.enqueue_dma source(%dma_start3A_912 : memref<128xi32, #tpu.memory_space<vmem_shared>>) target(%dma_start3A_909 : memref<128xi32, #tpu.memory_space<vmem>>) target_semaphore(%run_scoped3A : memref<!tpu.dma_semaphore, #tpu.memory_space<semaphore_mem>>)
        %dma_wait3A_913 = arith.constant 256 : i32
        %dma_wait3A_914 = tpu.memref_slice %arg12[%dma_wait3A_913] : memref<512xi32, #tpu.memory_space<vmem>> -> memref<128xi32, #tpu.memory_space<vmem>>
        %dma_wait3A_915 = arith.constant 0 : i32
        %dma_wait3A_916 = tpu.memref_slice %arg22[%add3A_563, %dma_wait3A_915] : memref<16x128xi32, #tpu.memory_space<vmem_shared>> -> memref<1x128xi32, #tpu.memory_space<vmem_shared>>
        %dma_wait3A_917 = tpu.memref_squeeze %dma_wait3A_916 : memref<1x128xi32, #tpu.memory_space<vmem_shared>> -> memref<128xi32, #tpu.memory_space<vmem_shared>>
        %dma_wait3A_918 = arith.constant 256 : i32
        %dma_wait3A_919 = tpu.memref_slice %arg12[%dma_wait3A_918] : memref<512xi32, #tpu.memory_space<vmem>> -> memref<128xi32, #tpu.memory_space<vmem>>
        %dma_wait3A_920 = arith.constant 0 : i32
        %dma_wait3A_921 = tpu.memref_slice %arg22[%add3A_563, %dma_wait3A_920] : memref<16x128xi32, #tpu.memory_space<vmem_shared>> -> memref<1x128xi32, #tpu.memory_space<vmem_shared>>
        %dma_wait3A_922 = tpu.memref_squeeze %dma_wait3A_921 : memref<1x128xi32, #tpu.memory_space<vmem_shared>> -> memref<128xi32, #tpu.memory_space<vmem_shared>>
        tpu.wait_dma2 semaphore(%run_scoped3A : memref<!tpu.dma_semaphore, #tpu.memory_space<semaphore_mem>>) src(%dma_wait3A_922 : memref<128xi32, #tpu.memory_space<vmem_shared>>) dst(%dma_wait3A_919 : memref<128xi32, #tpu.memory_space<vmem>>)
        tpu.yield
      }) : () -> ()
      %add3A_564 = arith.constant 12 : i32
      %add3A_565 = arith.addi %add3A_564, %arg1 : i32
      "tpu.region"() ({
        %run_scoped3A = tpu.sem_alloc : memref<!tpu.dma_semaphore, #tpu.memory_space<semaphore_mem>>
        %dma_start3A_903 = arith.constant 1920 : i32
        %dma_start3A_904 = tpu.memref_slice %arg10[%dma_start3A_903] : memref<2560xf32, #tpu.memory_space<vmem>> -> memref<640xf32, #tpu.memory_space<vmem>>
        %dma_start3A_905 = arith.constant 0 : i32
        %dma_start3A_906 = tpu.memref_slice %arg23[%add3A_565, %dma_start3A_905] : memref<16x640xf32, #tpu.memory_space<vmem_shared>> -> memref<1x640xf32, #tpu.memory_space<vmem_shared>>
        %dma_start3A_907 = tpu.memref_squeeze %dma_start3A_906 : memref<1x640xf32, #tpu.memory_space<vmem_shared>> -> memref<640xf32, #tpu.memory_space<vmem_shared>>
        %dma_start3A_908 = arith.constant 1920 : i32
        %dma_start3A_909 = tpu.memref_slice %arg10[%dma_start3A_908] : memref<2560xf32, #tpu.memory_space<vmem>> -> memref<640xf32, #tpu.memory_space<vmem>>
        %dma_start3A_910 = arith.constant 0 : i32
        %dma_start3A_911 = tpu.memref_slice %arg23[%add3A_565, %dma_start3A_910] : memref<16x640xf32, #tpu.memory_space<vmem_shared>> -> memref<1x640xf32, #tpu.memory_space<vmem_shared>>
        %dma_start3A_912 = tpu.memref_squeeze %dma_start3A_911 : memref<1x640xf32, #tpu.memory_space<vmem_shared>> -> memref<640xf32, #tpu.memory_space<vmem_shared>>
        tpu.enqueue_dma source(%dma_start3A_912 : memref<640xf32, #tpu.memory_space<vmem_shared>>) target(%dma_start3A_909 : memref<640xf32, #tpu.memory_space<vmem>>) target_semaphore(%run_scoped3A : memref<!tpu.dma_semaphore, #tpu.memory_space<semaphore_mem>>)
        %dma_wait3A_913 = arith.constant 1920 : i32
        %dma_wait3A_914 = tpu.memref_slice %arg10[%dma_wait3A_913] : memref<2560xf32, #tpu.memory_space<vmem>> -> memref<640xf32, #tpu.memory_space<vmem>>
        %dma_wait3A_915 = arith.constant 0 : i32
        %dma_wait3A_916 = tpu.memref_slice %arg23[%add3A_565, %dma_wait3A_915] : memref<16x640xf32, #tpu.memory_space<vmem_shared>> -> memref<1x640xf32, #tpu.memory_space<vmem_shared>>
        %dma_wait3A_917 = tpu.memref_squeeze %dma_wait3A_916 : memref<1x640xf32, #tpu.memory_space<vmem_shared>> -> memref<640xf32, #tpu.memory_space<vmem_shared>>
        %dma_wait3A_918 = arith.constant 1920 : i32
        %dma_wait3A_919 = tpu.memref_slice %arg10[%dma_wait3A_918] : memref<2560xf32, #tpu.memory_space<vmem>> -> memref<640xf32, #tpu.memory_space<vmem>>
        %dma_wait3A_920 = arith.constant 0 : i32
        %dma_wait3A_921 = tpu.memref_slice %arg23[%add3A_565, %dma_wait3A_920] : memref<16x640xf32, #tpu.memory_space<vmem_shared>> -> memref<1x640xf32, #tpu.memory_space<vmem_shared>>
        %dma_wait3A_922 = tpu.memref_squeeze %dma_wait3A_921 : memref<1x640xf32, #tpu.memory_space<vmem_shared>> -> memref<640xf32, #tpu.memory_space<vmem_shared>>
        tpu.wait_dma2 semaphore(%run_scoped3A : memref<!tpu.dma_semaphore, #tpu.memory_space<semaphore_mem>>) src(%dma_wait3A_922 : memref<640xf32, #tpu.memory_space<vmem_shared>>) dst(%dma_wait3A_919 : memref<640xf32, #tpu.memory_space<vmem>>)
        tpu.yield
      }) : () -> ()
      %add3A_566 = arith.constant 12 : i32
      %add3A_567 = arith.addi %add3A_566, %arg1 : i32
      "tpu.region"() ({
        %run_scoped3A = tpu.sem_alloc : memref<!tpu.dma_semaphore, #tpu.memory_space<semaphore_mem>>
        %dma_start3A_903 = arith.constant 1920 : i32
        %dma_start3A_904 = tpu.memref_slice %arg11[%dma_start3A_903] : memref<2560xi32, #tpu.memory_space<vmem>> -> memref<640xi32, #tpu.memory_space<vmem>>
        %dma_start3A_905 = arith.constant 0 : i32
        %dma_start3A_906 = tpu.memref_slice %arg24[%add3A_567, %dma_start3A_905] : memref<16x640xi32, #tpu.memory_space<vmem_shared>> -> memref<1x640xi32, #tpu.memory_space<vmem_shared>>
        %dma_start3A_907 = tpu.memref_squeeze %dma_start3A_906 : memref<1x640xi32, #tpu.memory_space<vmem_shared>> -> memref<640xi32, #tpu.memory_space<vmem_shared>>
        %dma_start3A_908 = arith.constant 1920 : i32
        %dma_start3A_909 = tpu.memref_slice %arg11[%dma_start3A_908] : memref<2560xi32, #tpu.memory_space<vmem>> -> memref<640xi32, #tpu.memory_space<vmem>>
        %dma_start3A_910 = arith.constant 0 : i32
        %dma_start3A_911 = tpu.memref_slice %arg24[%add3A_567, %dma_start3A_910] : memref<16x640xi32, #tpu.memory_space<vmem_shared>> -> memref<1x640xi32, #tpu.memory_space<vmem_shared>>
        %dma_start3A_912 = tpu.memref_squeeze %dma_start3A_911 : memref<1x640xi32, #tpu.memory_space<vmem_shared>> -> memref<640xi32, #tpu.memory_space<vmem_shared>>
        tpu.enqueue_dma source(%dma_start3A_912 : memref<640xi32, #tpu.memory_space<vmem_shared>>) target(%dma_start3A_909 : memref<640xi32, #tpu.memory_space<vmem>>) target_semaphore(%run_scoped3A : memref<!tpu.dma_semaphore, #tpu.memory_space<semaphore_mem>>)
        %dma_wait3A_913 = arith.constant 1920 : i32
        %dma_wait3A_914 = tpu.memref_slice %arg11[%dma_wait3A_913] : memref<2560xi32, #tpu.memory_space<vmem>> -> memref<640xi32, #tpu.memory_space<vmem>>
        %dma_wait3A_915 = arith.constant 0 : i32
        %dma_wait3A_916 = tpu.memref_slice %arg24[%add3A_567, %dma_wait3A_915] : memref<16x640xi32, #tpu.memory_space<vmem_shared>> -> memref<1x640xi32, #tpu.memory_space<vmem_shared>>
        %dma_wait3A_917 = tpu.memref_squeeze %dma_wait3A_916 : memref<1x640xi32, #tpu.memory_space<vmem_shared>> -> memref<640xi32, #tpu.memory_space<vmem_shared>>
        %dma_wait3A_918 = arith.constant 1920 : i32
        %dma_wait3A_919 = tpu.memref_slice %arg11[%dma_wait3A_918] : memref<2560xi32, #tpu.memory_space<vmem>> -> memref<640xi32, #tpu.memory_space<vmem>>
        %dma_wait3A_920 = arith.constant 0 : i32
        %dma_wait3A_921 = tpu.memref_slice %arg24[%add3A_567, %dma_wait3A_920] : memref<16x640xi32, #tpu.memory_space<vmem_shared>> -> memref<1x640xi32, #tpu.memory_space<vmem_shared>>
        %dma_wait3A_922 = tpu.memref_squeeze %dma_wait3A_921 : memref<1x640xi32, #tpu.memory_space<vmem_shared>> -> memref<640xi32, #tpu.memory_space<vmem_shared>>
        tpu.wait_dma2 semaphore(%run_scoped3A : memref<!tpu.dma_semaphore, #tpu.memory_space<semaphore_mem>>) src(%dma_wait3A_922 : memref<640xi32, #tpu.memory_space<vmem_shared>>) dst(%dma_wait3A_919 : memref<640xi32, #tpu.memory_space<vmem>>)
        tpu.yield
      }) : () -> ()
      %add3A_568 = arith.constant 12 : i32
      %add3A_569 = arith.addi %add3A_568, %arg1 : i32
      "tpu.region"() ({
        %run_scoped3A = tpu.sem_alloc : memref<!tpu.dma_semaphore, #tpu.memory_space<semaphore_mem>>
        %dma_start3A_903 = arith.constant 384 : i32
        %dma_start3A_904 = tpu.memref_slice %arg12[%dma_start3A_903] : memref<512xi32, #tpu.memory_space<vmem>> -> memref<128xi32, #tpu.memory_space<vmem>>
        %dma_start3A_905 = arith.constant 0 : i32
        %dma_start3A_906 = tpu.memref_slice %arg22[%add3A_569, %dma_start3A_905] : memref<16x128xi32, #tpu.memory_space<vmem_shared>> -> memref<1x128xi32, #tpu.memory_space<vmem_shared>>
        %dma_start3A_907 = tpu.memref_squeeze %dma_start3A_906 : memref<1x128xi32, #tpu.memory_space<vmem_shared>> -> memref<128xi32, #tpu.memory_space<vmem_shared>>
        %dma_start3A_908 = arith.constant 384 : i32
        %dma_start3A_909 = tpu.memref_slice %arg12[%dma_start3A_908] : memref<512xi32, #tpu.memory_space<vmem>> -> memref<128xi32, #tpu.memory_space<vmem>>
        %dma_start3A_910 = arith.constant 0 : i32
        %dma_start3A_911 = tpu.memref_slice %arg22[%add3A_569, %dma_start3A_910] : memref<16x128xi32, #tpu.memory_space<vmem_shared>> -> memref<1x128xi32, #tpu.memory_space<vmem_shared>>
        %dma_start3A_912 = tpu.memref_squeeze %dma_start3A_911 : memref<1x128xi32, #tpu.memory_space<vmem_shared>> -> memref<128xi32, #tpu.memory_space<vmem_shared>>
        tpu.enqueue_dma source(%dma_start3A_912 : memref<128xi32, #tpu.memory_space<vmem_shared>>) target(%dma_start3A_909 : memref<128xi32, #tpu.memory_space<vmem>>) target_semaphore(%run_scoped3A : memref<!tpu.dma_semaphore, #tpu.memory_space<semaphore_mem>>)
        %dma_wait3A_913 = arith.constant 384 : i32
        %dma_wait3A_914 = tpu.memref_slice %arg12[%dma_wait3A_913] : memref<512xi32, #tpu.memory_space<vmem>> -> memref<128xi32, #tpu.memory_space<vmem>>
        %dma_wait3A_915 = arith.constant 0 : i32
        %dma_wait3A_916 = tpu.memref_slice %arg22[%add3A_569, %dma_wait3A_915] : memref<16x128xi32, #tpu.memory_space<vmem_shared>> -> memref<1x128xi32, #tpu.memory_space<vmem_shared>>
        %dma_wait3A_917 = tpu.memref_squeeze %dma_wait3A_916 : memref<1x128xi32, #tpu.memory_space<vmem_shared>> -> memref<128xi32, #tpu.memory_space<vmem_shared>>
        %dma_wait3A_918 = arith.constant 384 : i32
        %dma_wait3A_919 = tpu.memref_slice %arg12[%dma_wait3A_918] : memref<512xi32, #tpu.memory_space<vmem>> -> memref<128xi32, #tpu.memory_space<vmem>>
        %dma_wait3A_920 = arith.constant 0 : i32
        %dma_wait3A_921 = tpu.memref_slice %arg22[%add3A_569, %dma_wait3A_920] : memref<16x128xi32, #tpu.memory_space<vmem_shared>> -> memref<1x128xi32, #tpu.memory_space<vmem_shared>>
        %dma_wait3A_922 = tpu.memref_squeeze %dma_wait3A_921 : memref<1x128xi32, #tpu.memory_space<vmem_shared>> -> memref<128xi32, #tpu.memory_space<vmem_shared>>
        tpu.wait_dma2 semaphore(%run_scoped3A : memref<!tpu.dma_semaphore, #tpu.memory_space<semaphore_mem>>) src(%dma_wait3A_922 : memref<128xi32, #tpu.memory_space<vmem_shared>>) dst(%dma_wait3A_919 : memref<128xi32, #tpu.memory_space<vmem>>)
        tpu.yield
      }) : () -> ()
      "tpu.region"() ({
        %run_scoped3A = tpu.sem_alloc : memref<!tpu.dma_semaphore, #tpu.memory_space<semaphore_mem>>
        tpu.enqueue_dma source(%arg3 : memref<128xf32, #tpu.memory_space<hbm>>) target(%arg19 : memref<128xf32, #tpu.memory_space<vmem>>) target_semaphore(%run_scoped3A : memref<!tpu.dma_semaphore, #tpu.memory_space<semaphore_mem>>)
        tpu.wait_dma2 semaphore(%run_scoped3A : memref<!tpu.dma_semaphore, #tpu.memory_space<semaphore_mem>>) src(%arg3 : memref<128xf32, #tpu.memory_space<hbm>>) dst(%arg19 : memref<128xf32, #tpu.memory_space<vmem>>)
        tpu.yield
      }) : () -> ()
      "tpu.region"() ({
        %run_scoped3A = tpu.sem_alloc : memref<!tpu.dma_semaphore, #tpu.memory_space<semaphore_mem>>
        tpu.enqueue_dma source(%arg4 : memref<128xf32, #tpu.memory_space<hbm>>) target(%arg20 : memref<128xf32, #tpu.memory_space<vmem>>) target_semaphore(%run_scoped3A : memref<!tpu.dma_semaphore, #tpu.memory_space<semaphore_mem>>)
        tpu.wait_dma2 semaphore(%run_scoped3A : memref<!tpu.dma_semaphore, #tpu.memory_space<semaphore_mem>>) src(%arg4 : memref<128xf32, #tpu.memory_space<hbm>>) dst(%arg20 : memref<128xf32, #tpu.memory_space<vmem>>)
        tpu.yield
      }) : () -> ()
      %scan3A_570 = arith.constant 0 : i32
      %scan3A_571 = arith.constant 0 : i32
      %scan3A_572 = arith.constant 160 : i32
      %scan3A_573 = arith.addi %scan3A_571, %scan3A_572 : i32
      %scan3A_574 = arith.constant 1 : i32
      %scan3A_575 = scf.for %scan3A_903 = %scan3A_571 to %scan3A_573 step %scan3A_574 iter_args(%scan3A_904 = %scan3A_570) -> (i32)  : i32 {
        %div3A_905 = arith.constant 40 : i32
        %div3A_906 = arith.divsi %scan3A_903, %div3A_905 : i32
        %mul3A_907 = arith.constant 128 : i32
        %mul3A_908 = arith.muli %div3A_906, %mul3A_907 : i32
        %get3A_909 = arith.index_cast %mul3A_908 : i32 to index
        %get3A_910 = tpu.vector_load %arg12[%get3A_909] {strides = array<i32>} : memref<512xi32, #tpu.memory_space<vmem>>, vector<16xi32>,
        %mul3A_911 = arith.constant 40 : i32
        %mul3A_912 = arith.muli %div3A_906, %mul3A_911 : i32
        %sub3A_913 = arith.subi %scan3A_903, %mul3A_912 : i32
        %mul3A_914 = arith.constant 16 : i32
        %mul3A_915 = arith.muli %sub3A_913, %mul3A_914 : i32
        %broadcast_in_dim3A_916 = vector.broadcast %mul3A_915 : i32 to vector<16xi32>
        %add3A_917 = arith.addi %broadcast_in_dim3A_916, %iota3A : vector<16xi32>
        %lt3A_918 = arith.cmpi slt, %add3A_917, %get3A_910 : vector<16xi32>
        %mul3A_919 = arith.constant 16 : i32
        %mul3A_920 = arith.muli %scan3A_903, %mul3A_919 : i32
        %get3A_921 = arith.index_cast %mul3A_920 : i32 to index
        %get3A_922 = tpu.vector_load %arg10[%get3A_921] {strides = array<i32>} : memref<2560xf32, #tpu.memory_space<vmem>>, vector<16xf32>,
        %jit3A_923 = arith.constant 0xFF800000 : f32
        %broadcast_in_dim3A_924 = vector.broadcast %jit3A_923 : f32 to vector<16xf32>
        %select_n3A_925 = arith.select %lt3A_918, %get3A_922, %broadcast_in_dim3A_924 : vector<16xi1>, vector<16xf32>
        %mul3A_926 = arith.constant 16 : i32
        %mul3A_927 = arith.muli %scan3A_903, %mul3A_926 : i32
        %swap3A_928 = arith.index_cast %mul3A_927 : i32 to index
        %swap3A_929 = tpu.vector_load %arg10[%swap3A_928] {strides = array<i32>} : memref<2560xf32, #tpu.memory_space<vmem>>, vector<16xf32>,
        tpu.vector_store %arg10[%swap3A_928], %select_n3A_925 {strides = array<i32>} : memref<2560xf32, #tpu.memory_space<vmem>>, vector<16xf32>,
        %broadcast_in_dim3A_930 = vector.broadcast %scan3A_903 : i32 to vector<16xi32>
        %reduce_max3A_931 = arith.constant true
        %reduce_max3A_932 = vector.broadcast %reduce_max3A_931 : i1 to vector<16xi1>
        %reduce_max3A_933 = tpu.scan <max>, %select_n3A_925 masked %reduce_max3A_932 : vector<16xf32>, vector<16xi1> -> vector<16xf32>
        %reduce_max3A_934 = vector.extract %reduce_max3A_933[15] : f32 from vector<16xf32>
        %broadcast_in_dim3A_935 = vector.broadcast %reduce_max3A_934 : f32 to vector<16xf32>
        %eq3A_936 = arith.constant 0 : i32
        %eq3A_937 = vector.broadcast %eq3A_936 : i32 to vector<16xi32>
        %eq3A_938 = arith.cmpi eq, %iota3A, %eq3A_937 : vector<16xi32>
        tpu.vector_store_idx %arg13[%broadcast_in_dim3A_930], %broadcast_in_dim3A_935 masked %eq3A_938 : memref<160xf32, #tpu.memory_space<vmem>>[vector<16xi32>], vector<16xf32>, vector<16xi1>
        %scan3A_939 = arith.constant 0 : i32
        scf.yield %scan3A_939 : i32
      }
      %scan3A_576 = arith.constant 160 : i32
      %broadcast_in_dim3A_577 = arith.constant 0xFF800000 : f32
      %broadcast_in_dim3A_578 = vector.broadcast %broadcast_in_dim3A_577 : f32 to vector<16xf32>
      %swap3A_579 = arith.constant 0 : index
      %swap3A_580 = tpu.vector_load %arg14[%swap3A_579] {strides = array<i32>} : memref<128xf32, #tpu.memory_space<vmem>>, vector<16xf32>,
      tpu.vector_store %arg14[%swap3A_579], %broadcast_in_dim3A_578 {strides = array<i32>} : memref<128xf32, #tpu.memory_space<vmem>>, vector<16xf32>,
      %broadcast_in_dim3A_581 = arith.constant 0 : i32
      %broadcast_in_dim3A_582 = vector.broadcast %broadcast_in_dim3A_581 : i32 to vector<16xi32>
      %swap3A_583 = arith.constant 0 : index
      %swap3A_584 = tpu.vector_load %arg15[%swap3A_583] {strides = array<i32>} : memref<128xi32, #tpu.memory_space<vmem>>, vector<16xi32>,
      tpu.vector_store %arg15[%swap3A_583], %broadcast_in_dim3A_582 {strides = array<i32>} : memref<128xi32, #tpu.memory_space<vmem>>, vector<16xi32>,
      %broadcast_in_dim3A_585 = arith.constant 0xFF800000 : f32
      %broadcast_in_dim3A_586 = vector.broadcast %broadcast_in_dim3A_585 : f32 to vector<16xf32>
      %swap3A_587 = arith.constant 16 : index
      %swap3A_588 = tpu.vector_load %arg14[%swap3A_587] {strides = array<i32>} : memref<128xf32, #tpu.memory_space<vmem>>, vector<16xf32>,
      tpu.vector_store %arg14[%swap3A_587], %broadcast_in_dim3A_586 {strides = array<i32>} : memref<128xf32, #tpu.memory_space<vmem>>, vector<16xf32>,
      %broadcast_in_dim3A_589 = arith.constant 0 : i32
      %broadcast_in_dim3A_590 = vector.broadcast %broadcast_in_dim3A_589 : i32 to vector<16xi32>
      %swap3A_591 = arith.constant 16 : index
      %swap3A_592 = tpu.vector_load %arg15[%swap3A_591] {strides = array<i32>} : memref<128xi32, #tpu.memory_space<vmem>>, vector<16xi32>,
      tpu.vector_store %arg15[%swap3A_591], %broadcast_in_dim3A_590 {strides = array<i32>} : memref<128xi32, #tpu.memory_space<vmem>>, vector<16xi32>,
      %broadcast_in_dim3A_593 = arith.constant 0xFF800000 : f32
      %broadcast_in_dim3A_594 = vector.broadcast %broadcast_in_dim3A_593 : f32 to vector<16xf32>
      %swap3A_595 = arith.constant 32 : index
      %swap3A_596 = tpu.vector_load %arg14[%swap3A_595] {strides = array<i32>} : memref<128xf32, #tpu.memory_space<vmem>>, vector<16xf32>,
      tpu.vector_store %arg14[%swap3A_595], %broadcast_in_dim3A_594 {strides = array<i32>} : memref<128xf32, #tpu.memory_space<vmem>>, vector<16xf32>,
      %broadcast_in_dim3A_597 = arith.constant 0 : i32
      %broadcast_in_dim3A_598 = vector.broadcast %broadcast_in_dim3A_597 : i32 to vector<16xi32>
      %swap3A_599 = arith.constant 32 : index
      %swap3A_600 = tpu.vector_load %arg15[%swap3A_599] {strides = array<i32>} : memref<128xi32, #tpu.memory_space<vmem>>, vector<16xi32>,
      tpu.vector_store %arg15[%swap3A_599], %broadcast_in_dim3A_598 {strides = array<i32>} : memref<128xi32, #tpu.memory_space<vmem>>, vector<16xi32>,
      %broadcast_in_dim3A_601 = arith.constant 0xFF800000 : f32
      %broadcast_in_dim3A_602 = vector.broadcast %broadcast_in_dim3A_601 : f32 to vector<16xf32>
      %swap3A_603 = arith.constant 48 : index
      %swap3A_604 = tpu.vector_load %arg14[%swap3A_603] {strides = array<i32>} : memref<128xf32, #tpu.memory_space<vmem>>, vector<16xf32>,
      tpu.vector_store %arg14[%swap3A_603], %broadcast_in_dim3A_602 {strides = array<i32>} : memref<128xf32, #tpu.memory_space<vmem>>, vector<16xf32>,
      %broadcast_in_dim3A_605 = arith.constant 0 : i32
      %broadcast_in_dim3A_606 = vector.broadcast %broadcast_in_dim3A_605 : i32 to vector<16xi32>
      %swap3A_607 = arith.constant 48 : index
      %swap3A_608 = tpu.vector_load %arg15[%swap3A_607] {strides = array<i32>} : memref<128xi32, #tpu.memory_space<vmem>>, vector<16xi32>,
      tpu.vector_store %arg15[%swap3A_607], %broadcast_in_dim3A_606 {strides = array<i32>} : memref<128xi32, #tpu.memory_space<vmem>>, vector<16xi32>,
      %broadcast_in_dim3A_609 = arith.constant 0xFF800000 : f32
      %broadcast_in_dim3A_610 = vector.broadcast %broadcast_in_dim3A_609 : f32 to vector<16xf32>
      %swap3A_611 = arith.constant 64 : index
      %swap3A_612 = tpu.vector_load %arg14[%swap3A_611] {strides = array<i32>} : memref<128xf32, #tpu.memory_space<vmem>>, vector<16xf32>,
      tpu.vector_store %arg14[%swap3A_611], %broadcast_in_dim3A_610 {strides = array<i32>} : memref<128xf32, #tpu.memory_space<vmem>>, vector<16xf32>,
      %broadcast_in_dim3A_613 = arith.constant 0 : i32
      %broadcast_in_dim3A_614 = vector.broadcast %broadcast_in_dim3A_613 : i32 to vector<16xi32>
      %swap3A_615 = arith.constant 64 : index
      %swap3A_616 = tpu.vector_load %arg15[%swap3A_615] {strides = array<i32>} : memref<128xi32, #tpu.memory_space<vmem>>, vector<16xi32>,
      tpu.vector_store %arg15[%swap3A_615], %broadcast_in_dim3A_614 {strides = array<i32>} : memref<128xi32, #tpu.memory_space<vmem>>, vector<16xi32>,
      %broadcast_in_dim3A_617 = arith.constant 0xFF800000 : f32
      %broadcast_in_dim3A_618 = vector.broadcast %broadcast_in_dim3A_617 : f32 to vector<16xf32>
      %swap3A_619 = arith.constant 80 : index
      %swap3A_620 = tpu.vector_load %arg14[%swap3A_619] {strides = array<i32>} : memref<128xf32, #tpu.memory_space<vmem>>, vector<16xf32>,
      tpu.vector_store %arg14[%swap3A_619], %broadcast_in_dim3A_618 {strides = array<i32>} : memref<128xf32, #tpu.memory_space<vmem>>, vector<16xf32>,
      %broadcast_in_dim3A_621 = arith.constant 0 : i32
      %broadcast_in_dim3A_622 = vector.broadcast %broadcast_in_dim3A_621 : i32 to vector<16xi32>
      %swap3A_623 = arith.constant 80 : index
      %swap3A_624 = tpu.vector_load %arg15[%swap3A_623] {strides = array<i32>} : memref<128xi32, #tpu.memory_space<vmem>>, vector<16xi32>,
      tpu.vector_store %arg15[%swap3A_623], %broadcast_in_dim3A_622 {strides = array<i32>} : memref<128xi32, #tpu.memory_space<vmem>>, vector<16xi32>,
      %broadcast_in_dim3A_625 = arith.constant 0xFF800000 : f32
      %broadcast_in_dim3A_626 = vector.broadcast %broadcast_in_dim3A_625 : f32 to vector<16xf32>
      %swap3A_627 = arith.constant 96 : index
      %swap3A_628 = tpu.vector_load %arg14[%swap3A_627] {strides = array<i32>} : memref<128xf32, #tpu.memory_space<vmem>>, vector<16xf32>,
      tpu.vector_store %arg14[%swap3A_627], %broadcast_in_dim3A_626 {strides = array<i32>} : memref<128xf32, #tpu.memory_space<vmem>>, vector<16xf32>,
      %broadcast_in_dim3A_629 = arith.constant 0 : i32
      %broadcast_in_dim3A_630 = vector.broadcast %broadcast_in_dim3A_629 : i32 to vector<16xi32>
      %swap3A_631 = arith.constant 96 : index
      %swap3A_632 = tpu.vector_load %arg15[%swap3A_631] {strides = array<i32>} : memref<128xi32, #tpu.memory_space<vmem>>, vector<16xi32>,
      tpu.vector_store %arg15[%swap3A_631], %broadcast_in_dim3A_630 {strides = array<i32>} : memref<128xi32, #tpu.memory_space<vmem>>, vector<16xi32>,
      %broadcast_in_dim3A_633 = arith.constant 0xFF800000 : f32
      %broadcast_in_dim3A_634 = vector.broadcast %broadcast_in_dim3A_633 : f32 to vector<16xf32>
      %swap3A_635 = arith.constant 112 : index
      %swap3A_636 = tpu.vector_load %arg14[%swap3A_635] {strides = array<i32>} : memref<128xf32, #tpu.memory_space<vmem>>, vector<16xf32>,
      tpu.vector_store %arg14[%swap3A_635], %broadcast_in_dim3A_634 {strides = array<i32>} : memref<128xf32, #tpu.memory_space<vmem>>, vector<16xf32>,
      %broadcast_in_dim3A_637 = arith.constant 0 : i32
      %broadcast_in_dim3A_638 = vector.broadcast %broadcast_in_dim3A_637 : i32 to vector<16xi32>
      %swap3A_639 = arith.constant 112 : index
      %swap3A_640 = tpu.vector_load %arg15[%swap3A_639] {strides = array<i32>} : memref<128xi32, #tpu.memory_space<vmem>>, vector<16xi32>,
      tpu.vector_store %arg15[%swap3A_639], %broadcast_in_dim3A_638 {strides = array<i32>} : memref<128xi32, #tpu.memory_space<vmem>>, vector<16xi32>,
      %scan3A_641 = arith.constant 0 : i32
      %scan3A_642 = arith.constant 0 : i32
      %scan3A_643 = arith.constant 50 : i32
      %scan3A_644 = arith.addi %scan3A_642, %scan3A_643 : i32
      %scan3A_645 = arith.constant 1 : i32
      %scan3A_646 = scf.for %scan3A_903 = %scan3A_642 to %scan3A_644 step %scan3A_645 iter_args(%scan3A_904 = %scan3A_641) -> (i32)  : i32 {
        %broadcast_in_dim3A_905 = arith.constant 0xFF800000 : f32
        %broadcast_in_dim3A_906 = vector.broadcast %broadcast_in_dim3A_905 : f32 to vector<16xf32>
        %get3A_907 = arith.constant 0 : index
        %get3A_908 = tpu.vector_load %arg13[%get3A_907] {strides = array<i32>} : memref<160xf32, #tpu.memory_space<vmem>>, vector<16xf32>,
        %max3A_909 = arith.maximumf %broadcast_in_dim3A_906, %get3A_908 : vector<16xf32>
        %get3A_910 = arith.constant 16 : index
        %get3A_911 = tpu.vector_load %arg13[%get3A_910] {strides = array<i32>} : memref<160xf32, #tpu.memory_space<vmem>>, vector<16xf32>,
        %max3A_912 = arith.maximumf %max3A_909, %get3A_911 : vector<16xf32>
        %get3A_913 = arith.constant 32 : index
        %get3A_914 = tpu.vector_load %arg13[%get3A_913] {strides = array<i32>} : memref<160xf32, #tpu.memory_space<vmem>>, vector<16xf32>,
        %max3A_915 = arith.maximumf %max3A_912, %get3A_914 : vector<16xf32>
        %get3A_916 = arith.constant 48 : index
        %get3A_917 = tpu.vector_load %arg13[%get3A_916] {strides = array<i32>} : memref<160xf32, #tpu.memory_space<vmem>>, vector<16xf32>,
        %max3A_918 = arith.maximumf %max3A_915, %get3A_917 : vector<16xf32>
        %get3A_919 = arith.constant 64 : index
        %get3A_920 = tpu.vector_load %arg13[%get3A_919] {strides = array<i32>} : memref<160xf32, #tpu.memory_space<vmem>>, vector<16xf32>,
        %max3A_921 = arith.maximumf %max3A_918, %get3A_920 : vector<16xf32>
        %get3A_922 = arith.constant 80 : index
        %get3A_923 = tpu.vector_load %arg13[%get3A_922] {strides = array<i32>} : memref<160xf32, #tpu.memory_space<vmem>>, vector<16xf32>,
        %max3A_924 = arith.maximumf %max3A_921, %get3A_923 : vector<16xf32>
        %get3A_925 = arith.constant 96 : index
        %get3A_926 = tpu.vector_load %arg13[%get3A_925] {strides = array<i32>} : memref<160xf32, #tpu.memory_space<vmem>>, vector<16xf32>,
        %max3A_927 = arith.maximumf %max3A_924, %get3A_926 : vector<16xf32>
        %get3A_928 = arith.constant 112 : index
        %get3A_929 = tpu.vector_load %arg13[%get3A_928] {strides = array<i32>} : memref<160xf32, #tpu.memory_space<vmem>>, vector<16xf32>,
        %max3A_930 = arith.maximumf %max3A_927, %get3A_929 : vector<16xf32>
        %get3A_931 = arith.constant 128 : index
        %get3A_932 = tpu.vector_load %arg13[%get3A_931] {strides = array<i32>} : memref<160xf32, #tpu.memory_space<vmem>>, vector<16xf32>,
        %max3A_933 = arith.maximumf %max3A_930, %get3A_932 : vector<16xf32>
        %get3A_934 = arith.constant 144 : index
        %get3A_935 = tpu.vector_load %arg13[%get3A_934] {strides = array<i32>} : memref<160xf32, #tpu.memory_space<vmem>>, vector<16xf32>,
        %max3A_936 = arith.maximumf %max3A_933, %get3A_935 : vector<16xf32>
        %reduce_max3A_937 = arith.constant true
        %reduce_max3A_938 = vector.broadcast %reduce_max3A_937 : i1 to vector<16xi1>
        %reduce_max3A_939 = tpu.scan <max>, %max3A_936 masked %reduce_max3A_938 : vector<16xf32>, vector<16xi1> -> vector<16xf32>
        %reduce_max3A_940 = vector.extract %reduce_max3A_939[15] : f32 from vector<16xf32>
        %broadcast_in_dim3A_941 = vector.broadcast %reduce_max3A_940 : f32 to vector<16xf32>
        %broadcast_in_dim3A_942 = arith.constant 2147483647 : i32
        %broadcast_in_dim3A_943 = vector.broadcast %broadcast_in_dim3A_942 : i32 to vector<16xi32>
        %get3A_944 = arith.constant 0 : index
        %get3A_945 = tpu.vector_load %arg13[%get3A_944] {strides = array<i32>} : memref<160xf32, #tpu.memory_space<vmem>>, vector<16xf32>,
        %broadcast_in_dim3A_946 = arith.constant 0 : i32
        %broadcast_in_dim3A_947 = vector.broadcast %broadcast_in_dim3A_946 : i32 to vector<16xi32>
        %add3A_948 = arith.addi %broadcast_in_dim3A_947, %iota3A : vector<16xi32>
        %eq3A_949 = arith.cmpf oeq, %get3A_945, %broadcast_in_dim3A_941 : vector<16xf32>
        %jit3A_950 = arith.constant 2147483647 : i32
        %broadcast_in_dim3A_951 = vector.broadcast %jit3A_950 : i32 to vector<16xi32>
        %select_n3A_952 = arith.select %eq3A_949, %add3A_948, %broadcast_in_dim3A_951 : vector<16xi1>, vector<16xi32>
        %min3A_953 = arith.minsi %broadcast_in_dim3A_943, %select_n3A_952 : vector<16xi32>
        %get3A_954 = arith.constant 16 : index
        %get3A_955 = tpu.vector_load %arg13[%get3A_954] {strides = array<i32>} : memref<160xf32, #tpu.memory_space<vmem>>, vector<16xf32>,
        %broadcast_in_dim3A_956 = arith.constant 16 : i32
        %broadcast_in_dim3A_957 = vector.broadcast %broadcast_in_dim3A_956 : i32 to vector<16xi32>
        %add3A_958 = arith.addi %broadcast_in_dim3A_957, %iota3A : vector<16xi32>
        %eq3A_959 = arith.cmpf oeq, %get3A_955, %broadcast_in_dim3A_941 : vector<16xf32>
        %jit3A_960 = arith.constant 2147483647 : i32
        %broadcast_in_dim3A_961 = vector.broadcast %jit3A_960 : i32 to vector<16xi32>
        %select_n3A_962 = arith.select %eq3A_959, %add3A_958, %broadcast_in_dim3A_961 : vector<16xi1>, vector<16xi32>
        %min3A_963 = arith.minsi %min3A_953, %select_n3A_962 : vector<16xi32>
        %get3A_964 = arith.constant 32 : index
        %get3A_965 = tpu.vector_load %arg13[%get3A_964] {strides = array<i32>} : memref<160xf32, #tpu.memory_space<vmem>>, vector<16xf32>,
        %broadcast_in_dim3A_966 = arith.constant 32 : i32
        %broadcast_in_dim3A_967 = vector.broadcast %broadcast_in_dim3A_966 : i32 to vector<16xi32>
        %add3A_968 = arith.addi %broadcast_in_dim3A_967, %iota3A : vector<16xi32>
        %eq3A_969 = arith.cmpf oeq, %get3A_965, %broadcast_in_dim3A_941 : vector<16xf32>
        %jit3A_970 = arith.constant 2147483647 : i32
        %broadcast_in_dim3A_971 = vector.broadcast %jit3A_970 : i32 to vector<16xi32>
        %select_n3A_972 = arith.select %eq3A_969, %add3A_968, %broadcast_in_dim3A_971 : vector<16xi1>, vector<16xi32>
        %min3A_973 = arith.minsi %min3A_963, %select_n3A_972 : vector<16xi32>
        %get3A_974 = arith.constant 48 : index
        %get3A_975 = tpu.vector_load %arg13[%get3A_974] {strides = array<i32>} : memref<160xf32, #tpu.memory_space<vmem>>, vector<16xf32>,
        %broadcast_in_dim3A_976 = arith.constant 48 : i32
        %broadcast_in_dim3A_977 = vector.broadcast %broadcast_in_dim3A_976 : i32 to vector<16xi32>
        %add3A_978 = arith.addi %broadcast_in_dim3A_977, %iota3A : vector<16xi32>
        %eq3A_979 = arith.cmpf oeq, %get3A_975, %broadcast_in_dim3A_941 : vector<16xf32>
        %jit3A_980 = arith.constant 2147483647 : i32
        %broadcast_in_dim3A_981 = vector.broadcast %jit3A_980 : i32 to vector<16xi32>
        %select_n3A_982 = arith.select %eq3A_979, %add3A_978, %broadcast_in_dim3A_981 : vector<16xi1>, vector<16xi32>
        %min3A_983 = arith.minsi %min3A_973, %select_n3A_982 : vector<16xi32>
        %get3A_984 = arith.constant 64 : index
        %get3A_985 = tpu.vector_load %arg13[%get3A_984] {strides = array<i32>} : memref<160xf32, #tpu.memory_space<vmem>>, vector<16xf32>,
        %broadcast_in_dim3A_986 = arith.constant 64 : i32
        %broadcast_in_dim3A_987 = vector.broadcast %broadcast_in_dim3A_986 : i32 to vector<16xi32>
        %add3A_988 = arith.addi %broadcast_in_dim3A_987, %iota3A : vector<16xi32>
        %eq3A_989 = arith.cmpf oeq, %get3A_985, %broadcast_in_dim3A_941 : vector<16xf32>
        %jit3A_990 = arith.constant 2147483647 : i32
        %broadcast_in_dim3A_991 = vector.broadcast %jit3A_990 : i32 to vector<16xi32>
        %select_n3A_992 = arith.select %eq3A_989, %add3A_988, %broadcast_in_dim3A_991 : vector<16xi1>, vector<16xi32>
        %min3A_993 = arith.minsi %min3A_983, %select_n3A_992 : vector<16xi32>
        %get3A_994 = arith.constant 80 : index
        %get3A_995 = tpu.vector_load %arg13[%get3A_994] {strides = array<i32>} : memref<160xf32, #tpu.memory_space<vmem>>, vector<16xf32>,
        %broadcast_in_dim3A_996 = arith.constant 80 : i32
        %broadcast_in_dim3A_997 = vector.broadcast %broadcast_in_dim3A_996 : i32 to vector<16xi32>
        %add3A_998 = arith.addi %broadcast_in_dim3A_997, %iota3A : vector<16xi32>
        %eq3A_999 = arith.cmpf oeq, %get3A_995, %broadcast_in_dim3A_941 : vector<16xf32>
        %jit3A_1000 = arith.constant 2147483647 : i32
        %broadcast_in_dim3A_1001 = vector.broadcast %jit3A_1000 : i32 to vector<16xi32>
        %select_n3A_1002 = arith.select %eq3A_999, %add3A_998, %broadcast_in_dim3A_1001 : vector<16xi1>, vector<16xi32>
        %min3A_1003 = arith.minsi %min3A_993, %select_n3A_1002 : vector<16xi32>
        %get3A_1004 = arith.constant 96 : index
        %get3A_1005 = tpu.vector_load %arg13[%get3A_1004] {strides = array<i32>} : memref<160xf32, #tpu.memory_space<vmem>>, vector<16xf32>,
        %broadcast_in_dim3A_1006 = arith.constant 96 : i32
        %broadcast_in_dim3A_1007 = vector.broadcast %broadcast_in_dim3A_1006 : i32 to vector<16xi32>
        %add3A_1008 = arith.addi %broadcast_in_dim3A_1007, %iota3A : vector<16xi32>
        %eq3A_1009 = arith.cmpf oeq, %get3A_1005, %broadcast_in_dim3A_941 : vector<16xf32>
        %jit3A_1010 = arith.constant 2147483647 : i32
        %broadcast_in_dim3A_1011 = vector.broadcast %jit3A_1010 : i32 to vector<16xi32>
        %select_n3A_1012 = arith.select %eq3A_1009, %add3A_1008, %broadcast_in_dim3A_1011 : vector<16xi1>, vector<16xi32>
        %min3A_1013 = arith.minsi %min3A_1003, %select_n3A_1012 : vector<16xi32>
        %get3A_1014 = arith.constant 112 : index
        %get3A_1015 = tpu.vector_load %arg13[%get3A_1014] {strides = array<i32>} : memref<160xf32, #tpu.memory_space<vmem>>, vector<16xf32>,
        %broadcast_in_dim3A_1016 = arith.constant 112 : i32
        %broadcast_in_dim3A_1017 = vector.broadcast %broadcast_in_dim3A_1016 : i32 to vector<16xi32>
        %add3A_1018 = arith.addi %broadcast_in_dim3A_1017, %iota3A : vector<16xi32>
        %eq3A_1019 = arith.cmpf oeq, %get3A_1015, %broadcast_in_dim3A_941 : vector<16xf32>
        %jit3A_1020 = arith.constant 2147483647 : i32
        %broadcast_in_dim3A_1021 = vector.broadcast %jit3A_1020 : i32 to vector<16xi32>
        %select_n3A_1022 = arith.select %eq3A_1019, %add3A_1018, %broadcast_in_dim3A_1021 : vector<16xi1>, vector<16xi32>
        %min3A_1023 = arith.minsi %min3A_1013, %select_n3A_1022 : vector<16xi32>
        %get3A_1024 = arith.constant 128 : index
        %get3A_1025 = tpu.vector_load %arg13[%get3A_1024] {strides = array<i32>} : memref<160xf32, #tpu.memory_space<vmem>>, vector<16xf32>,
        %broadcast_in_dim3A_1026 = arith.constant 128 : i32
        %broadcast_in_dim3A_1027 = vector.broadcast %broadcast_in_dim3A_1026 : i32 to vector<16xi32>
        %add3A_1028 = arith.addi %broadcast_in_dim3A_1027, %iota3A : vector<16xi32>
        %eq3A_1029 = arith.cmpf oeq, %get3A_1025, %broadcast_in_dim3A_941 : vector<16xf32>
        %jit3A_1030 = arith.constant 2147483647 : i32
        %broadcast_in_dim3A_1031 = vector.broadcast %jit3A_1030 : i32 to vector<16xi32>
        %select_n3A_1032 = arith.select %eq3A_1029, %add3A_1028, %broadcast_in_dim3A_1031 : vector<16xi1>, vector<16xi32>
        %min3A_1033 = arith.minsi %min3A_1023, %select_n3A_1032 : vector<16xi32>
        %get3A_1034 = arith.constant 144 : index
        %get3A_1035 = tpu.vector_load %arg13[%get3A_1034] {strides = array<i32>} : memref<160xf32, #tpu.memory_space<vmem>>, vector<16xf32>,
        %broadcast_in_dim3A_1036 = arith.constant 144 : i32
        %broadcast_in_dim3A_1037 = vector.broadcast %broadcast_in_dim3A_1036 : i32 to vector<16xi32>
        %add3A_1038 = arith.addi %broadcast_in_dim3A_1037, %iota3A : vector<16xi32>
        %eq3A_1039 = arith.cmpf oeq, %get3A_1035, %broadcast_in_dim3A_941 : vector<16xf32>
        %jit3A_1040 = arith.constant 2147483647 : i32
        %broadcast_in_dim3A_1041 = vector.broadcast %jit3A_1040 : i32 to vector<16xi32>
        %select_n3A_1042 = arith.select %eq3A_1039, %add3A_1038, %broadcast_in_dim3A_1041 : vector<16xi1>, vector<16xi32>
        %min3A_1043 = arith.minsi %min3A_1033, %select_n3A_1042 : vector<16xi32>
        %reduce_min3A_1044 = arith.constant true
        %reduce_min3A_1045 = vector.broadcast %reduce_min3A_1044 : i1 to vector<16xi1>
        %reduce_min3A_1046 = arith.constant -2147483648 : i32
        %reduce_min3A_1047 = vector.broadcast %reduce_min3A_1046 : i32 to vector<16xi32>
        %reduce_min3A_1048 = arith.xori %min3A_1043, %reduce_min3A_1047 : vector<16xi32>
        %reduce_min3A_1049 = tpu.scan <min>, %reduce_min3A_1048 masked %reduce_min3A_1045 : vector<16xi32>, vector<16xi1> -> vector<16xi32>
        %reduce_min3A_1050 = arith.xori %reduce_min3A_1049, %reduce_min3A_1047 : vector<16xi32>
        %reduce_min3A_1051 = vector.extract %reduce_min3A_1050[15] : i32 from vector<16xi32>
        %mul3A_1052 = arith.constant 16 : i32
        %mul3A_1053 = arith.muli %reduce_min3A_1051, %mul3A_1052 : i32
        %get3A_1054 = arith.index_cast %mul3A_1053 : i32 to index
        %get3A_1055 = tpu.vector_load %arg10[%get3A_1054] {strides = array<i32>} : memref<2560xf32, #tpu.memory_space<vmem>>, vector<16xf32>,
        %eq3A_1056 = arith.cmpf oeq, %get3A_1055, %broadcast_in_dim3A_941 : vector<16xf32>
        %all_reduce_ffs3A = tpu.all_reduce %eq3A_1056 {dim = 0 : i64, kind = #tpu.reduction_kind<find_first_set>} : vector<16xi1> -> vector<16xi32>
        %reduce_max3A_1057 = arith.constant true
        %reduce_max3A_1058 = vector.broadcast %reduce_max3A_1057 : i1 to vector<16xi1>
        %reduce_max3A_1059 = arith.constant -2147483648 : i32
        %reduce_max3A_1060 = vector.broadcast %reduce_max3A_1059 : i32 to vector<16xi32>
        %reduce_max3A_1061 = arith.xori %all_reduce_ffs3A, %reduce_max3A_1060 : vector<16xi32>
        %reduce_max3A_1062 = tpu.scan <max>, %reduce_max3A_1061 masked %reduce_max3A_1058 : vector<16xi32>, vector<16xi1> -> vector<16xi32>
        %reduce_max3A_1063 = arith.xori %reduce_max3A_1062, %reduce_max3A_1060 : vector<16xi32>
        %reduce_max3A_1064 = vector.extract %reduce_max3A_1063[15] : i32 from vector<16xi32>
        %broadcast_in_dim3A_1065 = vector.broadcast %reduce_max3A_1064 : i32 to vector<16xi32>
        %mul3A_1066 = arith.constant 16 : i32
        %mul3A_1067 = arith.muli %reduce_min3A_1051, %mul3A_1066 : i32
        %get3A_1068 = arith.index_cast %mul3A_1067 : i32 to index
        %get3A_1069 = tpu.vector_load %arg11[%get3A_1068] {strides = array<i32>} : memref<2560xi32, #tpu.memory_space<vmem>>, vector<16xi32>,
        %eq3A_1070 = arith.cmpi eq, %iota3A, %broadcast_in_dim3A_1065 : vector<16xi32>
        %jit3A_1071 = arith.constant 2147483647 : i32
        %broadcast_in_dim3A_1072 = vector.broadcast %jit3A_1071 : i32 to vector<16xi32>
        %select_n3A_1073 = arith.select %eq3A_1070, %get3A_1069, %broadcast_in_dim3A_1072 : vector<16xi1>, vector<16xi32>
        %reduce_min3A_1074 = arith.constant true
        %reduce_min3A_1075 = vector.broadcast %reduce_min3A_1074 : i1 to vector<16xi1>
        %reduce_min3A_1076 = arith.constant -2147483648 : i32
        %reduce_min3A_1077 = vector.broadcast %reduce_min3A_1076 : i32 to vector<16xi32>
        %reduce_min3A_1078 = arith.xori %select_n3A_1073, %reduce_min3A_1077 : vector<16xi32>
        %reduce_min3A_1079 = tpu.scan <min>, %reduce_min3A_1078 masked %reduce_min3A_1075 : vector<16xi32>, vector<16xi1> -> vector<16xi32>
        %reduce_min3A_1080 = arith.xori %reduce_min3A_1079, %reduce_min3A_1077 : vector<16xi32>
        %reduce_min3A_1081 = vector.extract %reduce_min3A_1080[15] : i32 from vector<16xi32>
        %eq3A_1082 = arith.cmpi eq, %iota3A, %broadcast_in_dim3A_1065 : vector<16xi32>
        %jit3A_1083 = arith.constant 0xFF800000 : f32
        %broadcast_in_dim3A_1084 = vector.broadcast %jit3A_1083 : f32 to vector<16xf32>
        %select_n3A_1085 = arith.select %eq3A_1082, %broadcast_in_dim3A_1084, %get3A_1055 : vector<16xi1>, vector<16xf32>
        %mul3A_1086 = arith.constant 16 : i32
        %mul3A_1087 = arith.muli %reduce_min3A_1051, %mul3A_1086 : i32
        %swap3A_1088 = arith.index_cast %mul3A_1087 : i32 to index
        %swap3A_1089 = tpu.vector_load %arg10[%swap3A_1088] {strides = array<i32>} : memref<2560xf32, #tpu.memory_space<vmem>>, vector<16xf32>,
        tpu.vector_store %arg10[%swap3A_1088], %select_n3A_1085 {strides = array<i32>} : memref<2560xf32, #tpu.memory_space<vmem>>, vector<16xf32>,
        %broadcast_in_dim3A_1090 = vector.broadcast %reduce_min3A_1051 : i32 to vector<16xi32>
        %reduce_max3A_1091 = arith.constant true
        %reduce_max3A_1092 = vector.broadcast %reduce_max3A_1091 : i1 to vector<16xi1>
        %reduce_max3A_1093 = tpu.scan <max>, %select_n3A_1085 masked %reduce_max3A_1092 : vector<16xf32>, vector<16xi1> -> vector<16xf32>
        %reduce_max3A_1094 = vector.extract %reduce_max3A_1093[15] : f32 from vector<16xf32>
        %broadcast_in_dim3A_1095 = vector.broadcast %reduce_max3A_1094 : f32 to vector<16xf32>
        %eq3A_1096 = arith.constant 0 : i32
        %eq3A_1097 = vector.broadcast %eq3A_1096 : i32 to vector<16xi32>
        %eq3A_1098 = arith.cmpi eq, %iota3A, %eq3A_1097 : vector<16xi32>
        tpu.vector_store_idx %arg13[%broadcast_in_dim3A_1090], %broadcast_in_dim3A_1095 masked %eq3A_1098 : memref<160xf32, #tpu.memory_space<vmem>>[vector<16xi32>], vector<16xf32>, vector<16xi1>
        %broadcast_in_dim3A_1099 = vector.broadcast %scan3A_903 : i32 to vector<16xi32>
        %eq3A_1100 = arith.constant 0 : i32
        %eq3A_1101 = vector.broadcast %eq3A_1100 : i32 to vector<16xi32>
        %eq3A_1102 = arith.cmpi eq, %iota3A, %eq3A_1101 : vector<16xi32>
        tpu.vector_store_idx %arg14[%broadcast_in_dim3A_1099], %broadcast_in_dim3A_941 masked %eq3A_1102 : memref<128xf32, #tpu.memory_space<vmem>>[vector<16xi32>], vector<16xf32>, vector<16xi1>
        %broadcast_in_dim3A_1103 = vector.broadcast %scan3A_903 : i32 to vector<16xi32>
        %broadcast_in_dim3A_1104 = vector.broadcast %reduce_min3A_1081 : i32 to vector<16xi32>
        %eq3A_1105 = arith.constant 0 : i32
        %eq3A_1106 = vector.broadcast %eq3A_1105 : i32 to vector<16xi32>
        %eq3A_1107 = arith.cmpi eq, %iota3A, %eq3A_1106 : vector<16xi32>
        tpu.vector_store_idx %arg15[%broadcast_in_dim3A_1103], %broadcast_in_dim3A_1104 masked %eq3A_1107 : memref<128xi32, #tpu.memory_space<vmem>>[vector<16xi32>], vector<16xi32>, vector<16xi1>
        %scan3A_1108 = arith.constant 0 : i32
        scf.yield %scan3A_1108 : i32
      }
      %scan3A_647 = arith.constant 50 : i32
      %get3A_648 = arith.constant 0 : index
      %get3A_649 = tpu.vector_load %arg19[%get3A_648] {strides = array<i32>} : memref<128xf32, #tpu.memory_space<vmem>>, vector<16xf32>,
      %get3A_650 = arith.constant 0 : index
      %get3A_651 = tpu.vector_load %arg20[%get3A_650] {strides = array<i32>} : memref<128xf32, #tpu.memory_space<vmem>>, vector<16xf32>,
      %get3A_652 = arith.constant 0 : index
      %get3A_653 = tpu.vector_load %arg14[%get3A_652] {strides = array<i32>} : memref<128xf32, #tpu.memory_space<vmem>>, vector<16xf32>,
      %div3A_654 = arith.divf %get3A_653, %get3A_651 : vector<16xf32>
      %get3A_655 = arith.constant 16 : index
      %get3A_656 = tpu.vector_load %arg14[%get3A_655] {strides = array<i32>} : memref<128xf32, #tpu.memory_space<vmem>>, vector<16xf32>,
      %div3A_657 = arith.divf %get3A_656, %get3A_651 : vector<16xf32>
      %get3A_658 = arith.constant 32 : index
      %get3A_659 = tpu.vector_load %arg14[%get3A_658] {strides = array<i32>} : memref<128xf32, #tpu.memory_space<vmem>>, vector<16xf32>,
      %div3A_660 = arith.divf %get3A_659, %get3A_651 : vector<16xf32>
      %get3A_661 = arith.constant 48 : index
      %get3A_662 = tpu.vector_load %arg14[%get3A_661] {strides = array<i32>} : memref<128xf32, #tpu.memory_space<vmem>>, vector<16xf32>,
      %div3A_663 = arith.divf %get3A_662, %get3A_651 : vector<16xf32>
      %max3A_664 = arith.maximumf %div3A_654, %div3A_657 : vector<16xf32>
      %max3A_665 = arith.maximumf %div3A_660, %div3A_663 : vector<16xf32>
      %max3A_666 = arith.maximumf %max3A_664, %max3A_665 : vector<16xf32>
      %reduce_max3A_667 = arith.constant true
      %reduce_max3A_668 = vector.broadcast %reduce_max3A_667 : i1 to vector<16xi1>
      %reduce_max3A_669 = tpu.scan <max>, %max3A_666 masked %reduce_max3A_668 : vector<16xf32>, vector<16xi1> -> vector<16xf32>
      %reduce_max3A_670 = vector.extract %reduce_max3A_669[15] : f32 from vector<16xf32>
      %broadcast_in_dim3A_671 = arith.constant 0 : i32
      %broadcast_in_dim3A_672 = vector.broadcast %broadcast_in_dim3A_671 : i32 to vector<16xi32>
      %add3A_673 = arith.addi %broadcast_in_dim3A_672, %iota3A : vector<16xi32>
      %broadcast_in_dim3A_674 = arith.constant 16 : i32
      %broadcast_in_dim3A_675 = vector.broadcast %broadcast_in_dim3A_674 : i32 to vector<16xi32>
      %add3A_676 = arith.addi %broadcast_in_dim3A_675, %iota3A : vector<16xi32>
      %broadcast_in_dim3A_677 = arith.constant 32 : i32
      %broadcast_in_dim3A_678 = vector.broadcast %broadcast_in_dim3A_677 : i32 to vector<16xi32>
      %add3A_679 = arith.addi %broadcast_in_dim3A_678, %iota3A : vector<16xi32>
      %broadcast_in_dim3A_680 = arith.constant 48 : i32
      %broadcast_in_dim3A_681 = vector.broadcast %broadcast_in_dim3A_680 : i32 to vector<16xi32>
      %add3A_682 = arith.addi %broadcast_in_dim3A_681, %iota3A : vector<16xi32>
      %lt3A_683 = arith.constant 50 : i32
      %lt3A_684 = vector.broadcast %lt3A_683 : i32 to vector<16xi32>
      %lt3A_685 = arith.cmpi slt, %add3A_673, %lt3A_684 : vector<16xi32>
      %broadcast_in_dim3A_686 = vector.broadcast %reduce_max3A_670 : f32 to vector<16xf32>
      %sub3A_687 = arith.subf %div3A_654, %broadcast_in_dim3A_686 : vector<16xf32>
      %exp3A = math.exp %sub3A_687 : vector<16xf32>
      %jit3A = arith.constant 0.000000e+00 : f32
      %broadcast_in_dim3A_688 = vector.broadcast %jit3A : f32 to vector<16xf32>
      %select_n3A_689 = arith.select %lt3A_685, %exp3A, %broadcast_in_dim3A_688 : vector<16xi1>, vector<16xf32>
      %lt3A_690 = arith.constant 50 : i32
      %lt3A_691 = vector.broadcast %lt3A_690 : i32 to vector<16xi32>
      %lt3A_692 = arith.cmpi slt, %add3A_676, %lt3A_691 : vector<16xi32>
      %broadcast_in_dim3A_693 = vector.broadcast %reduce_max3A_670 : f32 to vector<16xf32>
      %sub3A_694 = arith.subf %div3A_657, %broadcast_in_dim3A_693 : vector<16xf32>
      %exp3A_695 = math.exp %sub3A_694 : vector<16xf32>
      %jit3A_696 = arith.constant 0.000000e+00 : f32
      %broadcast_in_dim3A_697 = vector.broadcast %jit3A_696 : f32 to vector<16xf32>
      %select_n3A_698 = arith.select %lt3A_692, %exp3A_695, %broadcast_in_dim3A_697 : vector<16xi1>, vector<16xf32>
      %lt3A_699 = arith.constant 50 : i32
      %lt3A_700 = vector.broadcast %lt3A_699 : i32 to vector<16xi32>
      %lt3A_701 = arith.cmpi slt, %add3A_679, %lt3A_700 : vector<16xi32>
      %broadcast_in_dim3A_702 = vector.broadcast %reduce_max3A_670 : f32 to vector<16xf32>
      %sub3A_703 = arith.subf %div3A_660, %broadcast_in_dim3A_702 : vector<16xf32>
      %exp3A_704 = math.exp %sub3A_703 : vector<16xf32>
      %jit3A_705 = arith.constant 0.000000e+00 : f32
      %broadcast_in_dim3A_706 = vector.broadcast %jit3A_705 : f32 to vector<16xf32>
      %select_n3A_707 = arith.select %lt3A_701, %exp3A_704, %broadcast_in_dim3A_706 : vector<16xi1>, vector<16xf32>
      %lt3A_708 = arith.constant 50 : i32
      %lt3A_709 = vector.broadcast %lt3A_708 : i32 to vector<16xi32>
      %lt3A_710 = arith.cmpi slt, %add3A_682, %lt3A_709 : vector<16xi32>
      %broadcast_in_dim3A_711 = vector.broadcast %reduce_max3A_670 : f32 to vector<16xf32>
      %sub3A_712 = arith.subf %div3A_663, %broadcast_in_dim3A_711 : vector<16xf32>
      %exp3A_713 = math.exp %sub3A_712 : vector<16xf32>
      %jit3A_714 = arith.constant 0.000000e+00 : f32
      %broadcast_in_dim3A_715 = vector.broadcast %jit3A_714 : f32 to vector<16xf32>
      %select_n3A_716 = arith.select %lt3A_710, %exp3A_713, %broadcast_in_dim3A_715 : vector<16xi1>, vector<16xf32>
      %reduce_sum3A = arith.constant true
      %reduce_sum3A_717 = vector.broadcast %reduce_sum3A : i1 to vector<16xi1>
      %reduce_sum3A_718 = tpu.scan <sum>, %select_n3A_689 masked %reduce_sum3A_717 : vector<16xf32>, vector<16xi1> -> vector<16xf32>
      %reduce_sum3A_719 = vector.extract %reduce_sum3A_718[15] : f32 from vector<16xf32>
      %reduce_sum3A_720 = arith.constant true
      %reduce_sum3A_721 = vector.broadcast %reduce_sum3A_720 : i1 to vector<16xi1>
      %reduce_sum3A_722 = tpu.scan <sum>, %select_n3A_698 masked %reduce_sum3A_721 : vector<16xf32>, vector<16xi1> -> vector<16xf32>
      %reduce_sum3A_723 = vector.extract %reduce_sum3A_722[15] : f32 from vector<16xf32>
      %add3A_724 = arith.addf %reduce_sum3A_719, %reduce_sum3A_723 : f32
      %reduce_sum3A_725 = arith.constant true
      %reduce_sum3A_726 = vector.broadcast %reduce_sum3A_725 : i1 to vector<16xi1>
      %reduce_sum3A_727 = tpu.scan <sum>, %select_n3A_707 masked %reduce_sum3A_726 : vector<16xf32>, vector<16xi1> -> vector<16xf32>
      %reduce_sum3A_728 = vector.extract %reduce_sum3A_727[15] : f32 from vector<16xf32>
      %add3A_729 = arith.addf %add3A_724, %reduce_sum3A_728 : f32
      %reduce_sum3A_730 = arith.constant true
      %reduce_sum3A_731 = vector.broadcast %reduce_sum3A_730 : i1 to vector<16xi1>
      %reduce_sum3A_732 = tpu.scan <sum>, %select_n3A_716 masked %reduce_sum3A_731 : vector<16xf32>, vector<16xi1> -> vector<16xf32>
      %reduce_sum3A_733 = vector.extract %reduce_sum3A_732[15] : f32 from vector<16xf32>
      %add3A_734 = arith.addf %add3A_729, %reduce_sum3A_733 : f32
      %broadcast_in_dim3A_735 = vector.broadcast %add3A_734 : f32 to vector<16xf32>
      %reduce_max3A_736 = arith.constant true
      %reduce_max3A_737 = vector.broadcast %reduce_max3A_736 : i1 to vector<16xi1>
      %reduce_max3A_738 = tpu.scan <max>, %broadcast_in_dim3A_735 masked %reduce_max3A_737 : vector<16xf32>, vector<16xi1> -> vector<16xf32>
      %reduce_max3A_739 = vector.extract %reduce_max3A_738[15] : f32 from vector<16xf32>
      %broadcast_in_dim3A_740 = vector.broadcast %reduce_max3A_739 : f32 to vector<16xf32>
      %div3A_741 = arith.divf %select_n3A_689, %broadcast_in_dim3A_740 : vector<16xf32>
      %broadcast_in_dim3A_742 = arith.constant true
      %broadcast_in_dim3A_743 = vector.broadcast %broadcast_in_dim3A_742 : i1 to vector<16xi1>
      %masked_cumsum3A = tpu.scan <sum>, %div3A_741 masked %broadcast_in_dim3A_743 : vector<16xf32>, vector<16xi1> -> vector<16xf32>
      %broadcast_in_dim3A_744 = arith.constant 0.000000e+00 : f32
      %broadcast_in_dim3A_745 = vector.broadcast %broadcast_in_dim3A_744 : f32 to vector<16xf32>
      %add3A_746 = arith.addf %masked_cumsum3A, %broadcast_in_dim3A_745 : vector<16xf32>
      %reduce_sum3A_747 = arith.constant true
      %reduce_sum3A_748 = vector.broadcast %reduce_sum3A_747 : i1 to vector<16xi1>
      %reduce_sum3A_749 = tpu.scan <sum>, %div3A_741 masked %reduce_sum3A_748 : vector<16xf32>, vector<16xi1> -> vector<16xf32>
      %reduce_sum3A_750 = vector.extract %reduce_sum3A_749[15] : f32 from vector<16xf32>
      %add3A_751 = arith.constant 0.000000e+00 : f32
      %add3A_752 = arith.addf %add3A_751, %reduce_sum3A_750 : f32
      %lt3A_753 = arith.cmpf olt, %add3A_746, %get3A_649 : vector<16xf32>
      %lt3A_754 = arith.constant 5 : i32
      %lt3A_755 = vector.broadcast %lt3A_754 : i32 to vector<16xi32>
      %lt3A_756 = arith.cmpi slt, %add3A_673, %lt3A_755 : vector<16xi32>
      %or3A = arith.ori %lt3A_753, %lt3A_756 : vector<16xi1>
      %jit3A_757 = arith.constant -1.000000e+03 : f32
      %broadcast_in_dim3A_758 = vector.broadcast %jit3A_757 : f32 to vector<16xf32>
      %select_n3A_759 = arith.select %or3A, %div3A_654, %broadcast_in_dim3A_758 : vector<16xi1>, vector<16xf32>
      %broadcast_in_dim3A_760 = vector.broadcast %reduce_max3A_739 : f32 to vector<16xf32>
      %div3A_761 = arith.divf %select_n3A_698, %broadcast_in_dim3A_760 : vector<16xf32>
      %broadcast_in_dim3A_762 = arith.constant true
      %broadcast_in_dim3A_763 = vector.broadcast %broadcast_in_dim3A_762 : i1 to vector<16xi1>
      %masked_cumsum3A_764 = tpu.scan <sum>, %div3A_761 masked %broadcast_in_dim3A_763 : vector<16xf32>, vector<16xi1> -> vector<16xf32>
      %broadcast_in_dim3A_765 = vector.broadcast %add3A_752 : f32 to vector<16xf32>
      %add3A_766 = arith.addf %masked_cumsum3A_764, %broadcast_in_dim3A_765 : vector<16xf32>
      %reduce_sum3A_767 = arith.constant true
      %reduce_sum3A_768 = vector.broadcast %reduce_sum3A_767 : i1 to vector<16xi1>
      %reduce_sum3A_769 = tpu.scan <sum>, %div3A_761 masked %reduce_sum3A_768 : vector<16xf32>, vector<16xi1> -> vector<16xf32>
      %reduce_sum3A_770 = vector.extract %reduce_sum3A_769[15] : f32 from vector<16xf32>
      %add3A_771 = arith.addf %add3A_752, %reduce_sum3A_770 : f32
      %lt3A_772 = arith.cmpf olt, %add3A_766, %get3A_649 : vector<16xf32>
      %lt3A_773 = arith.constant 5 : i32
      %lt3A_774 = vector.broadcast %lt3A_773 : i32 to vector<16xi32>
      %lt3A_775 = arith.cmpi slt, %add3A_676, %lt3A_774 : vector<16xi32>
      %or3A_776 = arith.ori %lt3A_772, %lt3A_775 : vector<16xi1>
      %jit3A_777 = arith.constant -1.000000e+03 : f32
      %broadcast_in_dim3A_778 = vector.broadcast %jit3A_777 : f32 to vector<16xf32>
      %select_n3A_779 = arith.select %or3A_776, %div3A_657, %broadcast_in_dim3A_778 : vector<16xi1>, vector<16xf32>
      %broadcast_in_dim3A_780 = vector.broadcast %reduce_max3A_739 : f32 to vector<16xf32>
      %div3A_781 = arith.divf %select_n3A_707, %broadcast_in_dim3A_780 : vector<16xf32>
      %broadcast_in_dim3A_782 = arith.constant true
      %broadcast_in_dim3A_783 = vector.broadcast %broadcast_in_dim3A_782 : i1 to vector<16xi1>
      %masked_cumsum3A_784 = tpu.scan <sum>, %div3A_781 masked %broadcast_in_dim3A_783 : vector<16xf32>, vector<16xi1> -> vector<16xf32>
      %broadcast_in_dim3A_785 = vector.broadcast %add3A_771 : f32 to vector<16xf32>
      %add3A_786 = arith.addf %masked_cumsum3A_784, %broadcast_in_dim3A_785 : vector<16xf32>
      %reduce_sum3A_787 = arith.constant true
      %reduce_sum3A_788 = vector.broadcast %reduce_sum3A_787 : i1 to vector<16xi1>
      %reduce_sum3A_789 = tpu.scan <sum>, %div3A_781 masked %reduce_sum3A_788 : vector<16xf32>, vector<16xi1> -> vector<16xf32>
      %reduce_sum3A_790 = vector.extract %reduce_sum3A_789[15] : f32 from vector<16xf32>
      %add3A_791 = arith.addf %add3A_771, %reduce_sum3A_790 : f32
      %lt3A_792 = arith.cmpf olt, %add3A_786, %get3A_649 : vector<16xf32>
      %lt3A_793 = arith.constant 5 : i32
      %lt3A_794 = vector.broadcast %lt3A_793 : i32 to vector<16xi32>
      %lt3A_795 = arith.cmpi slt, %add3A_679, %lt3A_794 : vector<16xi32>
      %or3A_796 = arith.ori %lt3A_792, %lt3A_795 : vector<16xi1>
      %jit3A_797 = arith.constant -1.000000e+03 : f32
      %broadcast_in_dim3A_798 = vector.broadcast %jit3A_797 : f32 to vector<16xf32>
      %select_n3A_799 = arith.select %or3A_796, %div3A_660, %broadcast_in_dim3A_798 : vector<16xi1>, vector<16xf32>
      %broadcast_in_dim3A_800 = vector.broadcast %reduce_max3A_739 : f32 to vector<16xf32>
      %div3A_801 = arith.divf %select_n3A_716, %broadcast_in_dim3A_800 : vector<16xf32>
      %broadcast_in_dim3A_802 = arith.constant true
      %broadcast_in_dim3A_803 = vector.broadcast %broadcast_in_dim3A_802 : i1 to vector<16xi1>
      %masked_cumsum3A_804 = tpu.scan <sum>, %div3A_801 masked %broadcast_in_dim3A_803 : vector<16xf32>, vector<16xi1> -> vector<16xf32>
      %broadcast_in_dim3A_805 = vector.broadcast %add3A_791 : f32 to vector<16xf32>
      %add3A_806 = arith.addf %masked_cumsum3A_804, %broadcast_in_dim3A_805 : vector<16xf32>
      %reduce_sum3A_807 = arith.constant true
      %reduce_sum3A_808 = vector.broadcast %reduce_sum3A_807 : i1 to vector<16xi1>
      %reduce_sum3A_809 = tpu.scan <sum>, %div3A_801 masked %reduce_sum3A_808 : vector<16xf32>, vector<16xi1> -> vector<16xf32>
      %reduce_sum3A_810 = vector.extract %reduce_sum3A_809[15] : f32 from vector<16xf32>
      %add3A_811 = arith.addf %add3A_791, %reduce_sum3A_810 : f32
      %lt3A_812 = arith.cmpf olt, %add3A_806, %get3A_649 : vector<16xf32>
      %lt3A_813 = arith.constant 5 : i32
      %lt3A_814 = vector.broadcast %lt3A_813 : i32 to vector<16xi32>
      %lt3A_815 = arith.cmpi slt, %add3A_682, %lt3A_814 : vector<16xi32>
      %or3A_816 = arith.ori %lt3A_812, %lt3A_815 : vector<16xi1>
      %jit3A_817 = arith.constant -1.000000e+03 : f32
      %broadcast_in_dim3A_818 = vector.broadcast %jit3A_817 : f32 to vector<16xf32>
      %select_n3A_819 = arith.select %or3A_816, %div3A_663, %broadcast_in_dim3A_818 : vector<16xi1>, vector<16xf32>
      %max3A_820 = arith.maximumf %select_n3A_759, %select_n3A_779 : vector<16xf32>
      %max3A_821 = arith.maximumf %select_n3A_799, %select_n3A_819 : vector<16xf32>
      %max3A_822 = arith.maximumf %max3A_820, %max3A_821 : vector<16xf32>
      %reduce_max3A_823 = arith.constant true
      %reduce_max3A_824 = vector.broadcast %reduce_max3A_823 : i1 to vector<16xi1>
      %reduce_max3A_825 = tpu.scan <max>, %max3A_822 masked %reduce_max3A_824 : vector<16xf32>, vector<16xi1> -> vector<16xf32>
      %reduce_max3A_826 = vector.extract %reduce_max3A_825[15] : f32 from vector<16xf32>
      %lt3A_827 = arith.constant 50 : i32
      %lt3A_828 = vector.broadcast %lt3A_827 : i32 to vector<16xi32>
      %lt3A_829 = arith.cmpi slt, %add3A_673, %lt3A_828 : vector<16xi32>
      %broadcast_in_dim3A_830 = vector.broadcast %reduce_max3A_826 : f32 to vector<16xf32>
      %sub3A_831 = arith.subf %select_n3A_759, %broadcast_in_dim3A_830 : vector<16xf32>
      %exp3A_832 = math.exp %sub3A_831 : vector<16xf32>
      %jit3A_833 = arith.constant 0.000000e+00 : f32
      %broadcast_in_dim3A_834 = vector.broadcast %jit3A_833 : f32 to vector<16xf32>
      %select_n3A_835 = arith.select %lt3A_829, %exp3A_832, %broadcast_in_dim3A_834 : vector<16xi1>, vector<16xf32>
      %lt3A_836 = arith.constant 50 : i32
      %lt3A_837 = vector.broadcast %lt3A_836 : i32 to vector<16xi32>
      %lt3A_838 = arith.cmpi slt, %add3A_676, %lt3A_837 : vector<16xi32>
      %broadcast_in_dim3A_839 = vector.broadcast %reduce_max3A_826 : f32 to vector<16xf32>
      %sub3A_840 = arith.subf %select_n3A_779, %broadcast_in_dim3A_839 : vector<16xf32>
      %exp3A_841 = math.exp %sub3A_840 : vector<16xf32>
      %jit3A_842 = arith.constant 0.000000e+00 : f32
      %broadcast_in_dim3A_843 = vector.broadcast %jit3A_842 : f32 to vector<16xf32>
      %select_n3A_844 = arith.select %lt3A_838, %exp3A_841, %broadcast_in_dim3A_843 : vector<16xi1>, vector<16xf32>
      %lt3A_845 = arith.constant 50 : i32
      %lt3A_846 = vector.broadcast %lt3A_845 : i32 to vector<16xi32>
      %lt3A_847 = arith.cmpi slt, %add3A_679, %lt3A_846 : vector<16xi32>
      %broadcast_in_dim3A_848 = vector.broadcast %reduce_max3A_826 : f32 to vector<16xf32>
      %sub3A_849 = arith.subf %select_n3A_799, %broadcast_in_dim3A_848 : vector<16xf32>
      %exp3A_850 = math.exp %sub3A_849 : vector<16xf32>
      %jit3A_851 = arith.constant 0.000000e+00 : f32
      %broadcast_in_dim3A_852 = vector.broadcast %jit3A_851 : f32 to vector<16xf32>
      %select_n3A_853 = arith.select %lt3A_847, %exp3A_850, %broadcast_in_dim3A_852 : vector<16xi1>, vector<16xf32>
      %lt3A_854 = arith.constant 50 : i32
      %lt3A_855 = vector.broadcast %lt3A_854 : i32 to vector<16xi32>
      %lt3A_856 = arith.cmpi slt, %add3A_682, %lt3A_855 : vector<16xi32>
      %broadcast_in_dim3A_857 = vector.broadcast %reduce_max3A_826 : f32 to vector<16xf32>
      %sub3A_858 = arith.subf %select_n3A_819, %broadcast_in_dim3A_857 : vector<16xf32>
      %exp3A_859 = math.exp %sub3A_858 : vector<16xf32>
      %jit3A_860 = arith.constant 0.000000e+00 : f32
      %broadcast_in_dim3A_861 = vector.broadcast %jit3A_860 : f32 to vector<16xf32>
      %select_n3A_862 = arith.select %lt3A_856, %exp3A_859, %broadcast_in_dim3A_861 : vector<16xi1>, vector<16xf32>
      %reduce_sum3A_863 = arith.constant true
      %reduce_sum3A_864 = vector.broadcast %reduce_sum3A_863 : i1 to vector<16xi1>
      %reduce_sum3A_865 = tpu.scan <sum>, %select_n3A_835 masked %reduce_sum3A_864 : vector<16xf32>, vector<16xi1> -> vector<16xf32>
      %reduce_sum3A_866 = vector.extract %reduce_sum3A_865[15] : f32 from vector<16xf32>
      %reduce_sum3A_867 = arith.constant true
      %reduce_sum3A_868 = vector.broadcast %reduce_sum3A_867 : i1 to vector<16xi1>
      %reduce_sum3A_869 = tpu.scan <sum>, %select_n3A_844 masked %reduce_sum3A_868 : vector<16xf32>, vector<16xi1> -> vector<16xf32>
      %reduce_sum3A_870 = vector.extract %reduce_sum3A_869[15] : f32 from vector<16xf32>
      %add3A_871 = arith.addf %reduce_sum3A_866, %reduce_sum3A_870 : f32
      %reduce_sum3A_872 = arith.constant true
      %reduce_sum3A_873 = vector.broadcast %reduce_sum3A_872 : i1 to vector<16xi1>
      %reduce_sum3A_874 = tpu.scan <sum>, %select_n3A_853 masked %reduce_sum3A_873 : vector<16xf32>, vector<16xi1> -> vector<16xf32>
      %reduce_sum3A_875 = vector.extract %reduce_sum3A_874[15] : f32 from vector<16xf32>
      %add3A_876 = arith.addf %add3A_871, %reduce_sum3A_875 : f32
      %reduce_sum3A_877 = arith.constant true
      %reduce_sum3A_878 = vector.broadcast %reduce_sum3A_877 : i1 to vector<16xi1>
      %reduce_sum3A_879 = tpu.scan <sum>, %select_n3A_862 masked %reduce_sum3A_878 : vector<16xf32>, vector<16xi1> -> vector<16xf32>
      %reduce_sum3A_880 = vector.extract %reduce_sum3A_879[15] : f32 from vector<16xf32>
      %add3A_881 = arith.addf %add3A_876, %reduce_sum3A_880 : f32
      %broadcast_in_dim3A_882 = vector.broadcast %add3A_881 : f32 to vector<16xf32>
      %reduce_max3A_883 = arith.constant true
      %reduce_max3A_884 = vector.broadcast %reduce_max3A_883 : i1 to vector<16xi1>
      %reduce_max3A_885 = tpu.scan <max>, %broadcast_in_dim3A_882 masked %reduce_max3A_884 : vector<16xf32>, vector<16xi1> -> vector<16xf32>
      %reduce_max3A_886 = vector.extract %reduce_max3A_885[15] : f32 from vector<16xf32>
      %broadcast_in_dim3A_887 = vector.broadcast %reduce_max3A_886 : f32 to vector<16xf32>
      %div3A_888 = arith.divf %select_n3A_835, %broadcast_in_dim3A_887 : vector<16xf32>
      %swap3A_889 = arith.constant 0 : index
      %swap3A_890 = tpu.vector_load %arg14[%swap3A_889] {strides = array<i32>} : memref<128xf32, #tpu.memory_space<vmem>>, vector<16xf32>,
      tpu.vector_store %arg14[%swap3A_889], %div3A_888 {strides = array<i32>} : memref<128xf32, #tpu.memory_space<vmem>>, vector<16xf32>,
      %broadcast_in_dim3A_891 = vector.broadcast %reduce_max3A_886 : f32 to vector<16xf32>
      %div3A_892 = arith.divf %select_n3A_844, %broadcast_in_dim3A_891 : vector<16xf32>
      %swap3A_893 = arith.constant 16 : index
      %swap3A_894 = tpu.vector_load %arg14[%swap3A_893] {strides = array<i32>} : memref<128xf32, #tpu.memory_space<vmem>>, vector<16xf32>,
      tpu.vector_store %arg14[%swap3A_893], %div3A_892 {strides = array<i32>} : memref<128xf32, #tpu.memory_space<vmem>>, vector<16xf32>,
      %broadcast_in_dim3A_895 = vector.broadcast %reduce_max3A_886 : f32 to vector<16xf32>
      %div3A_896 = arith.divf %select_n3A_853, %broadcast_in_dim3A_895 : vector<16xf32>
      %swap3A_897 = arith.constant 32 : index
      %swap3A_898 = tpu.vector_load %arg14[%swap3A_897] {strides = array<i32>} : memref<128xf32, #tpu.memory_space<vmem>>, vector<16xf32>,
      tpu.vector_store %arg14[%swap3A_897], %div3A_896 {strides = array<i32>} : memref<128xf32, #tpu.memory_space<vmem>>, vector<16xf32>,
      %broadcast_in_dim3A_899 = vector.broadcast %reduce_max3A_886 : f32 to vector<16xf32>
      %div3A_900 = arith.divf %select_n3A_862, %broadcast_in_dim3A_899 : vector<16xf32>
      %swap3A_901 = arith.constant 48 : index
      %swap3A_902 = tpu.vector_load %arg14[%swap3A_901] {strides = array<i32>} : memref<128xf32, #tpu.memory_space<vmem>>, vector<16xf32>,
      tpu.vector_store %arg14[%swap3A_901], %div3A_900 {strides = array<i32>} : memref<128xf32, #tpu.memory_space<vmem>>, vector<16xf32>,
      "tpu.region"() ({
        %run_scoped3A = tpu.sem_alloc : memref<!tpu.dma_semaphore, #tpu.memory_space<semaphore_mem>>
        %dma_start3A_903 = arith.constant 0 : i32
        %dma_start3A_904 = tpu.memref_slice %arg5[%add3A, %dma_start3A_903] : memref<8x128xf32, #tpu.memory_space<hbm>> -> memref<1x128xf32, #tpu.memory_space<hbm>>
        %dma_start3A_905 = tpu.memref_squeeze %dma_start3A_904 : memref<1x128xf32, #tpu.memory_space<hbm>> -> memref<128xf32, #tpu.memory_space<hbm>>
        %dma_start3A_906 = arith.constant 0 : i32
        %dma_start3A_907 = tpu.memref_slice %arg5[%add3A, %dma_start3A_906] : memref<8x128xf32, #tpu.memory_space<hbm>> -> memref<1x128xf32, #tpu.memory_space<hbm>>
        %dma_start3A_908 = tpu.memref_squeeze %dma_start3A_907 : memref<1x128xf32, #tpu.memory_space<hbm>> -> memref<128xf32, #tpu.memory_space<hbm>>
        tpu.enqueue_dma source(%arg14 : memref<128xf32, #tpu.memory_space<vmem>>) target(%dma_start3A_908 : memref<128xf32, #tpu.memory_space<hbm>>) target_semaphore(%run_scoped3A : memref<!tpu.dma_semaphore, #tpu.memory_space<semaphore_mem>>)
        %dma_wait3A_909 = arith.constant 0 : i32
        %dma_wait3A_910 = tpu.memref_slice %arg5[%add3A, %dma_wait3A_909] : memref<8x128xf32, #tpu.memory_space<hbm>> -> memref<1x128xf32, #tpu.memory_space<hbm>>
        %dma_wait3A_911 = tpu.memref_squeeze %dma_wait3A_910 : memref<1x128xf32, #tpu.memory_space<hbm>> -> memref<128xf32, #tpu.memory_space<hbm>>
        %dma_wait3A_912 = arith.constant 0 : i32
        %dma_wait3A_913 = tpu.memref_slice %arg5[%add3A, %dma_wait3A_912] : memref<8x128xf32, #tpu.memory_space<hbm>> -> memref<1x128xf32, #tpu.memory_space<hbm>>
        %dma_wait3A_914 = tpu.memref_squeeze %dma_wait3A_913 : memref<1x128xf32, #tpu.memory_space<hbm>> -> memref<128xf32, #tpu.memory_space<hbm>>
        tpu.wait_dma2 semaphore(%run_scoped3A : memref<!tpu.dma_semaphore, #tpu.memory_space<semaphore_mem>>) src(%arg14 : memref<128xf32, #tpu.memory_space<vmem>>) dst(%dma_wait3A_914 : memref<128xf32, #tpu.memory_space<hbm>>)
        tpu.yield
      }) : () -> ()
      "tpu.region"() ({
        %run_scoped3A = tpu.sem_alloc : memref<!tpu.dma_semaphore, #tpu.memory_space<semaphore_mem>>
        %dma_start3A_903 = arith.constant 0 : i32
        %dma_start3A_904 = tpu.memref_slice %arg6[%add3A, %dma_start3A_903] : memref<8x128xi32, #tpu.memory_space<hbm>> -> memref<1x128xi32, #tpu.memory_space<hbm>>
        %dma_start3A_905 = tpu.memref_squeeze %dma_start3A_904 : memref<1x128xi32, #tpu.memory_space<hbm>> -> memref<128xi32, #tpu.memory_space<hbm>>
        %dma_start3A_906 = arith.constant 0 : i32
        %dma_start3A_907 = tpu.memref_slice %arg6[%add3A, %dma_start3A_906] : memref<8x128xi32, #tpu.memory_space<hbm>> -> memref<1x128xi32, #tpu.memory_space<hbm>>
        %dma_start3A_908 = tpu.memref_squeeze %dma_start3A_907 : memref<1x128xi32, #tpu.memory_space<hbm>> -> memref<128xi32, #tpu.memory_space<hbm>>
        tpu.enqueue_dma source(%arg15 : memref<128xi32, #tpu.memory_space<vmem>>) target(%dma_start3A_908 : memref<128xi32, #tpu.memory_space<hbm>>) target_semaphore(%run_scoped3A : memref<!tpu.dma_semaphore, #tpu.memory_space<semaphore_mem>>)
        %dma_wait3A_909 = arith.constant 0 : i32
        %dma_wait3A_910 = tpu.memref_slice %arg6[%add3A, %dma_wait3A_909] : memref<8x128xi32, #tpu.memory_space<hbm>> -> memref<1x128xi32, #tpu.memory_space<hbm>>
        %dma_wait3A_911 = tpu.memref_squeeze %dma_wait3A_910 : memref<1x128xi32, #tpu.memory_space<hbm>> -> memref<128xi32, #tpu.memory_space<hbm>>
        %dma_wait3A_912 = arith.constant 0 : i32
        %dma_wait3A_913 = tpu.memref_slice %arg6[%add3A, %dma_wait3A_912] : memref<8x128xi32, #tpu.memory_space<hbm>> -> memref<1x128xi32, #tpu.memory_space<hbm>>
        %dma_wait3A_914 = tpu.memref_squeeze %dma_wait3A_913 : memref<1x128xi32, #tpu.memory_space<hbm>> -> memref<128xi32, #tpu.memory_space<hbm>>
        tpu.wait_dma2 semaphore(%run_scoped3A : memref<!tpu.dma_semaphore, #tpu.memory_space<semaphore_mem>>) src(%arg15 : memref<128xi32, #tpu.memory_space<vmem>>) dst(%dma_wait3A_914 : memref<128xi32, #tpu.memory_space<hbm>>)
        tpu.yield
      }) : () -> ()
    } else {
    }
    return
  }
}

module attributes {stable_mosaic.version = 14 : i64} {
  func.func @_logits_body(%arg0: i32, %arg1: memref<8x2048xf32, #tpu.memory_space<vmem>>, %arg2: memref<2048xf32, #tpu.memory_space<vmem>>, %arg3: memref<2048xf32, #tpu.memory_space<vmem>>, %arg4: memref<2000x2048xf32, #tpu.memory_space<vmem>>, %arg5: memref<16384xf32, #tpu.memory_space<vmem>>) attributes {dimension_semantics = [#tpu.dimension_semantics<arbitrary>], iteration_bounds = array<i64: 50>, scalar_prefetch = 0 : i64, scratch_operands = 0 : i64, tpu.core_type = #tpu.core_type<tc>, window_params = [{pipeline_mode = #tpu.pipeline_mode<synchronous>, transform_indices = @transform_0, window_bounds = array<i64: 8, 2048>}, {pipeline_mode = #tpu.pipeline_mode<synchronous>, transform_indices = @transform_1, window_bounds = array<i64: 2048>}, {pipeline_mode = #tpu.pipeline_mode<synchronous>, transform_indices = @transform_2, window_bounds = array<i64: 2048>}, {transform_indices = @transform_3, window_bounds = array<i64: 2000, 2048>}, {transform_indices = @transform_4, window_bounds = array<i64: 16384>}]} {
    %get3A = arith.constant 0 : index
    %get3A_0 = arith.constant 0 : index
    %get3A_1 = vector.load %arg1[%get3A, %get3A_0] : memref<8x2048xf32, #tpu.memory_space<vmem>>, vector<8x2048xf32>
    %reduce_sum3A = arith.constant dense<0.000000e+00> : vector<8xf32>
    %reduce_sum3A_2 = vector.multi_reduction <add>, %get3A_1, %reduce_sum3A [1] : vector<8x2048xf32> to vector<8xf32>
    %broadcast_in_dim3A = vector.shape_cast %reduce_sum3A_2 : vector<8xf32> to vector<8x1xf32>
    %div3A = arith.constant 2.048000e+03 : f32
    %div3A_3 = vector.broadcast %div3A : f32 to vector<8x1xf32>
    %div3A_4 = arith.divf %broadcast_in_dim3A, %div3A_3 : vector<8x1xf32>
    %sub3A = vector.broadcast %div3A_4 : vector<8x1xf32> to vector<8x2048xf32>
    %sub3A_5 = arith.subf %get3A_1, %sub3A : vector<8x2048xf32>
    %integer_pow3A = arith.mulf %sub3A_5, %sub3A_5 : vector<8x2048xf32>
    %reduce_sum3A_6 = arith.constant dense<0.000000e+00> : vector<8xf32>
    %reduce_sum3A_7 = vector.multi_reduction <add>, %integer_pow3A, %reduce_sum3A_6 [1] : vector<8x2048xf32> to vector<8xf32>
    %broadcast_in_dim3A_8 = vector.shape_cast %reduce_sum3A_7 : vector<8xf32> to vector<8x1xf32>
    %div3A_9 = arith.constant 2.048000e+03 : f32
    %div3A_10 = vector.broadcast %div3A_9 : f32 to vector<8x1xf32>
    %div3A_11 = arith.divf %broadcast_in_dim3A_8, %div3A_10 : vector<8x1xf32>
    %sub3A_12 = vector.broadcast %div3A_4 : vector<8x1xf32> to vector<8x2048xf32>
    %sub3A_13 = arith.subf %get3A_1, %sub3A_12 : vector<8x2048xf32>
    %add3A = arith.constant 9.99999974E-6 : f32
    %add3A_14 = vector.broadcast %add3A : f32 to vector<8x1xf32>
    %add3A_15 = arith.addf %div3A_11, %add3A_14 : vector<8x1xf32>
    %rsqrt3A = math.rsqrt %add3A_15 : vector<8x1xf32>
    %mul3A = vector.broadcast %rsqrt3A : vector<8x1xf32> to vector<8x2048xf32>
    %mul3A_16 = arith.mulf %sub3A_13, %mul3A : vector<8x2048xf32>
    %get3A_17 = arith.constant 0 : index
    %get3A_18 = vector.load %arg2[%get3A_17] : memref<2048xf32, #tpu.memory_space<vmem>>, vector<2048xf32>
    %broadcast_in_dim3A_19 = vector.shape_cast %get3A_18 : vector<2048xf32> to vector<1x2048xf32>
    %mul3A_20 = vector.broadcast %broadcast_in_dim3A_19 : vector<1x2048xf32> to vector<8x2048xf32>
    %mul3A_21 = arith.mulf %mul3A_16, %mul3A_20 : vector<8x2048xf32>
    %get3A_22 = arith.constant 0 : index
    %get3A_23 = vector.load %arg3[%get3A_22] : memref<2048xf32, #tpu.memory_space<vmem>>, vector<2048xf32>
    %broadcast_in_dim3A_24 = vector.shape_cast %get3A_23 : vector<2048xf32> to vector<1x2048xf32>
    %add3A_25 = vector.broadcast %broadcast_in_dim3A_24 : vector<1x2048xf32> to vector<8x2048xf32>
    %add3A_26 = arith.addf %mul3A_21, %add3A_25 : vector<8x2048xf32>
    %get3A_27 = arith.constant 0 : index
    %get3A_28 = arith.constant 0 : index
    %get3A_29 = vector.load %arg4[%get3A_27, %get3A_28] : memref<2000x2048xf32, #tpu.memory_space<vmem>>, vector<2000x2048xf32>
    %dot_general3A = arith.constant dense<0.000000e+00> : vector<8x2000xf32>
    %dot_general3A_30 = tpu.matmul %add3A_26, %get3A_29, %dot_general3A {dimension_numbers = #tpu.dot_dimension_numbers<[1], [1], [0], [0], [0, 0, 1, 0], [], []>, transpose_lhs_hint = false} : vector<8x2048xf32>, vector<2000x2048xf32>, vector<8x2000xf32> -> vector<8x2000xf32>
    %broadcast_in_dim3A_31 = arith.constant 0xFF800000 : f32
    %broadcast_in_dim3A_32 = vector.broadcast %broadcast_in_dim3A_31 : f32 to vector<8x48xf32>
    %concatenate3A = tpu.concatenate %dot_general3A_30, %broadcast_in_dim3A_32 in 1 : vector<8x2000xf32>, vector<8x48xf32> -> vector<8x2048xf32>
    %reshape3A = vector.shape_cast %concatenate3A : vector<8x2048xf32> to vector<16384xf32>
    %swap3A = arith.constant 0 : index
    %swap3A_33 = vector.load %arg5[%swap3A] : memref<16384xf32, #tpu.memory_space<vmem>>, vector<16384xf32>
    tpu.vector_store %arg5[%swap3A], %reshape3A {strides = array<i32>} : memref<16384xf32, #tpu.memory_space<vmem>>, vector<16384xf32>,
    return
  }
  func.func @transform_0(%arg0: i32) -> (i32, i32) {
    %c0_i32 = arith.constant 0 : i32
    %c0_i32_0 = arith.constant 0 : i32
    %c0_i32_1 = arith.constant 0 : i32
    return %c0_i32, %c0_i32_0 : i32, i32
  }
  func.func @transform_1(%arg0: i32) -> i32 {
    %c0_i32 = arith.constant 0 : i32
    %c0_i32_0 = arith.constant 0 : i32
    return %c0_i32 : i32
  }
  func.func @transform_2(%arg0: i32) -> i32 {
    %c0_i32 = arith.constant 0 : i32
    %c0_i32_0 = arith.constant 0 : i32
    return %c0_i32 : i32
  }
  func.func @transform_3(%arg0: i32) -> (i32, i32) {
    %c0_i32 = arith.constant 0 : i32
    %c0_i32_0 = arith.constant 0 : i32
    return %arg0, %c0_i32 : i32, i32
  }
  func.func @transform_4(%arg0: i32) -> i32 {
    %c0_i32 = arith.constant 0 : i32
    return %arg0 : i32
  }
}

</mosaic_0001>

<sc_bundles>
// kernel: kernel.4.cloned.1.call-start
scs
__scs_entry_jumppad:
0x0: {  	(pc) =	sbr.rel $0x88, $3  }
0x1: {  	(tag) =	ssettag $0x0;
	lr =	simm.s32 $0x1  }
0x2: {  	[smem:$0x3F9B] =	sst lr;
	_ =	strace $0xD0000000  }
0x3: {  	_ = 	snop  }
0x4: {  	_ = 	snop  }
0x5: {  	_ = 	snop  }
0x6: {  	_ = 	snop  }
0x7: {  	_ = 	snop  }
__scs_overlays_trampoline_lowered:
0x8: {  	[smem:$0x3FAA] =	sst s0  }
0x9: {  	[smem:$0x3FAB] =	sst s1  }
0xa: {  	[smem:$0x3FAC] =	sst s2  }
0xb: {  	[smem:$0x3FAD] =	sst s3  }
0xc: {  	[smem:$0x3FAE] =	sst s4  }
0xd: {  	[smem:$0x3FAF] =	sst s5  }
0xe: {  	[smem:$0x3FB0] =	sst s6  }
0xf: {  	[smem:$0x3FB1] =	sst s7  }
0x10: {  	[smem:$0x3FB2] =	sst s8  }
0x11: {  	[smem:$0x3FB3] =	sst s9;
	s0 =	simm.s32 @!p0 $0x0  }
0x12: {  	s1 =	sld [smem:$0x3F99];
	s0 =	simm.s32 @p0 $0x1  }
0x13: {  	[smem:$0x3FB4] =	sst s0;
	s0 =	simm.s32 @!p1 $0x0  }
0x14: {  	s2 =	sld [smem:$0x3F98];
	s0 =	simm.s32 @p1 $0x1  }
0x15: {  	[smem:$0x3FB5] =	sst s0;
	s0 =	simm.s32 @!p2 $0x0  }
0x16: {  	s3 =	sld [smem:$0x3FDB];
	s0 =	simm.s32 @p2 $0x1  }
0x17: {  	s4 =	simm.s32 $0x1BF5;
	[smem:$0x3FB7] =	sst s0  }
0x18: {  	s0 =	sld [smem:$0x3F9A];
	_ =	swait.ge [sflag:s4], $0x0  }
0x19: {  	s7 =	sld [smem:$0x3F9B]  }
0x1a: {  	s8 =	sadd.s32 $0xFFFFE003, lr  }
0x1b: {  	s9 =	sadd.s32 $0xFFFFFEF7, lr;
	s5 =	simm.s32 $0xFFFFFFFF;
	p2 =	slt.u32 s8, $0xFFFFF086  }
0x1c: {  	p1 =	slt.u32 s9, $0xF7A;
	s5 =	simm.s32 @!p2 $0x0  }
0x1d: {  	s5 =	simm.s32 @p1 $0x1;
	p0 =	seq.s32 s7, s2  }
0x1e: {  	s7 =	smul.u32 @!p0 $0xF7A, s2;
	p2 =	seq.s32 @!p0 s5, $0x0  }
0x1f: {  	s9 =	smul.u32 $0xF7A, s1;
	s8 =	simm.s32 @!p0 $0x1BF5;
	p2 =	por !p2, p0  }
0x20: {  	[sflag:s8] =	ssyncset.s32 @!p0 $0xFFFFF086;
	s6 =	sadd.s32 @!p0 s3, s7;
	s7 =	simm.s32 @!p0 $0x108  }
0x21: {  	s3 =	sadd.s32 s3, s9;
	s6 =	sadd.s32 @!p0 $0x88, s6;
	s7 =	simm.s32 @p2 $0x1082  }
0x22: {  	[simem:s7], [sflag:s8] =	dma.local @!p0 [hbm:s6], $0xF7A  }
0x23: {  	s9 =	sor.u32 $0xD0000000, s2;
	s6 =	simm.s32 $0x108;
	_ =	swait.ge @!p0 [sflag:s8], $0x0  }
0x24: {  	s3 =	sadd.s32 $0x88, s3;
	s6 =	simm.s32 @!p1 $0x1082;
	[sflag:s4] =	ssyncset.s32 $0xFFFFF086  }
0x25: {  	[simem:s6], [sflag:s4] =	dma.local [hbm:s3], $0xF7A  }
0x26: {  	[smem:$0x3F9B] =	sst s1;
	(tag) =	ssettag s2;
	_ =	strace s9  }
0x27: {  	s1 =	sld [smem:$0x3FAB]  }
0x28: {  	s2 =	sld [smem:$0x3FAC]  }
0x29: {  	s4 =	sld [smem:$0x3FAE]  }
0x2a: {  	p0 =	seq.s32 s5, $0x0;
	s5 =	sld [smem:$0x3FAF]  }
0x2b: {  	s6 =	sld [smem:$0x3FB0]  }
0x2c: {  	s7 =	sld [smem:$0x3FB1]  }
0x2d: {  	s3 =	simm.s32 $0x108;
	s8 =	sld [smem:$0x3FB2]  }
0x2e: {  	s3 =	simm.s32 @!p0 $0x1082;
	s9 =	sld [smem:$0x3FB3]  }
0x2f: {  	lr =	sadd.s32 s0, s3;
	s0 =	sld [smem:$0x3FAA]  }
0x30: {  	s3 =	sld [smem:$0x3FAD]  }
0x31: {  	[smem:$0x3FB6] =	sst s10  }
0x32: {  	s10 =	sld [smem:$0x3FB4];
	_ =	sdelay $0x3  }
0x33: {  	p0 =	seq.s32 s10, $0x1;
	s10 =	sld [smem:$0x3FB6];
	_ =	sdelay $0x3  }
0x34: {  	[smem:$0x3FB6] =	sst s10  }
0x35: {  	s10 =	sld [smem:$0x3FB5];
	_ =	sdelay $0x3  }
0x36: {  	p1 =	seq.s32 s10, $0x1;
	s10 =	sld [smem:$0x3FB6];
	_ =	sdelay $0x3  }
0x37: {  	[smem:$0x3FB6] =	sst s10  }
0x38: {  	s10 =	sld [smem:$0x3FB7]  }
0x39: {  	_ = 	snop;
	(pc) =	sbr.ind lr, $3  }
0x3a: {  	_ = 	snop  }
0x3b: {  	_ = 	snop  }
0x3c: {  	p2 =	seq.s32 s10, $0x1;
	s10 =	sld [smem:$0x3FB6]  }
0x3d: {  	_ =	shalt  }
0x3e: {  	_ =	shalt  }
0x3f: {  	_ =	shalt  }
0x40: {  	_ =	shalt  }
0x41: {  	_ =	shalt  }
0x42: {  	_ =	shalt  }
0x43: {  	_ =	shalt  }
0x44: {  	_ =	shalt  }
0x45: {  	_ =	shalt  }
0x46: {  	_ =	shalt  }
0x47: {  	_ =	shalt  }
0x48: {  	_ =	shalt  }
0x49: {  	_ =	shalt  }
0x4a: {  	_ =	shalt  }
0x4b: {  	_ =	shalt  }
0x4c: {  	_ =	shalt  }
0x4d: {  	_ =	shalt  }
0x4e: {  	_ =	shalt  }
0x4f: {  	_ =	shalt  }
0x50: {  	_ =	shalt  }
0x51: {  	_ =	shalt  }
0x52: {  	_ =	shalt  }
0x53: {  	_ =	shalt  }
0x54: {  	_ =	shalt  }
0x55: {  	_ =	shalt  }
0x56: {  	_ =	shalt  }
0x57: {  	_ =	shalt  }
0x58: {  	_ =	shalt  }
0x59: {  	_ =	shalt  }
0x5a: {  	_ =	shalt  }
0x5b: {  	_ =	shalt  }
0x5c: {  	_ =	shalt  }
0x5d: {  	_ =	shalt  }
0x5e: {  	_ =	shalt  }
0x5f: {  	_ =	shalt  }
0x60: {  	_ =	shalt  }
0x61: {  	_ =	shalt  }
0x62: {  	_ =	shalt  }
0x63: {  	_ =	shalt  }
0x64: {  	_ =	shalt  }
0x65: {  	_ =	shalt  }
0x66: {  	_ =	shalt  }
0x67: {  	_ =	shalt  }
0x68: {  	_ =	shalt  }
0x69: {  	_ =	shalt  }
0x6a: {  	_ =	shalt  }
0x6b: {  	_ =	shalt  }
0x6c: {  	_ =	shalt  }
0x6d: {  	_ =	shalt  }
0x6e: {  	_ =	shalt  }
0x6f: {  	_ =	shalt  }
0x70: {  	_ =	shalt  }
0x71: {  	_ =	shalt  }
0x72: {  	_ =	shalt  }
0x73: {  	_ =	shalt  }
0x74: {  	_ =	shalt  }
0x75: {  	_ =	shalt  }
0x76: {  	_ =	shalt  }
0x77: {  	_ =	shalt  }
0x78: {  	_ =	shalt  }
0x79: {  	_ =	shalt  }
0x7a: {  	_ =	shalt  }
0x7b: {  	_ =	shalt  }
0x7c: {  	_ =	shalt  }
0x7d: {  	_ =	shalt  }
0x7e: {  	_ =	shalt  }
0x7f: {  	_ =	shalt  }
0x80: {  	_ =	shalt  }
0x81: {  	_ =	shalt  }
0x82: {  	_ =	shalt  }
0x83: {  	_ =	shalt  }
0x84: {  	_ =	shalt  }
0x85: {  	_ =	shalt  }
0x86: {  	_ =	shalt  }
0x87: {  	_ =	shalt  }
.Lfunc_end0:
.L_simem_size_0:
called_computation_lowered:
.L_overlay_start_0:
0x88: {  	s2 =	sld [smem:$0x3FD9]  }
0x89: {  	s3 =	sld [smem:$0x3FFE];
	_ =	sdelay $0x1  }
0x8a: {  	s1 =	srdreg.scid  }
0x8b: {  	s0 =	sand.u32 $0x1, s1  }
0x8c: {  	s14 =	sshll.u32 s0, $0xA;
	s2 =	sadd.s32 s3, s2  }
0x8d: {  	s2 =	sadd.s32 s2, s14  }
0x8e: {  	[smem:$0x3FC2] =	sst s2  }
0x8f: {  	_ = 	snop  }
0x90: {  	s2 =	sld [smem:$0x3FD0];
	_ =	sdelay $0x2  }
0x91: {  	s15 =	simm.s32 $0xA;
	s4 =	simm.s32 $0x10  }
0x92: {  	[smem:s4], [sflag:s15] =	dma.local [hbm:s2], $0x1  }
0x93: {  	_ =	swait.eq [sflag:s15], $0x1  }
0x94: {  	[sflag:s15] =	ssyncset.done $0x0  }
0x95: {  	s16 =	sld [smem:$0x10];
	[sflag:s15] =	ssyncadd.s32 $0xFFFFFFFF  }
0x96: {  	s17 =	sld [smem:$0x11];
	(tm) =	ssettm $0x1  }
0x97: {  	s18 =	sld [smem:$0x3FFB];
	_ =	sdelay $0x3  }
0x98: {  	_ =	strace s18  }
0x99: {  	s4 =	sld [smem:$0x3FFC];
	_ =	sdelay $0x3  }
0x9a: {  	_ =	strace s4  }
0x9b: {  	s4 =	sld [smem:$0x3FFD];
	_ =	sdelay $0x3  }
0x9c: {  	_ =	strace s4  }
0x9d: {  	_ =	strace $0x8FFFFFFF  }
0x9e: {  	s19 =	sld [smem:$0x3FDB];
	_ =	sdelay $0x1  }
0x9f: {  	s5 =	simm.s32 $_scs_section_size  }
0xa0: {  	s6 =	simm.s32 $_size__tile_overlayer_lowered;
	s7 =	simm.s32 $_tile_overlayer_lowered  }
0xa1: {  	s22 =	simm.s32 $0x1BFF;
	s21 =	sshll.u32 s7, $0x1;
	s4 =	sadd.s32 s5, s19  }
0xa2: {  	s8 =	simm.s32 $0x0;
	s20 =	sshll.u32 s6, $0x1;
	s6 =	sadd.s32 s21, s4  }
0xa3: {  	[timem:s8], [sflag:s22] =	dma.local [hbm:s6], s20  }
0xa4: {  	_ =	swait.ge [sflag:s22], s20  }
0xa5: {  	s5 =	ssub.s32 $0x0, s20;
	[sflag:s22] =	ssyncset.done $0x0  }
0xa6: {  	[sflag:s22] =	ssyncadd.s32 s5;
	_ =	sdelay $0x1  }
0xa7: {  	s23 =	simm.s32 $0x1B8B  }
0xa8: {  	_ =	swait.ge [sflag:s23], $0x1  }
0xa9: {  	[sflag:s23] =	ssyncset.done $0x0  }
0xaa: {  	s25 =	simm.s32 $0x1B8E;
	s24 =	sld [smem:$0x3FFE];
	[sflag:s23] =	ssyncadd.s32 $0xFFFFFFFF  }
0xab: {  	s26 =	simm.s32 $execute0_lowered;
	[smem:$0x3FD2] =	sst s25  }
0xac: {  	s6 =	sshll.u32 s26, $0x1;
	_ =	strace $0x80000046;
	[dreg:$0x1] =	wrdreg $0xFFFFFFFF  }
0xad: {  	s28 =	simm.s32 $_size_execute0_lowered;
	s4 =	sadd.s32 s4, s6;
	[dreg:$0x0] =	wrdreg $0x0  }
0xae: {  	s6 =	sshll.u32 s28, $0x1;
	[dreg:$0x2] =	wrdreg s4  }
0xaf: {  	[dreg:$0x3] =	wrdreg s6  }
0xb0: {  	[dreg:$0x4] =	wrdreg $0xC0  }
0xb1: {  	_ =	task [dreg:s8], $0x5FFFF  }
0xb2: {  	[dreg:$0x1] =	wrdreg $0xFFFFFFFF  }
0xb3: {  	[dreg:$0x0] =	wrdreg $0x60  }
0xb4: {  	[dreg:$0x2] =	wrdreg s24  }
0xb5: {  	[dreg:$0x3] =	wrdreg s16  }
0xb6: {  	[dreg:$0x4] =	wrdreg s17  }
0xb7: {  	[dreg:$0x5] =	wrdreg $0x89000  }
0xb8: {  	[dreg:$0x6] =	wrdreg $0x89800  }
0xb9: {  	[dreg:$0x7] =	wrdreg $0x8A000  }
0xba: {  	[dreg:$0x8] =	wrdreg $0x8C800  }
0xbb: {  	[dreg:$0x9] =	wrdreg $0x9  }
0xbc: {  	_ =	task.clear_ibuf [dreg:s8], $0xAFFFF;
	_ =	strace $0x90000046  }
0xbd: {  	s29 =	simm.s32 $0x9;
	_ =	strace $0x80000048  }
0xbe: {  	_ =	swait.ge [sflag:s29], $0x1  }
0xbf: {  	[sflag:s29] =	ssyncadd.s32 $0xFFFFFFFF  }
0xc0: {  	_ =	strace $0x90000048  }
0xc1: {  	_ =	sfence  }
0xc2: {  	s30 =	sld [smem:$0x0];
	_ =	sdelay $0x2  }
0xc3: {  	s31 =	sshll.u32 s1, $0xD;
	s1 =	sshrl.u32 s1, $0x2  }
0xc4: {  	s3 =	sand.u32 $0x4000, s31;
	s1 =	sadd.s32 s1, s30  }
0xc5: {  	s0 =	sor.u32 s3, s0;
	s1 =	sshll.u32 s1, $0x11  }
0xc6: {  	s0 =	sor.u32 s1, s0  }
0xc7: {  	s0 =	sadd.s32 $0x8F2B, s0  }
0xc8: {  	[sflag:s0] =	ssyncadd.remote.s32 $0x1  }
0xc9: {  	_ =	sfence.sel $0xFFFF  }
0xca: {  	[dreg:$0x0] =	wrdreg $0xFFFFFFFF;
	(pc) =	sbr.abs _section_cstart, $3  }
0xcb: {  	[dreg:$0x1] =	wrdreg $0xFFFFFFFF  }
0xcc: {  	_ =	task.clear_ibuf [dreg:s8], $0x2FFFF;
	_ =	strace $0x9FFFFFFF  }
0xcd: {  	(tm) =	ssettm $0x7FFFFFFF  }
tec
execute0_lowered:
.L_overlay_start_1:
0x0: {  	(tag) =	ssettag $0x1  }
0x1: {  	s0 =	rddreg [dreg:$0x0]  }
0x2: {  	s1 =	rddreg [dreg:$0x1]  }
0x3: {  	s3 =	rddreg [dreg:$0x2]  }
0x4: {  	s8 =	rddreg [dreg:$0x3]  }
0x5: {  	s6 =	rddreg [dreg:$0x4]  }
0x6: {  	s4 =	rddreg [dreg:$0x5]  }
0x7: {  	s5 =	rddreg [dreg:$0x6];
	s2 =	simm.s32 $0x0;
	s22 =	stileid.u32  }
0x8: {  	s7 =	srdreg.scid;
	[smem:$0x7FF] =	sst s2  }
0x9: {  	s13 =	sshrl.u32 s22, $0x2;
	s12 =	sadd.s32 $0x1000, s0;
	s7 =	sand.u32 $0x1, s7  }
0xa: {  	s11 =	sand.u32 $0x3, s22;
	_ =	strace $0x80000047;
	s10 =	smul.u32 $0xD, s13  }
0xb: {  	s9 =	smax.u32 s13, $0x2;
	s14 =	sshll.u32 s7, $0x2;
	s7 =	ssub.s32 $0x2, s7  }
0xc: {  	s23 =	smax.u32 s13, $0x1;
	s21 =	sshrl.u32 s7, $0x1;
	s15 =	ssub.s32 s10, s9  }
0xd: {  	s9 =	sor.u32 s11, s14;
	s7 =	ssub.s32 s7, s21;
	s14 =	sadd.s32 $0x2, s15  }
0xe: {  	s10 =	ssub.s32 s10, s23;
	s17 =	sshll.u32 s9, $0xB;
	s16 =	sshll.u32 s14, $0xE  }
0xf: {  	s11 =	sshll.u32 s11, $0x7;
	p0 =	slt.s32 s14, $0x26;
	s16 =	sor.u32 s17, s16  }
0x10: {  	s24 =	sshrl.u32 s16, $0x3;
	s18 =	sadd.s32 $0x4000, s16;
	s26 =	sadd.s32 $0x8000, s16  }
0x11: {  	s19 =	sadd.s32 $0xC000, s16;
	s21 =	sadd.s32 $0x10000, s16;
	s23 =	sadd.s32 $0x14000, s16  }
0x12: {  	s15 =	sadd.s32 s12, s24;
	s25 =	sshrl.u32 s18, $0x3;
	s18 =	sshrl.u32 s26, $0x3  }
0x13: {  	s20 =	sshrl.u32 s19, $0x3;
	s19 =	smin.u32 s13, $0x2;
	s24 =	sadd.s32 $0x18000, s16  }
0x14: {  	s13 =	smul.u32 $0x5DC0, s13;
	[dreg:$0x10] =	wrdreg s15;
	s15 =	sadd.s32 s12, s25  }
0x15: {  	s19 =	smul.u32 $0x7D0, s19;
	s25 =	sshrl.u32 s23, $0x3;
	s26 =	sshrl.u32 s24, $0x3  }
0x16: {  	s23 =	sadd.s32 $0x24000, s16;
	[dreg:$0x11] =	wrdreg s15;
	s15 =	sadd.s32 s12, s18  }
0x17: {  	s18 =	smov.u32 s14;
	[dreg:$0x12] =	wrdreg s15;
	s15 =	sadd.s32 s12, s20  }
0x18: {  	s18 =	simm.s32 @!p0 $0x26;
	p0 =	slt.s32 s14, $0x25;
	[dreg:$0xf] =	wrdreg s19  }
0x19: {  	s19 =	sadd.s32 s12, s26;
	s20 =	sadd.s32 $0x1C000, s16;
	[dreg:$0x13] =	wrdreg s15  }
0x1a: {  	s14 =	simm.s32 @!p0 $0x25;
	s18 =	sshll.u32 s18, $0xE;
	s15 =	sshrl.u32 s21, $0x3  }
0x1b: {  	[dreg:$0x16] =	wrdreg s19;
	s21 =	sadd.s32 $0x20000, s16;
	s19 =	sadd.s32 $0x70, s13  }
0x1c: {  	s14 =	sshll.u32 s14, $0xE;
	s18 =	sor.u32 s17, s18;
	s15 =	sadd.s32 s12, s15  }
0x1d: {  	s24 =	sshrl.u32 s21, $0x3;
	[dreg:$0x8] =	wrdreg s19;
	s21 =	sor.u32 $0x10, s13  }
0x1e: {  	s14 =	sor.u32 s17, s14;
	[dreg:$0x14] =	wrdreg s15;
	s15 =	sadd.s32 s12, s25  }
0x1f: {  	s25 =	sshrl.u32 s23, $0x3;
	s17 =	sadd.s32 $0x2C000, s18;
	[dreg:$0x9] =	wrdreg s21  }
0x20: {  	[dreg:$0x15] =	wrdreg s15;
	s15 =	sshrl.u32 s20, $0x3;
	s26 =	sadd.s32 s12, s25  }
0x21: {  	s18 =	sshrl.u32 s17, $0x3;
	s25 =	sor.u32 $0x20, s13;
	[dreg:$0x19] =	wrdreg s26  }
0x22: {  	s17 =	sadd.s32 s11, s8;
	s15 =	sadd.s32 s12, s15;
	[dreg:$0xb] =	wrdreg s25  }
0x23: {  	s11 =	sshll.u32 s9, $0x4;
	s26 =	sadd.s32 $0x50, s13;
	[dreg:$0x17] =	wrdreg s15  }
0x24: {  	s1 =	sadd.s32 s1, s11;
	[dreg:$0xc] =	wrdreg s26  }
0x25: {  	s16 =	sadd.s32 $0x28000, s16;
	s15 =	sadd.s32 s12, s24;
	[smem:$0x7F4] =	sst s1  }
0x26: {  	p0 =	sgt.u32 s22, $0x3;
	s24 =	sadd.s32 $0x60, s13;
	[dreg:$0x18] =	wrdreg s15  }
0x27: {  	s26 =	sor.u32 $0x30, s13;
	s15 =	sshrl.u32 s16, $0x3;
	[dreg:$0xa] =	wrdreg s24  }
0x28: {  	s14 =	sadd.s32 $0x30000, s14;
	[dreg:$0xd] =	wrdreg s26;
	s15 =	sadd.s32 s12, s15  }
0x29: {  	s14 =	sshrl.u32 s14, $0x3;
	[dreg:$0x1a] =	wrdreg s15;
	s15 =	sadd.s32 s12, s18  }
0x2a: {  	s20 =	sshrl.u32 s22, $0x3;
	s12 =	sadd.s32 s12, s14;
	[dreg:$0x1b] =	wrdreg s15  }
0x2b: {  	s14 =	sshll.u32 s22, $0x7;
	s22 =	sadd.s32 $0x200, s17;
	[dreg:$0x1c] =	wrdreg s12  }
0x2c: {  	s23 =	sand.u32 $0x380, s14;
	s8 =	sadd.s32 s14, s8;
	s16 =	sor.u32 $0x200, s14  }
0x2d: {  	s21 =	sadd.s32 s14, s6;
	s18 =	sor.u32 $0x1400, s14;
	[smem:$0x7F9] =	sst s22  }
0x2e: {  	s25 =	sor.u32 $0x1600, s14;
	s14 =	sadd.s32 s3, s11;
	[dreg:$0x1d] =	wrdreg s8  }
0x2f: {  	s15 =	sadd.s32 $0x1A000, s0;
	[smem:$0x7F5] =	sst s14  }
0x30: {  	s0 =	sadd.s32 $0x1A200, s0;
	[smem:$0x7F6] =	sst s15  }
0x31: {  	s29 =	simm.s32 $0x1;
	s6 =	sadd.s32 s16, s6;
	[smem:$0x7F7] =	sst s0  }
0x32: {  	s30 =	simm.s32 $0x2;
	s8 =	sadd.s32 s16, s5;
	[dreg:$0x1e] =	wrdreg s6  }
0x33: {  	s12 =	smul.u32 $0x1400, s20;
	s24 =	sadd.s32 s18, s4;
	[smem:$0x7EF] =	sst s8  }
0x34: {  	s31 =	simm.s32 $0x80;
	s26 =	sadd.s32 $0x600, s21;
	[smem:$0x7F0] =	sst s24  }
0x35: {  	s12 =	sor.u32 s23, s12;
	s23 =	sadd.s32 s16, s4;
	[smem:$0x7FD] =	sst s26  }
0x36: {  	s28 =	simm.s32 $0x8480;
	s6 =	sadd.s32 s18, s5;
	[dreg:$0x1f] =	wrdreg s23  }
0x37: {  	s10 =	smul.u32 $0x7D0, s10;
	s18 =	smax.u32 s7, $0x1;
	[smem:$0x7F1] =	sst s6  }
0x38: {  	s1 =	simm.s32 $0x8300;
	s24 =	sadd.s32 $0x600, s17;
	[smem:$0x7F8] =	sst s18  }
0x39: {  	s19 =	sadd.s32 s12, s4;
	s4 =	sadd.s32 s25, s4;
	[smem:$0x7FB] =	sst s24  }
.Ltmp0:
0x3a: {  	s6 =	sadd.s32 s25, s5;
	[smem:$0x7F2] =	sst s4;
	(pc) =	sbr.rel .LBB2_1-.Ltmp0, $4  }
0x3b: {  	vm0 =	vmmov $0x1;
	s20 =	sadd.s32 s12, s5;
	s12 =	sadd.s32 $0x40, s13;
	[smem:$0x7F3] =	sst s6  }
0x3c: {  	vm9 =	vcmask $0x2334;
	vm10 =	vcmask $0x2734;
	vm11 =	vcmask $0x2B34;
	s3 =	simm.s32 $0x0;
	s23 =	sadd.s32 $0x400, s17;
	[dreg:$0xe] =	wrdreg s12  }
0x3d: {  	vm12 =	vcmask $0x2F34;
	v1 =	vlaneseq.u32;
	vm13 =	vmxor vm13, vm13;
	s16 =	sadd.s32 $0x6D60, s10;
	s25 =	sadd.s32 $0x400, s21;
	[smem:$0x7FA] =	sst s23  }
0x3e: {  	v2 =	vimm.f32 $-Inf;
	v3 =	vimm.s32 $0x0;
	s0 =	simm.s32 $0x400;
	s26 =	simm.s32 $0x8400;
	v0 =	vmov s16;
	[smem:$0x7FC] =	sst s25  }
.LBB2_34:
0x3f: {  	_ =	sdelay $0x3  }
0x40: {  	[tilespmem:v15+s28+$0x0] =	vst.idx.msk $0x1, v14  }
0x41: {  	v4 =	vld [tilespmem:$0x8880];
	_ =	sdelay $0x4  }
0x42: {  	(erf) = vrcp.f32 v4;
	_ =	sdelay $0x2  }
0x43: {  	v5 =	vld [tilespmem:$0x8410]  }
0x44: {  	v6 =	vld [tilespmem:$0x8420]  }
0x45: {  	v4 =	vld [tilespmem:$0x8400]  }
0x46: {  	v7 =	vld [tilespmem:$0x8430];
	_ =	sdelay $0x2  }
0x47: {  	v8 =	vpop (erf)  }
0x48: {  	v4 =	vmul.f32 v8, v4;
	v5 =	vmul.f32 v5, v8  }
0x49: {  	v6 =	vmul.f32 v6, v8;
	v7 =	vmul.f32 v7, v8;
	_ =	sdelay $0x1  }
0x4a: {  	v37 =	vmax.f32 v4, v5;
	v9 =	vmax.f32 v6, v7  }
0x4b: {  	v8 =	vmax.f32 v37, v9  }
0x4c: {  	(xrf0) =	vmax.scan.msk.f32 $0xffff, v8;
	_ =	sdelay $0x5  }
0x4d: {  	v8, _, _ =	vpop (xrf0)  }
0x4e: {  	v8 =	vbroadcast v8, $0xF;
	_ =	sdelay $0x1  }
0x4f: {  	v38 =	vsub.f32 v4, v8  }
0x50: {  	v10 =	vsub.f32 v5, v8  }
0x51: {  	v9 =	vmul.f32 $1.442695020e+00, v38  }
0x52: {  	v11 =	vsub.f32 v6, v8;
	v10 =	vmul.f32 $1.442695020e+00, v10  }
0x53: {  	v8 =	vsub.f32 v7, v8;
	(erf) = vpow2.f32 v9  }
0x54: {  	v39 =	vmul.f32 $1.442695020e+00, v11;
	(erf) = vpow2.f32 v10  }
0x55: {  	v8 =	vmul.f32 $1.442695020e+00, v8  }
0x56: {  	(erf) = vpow2.f32 v39  }
0x57: {  	(erf) = vpow2.f32 v8;
	_ =	sdelay $0x4  }
0x58: {  	v40 =	vpop (erf)  }
0x59: {  	v41 =	vpop (erf);
	(xrf2) =	vadd.scan.msk.f32 $0xffff, v40  }
0x5a: {  	(xrf2) =	vadd.scan.msk.f32 $0xffff, v41  }
0x5b: {  	v42 =	vpop (erf)  }
0x5c: {  	vm1 =	vmmov $0x3;
	v43 =	vpop (erf);
	(xrf2) =	vadd.scan.msk.f32 $0xffff, v42  }
0x5d: {  	v11 =	vnsel vm1, $0x0, v43  }
0x5e: {  	(xrf2) =	vadd.scan.msk.f32 $0xffff, v11;
	_ =	sdelay $0x4  }
0x5f: {  	v12, _, _ =	vpop (xrf2)  }
0x60: {  	(v2sf) =	vpush v12, $0xF;
	v44, _, _ =	vpop (xrf2)  }
0x61: {  	(v2sf) =	vpush v44, $0xF  }
0x62: {  	v45, _, _ =	vpop (xrf2)  }
0x63: {  	(v2sf) =	vpush v45, $0xF  }
0x64: {  	v46, _, _ =	vpop (xrf2)  }
0x65: {  	(v2sf) =	vpush v46, $0xF;
	_ =	sdelay $0x9  }
0x66: {  	s4 =	spop (v2sf)  }
0x67: {  	s5 =	spop (v2sf)  }
0x68: {  	s4 =	sadd.f32 s5, s4  }
0x69: {  	s11 =	spop (v2sf)  }
0x6a: {  	s4 =	sadd.f32 s4, s11  }
0x6b: {  	s12 =	spop (v2sf)  }
0x6c: {  	s4 =	sadd.f32 s4, s12;
	_ =	sdelay $0x1  }
0x6d: {  	v47 =	vmov s4  }
0x6e: {  	(xrf0) =	vmax.scan.msk.f32 $0xffff, v47;
	_ =	sdelay $0x5  }
0x6f: {  	v12, _, _ =	vpop (xrf0)  }
0x70: {  	v12 =	vbroadcast v12, $0xF;
	_ =	sdelay $0x1  }
0x71: {  	(erf) = vrcp.f32 v12;
	_ =	sdelay $0x8  }
0x72: {  	v12 =	vpop (erf)  }
0x73: {  	v8 =	vmul.f32 v12, v40;
	_ =	sdelay $0x1  }
0x74: {  	v48 =	vmul.f32 v12, v41;
	(xrf2) =	vadd.scan.msk.f32 $0xffff, v8;
	_ =	sdelay $0x1  }
0x75: {  	v49 =	vmul.f32 v12, v42;
	(xrf2) =	vadd.scan.msk.f32 $0xffff, v48;
	_ =	sdelay $0x1  }
0x76: {  	(xrf2) =	vadd.scan.msk.f32 $0xffff, v49;
	_ =	sdelay $0x5  }
0x77: {  	v50, _, _ =	vpop (xrf2)  }
0x78: {  	(v2sf) =	vpush v50, $0xF  }
0x79: {  	v51, _, _ =	vpop (xrf2)  }
0x7a: {  	(v2sf) =	vpush v51, $0xF  }
0x7b: {  	v52, _, _ =	vpop (xrf2)  }
0x7c: {  	(v2sf) =	vpush v52, $0xF;
	_ =	sdelay $0x4  }
0x7d: {  	v11 =	vmul.f32 v12, v11;
	_ =	sdelay $0x1  }
0x7e: {  	(xrf2) =	vadd.scan.msk.f32 $0xffff, v11;
	_ =	sdelay $0x3  }
0x7f: {  	s14 =	spop (v2sf)  }
0x80: {  	v53 =	vld [tilespmem:$0x8800];
	s4 =	sadd.f32 $0.0e+00, s14  }
0x81: {  	s15 =	spop (v2sf)  }
0x82: {  	s5 =	sadd.f32 s4, s15  }
0x83: {  	s6 =	spop (v2sf)  }
0x84: {  	s6 =	sadd.f32 s5, s6  }
0x85: {  	vm3 =	vmmov $0x1f;
	vm2 =	vlt.f32 v50, v53;
	v54, _, _ =	vpop (xrf2);
	v9 =	vadd.f32 s4, v51  }
0x86: {  	vm2 =	vmor vm2, vm3;
	v10 =	vadd.f32 s5, v52;
	v8 =	vadd.f32 s6, v54  }
0x87: {  	v4 =	vnsel vm2, $0xC47A0000, v4  }
0x88: {  	vm2 =	vlt.f32 v9, v53;
	vm3 =	vlt.f32 v10, v53;
	vm4 =	vlt.f32 v8, v53  }
0x89: {  	v5 =	vnsel vm2, $0xC47A0000, v5;
	v6 =	vnsel vm3, $0xC47A0000, v6;
	v7 =	vnsel vm4, $0xC47A0000, v7  }
0x8a: {  	v55 =	vmax.f32 v4, v5;
	v56 =	vmax.f32 v6, v7  }
0x8b: {  	v8 =	vmax.f32 v55, v56  }
0x8c: {  	(xrf0) =	vmax.scan.msk.f32 $0xffff, v8;
	_ =	sdelay $0x5  }
0x8d: {  	v8, _, _ =	vpop (xrf0)  }
0x8e: {  	v8 =	vbroadcast v8, $0xF;
	_ =	sdelay $0x1  }
0x8f: {  	v4 =	vsub.f32 v4, v8  }
0x90: {  	v5 =	vsub.f32 v5, v8  }
0x91: {  	v4 =	vmul.f32 $1.442695020e+00, v4  }
0x92: {  	v6 =	vsub.f32 v6, v8;
	v5 =	vmul.f32 $1.442695020e+00, v5  }
0x93: {  	(erf) = vpow2.f32 v4;
	v4 =	vsub.f32 v7, v8  }
0x94: {  	(erf) = vpow2.f32 v5;
	v5 =	vmul.f32 $1.442695020e+00, v6  }
0x95: {  	v4 =	vmul.f32 $1.442695020e+00, v4  }
0x96: {  	(erf) = vpow2.f32 v5  }
0x97: {  	(erf) = vpow2.f32 v4;
	_ =	sdelay $0x4  }
0x98: {  	v4 =	vpop (erf)  }
0x99: {  	v5 =	vpop (erf);
	(xrf2) =	vadd.scan.msk.f32 $0xffff, v4  }
0x9a: {  	(xrf2) =	vadd.scan.msk.f32 $0xffff, v5  }
0x9b: {  	v57 =	vpop (erf)  }
0x9c: {  	v58 =	vpop (erf);
	(xrf2) =	vadd.scan.msk.f32 $0xffff, v57  }
0x9d: {  	v7 =	vnsel vm1, $0x0, v58  }
0x9e: {  	(xrf2) =	vadd.scan.msk.f32 $0xffff, v7;
	_ =	sdelay $0x4  }
0x9f: {  	v59, _, _ =	vpop (xrf2)  }
0xa0: {  	v60, _, _ =	vpop (xrf2);
	(v2sf) =	vpush v59, $0xF  }
0xa1: {  	(v2sf) =	vpush v60, $0xF  }
0xa2: {  	v61, _, _ =	vpop (xrf2)  }
0xa3: {  	(v2sf) =	vpush v61, $0xF  }
0xa4: {  	v62, _, _ =	vpop (xrf2)  }
0xa5: {  	(v2sf) =	vpush v62, $0xF;
	_ =	sdelay $0x9  }
0xa6: {  	s16 =	spop (v2sf)  }
0xa7: {  	s18 =	spop (v2sf)  }
0xa8: {  	s4 =	sadd.f32 s18, s16  }
0xa9: {  	s22 =	spop (v2sf)  }
0xaa: {  	s4 =	sadd.f32 s4, s22  }
0xab: {  	s23 =	spop (v2sf)  }
0xac: {  	s4 =	sadd.f32 s4, s23;
	_ =	sdelay $0x1  }
0xad: {  	v63 =	vmov s4  }
0xae: {  	(xrf0) =	vmax.scan.msk.f32 $0xffff, v63;
	_ =	sdelay $0x5  }
0xaf: {  	v8, _, _ =	vpop (xrf0)  }
0xb0: {  	v8 =	vbroadcast v8, $0xF;
	_ =	sdelay $0x1  }
0xb1: {  	(erf) = vrcp.f32 v8;
	_ =	sdelay $0x8  }
0xb2: {  	v8 =	vpop (erf)  }
0xb3: {  	v4 =	vmul.f32 v8, v4  }
0xb4: {  	v5 =	vmul.f32 v8, v5  }
0xb5: {  	[tilespmem:$0x8400] =	vst v4;
	v4 =	vmul.f32 v8, v57  }
0xb6: {  	s24 =	sld [smem:$0x7F4];
	[tilespmem:$0x8410] =	vst v5;
	v5 =	vmul.f32 v8, v7  }
0xb7: {  	[tilespmem:$0x8420] =	vst v4  }
0xb8: {  	[tilespmem:$0x8430] =	vst v5  }
0xb9: {  	[hbm4b:s24+s2] =	stream.linear.scatter [tilespmem:s26], [sflag:$0x2], $0x80, $0x38;
	[tilespmem:$0x8F00] =	vst v63  }
0xba: {  	_ =	swait.ge [sflag:s30], $0x80  }
0xbb: {  	s25 =	sld [smem:$0x7F5]  }
0xbc: {  	[sflag:s30] =	ssyncset.done $0x0  }
0xbd: {  	[sflag:s30] =	ssyncadd.s32 $0xFFFFFF80  }
0xbe: {  	[hbm4b:s25+s2] =	stream.linear.scatter [tilespmem:s28], [sflag:$0x2], $0x80, $0x38;
	[tilespmem:$0x8F00] =	vst v63  }
0xbf: {  	_ =	swait.ge [sflag:s30], $0x80  }
0xc0: {  	[sflag:s30] =	ssyncset.done $0x0  }
0xc1: {  	[sflag:s30] =	ssyncadd.s32 $0xFFFFFF80  }
.LBB2_35:
0xc2: {  	s4 =	sld [smem:$0x7F8];
	_ =	sdelay $0x1  }
0xc3: {  	s3 =	sadd.s32 $0x1, s3  }
0xc4: {  	p1 =	sne.s32 s3, s4  }
.Ltmp1:
0xc5: {  	_ = 	snop;
	(pc) =	sbr.rel @!p1 .LBB2_36-.Ltmp1, $1  }
0xc6: {  	_ =	sdelay $0x3  }
.LBB2_1:
0xc7: {  	s4 =	rddreg [dreg:$0x10]  }
0xc8: {  	[tilespmem:s2], [sflag:$0x1] =	stream.linear.gather [hbm4b:s4+s2], $0x800, $0x38;
	[tilespmem:$0x8F00] =	vst v63  }
0xc9: {  	s12 =	rddreg [dreg:$0x11];
	s5 =	simm.s32 $0x800  }
0xca: {  	[tilespmem:s5], [sflag:$0x1] =	stream.linear.gather [hbm4b:s12+s2], $0x800, $0x38;
	[tilespmem:$0x8F00] =	vst v63  }
0xcb: {  	s14 =	rddreg [dreg:$0x12];
	s15 =	simm.s32 $0x1000  }
0xcc: {  	[tilespmem:s15], [sflag:$0x1] =	stream.linear.gather [hbm4b:s14+s2], $0x800, $0x38;
	[tilespmem:$0x8F00] =	vst v63  }
0xcd: {  	s16 =	rddreg [dreg:$0x13];
	s18 =	simm.s32 $0x1800  }
0xce: {  	[tilespmem:s18], [sflag:$0x1] =	stream.linear.gather [hbm4b:s16+s2], $0x800, $0x38;
	[tilespmem:$0x8F00] =	vst v63  }
0xcf: {  	s22 =	rddreg [dreg:$0x14];
	s23 =	simm.s32 $0x2000  }
0xd0: {  	[tilespmem:s23], [sflag:$0x1] =	stream.linear.gather [hbm4b:s22+s2], $0x800, $0x38;
	[tilespmem:$0x8F00] =	vst v63  }
0xd1: {  	s24 =	rddreg [dreg:$0x15];
	s25 =	simm.s32 $0x2800  }
0xd2: {  	[tilespmem:s25], [sflag:$0x1] =	stream.linear.gather [hbm4b:s24+s2], $0x800, $0x38;
	[tilespmem:$0x8F00] =	vst v63  }
0xd3: {  	s6 =	rddreg [dreg:$0x16];
	s7 =	simm.s32 $0x3000  }
0xd4: {  	[tilespmem:s7], [sflag:$0x1] =	stream.linear.gather [hbm4b:s6+s2], $0x800, $0x38;
	[tilespmem:$0x8F00] =	vst v63  }
0xd5: {  	s8 =	rddreg [dreg:$0x17];
	s9 =	simm.s32 $0x3800  }
0xd6: {  	[tilespmem:s9], [sflag:$0x1] =	stream.linear.gather [hbm4b:s8+s2], $0x800, $0x38;
	[tilespmem:$0x8F00] =	vst v63  }
0xd7: {  	s10 =	rddreg [dreg:$0x18];
	s11 =	simm.s32 $0x4000  }
0xd8: {  	[tilespmem:s11], [sflag:$0x1] =	stream.linear.gather [hbm4b:s10+s2], $0x800, $0x38;
	[tilespmem:$0x8F00] =	vst v63  }
0xd9: {  	s12 =	rddreg [dreg:$0x19];
	s14 =	simm.s32 $0x4800  }
0xda: {  	[tilespmem:s14], [sflag:$0x1] =	stream.linear.gather [hbm4b:s12+s2], $0x800, $0x38;
	[tilespmem:$0x8F00] =	vst v63  }
0xdb: {  	s15 =	rddreg [dreg:$0x1a];
	s16 =	simm.s32 $0x5000  }
0xdc: {  	[tilespmem:s16], [sflag:$0x1] =	stream.linear.gather [hbm4b:s15+s2], $0x800, $0x38;
	[tilespmem:$0x8F00] =	vst v63  }
0xdd: {  	s18 =	rddreg [dreg:$0x1b];
	s22 =	simm.s32 $0x5800  }
0xde: {  	[tilespmem:s22], [sflag:$0x1] =	stream.linear.gather [hbm4b:s18+s2], $0x800, $0x38;
	[tilespmem:$0x8F00] =	vst v63  }
0xdf: {  	s23 =	rddreg [dreg:$0x1c];
	s24 =	simm.s32 $0x6000  }
0xe0: {  	[tilespmem:s24], [sflag:$0x1] =	stream.linear.gather [hbm4b:s23+s2], $0x800, $0x38;
	[tilespmem:$0x8F00] =	vst v63  }
0xe1: {  	_ =	swait.ge [sflag:s29], $0x800  }
0xe2: {  	[sflag:s29] =	ssyncset.done $0x0  }
0xe3: {  	[sflag:s29] =	ssyncadd.s32 $0xFFFFF800  }
0xe4: {  	_ =	swait.ge [sflag:s29], $0x800  }
0xe5: {  	[sflag:s29] =	ssyncset.done $0x0  }
0xe6: {  	[sflag:s29] =	ssyncadd.s32 $0xFFFFF800  }
0xe7: {  	_ =	swait.ge [sflag:s29], $0x800  }
0xe8: {  	[sflag:s29] =	ssyncset.done $0x0  }
0xe9: {  	[sflag:s29] =	ssyncadd.s32 $0xFFFFF800  }
0xea: {  	_ =	swait.ge [sflag:s29], $0x800  }
0xeb: {  	[sflag:s29] =	ssyncset.done $0x0  }
0xec: {  	[sflag:s29] =	ssyncadd.s32 $0xFFFFF800  }
0xed: {  	_ =	swait.ge [sflag:s29], $0x800  }
0xee: {  	[sflag:s29] =	ssyncset.done $0x0  }
0xef: {  	[sflag:s29] =	ssyncadd.s32 $0xFFFFF800  }
0xf0: {  	_ =	swait.ge [sflag:s29], $0x800  }
0xf1: {  	[sflag:s29] =	ssyncset.done $0x0  }
0xf2: {  	[sflag:s29] =	ssyncadd.s32 $0xFFFFF800  }
0xf3: {  	_ =	swait.ge [sflag:s29], $0x800  }
0xf4: {  	[sflag:s29] =	ssyncset.done $0x0  }
0xf5: {  	[sflag:s29] =	ssyncadd.s32 $0xFFFFF800  }
0xf6: {  	_ =	swait.ge [sflag:s29], $0x800  }
0xf7: {  	[sflag:s29] =	ssyncset.done $0x0  }
0xf8: {  	[sflag:s29] =	ssyncadd.s32 $0xFFFFF800  }
0xf9: {  	_ =	swait.ge [sflag:s29], $0x800  }
0xfa: {  	[sflag:s29] =	ssyncset.done $0x0  }
0xfb: {  	[sflag:s29] =	ssyncadd.s32 $0xFFFFF800  }
0xfc: {  	_ =	swait.ge [sflag:s29], $0x800  }
0xfd: {  	[sflag:s29] =	ssyncset.done $0x0  }
0xfe: {  	[sflag:s29] =	ssyncadd.s32 $0xFFFFF800  }
0xff: {  	_ =	swait.ge [sflag:s29], $0x800  }
0x100: {  	[sflag:s29] =	ssyncset.done $0x0  }
0x101: {  	[sflag:s29] =	ssyncadd.s32 $0xFFFFF800  }
0x102: {  	_ =	swait.ge [sflag:s29], $0x800  }
0x103: {  	[sflag:s29] =	ssyncset.done $0x0  }
0x104: {  	[sflag:s29] =	ssyncadd.s32 $0xFFFFF800  }
0x105: {  	_ =	swait.ge [sflag:s29], $0x800  }
0x106: {  	[sflag:s29] =	ssyncset.done $0x0  }
0x107: {  	s25 =	simm.s32 $0x0;
	[sflag:s29] =	ssyncadd.s32 $0xFFFFF800  }
0x108: {  	v6 =	vld [tilespmem:s25+$0x0]  }
0x109: {  	v7 =	vld [tilespmem:s25+$0x10]  }
0x10a: {  	v8 =	vld [tilespmem:s25+$0x20]  }
0x10b: {  	v5 =	vld [tilespmem:s25+$0x30]  }
0x10c: {  	v4 =	vld [tilespmem:s25+$0x40]  }
0x10d: {  	v9 =	vmax.f32 v2, v6;
	v6 =	vld [tilespmem:s25+$0x50]  }
0x10e: {  	v9 =	vmax.f32 v9, v7;
	v7 =	vld [tilespmem:s25+$0x60]  }
0x10f: {  	s4 =	simm.s32 $0x80;
	s5 =	simm.s32 $0x400;
	v9 =	vmax.f32 v9, v8;
	v8 =	vld [tilespmem:s25+$0x70]  }
.LBB2_2:
0x110: {  	p1 =	sne.s32 s5, $0x1E00;
	v10 =	vld [tilespmem:s4+$0x0];
	v5 =	vmax.f32 v9, v5  }
0x111: {  	v9 =	vld [tilespmem:s4+$0x10];
	v4 =	vmax.f32 v5, v4  }
0x112: {  	v11 =	vld [tilespmem:s4+$0x20];
	v4 =	vmax.f32 v4, v6  }
.Ltmp2:
0x113: {  	v5 =	vld [tilespmem:s4+$0x30];
	v6 =	vmax.f32 v4, v7;
	(pc) =	sbr.rel @p1 .LBB2_2-.Ltmp2, $4  }
0x114: {  	v4 =	vld [tilespmem:s4+$0x40];
	v6 =	vmax.f32 v6, v8  }
0x115: {  	v7 =	vmax.f32 v6, v10;
	v6 =	vld [tilespmem:s4+$0x50]  }
0x116: {  	v8 =	vmax.f32 v7, v9;
	v7 =	vld [tilespmem:s4+$0x60]  }
0x117: {  	v9 =	vmax.f32 v8, v11;
	v8 =	vld [tilespmem:s4+$0x70];
	s4 =	sshra.s32 s5, $0x2;
	s5 =	sadd.s32 $0x200, s5  }
0x118: {  	v10 =	vld [tilespmem:s4+$0x0]  }
0x119: {  	v11 =	vld [tilespmem:s4+$0x10]  }
0x11a: {  	v12 =	vld [tilespmem:s4+$0x20]  }
0x11b: {  	v5 =	vmax.f32 v9, v5;
	v9 =	vld [tilespmem:s4+$0x30]  }
0x11c: {  	v13 =	vld [tilespmem:s4+$0x50];
	v4 =	vmax.f32 v5, v4  }
0x11d: {  	v14 =	vld [tilespmem:s4+$0x60];
	v4 =	vmax.f32 v4, v6  }
0x11e: {  	v15 =	vld [tilespmem:s4+$0x70];
	v4 =	vmax.f32 v4, v7  }
0x11f: {  	v5 =	vld [tilespmem:s4+$0x40];
	s4 =	simm.s32 $0x0;
	v4 =	vmax.f32 v4, v8  }
0x120: {  	v8 =	vld [tilespmem:s4+$0x800];
	v4 =	vmax.f32 v4, v10  }
0x121: {  	v10 =	vld [tilespmem:s4+$0x810];
	v4 =	vmax.f32 v4, v11  }
0x122: {  	v11 =	vld [tilespmem:s4+$0x820];
	v4 =	vmax.f32 v4, v12  }
0x123: {  	v6 =	vld [tilespmem:s4+$0x830];
	v4 =	vmax.f32 v4, v9  }
0x124: {  	v7 =	vld [tilespmem:s4+$0x840];
	v4 =	vmax.f32 v4, v5;
	v5 =	vimm.f32 $-Inf  }
0x125: {  	v4 =	vmax.f32 v4, v13;
	v9 =	vmax.f32 v5, v8;
	v8 =	vld [tilespmem:s4+$0x850]  }
0x126: {  	v4 =	vmax.f32 v4, v14;
	v10 =	vmax.f32 v9, v10;
	v9 =	vld [tilespmem:s4+$0x860]  }
0x127: {  	s5 =	simm.s32 $0x80;
	s6 =	simm.s32 $0x400;
	v4 =	vmax.f32 v4, v15;
	v11 =	vmax.f32 v10, v11;
	v10 =	vld [tilespmem:s4+$0x870]  }
.LBB2_4:
0x128: {  	p1 =	sne.s32 s6, $0x1E00;
	v12 =	vld [tilespmem:s5+$0x800];
	v6 =	vmax.f32 v11, v6  }
0x129: {  	v11 =	vld [tilespmem:s5+$0x810];
	v6 =	vmax.f32 v6, v7  }
0x12a: {  	v13 =	vld [tilespmem:s5+$0x820];
	v7 =	vmax.f32 v6, v8  }
.Ltmp3:
0x12b: {  	v6 =	vld [tilespmem:s5+$0x830];
	v8 =	vmax.f32 v7, v9;
	(pc) =	sbr.rel @p1 .LBB2_4-.Ltmp3, $4  }
0x12c: {  	v7 =	vld [tilespmem:s5+$0x840];
	v8 =	vmax.f32 v8, v10  }
0x12d: {  	v9 =	vmax.f32 v8, v12;
	v8 =	vld [tilespmem:s5+$0x850]  }
0x12e: {  	v10 =	vmax.f32 v9, v11;
	v9 =	vld [tilespmem:s5+$0x860]  }
0x12f: {  	v11 =	vmax.f32 v10, v13;
	v10 =	vld [tilespmem:s5+$0x870];
	s5 =	sshra.s32 s6, $0x2;
	s6 =	sadd.s32 $0x200, s6  }
0x130: {  	v12 =	vld [tilespmem:s5+$0x800]  }
0x131: {  	v13 =	vld [tilespmem:s5+$0x810]  }
0x132: {  	v14 =	vld [tilespmem:s5+$0x820]  }
0x133: {  	v6 =	vmax.f32 v11, v6;
	v11 =	vld [tilespmem:s5+$0x830]  }
0x134: {  	v61 =	vld [tilespmem:s4+$0x1000];
	v6 =	vmax.f32 v6, v7  }
0x135: {  	v62 =	vld [tilespmem:s4+$0x1010];
	v6 =	vmax.f32 v6, v8  }
0x136: {  	v63 =	vld [tilespmem:s4+$0x1020];
	v6 =	vmax.f32 v6, v9  }
0x137: {  	v7 =	vld [tilespmem:s5+$0x840];
	v6 =	vmax.f32 v6, v10  }
0x138: {  	v8 =	vld [tilespmem:s5+$0x850];
	v6 =	vmax.f32 v6, v12  }
0x139: {  	v9 =	vld [tilespmem:s5+$0x860];
	v6 =	vmax.f32 v6, v13  }
0x13a: {  	v10 =	vld [tilespmem:s5+$0x870];
	v6 =	vmax.f32 v6, v14  }
0x13b: {  	v11 =	vmax.f32 v6, v11;
	v6 =	vld [tilespmem:s4+$0x1030]  }
0x13c: {  	v11 =	vmax.f32 v11, v7;
	v7 =	vld [tilespmem:s4+$0x1040]  }
0x13d: {  	v5 =	vmax.f32 v5, v61;
	v11 =	vmax.f32 v11, v8;
	v8 =	vld [tilespmem:s4+$0x1050]  }
0x13e: {  	v12 =	vmax.f32 v5, v62;
	v11 =	vmax.f32 v11, v9;
	v9 =	vld [tilespmem:s4+$0x1060]  }
0x13f: {  	s6 =	simm.s32 $0x400;
	s5 =	simm.s32 $0x80;
	v5 =	vmax.f32 v11, v10;
	v11 =	vmax.f32 v12, v63;
	v10 =	vld [tilespmem:s4+$0x1070]  }
.LBB2_6:
0x140: {  	p1 =	sne.s32 s6, $0x1E00;
	v12 =	vld [tilespmem:s5+$0x1000];
	v6 =	vmax.f32 v11, v6  }
0x141: {  	v11 =	vld [tilespmem:s5+$0x1010];
	v6 =	vmax.f32 v6, v7  }
0x142: {  	v13 =	vld [tilespmem:s5+$0x1020];
	v7 =	vmax.f32 v6, v8  }
.Ltmp4:
0x143: {  	v6 =	vld [tilespmem:s5+$0x1030];
	v8 =	vmax.f32 v7, v9;
	(pc) =	sbr.rel @p1 .LBB2_6-.Ltmp4, $4  }
0x144: {  	v7 =	vld [tilespmem:s5+$0x1040];
	v8 =	vmax.f32 v8, v10  }
0x145: {  	v9 =	vmax.f32 v8, v12;
	v8 =	vld [tilespmem:s5+$0x1050]  }
0x146: {  	v10 =	vmax.f32 v9, v11;
	v9 =	vld [tilespmem:s5+$0x1060]  }
0x147: {  	v11 =	vmax.f32 v10, v13;
	v10 =	vld [tilespmem:s5+$0x1070];
	s5 =	sshra.s32 s6, $0x2;
	s6 =	sadd.s32 $0x200, s6  }
0x148: {  	v12 =	vld [tilespmem:s5+$0x1000]  }
0x149: {  	v13 =	vld [tilespmem:s5+$0x1010]  }
0x14a: {  	v14 =	vld [tilespmem:s5+$0x1020]  }
0x14b: {  	v6 =	vmax.f32 v11, v6;
	v11 =	vld [tilespmem:s5+$0x1030]  }
0x14c: {  	v15 =	vld [tilespmem:s5+$0x1050];
	v6 =	vmax.f32 v6, v7  }
0x14d: {  	v16 =	vld [tilespmem:s5+$0x1060];
	v6 =	vmax.f32 v6, v8  }
0x14e: {  	v17 =	vld [tilespmem:s5+$0x1070];
	v6 =	vmax.f32 v6, v9  }
0x14f: {  	s4 =	simm.s32 $0x0;
	v7 =	vld [tilespmem:s5+$0x1040];
	v6 =	vmax.f32 v6, v10  }
0x150: {  	v10 =	vld [tilespmem:s4+$0x1800];
	v6 =	vmax.f32 v6, v12  }
0x151: {  	v12 =	vld [tilespmem:s4+$0x1810];
	v6 =	vmax.f32 v6, v13  }
0x152: {  	v13 =	vld [tilespmem:s4+$0x1820];
	v6 =	vmax.f32 v6, v14  }
0x153: {  	v8 =	vld [tilespmem:s4+$0x1830];
	v6 =	vmax.f32 v6, v11  }
0x154: {  	v9 =	vld [tilespmem:s4+$0x1840];
	v6 =	vmax.f32 v6, v7;
	v7 =	vimm.f32 $-Inf  }
0x155: {  	v6 =	vmax.f32 v6, v15;
	v11 =	vmax.f32 v7, v10;
	v10 =	vld [tilespmem:s4+$0x1850]  }
0x156: {  	v6 =	vmax.f32 v6, v16;
	v12 =	vmax.f32 v11, v12;
	v11 =	vld [tilespmem:s4+$0x1860]  }
0x157: {  	s6 =	simm.s32 $0x400;
	s5 =	simm.s32 $0x80;
	v6 =	vmax.f32 v6, v17;
	v13 =	vmax.f32 v12, v13;
	v12 =	vld [tilespmem:s4+$0x1870]  }
.LBB2_8:
0x158: {  	p1 =	sne.s32 s6, $0x1E00;
	v14 =	vld [tilespmem:s5+$0x1800];
	v8 =	vmax.f32 v13, v8  }
0x159: {  	v13 =	vld [tilespmem:s5+$0x1810];
	v8 =	vmax.f32 v8, v9  }
0x15a: {  	v15 =	vld [tilespmem:s5+$0x1820];
	v9 =	vmax.f32 v8, v10  }
.Ltmp5:
0x15b: {  	v8 =	vld [tilespmem:s5+$0x1830];
	v10 =	vmax.f32 v9, v11;
	(pc) =	sbr.rel @p1 .LBB2_8-.Ltmp5, $4  }
0x15c: {  	v9 =	vld [tilespmem:s5+$0x1840];
	v10 =	vmax.f32 v10, v12  }
0x15d: {  	v11 =	vmax.f32 v10, v14;
	v10 =	vld [tilespmem:s5+$0x1850]  }
0x15e: {  	v12 =	vmax.f32 v11, v13;
	v11 =	vld [tilespmem:s5+$0x1860]  }
0x15f: {  	v13 =	vmax.f32 v12, v15;
	v12 =	vld [tilespmem:s5+$0x1870];
	s5 =	sshra.s32 s6, $0x2;
	s6 =	sadd.s32 $0x200, s6  }
0x160: {  	v14 =	vld [tilespmem:s5+$0x1800]  }
0x161: {  	v15 =	vld [tilespmem:s5+$0x1810]  }
0x162: {  	v16 =	vld [tilespmem:s5+$0x1820]  }
0x163: {  	v8 =	vmax.f32 v13, v8;
	v13 =	vld [tilespmem:s5+$0x1830]  }
0x164: {  	v63 =	vld [tilespmem:s4+$0x2020];
	v8 =	vmax.f32 v8, v9  }
0x165: {  	v9 =	vld [tilespmem:s5+$0x1840];
	v8 =	vmax.f32 v8, v10  }
0x166: {  	v10 =	vld [tilespmem:s5+$0x1850];
	v8 =	vmax.f32 v8, v11  }
0x167: {  	v11 =	vld [tilespmem:s5+$0x1860];
	v8 =	vmax.f32 v8, v12  }
0x168: {  	v8 =	vmax.f32 v8, v14;
	v14 =	vld [tilespmem:s4+$0x2000]  }
0x169: {  	v8 =	vmax.f32 v8, v15;
	v15 =	vld [tilespmem:s4+$0x2010]  }
0x16a: {  	v12 =	vld [tilespmem:s5+$0x1870];
	v8 =	vmax.f32 v8, v16  }
0x16b: {  	v13 =	vmax.f32 v8, v13;
	v8 =	vld [tilespmem:s4+$0x2030]  }
0x16c: {  	v13 =	vmax.f32 v13, v9;
	v9 =	vld [tilespmem:s4+$0x2040]  }
0x16d: {  	v13 =	vmax.f32 v13, v10;
	v7 =	vmax.f32 v7, v14;
	v10 =	vld [tilespmem:s4+$0x2050]  }
0x16e: {  	v13 =	vmax.f32 v13, v11;
	v14 =	vmax.f32 v7, v15;
	v11 =	vld [tilespmem:s4+$0x2060]  }
0x16f: {  	s6 =	simm.s32 $0x400;
	s5 =	simm.s32 $0x80;
	v7 =	vmax.f32 v13, v12;
	v13 =	vmax.f32 v14, v63;
	v12 =	vld [tilespmem:s4+$0x2070]  }
.LBB2_10:
0x170: {  	p1 =	sne.s32 s6, $0x1E00;
	v14 =	vld [tilespmem:s5+$0x2000];
	v8 =	vmax.f32 v13, v8  }
0x171: {  	v13 =	vld [tilespmem:s5+$0x2010];
	v8 =	vmax.f32 v8, v9  }
0x172: {  	v15 =	vld [tilespmem:s5+$0x2020];
	v9 =	vmax.f32 v8, v10  }
.Ltmp6:
0x173: {  	v8 =	vld [tilespmem:s5+$0x2030];
	v10 =	vmax.f32 v9, v11;
	(pc) =	sbr.rel @p1 .LBB2_10-.Ltmp6, $4  }
0x174: {  	v9 =	vld [tilespmem:s5+$0x2040];
	v10 =	vmax.f32 v10, v12  }
0x175: {  	v11 =	vmax.f32 v10, v14;
	v10 =	vld [tilespmem:s5+$0x2050]  }
0x176: {  	v12 =	vmax.f32 v11, v13;
	v11 =	vld [tilespmem:s5+$0x2060]  }
0x177: {  	v13 =	vmax.f32 v12, v15;
	v12 =	vld [tilespmem:s5+$0x2070];
	s5 =	sshra.s32 s6, $0x2;
	s6 =	sadd.s32 $0x200, s6  }
0x178: {  	v14 =	vld [tilespmem:s5+$0x2000]  }
0x179: {  	v15 =	vld [tilespmem:s5+$0x2010]  }
0x17a: {  	v16 =	vld [tilespmem:s5+$0x2020]  }
0x17b: {  	v8 =	vmax.f32 v13, v8;
	v13 =	vld [tilespmem:s5+$0x2030]  }
0x17c: {  	v17 =	vld [tilespmem:s5+$0x2050];
	v8 =	vmax.f32 v8, v9  }
0x17d: {  	v18 =	vld [tilespmem:s5+$0x2060];
	v8 =	vmax.f32 v8, v10  }
0x17e: {  	v19 =	vld [tilespmem:s5+$0x2070];
	v8 =	vmax.f32 v8, v11  }
0x17f: {  	s4 =	simm.s32 $0x0;
	v9 =	vld [tilespmem:s5+$0x2040];
	v8 =	vmax.f32 v8, v12  }
0x180: {  	v12 =	vld [tilespmem:s4+$0x2800];
	v8 =	vmax.f32 v8, v14  }
0x181: {  	v14 =	vld [tilespmem:s4+$0x2810];
	v8 =	vmax.f32 v8, v15  }
0x182: {  	v15 =	vld [tilespmem:s4+$0x2820];
	v8 =	vmax.f32 v8, v16  }
0x183: {  	v10 =	vld [tilespmem:s4+$0x2830];
	v8 =	vmax.f32 v8, v13  }
0x184: {  	v11 =	vld [tilespmem:s4+$0x2840];
	v8 =	vmax.f32 v8, v9;
	v9 =	vimm.f32 $-Inf  }
0x185: {  	v8 =	vmax.f32 v8, v17;
	v13 =	vmax.f32 v9, v12;
	v12 =	vld [tilespmem:s4+$0x2850]  }
0x186: {  	v8 =	vmax.f32 v8, v18;
	v14 =	vmax.f32 v13, v14;
	v13 =	vld [tilespmem:s4+$0x2860]  }
0x187: {  	s6 =	simm.s32 $0x400;
	s5 =	simm.s32 $0x80;
	v8 =	vmax.f32 v8, v19;
	v15 =	vmax.f32 v14, v15;
	v14 =	vld [tilespmem:s4+$0x2870]  }
.LBB2_12:
0x188: {  	p1 =	sne.s32 s6, $0x1E00;
	v16 =	vld [tilespmem:s5+$0x2800];
	v10 =	vmax.f32 v15, v10  }
0x189: {  	v15 =	vld [tilespmem:s5+$0x2810];
	v10 =	vmax.f32 v10, v11  }
0x18a: {  	v17 =	vld [tilespmem:s5+$0x2820];
	v11 =	vmax.f32 v10, v12  }
.Ltmp7:
0x18b: {  	v10 =	vld [tilespmem:s5+$0x2830];
	v12 =	vmax.f32 v11, v13;
	(pc) =	sbr.rel @p1 .LBB2_12-.Ltmp7, $4  }
0x18c: {  	v11 =	vld [tilespmem:s5+$0x2840];
	v12 =	vmax.f32 v12, v14  }
0x18d: {  	v13 =	vmax.f32 v12, v16;
	v12 =	vld [tilespmem:s5+$0x2850]  }
0x18e: {  	v14 =	vmax.f32 v13, v15;
	v13 =	vld [tilespmem:s5+$0x2860]  }
0x18f: {  	v15 =	vmax.f32 v14, v17;
	v14 =	vld [tilespmem:s5+$0x2870];
	s5 =	sshra.s32 s6, $0x2;
	s6 =	sadd.s32 $0x200, s6  }
0x190: {  	v16 =	vld [tilespmem:s5+$0x2800]  }
0x191: {  	v17 =	vld [tilespmem:s5+$0x2810]  }
0x192: {  	v18 =	vld [tilespmem:s5+$0x2820]  }
0x193: {  	v10 =	vmax.f32 v15, v10;
	v15 =	vld [tilespmem:s5+$0x2830]  }
0x194: {  	v63 =	vld [tilespmem:s4+$0x3020];
	v10 =	vmax.f32 v10, v11  }
0x195: {  	v11 =	vld [tilespmem:s5+$0x2840];
	v10 =	vmax.f32 v10, v12  }
0x196: {  	v12 =	vld [tilespmem:s5+$0x2850];
	v10 =	vmax.f32 v10, v13  }
0x197: {  	v13 =	vld [tilespmem:s5+$0x2860];
	v10 =	vmax.f32 v10, v14  }
0x198: {  	v10 =	vmax.f32 v10, v16;
	v16 =	vld [tilespmem:s4+$0x3000]  }
0x199: {  	v10 =	vmax.f32 v10, v17;
	v17 =	vld [tilespmem:s4+$0x3010]  }
0x19a: {  	v14 =	vld [tilespmem:s5+$0x2870];
	v10 =	vmax.f32 v10, v18  }
0x19b: {  	v15 =	vmax.f32 v10, v15;
	v10 =	vld [tilespmem:s4+$0x3030]  }
0x19c: {  	v15 =	vmax.f32 v15, v11;
	v11 =	vld [tilespmem:s4+$0x3040]  }
0x19d: {  	v15 =	vmax.f32 v15, v12;
	v9 =	vmax.f32 v9, v16;
	v12 =	vld [tilespmem:s4+$0x3050]  }
0x19e: {  	v15 =	vmax.f32 v15, v13;
	v16 =	vmax.f32 v9, v17;
	v13 =	vld [tilespmem:s4+$0x3060]  }
0x19f: {  	s6 =	simm.s32 $0x400;
	s5 =	simm.s32 $0x80;
	v9 =	vmax.f32 v15, v14;
	v15 =	vmax.f32 v16, v63;
	v14 =	vld [tilespmem:s4+$0x3070]  }
.LBB2_14:
0x1a0: {  	p1 =	sne.s32 s6, $0x1E00;
	v16 =	vld [tilespmem:s5+$0x3000];
	v10 =	vmax.f32 v15, v10  }
0x1a1: {  	v15 =	vld [tilespmem:s5+$0x3010];
	v10 =	vmax.f32 v10, v11  }
0x1a2: {  	v17 =	vld [tilespmem:s5+$0x3020];
	v11 =	vmax.f32 v10, v12  }
.Ltmp8:
0x1a3: {  	v10 =	vld [tilespmem:s5+$0x3030];
	v12 =	vmax.f32 v11, v13;
	(pc) =	sbr.rel @p1 .LBB2_14-.Ltmp8, $4  }
0x1a4: {  	v11 =	vld [tilespmem:s5+$0x3040];
	v12 =	vmax.f32 v12, v14  }
0x1a5: {  	v13 =	vmax.f32 v12, v16;
	v12 =	vld [tilespmem:s5+$0x3050]  }
0x1a6: {  	v14 =	vmax.f32 v13, v15;
	v13 =	vld [tilespmem:s5+$0x3060]  }
0x1a7: {  	v15 =	vmax.f32 v14, v17;
	v14 =	vld [tilespmem:s5+$0x3070];
	s5 =	sshra.s32 s6, $0x2;
	s6 =	sadd.s32 $0x200, s6  }
0x1a8: {  	v16 =	vld [tilespmem:s5+$0x3000]  }
0x1a9: {  	v17 =	vld [tilespmem:s5+$0x3010]  }
0x1aa: {  	v18 =	vld [tilespmem:s5+$0x3020]  }
0x1ab: {  	v10 =	vmax.f32 v15, v10;
	v15 =	vld [tilespmem:s5+$0x3030]  }
0x1ac: {  	v19 =	vld [tilespmem:s5+$0x3050];
	v10 =	vmax.f32 v10, v11  }
0x1ad: {  	v20 =	vld [tilespmem:s5+$0x3060];
	v10 =	vmax.f32 v10, v12  }
0x1ae: {  	v21 =	vld [tilespmem:s5+$0x3070];
	v10 =	vmax.f32 v10, v13  }
0x1af: {  	s4 =	simm.s32 $0x0;
	v11 =	vld [tilespmem:s5+$0x3040];
	v10 =	vmax.f32 v10, v14  }
0x1b0: {  	v14 =	vld [tilespmem:s4+$0x3800];
	v10 =	vmax.f32 v10, v16  }
0x1b1: {  	v16 =	vld [tilespmem:s4+$0x3810];
	v10 =	vmax.f32 v10, v17  }
0x1b2: {  	v17 =	vld [tilespmem:s4+$0x3820];
	v10 =	vmax.f32 v10, v18  }
0x1b3: {  	v12 =	vld [tilespmem:s4+$0x3830];
	v10 =	vmax.f32 v10, v15  }
0x1b4: {  	v13 =	vld [tilespmem:s4+$0x3840];
	v10 =	vmax.f32 v10, v11;
	v11 =	vimm.f32 $-Inf  }
0x1b5: {  	v10 =	vmax.f32 v10, v19;
	v15 =	vmax.f32 v11, v14;
	v14 =	vld [tilespmem:s4+$0x3850]  }
0x1b6: {  	v10 =	vmax.f32 v10, v20;
	v16 =	vmax.f32 v15, v16;
	v15 =	vld [tilespmem:s4+$0x3860]  }
0x1b7: {  	s6 =	simm.s32 $0x400;
	s5 =	simm.s32 $0x80;
	v10 =	vmax.f32 v10, v21;
	v17 =	vmax.f32 v16, v17;
	v16 =	vld [tilespmem:s4+$0x3870]  }
.LBB2_16:
0x1b8: {  	p1 =	sne.s32 s6, $0x1E00;
	v18 =	vld [tilespmem:s5+$0x3800];
	v12 =	vmax.f32 v17, v12  }
0x1b9: {  	v17 =	vld [tilespmem:s5+$0x3810];
	v12 =	vmax.f32 v12, v13  }
0x1ba: {  	v19 =	vld [tilespmem:s5+$0x3820];
	v13 =	vmax.f32 v12, v14  }
.Ltmp9:
0x1bb: {  	v12 =	vld [tilespmem:s5+$0x3830];
	v14 =	vmax.f32 v13, v15;
	(pc) =	sbr.rel @p1 .LBB2_16-.Ltmp9, $4  }
0x1bc: {  	v13 =	vld [tilespmem:s5+$0x3840];
	v14 =	vmax.f32 v14, v16  }
0x1bd: {  	v15 =	vmax.f32 v14, v18;
	v14 =	vld [tilespmem:s5+$0x3850]  }
0x1be: {  	v16 =	vmax.f32 v15, v17;
	v15 =	vld [tilespmem:s5+$0x3860]  }
0x1bf: {  	v17 =	vmax.f32 v16, v19;
	v16 =	vld [tilespmem:s5+$0x3870];
	s5 =	sshra.s32 s6, $0x2;
	s6 =	sadd.s32 $0x200, s6  }
0x1c0: {  	v18 =	vld [tilespmem:s5+$0x3800]  }
0x1c1: {  	v19 =	vld [tilespmem:s5+$0x3810]  }
0x1c2: {  	v20 =	vld [tilespmem:s5+$0x3820]  }
0x1c3: {  	v12 =	vmax.f32 v17, v12;
	v17 =	vld [tilespmem:s5+$0x3830]  }
0x1c4: {  	v63 =	vld [tilespmem:s4+$0x4020];
	v12 =	vmax.f32 v12, v13  }
0x1c5: {  	v13 =	vld [tilespmem:s5+$0x3840];
	v12 =	vmax.f32 v12, v14  }
0x1c6: {  	v14 =	vld [tilespmem:s5+$0x3850];
	v12 =	vmax.f32 v12, v15  }
0x1c7: {  	v15 =	vld [tilespmem:s5+$0x3860];
	v12 =	vmax.f32 v12, v16  }
0x1c8: {  	v12 =	vmax.f32 v12, v18;
	v18 =	vld [tilespmem:s4+$0x4000]  }
0x1c9: {  	v12 =	vmax.f32 v12, v19;
	v19 =	vld [tilespmem:s4+$0x4010]  }
0x1ca: {  	v16 =	vld [tilespmem:s5+$0x3870];
	v12 =	vmax.f32 v12, v20  }
0x1cb: {  	v17 =	vmax.f32 v12, v17;
	v12 =	vld [tilespmem:s4+$0x4030]  }
0x1cc: {  	v17 =	vmax.f32 v17, v13;
	v13 =	vld [tilespmem:s4+$0x4040]  }
0x1cd: {  	v17 =	vmax.f32 v17, v14;
	v11 =	vmax.f32 v11, v18;
	v14 =	vld [tilespmem:s4+$0x4050]  }
0x1ce: {  	v17 =	vmax.f32 v17, v15;
	v18 =	vmax.f32 v11, v19;
	v15 =	vld [tilespmem:s4+$0x4060]  }
0x1cf: {  	s6 =	simm.s32 $0x400;
	s5 =	simm.s32 $0x80;
	v11 =	vmax.f32 v17, v16;
	v17 =	vmax.f32 v18, v63;
	v16 =	vld [tilespmem:s4+$0x4070]  }
.LBB2_18:
0x1d0: {  	p1 =	sne.s32 s6, $0x1E00;
	v18 =	vld [tilespmem:s5+$0x4000];
	v12 =	vmax.f32 v17, v12  }
0x1d1: {  	v17 =	vld [tilespmem:s5+$0x4010];
	v12 =	vmax.f32 v12, v13  }
0x1d2: {  	v19 =	vld [tilespmem:s5+$0x4020];
	v13 =	vmax.f32 v12, v14  }
.Ltmp10:
0x1d3: {  	v12 =	vld [tilespmem:s5+$0x4030];
	v14 =	vmax.f32 v13, v15;
	(pc) =	sbr.rel @p1 .LBB2_18-.Ltmp10, $4  }
0x1d4: {  	v13 =	vld [tilespmem:s5+$0x4040];
	v14 =	vmax.f32 v14, v16  }
0x1d5: {  	v15 =	vmax.f32 v14, v18;
	v14 =	vld [tilespmem:s5+$0x4050]  }
0x1d6: {  	v16 =	vmax.f32 v15, v17;
	v15 =	vld [tilespmem:s5+$0x4060]  }
0x1d7: {  	v17 =	vmax.f32 v16, v19;
	v16 =	vld [tilespmem:s5+$0x4070];
	s5 =	sshra.s32 s6, $0x2;
	s6 =	sadd.s32 $0x200, s6  }
0x1d8: {  	v18 =	vld [tilespmem:s5+$0x4000]  }
0x1d9: {  	v19 =	vld [tilespmem:s5+$0x4010]  }
0x1da: {  	v20 =	vld [tilespmem:s5+$0x4020]  }
0x1db: {  	v12 =	vmax.f32 v17, v12;
	v17 =	vld [tilespmem:s5+$0x4030]  }
0x1dc: {  	v21 =	vld [tilespmem:s5+$0x4050];
	v12 =	vmax.f32 v12, v13  }
0x1dd: {  	v22 =	vld [tilespmem:s5+$0x4060];
	v12 =	vmax.f32 v12, v14  }
0x1de: {  	v23 =	vld [tilespmem:s5+$0x4070];
	v12 =	vmax.f32 v12, v15  }
0x1df: {  	s4 =	simm.s32 $0x0;
	v13 =	vld [tilespmem:s5+$0x4040];
	v12 =	vmax.f32 v12, v16  }
0x1e0: {  	v16 =	vld [tilespmem:s4+$0x4800];
	v12 =	vmax.f32 v12, v18  }
0x1e1: {  	v18 =	vld [tilespmem:s4+$0x4810];
	v12 =	vmax.f32 v12, v19  }
0x1e2: {  	v19 =	vld [tilespmem:s4+$0x4820];
	v12 =	vmax.f32 v12, v20  }
0x1e3: {  	v14 =	vld [tilespmem:s4+$0x4830];
	v12 =	vmax.f32 v12, v17  }
0x1e4: {  	v15 =	vld [tilespmem:s4+$0x4840];
	v12 =	vmax.f32 v12, v13;
	v13 =	vimm.f32 $-Inf  }
0x1e5: {  	v12 =	vmax.f32 v12, v21;
	v17 =	vmax.f32 v13, v16;
	v16 =	vld [tilespmem:s4+$0x4850]  }
0x1e6: {  	v12 =	vmax.f32 v12, v22;
	v18 =	vmax.f32 v17, v18;
	v17 =	vld [tilespmem:s4+$0x4860]  }
0x1e7: {  	s6 =	simm.s32 $0x400;
	s5 =	simm.s32 $0x80;
	v12 =	vmax.f32 v12, v23;
	v19 =	vmax.f32 v18, v19;
	v18 =	vld [tilespmem:s4+$0x4870]  }
.LBB2_20:
0x1e8: {  	p1 =	sne.s32 s6, $0x1E00;
	v20 =	vld [tilespmem:s5+$0x4800];
	v14 =	vmax.f32 v19, v14  }
0x1e9: {  	v19 =	vld [tilespmem:s5+$0x4810];
	v14 =	vmax.f32 v14, v15  }
0x1ea: {  	v21 =	vld [tilespmem:s5+$0x4820];
	v15 =	vmax.f32 v14, v16  }
.Ltmp11:
0x1eb: {  	v14 =	vld [tilespmem:s5+$0x4830];
	v16 =	vmax.f32 v15, v17;
	(pc) =	sbr.rel @p1 .LBB2_20-.Ltmp11, $4  }
0x1ec: {  	v15 =	vld [tilespmem:s5+$0x4840];
	v16 =	vmax.f32 v16, v18  }
0x1ed: {  	v17 =	vmax.f32 v16, v20;
	v16 =	vld [tilespmem:s5+$0x4850]  }
0x1ee: {  	v18 =	vmax.f32 v17, v19;
	v17 =	vld [tilespmem:s5+$0x4860]  }
0x1ef: {  	v19 =	vmax.f32 v18, v21;
	v18 =	vld [tilespmem:s5+$0x4870];
	s5 =	sshra.s32 s6, $0x2;
	s6 =	sadd.s32 $0x200, s6  }
0x1f0: {  	v20 =	vld [tilespmem:s5+$0x4800]  }
0x1f1: {  	v21 =	vld [tilespmem:s5+$0x4810]  }
0x1f2: {  	v22 =	vld [tilespmem:s5+$0x4820]  }
0x1f3: {  	v14 =	vmax.f32 v19, v14;
	v19 =	vld [tilespmem:s5+$0x4830]  }
0x1f4: {  	v62 =	vld [tilespmem:s4+$0x5010];
	v14 =	vmax.f32 v14, v15  }
0x1f5: {  	v63 =	vld [tilespmem:s4+$0x5020];
	v14 =	vmax.f32 v14, v16  }
0x1f6: {  	v15 =	vld [tilespmem:s5+$0x4840];
	v14 =	vmax.f32 v14, v17  }
0x1f7: {  	v16 =	vld [tilespmem:s5+$0x4850];
	v14 =	vmax.f32 v14, v18  }
0x1f8: {  	v14 =	vmax.f32 v14, v20;
	v20 =	vld [tilespmem:s4+$0x5000]  }
0x1f9: {  	v17 =	vld [tilespmem:s5+$0x4860];
	v14 =	vmax.f32 v14, v21  }
0x1fa: {  	v18 =	vld [tilespmem:s5+$0x4870];
	v14 =	vmax.f32 v14, v22  }
0x1fb: {  	v19 =	vmax.f32 v14, v19;
	v14 =	vld [tilespmem:s4+$0x5030]  }
0x1fc: {  	v19 =	vmax.f32 v19, v15;
	v15 =	vld [tilespmem:s4+$0x5040]  }
0x1fd: {  	v19 =	vmax.f32 v19, v16;
	v13 =	vmax.f32 v13, v20;
	v16 =	vld [tilespmem:s4+$0x5050]  }
0x1fe: {  	v19 =	vmax.f32 v19, v17;
	v20 =	vmax.f32 v13, v62;
	v17 =	vld [tilespmem:s4+$0x5060]  }
0x1ff: {  	s6 =	simm.s32 $0x400;
	s5 =	simm.s32 $0x80;
	v13 =	vmax.f32 v19, v18;
	v19 =	vmax.f32 v20, v63;
	v18 =	vld [tilespmem:s4+$0x5070]  }
.LBB2_22:
0x200: {  	p1 =	sne.s32 s6, $0x1E00;
	v20 =	vld [tilespmem:s5+$0x5000];
	v14 =	vmax.f32 v19, v14  }
0x201: {  	v19 =	vld [tilespmem:s5+$0x5010];
	v14 =	vmax.f32 v14, v15  }
0x202: {  	v21 =	vld [tilespmem:s5+$0x5020];
	v15 =	vmax.f32 v14, v16  }
.Ltmp12:
0x203: {  	v14 =	vld [tilespmem:s5+$0x5030];
	v16 =	vmax.f32 v15, v17;
	(pc) =	sbr.rel @p1 .LBB2_22-.Ltmp12, $4  }
0x204: {  	v15 =	vld [tilespmem:s5+$0x5040];
	v16 =	vmax.f32 v16, v18  }
0x205: {  	v17 =	vmax.f32 v16, v20;
	v16 =	vld [tilespmem:s5+$0x5050]  }
0x206: {  	v18 =	vmax.f32 v17, v19;
	v17 =	vld [tilespmem:s5+$0x5060]  }
0x207: {  	v19 =	vmax.f32 v18, v21;
	v18 =	vld [tilespmem:s5+$0x5070];
	s5 =	sshra.s32 s6, $0x2;
	s6 =	sadd.s32 $0x200, s6  }
0x208: {  	v20 =	vld [tilespmem:s5+$0x5000]  }
0x209: {  	v21 =	vld [tilespmem:s5+$0x5010]  }
0x20a: {  	v22 =	vld [tilespmem:s5+$0x5020]  }
0x20b: {  	v14 =	vmax.f32 v19, v14;
	v19 =	vld [tilespmem:s5+$0x5030]  }
0x20c: {  	v23 =	vld [tilespmem:s5+$0x5050];
	v14 =	vmax.f32 v14, v15  }
0x20d: {  	v24 =	vld [tilespmem:s5+$0x5060];
	v14 =	vmax.f32 v14, v16  }
0x20e: {  	v25 =	vld [tilespmem:s5+$0x5070];
	v14 =	vmax.f32 v14, v17  }
0x20f: {  	s4 =	simm.s32 $0x0;
	v15 =	vld [tilespmem:s5+$0x5040];
	v14 =	vmax.f32 v14, v18  }
0x210: {  	v18 =	vld [tilespmem:s4+$0x5800];
	v14 =	vmax.f32 v14, v20  }
0x211: {  	v20 =	vld [tilespmem:s4+$0x5810];
	v14 =	vmax.f32 v14, v21  }
0x212: {  	v21 =	vld [tilespmem:s4+$0x5820];
	v14 =	vmax.f32 v14, v22  }
0x213: {  	v16 =	vld [tilespmem:s4+$0x5830];
	v14 =	vmax.f32 v14, v19  }
0x214: {  	v17 =	vld [tilespmem:s4+$0x5840];
	v14 =	vmax.f32 v14, v15;
	v15 =	vimm.f32 $-Inf  }
0x215: {  	v14 =	vmax.f32 v14, v23;
	v19 =	vmax.f32 v15, v18;
	v18 =	vld [tilespmem:s4+$0x5850]  }
0x216: {  	v14 =	vmax.f32 v14, v24;
	v20 =	vmax.f32 v19, v20;
	v19 =	vld [tilespmem:s4+$0x5860]  }
0x217: {  	s6 =	simm.s32 $0x400;
	s5 =	simm.s32 $0x80;
	v14 =	vmax.f32 v14, v25;
	v21 =	vmax.f32 v20, v21;
	v20 =	vld [tilespmem:s4+$0x5870]  }
.LBB2_24:
0x218: {  	p1 =	sne.s32 s6, $0x1E00;
	v22 =	vld [tilespmem:s5+$0x5800];
	v16 =	vmax.f32 v21, v16  }
0x219: {  	v21 =	vld [tilespmem:s5+$0x5810];
	v16 =	vmax.f32 v16, v17  }
0x21a: {  	v23 =	vld [tilespmem:s5+$0x5820];
	v17 =	vmax.f32 v16, v18  }
.Ltmp13:
0x21b: {  	v16 =	vld [tilespmem:s5+$0x5830];
	v18 =	vmax.f32 v17, v19;
	(pc) =	sbr.rel @p1 .LBB2_24-.Ltmp13, $4  }
0x21c: {  	v17 =	vld [tilespmem:s5+$0x5840];
	v18 =	vmax.f32 v18, v20  }
0x21d: {  	v19 =	vmax.f32 v18, v22;
	v18 =	vld [tilespmem:s5+$0x5850]  }
0x21e: {  	v20 =	vmax.f32 v19, v21;
	v19 =	vld [tilespmem:s5+$0x5860]  }
0x21f: {  	v21 =	vmax.f32 v20, v23;
	v20 =	vld [tilespmem:s5+$0x5870];
	s5 =	sshra.s32 s6, $0x2;
	s6 =	sadd.s32 $0x200, s6  }
0x220: {  	v22 =	vld [tilespmem:s5+$0x5800]  }
0x221: {  	v23 =	vld [tilespmem:s5+$0x5810]  }
0x222: {  	v24 =	vld [tilespmem:s5+$0x5820]  }
0x223: {  	v16 =	vmax.f32 v21, v16;
	v21 =	vld [tilespmem:s5+$0x5830]  }
0x224: {  	v63 =	vld [tilespmem:s4+$0x6020];
	v16 =	vmax.f32 v16, v17  }
0x225: {  	v17 =	vld [tilespmem:s5+$0x5840];
	v16 =	vmax.f32 v16, v18  }
0x226: {  	v18 =	vld [tilespmem:s5+$0x5850];
	v16 =	vmax.f32 v16, v19  }
0x227: {  	v19 =	vld [tilespmem:s5+$0x5860];
	v16 =	vmax.f32 v16, v20  }
0x228: {  	v16 =	vmax.f32 v16, v22;
	v22 =	vld [tilespmem:s4+$0x6000]  }
0x229: {  	v16 =	vmax.f32 v16, v23;
	v23 =	vld [tilespmem:s4+$0x6010]  }
0x22a: {  	v20 =	vld [tilespmem:s5+$0x5870];
	v16 =	vmax.f32 v16, v24  }
0x22b: {  	v21 =	vmax.f32 v16, v21;
	v16 =	vld [tilespmem:s4+$0x6030]  }
0x22c: {  	v21 =	vmax.f32 v21, v17;
	v17 =	vld [tilespmem:s4+$0x6040]  }
0x22d: {  	v21 =	vmax.f32 v21, v18;
	v15 =	vmax.f32 v15, v22;
	v18 =	vld [tilespmem:s4+$0x6050]  }
0x22e: {  	v21 =	vmax.f32 v21, v19;
	v22 =	vmax.f32 v15, v23;
	v19 =	vld [tilespmem:s4+$0x6060]  }
0x22f: {  	s6 =	simm.s32 $0x400;
	s5 =	simm.s32 $0x80;
	v15 =	vmax.f32 v21, v20;
	v21 =	vmax.f32 v22, v63;
	v20 =	vld [tilespmem:s4+$0x6070]  }
.LBB2_26:
0x230: {  	p1 =	sne.s32 s6, $0x1E00;
	v22 =	vld [tilespmem:s5+$0x6000];
	v16 =	vmax.f32 v21, v16  }
0x231: {  	v21 =	vld [tilespmem:s5+$0x6010];
	v16 =	vmax.f32 v16, v17  }
0x232: {  	v23 =	vld [tilespmem:s5+$0x6020];
	v17 =	vmax.f32 v16, v18  }
.Ltmp14:
0x233: {  	v16 =	vld [tilespmem:s5+$0x6030];
	v18 =	vmax.f32 v17, v19;
	(pc) =	sbr.rel @p1 .LBB2_26-.Ltmp14, $4  }
0x234: {  	v17 =	vld [tilespmem:s5+$0x6040];
	v18 =	vmax.f32 v18, v20  }
0x235: {  	v19 =	vmax.f32 v18, v22;
	v18 =	vld [tilespmem:s5+$0x6050]  }
0x236: {  	v20 =	vmax.f32 v19, v21;
	v19 =	vld [tilespmem:s5+$0x6060]  }
0x237: {  	v21 =	vmax.f32 v20, v23;
	v20 =	vld [tilespmem:s5+$0x6070];
	s5 =	sshra.s32 s6, $0x2;
	s6 =	sadd.s32 $0x200, s6  }
0x238: {  	v22 =	vld [tilespmem:s5+$0x6000];
	v16 =	vmax.f32 v21, v16  }
0x239: {  	v21 =	vld [tilespmem:s5+$0x6010];
	(xrf0) =	vmax.scan.msk.f32 $0xffff, v4;
	v16 =	vmax.f32 v16, v17  }
0x23a: {  	v4 =	vld [tilespmem:s5+$0x6020];
	(xrf0) =	vmax.scan.msk.f32 $0xffff, v5;
	v16 =	vmax.f32 v16, v18  }
0x23b: {  	v5 =	vld [tilespmem:s5+$0x6030];
	v16 =	vmax.f32 v16, v19  }
0x23c: {  	(xrf0) =	vmax.scan.msk.f32 $0xffff, v6;
	v6 =	vld [tilespmem:s5+$0x6040];
	v16 =	vmax.f32 v16, v20  }
0x23d: {  	(xrf0) =	vmax.scan.msk.f32 $0xffff, v7;
	v7 =	vmax.f32 v16, v22;
	v16 =	vld [tilespmem:s5+$0x6050]  }
0x23e: {  	(xrf0) =	vmax.scan.msk.f32 $0xffff, v8;
	v8 =	vld [tilespmem:s5+$0x6060];
	v7 =	vmax.f32 v7, v21  }
0x23f: {  	(xrf0) =	vmax.scan.msk.f32 $0xffff, v9;
	v9, _, _ =	vpop (xrf0);
	v4 =	vmax.f32 v7, v4;
	v7 =	vld [tilespmem:s5+$0x6070]  }
0x240: {  	(xrf0) =	vmax.scan.msk.f32 $0xffff, v10;
	v4 =	vmax.f32 v4, v5;
	v5 =	vbroadcast v9, $0xF;
	v9, _, _ =	vpop (xrf0)  }
0x241: {  	v4 =	vmax.f32 v4, v6;
	v6 =	vbroadcast v9, $0xF  }
0x242: {  	vm1 =	vcmask $0x334;
	v9, _, _ =	vpop (xrf0);
	v4 =	vmax.f32 v4, v16;
	v5 =	vnsel vm0, $0x7F800000, v5  }
0x243: {  	(xrf0) =	vmax.scan.msk.f32 $0xffff, v11;
	v9 =	vbroadcast v9, $0xF;
	v10, _, _ =	vpop (xrf0);
	v4 =	vmax.f32 v4, v8;
	v5 =	vsel vm1, v5, v6  }
0x244: {  	(xrf0) =	vmax.scan.msk.f32 $0xffff, v12;
	v6 =	vbroadcast v10, $0xF;
	v8, _, _ =	vpop (xrf0);
	vm1 =	vcmask $0x734;
	v4 =	vmax.f32 v4, v7  }
0x245: {  	(xrf0) =	vmax.scan.msk.f32 $0xffff, v13;
	v5 =	vsel vm1, v5, v9;
	v7 =	vbroadcast v8, $0xF;
	v8, _, _ =	vpop (xrf0);
	vm1 =	vcmask $0xB34  }
0x246: {  	(xrf0) =	vmax.scan.msk.f32 $0xffff, v14;
	v5 =	vsel vm1, v5, v6;
	v6 =	vbroadcast v8, $0xF;
	v8, _, _ =	vpop (xrf0);
	vm1 =	vcmask $0xF34  }
0x247: {  	(xrf0) =	vmax.scan.msk.f32 $0xffff, v15;
	v5 =	vsel vm1, v5, v7;
	v7 =	vbroadcast v8, $0xF  }
0x248: {  	(xrf0) =	vmax.scan.msk.f32 $0xffff, v4  }
0x249: {  	vm1 =	vcmask $0x1334;
	v4, _, _ =	vpop (xrf0)  }
0x24a: {  	v5 =	vsel vm1, v5, v6;
	vm1 =	vcmask $0x1734;
	v8, _, _ =	vpop (xrf0);
	v4 =	vbroadcast v4, $0xF  }
0x24b: {  	v5 =	vsel vm1, v5, v7;
	vm1 =	vcmask $0x1B34;
	v6 =	vbroadcast v8, $0xF;
	v7, _, _ =	vpop (xrf0)  }
0x24c: {  	v4 =	vsel vm1, v5, v4;
	vm1 =	vcmask $0x1F34;
	v5 =	vbroadcast v7, $0xF;
	v7, _, _ =	vpop (xrf0)  }
0x24d: {  	v4 =	vsel vm1, v4, v6;
	v6 =	vbroadcast v7, $0xF;
	v7, _, _ =	vpop (xrf0)  }
0x24e: {  	v4 =	vsel vm9, v4, v5;
	v5 =	vbroadcast v7, $0xF;
	v7, _, _ =	vpop (xrf0)  }
0x24f: {  	v4 =	vsel vm10, v4, v6;
	v6 =	vbroadcast v7, $0xF  }
0x250: {  	v4 =	vsel vm11, v4, v5  }
0x251: {  	v4 =	vsel vm12, v4, v6  }
0x252: {  	s4 =	rddreg [dreg:$0x1d];
	s25 =	simm.s32 $0x8500;
	[tilespmem:$0x8500] =	vst v4  }
0x253: {  	[spmem:s4] =	stream.linear.scatter [tilespmem:s25], [sflag:$0x2], $0x80, $0x38;
	[tilespmem:$0x8F00] =	vst v63  }
0x254: {  	_ =	swait.ge [sflag:s30], $0x80  }
0x255: {  	[sflag:s30] =	ssyncset.done $0x0  }
0x256: {  	[sflag:s30] =	ssyncadd.s32 $0xFFFFFF80  }
0x257: {  	s6 =	simm.s32 $0x8600;
	[bflag:$0x0] =	sbarrier.arrive $0xFFFF  }
0x258: {  	[tilespmem:s6], [sflag:$0x2] =	stream.linear.gather [spmem:s17], $0x80, $0x38;
	[tilespmem:$0x8F00] =	vst v63  }
0x259: {  	_ =	swait.ge [sflag:s30], $0x80  }
0x25a: {  	s7 =	sld [smem:$0x7F9]  }
0x25b: {  	[sflag:s30] =	ssyncset.done $0x0  }
0x25c: {  	s8 =	simm.s32 $0x8680;
	[sflag:s30] =	ssyncadd.s32 $0xFFFFFF80  }
0x25d: {  	[tilespmem:s8], [sflag:$0x2] =	stream.linear.gather [spmem:s7], $0x80, $0x38;
	[tilespmem:$0x8F00] =	vst v63  }
0x25e: {  	_ =	swait.ge [sflag:s30], $0x80  }
0x25f: {  	s9 =	sld [smem:$0x7FA]  }
0x260: {  	[sflag:s30] =	ssyncset.done $0x0  }
0x261: {  	s10 =	simm.s32 $0x8700;
	[sflag:s30] =	ssyncadd.s32 $0xFFFFFF80  }
0x262: {  	[tilespmem:s10], [sflag:$0x2] =	stream.linear.gather [spmem:s9], $0x80, $0x38;
	[tilespmem:$0x8F00] =	vst v63  }
0x263: {  	_ =	swait.ge [sflag:s30], $0x80  }
0x264: {  	s11 =	sld [smem:$0x7FB]  }
0x265: {  	[sflag:s30] =	ssyncset.done $0x0  }
0x266: {  	s12 =	simm.s32 $0x8780;
	[sflag:s30] =	ssyncadd.s32 $0xFFFFFF80  }
0x267: {  	[tilespmem:s12], [sflag:$0x2] =	stream.linear.gather [spmem:s11], $0x80, $0x38;
	[tilespmem:$0x8F00] =	vst v63  }
0x268: {  	_ =	swait.ge [sflag:s30], $0x80  }
0x269: {  	[sflag:s30] =	ssyncset.done $0x0  }
0x26a: {  	[sflag:s30] =	ssyncadd.s32 $0xFFFFFF80  }
0x26b: {  	v4 =	vld [tilespmem:$0x8600]  }
0x26c: {  	v5 =	vld [tilespmem:$0x8680]  }
0x26d: {  	v6 =	vld [tilespmem:$0x8700]  }
0x26e: {  	v7 =	vld [tilespmem:$0x8780];
	_ =	sdelay $0x2  }
0x26f: {  	v4 =	vmin.f32 v4, v5  }
0x270: {  	s6 =	rddreg [dreg:$0xf];
	v4 =	vmin.f32 v4, v6  }
0x271: {  	s14 =	simm.s32 $0x0;
	s7 =	rddreg [dreg:$0x9];
	v4 =	vmin.f32 v4, v7  }
0x272: {  	s5 =	smul.u32 $0x30, s14;
	s8 =	rddreg [dreg:$0xc];
	(xrf0) =	vmin.scan.msk.f32 $0xffff, v4  }
0x273: {  	s10 =	rddreg [dreg:$0xb]  }
0x274: {  	s4 =	simm.s32 $0x40;
	s9 =	ssub.s32 s13, s5;
	s11 =	rddreg [dreg:$0xd]  }
0x275: {  	s22 =	rddreg [dreg:$0xe];
	s6 =	sadd.s32 $0x0, s6;
	s7 =	ssub.s32 s7, s5;
	v19 =	vld [tilespmem:s4+$0xFFFFFFC0]  }
0x276: {  	s15 =	ssub.s32 s10, s5;
	s16 =	ssub.s32 s11, s5;
	s7 =	sadd.s32 s7, s6;
	v13 =	vld [tilespmem:s4+$0x10]  }
0x277: {  	s9 =	sadd.s32 s9, s6;
	v17 =	vld [tilespmem:s4+$0xFFFFFFD0];
	s18 =	sadd.s32 s15, s6;
	v18 =	vor.u32 s7, v1;
	s7 =	sadd.s32 s16, s6  }
0x278: {  	s8 =	ssub.s32 s8, s5;
	v14 =	vld [tilespmem:s4+$0xFFFFFFE0];
	v16 =	vor.u32 s18, v1;
	v15 =	vor.u32 s7, v1;
	v5 =	vor.u32 s9, v1;
	s9 =	ssub.s32 s22, s5;
	v4, _, _ =	vpop (xrf0)  }
0x279: {  	s8 =	sadd.s32 s8, s6;
	v10 =	vld [tilespmem:s4+$0xFFFFFFF0];
	vm4 =	vlt.s32 v18, v0;
	vm14 =	vlt.s32 v15, v0;
	s9 =	sadd.s32 s9, s6;
	v6 =	vbroadcast v4, $0xF  }
0x27a: {  	vm1 =	vlt.s32 v5, v0;
	v20 =	vor.u32 s9, v1;
	v4 =	vor.u32 s8, v1  }
0x27b: {  	vm2 =	vlt.s32 v4, v0;
	vm3 =	vge.f32 v19, v6;
	vm7 =	vge.f32 v13, v6  }
0x27c: {  	v11 =	vld [tilespmem:s4+$0x0];
	vm6 =	vmand vm1, vm3;
	vm1 =	vge.f32 v17, v6;
	vm3 =	vlt.s32 v16, v0  }
0x27d: {  	v7 =	vmpcnt.ones.xlane vm6;
	vm5 =	vmand vm4, vm1;
	vm1 =	vge.f32 v14, v6  }
0x27e: {  	s23 =	rddreg [dreg:$0x8];
	v8 =	vmpcnt.ones.xlane vm5;
	vm4 =	vmand vm3, vm1;
	vm1 =	vge.f32 v10, v6  }
0x27f: {  	s24 =	rddreg [dreg:$0xa];
	v9 =	vxor.u32 $0x80000000, v7;
	v7 =	vld [tilespmem:s4+$0x20];
	v21 =	vmpcnt.ones.xlane vm4;
	vm1 =	vmand vm14, vm1  }
0x280: {  	s8 =	ssub.s32 s23, s5;
	s5 =	ssub.s32 s24, s5;
	vm2 =	vmand vm2, vm7;
	v12 =	vxor.u32 $0x80000000, v8;
	v8 =	vld [tilespmem:s4+$0x30];
	(xrf0) =	vmax.scan.msk.u32 $0xffff, v9;
	v22 =	vmpcnt.ones.xlane vm1  }
0x281: {  	s5 =	sadd.s32 s5, s6;
	vm3 =	vge.f32 v11, v6;
	vm14 =	vlt.s32 v20, v0;
	(xrf0) =	vmax.scan.msk.u32 $0xffff, v12;
	v21 =	vxor.u32 $0x80000000, v21  }
0x282: {  	s25 =	sadd.s32 s8, s6;
	v12 =	vor.u32 s5, v1;
	(xrf0) =	vmax.scan.msk.u32 $0xffff, v21;
	v21 =	vxor.u32 $0x80000000, v22;
	v22 =	vmpcnt.ones.xlane vm2  }
0x283: {  	v9 =	vor.u32 s25, v1;
	vm3 =	vmand vm14, vm3;
	vm15 =	vlt.s32 v12, v0;
	(xrf0) =	vmax.scan.msk.u32 $0xffff, v21  }
0x284: {  	v21 =	vmpcnt.ones.xlane vm3;
	vm14 =	vge.f32 v7, v6;
	v22 =	vxor.u32 $0x80000000, v22  }
0x285: {  	vm7 =	vge.f32 v8, v6;
	vm15 =	vmand vm15, vm14;
	vm14 =	vlt.s32 v9, v0  }
0x286: {  	v21 =	vxor.u32 $0x80000000, v21;
	vm14 =	vmand vm14, vm7;
	v23, _, _ =	vpop (xrf0);
	v24 =	vmpcnt.ones.xlane vm15  }
0x287: {  	(xrf0) =	vmax.scan.msk.u32 $0xffff, v21;
	(v2sf) =	vpush v23, $0xF;
	v23, _, _ =	vpop (xrf0);
	v21 =	vmpcnt.ones.xlane vm14  }
0x288: {  	p2 =	por $0x1, $0x1;
	(xrf0) =	vmax.scan.msk.u32 $0xffff, v22;
	(v2sf) =	vpush v23, $0xF;
	v23, _, _ =	vpop (xrf0);
	v24 =	vxor.u32 $0x80000000, v24  }
0x289: {  	s7 =	simm.s32 $0x0;
	s6 =	simm.s32 $0x80;
	s5 =	simm.s32 $0x0;
	v21 =	vxor.u32 $0x80000000, v21;
	(v2sf) =	vpush v23, $0xF;
	v22, _, _ =	vpop (xrf0);
	(xrf0) =	vmax.scan.msk.u32 $0xffff, v24  }
.LBB2_28:
0x28a: {  	_ =	sdelay $0x2  }
0x28b: {  	s8 =	rddreg [dreg:$0x9];
	(v2sf) =	vpush v22, $0xF  }
0x28c: {  	s11 =	rddreg [dreg:$0x8];
	v22, _, _ =	vpop (xrf0)  }
0x28d: {  	s12 =	rddreg [dreg:$0xa];
	(v2sf) =	vpush v22, $0xF  }
0x28e: {  	s5 =	sadd.s32 $0x1, s5;
	s14 =	rddreg [dreg:$0xc]  }
0x28f: {  	s16 =	rddreg [dreg:$0xd];
	s10 =	sshrl.u32 s5, $0x4  }
0x290: {  	s25 =	rddreg [dreg:$0xb];
	s10 =	smul.u32 $0x30, s10;
	(xrf0) =	vmax.scan.msk.u32 $0xffff, v21;
	v21, _, _ =	vpop (xrf0)  }
0x291: {  	s9 =	smov.u32 s6;
	s22 =	rddreg [dreg:$0xe];
	(v2sf) =	vpush v21, $0xF  }
0x292: {  	s23 =	rddreg [dreg:$0xf];
	s15 =	ssub.s32 s13, s10;
	s8 =	ssub.s32 s8, s10;
	v21, _, _ =	vpop (xrf0)  }
0x293: {  	s18 =	ssub.s32 s11, s10;
	s14 =	ssub.s32 s14, s10;
	s24 =	ssub.s32 s25, s10;
	(v2sf) =	vpush v21, $0xF  }
0x294: {  	s16 =	ssub.s32 s16, s10;
	s25 =	ssub.s32 s12, s10;
	s12 =	spop (v2sf)  }
0x295: {  	vm7 =	vmmov vm13;
	s10 =	ssub.s32 s22, s10;
	s22 =	sadd.s32 s9, s23;
	s11 =	sadd.s32 s12, s7  }
0x296: {  	vm7 =	vmneg @p2 vm7;
	s12 =	sadd.s32 s15, s22;
	s15 =	spop (v2sf);
	s9 =	sadd.s32 $0x80000000, s11  }
0x297: {  	vm6 =	vmand vm7, vm6;
	vm7 =	vmmov vm13;
	v21, _, _ =	vpop (xrf0);
	p2 =	slt.s32 s9, $0x200;
	s23 =	sadd.s32 s15, s9  }
0x298: {  	[tilespmem:s7+$0x6800] =	vst.msk vm6, v19;
	(v2sf) =	vpush v21, $0xF;
	v21 =	vor.u32 s12, v1;
	s11 =	sadd.s32 s8, s22;
	s12 =	spop (v2sf);
	vm7 =	vmneg @p2 vm7;
	s23 =	sadd.s32 $0x80000000, s23  }
0x299: {  	[tilespmem:s7+$0x6A80] =	vst.msk vm6, v5;
	vm6 =	vmmov vm13;
	s15 =	sadd.s32 s14, s22;
	vm5 =	vmand vm5, vm7;
	p2 =	slt.s32 s23, $0x200;
	s8 =	sadd.s32 s12, s23  }
0x29a: {  	s14 =	sadd.s32 s24, s22;
	s24 =	spop (v2sf);
	[tilespmem:s9+$0x6800] =	vst.msk vm5, v17;
	vm6 =	vmneg @p2 vm6;
	s7 =	sadd.s32 $0x80000000, s8  }
0x29b: {  	s12 =	sadd.s32 s16, s22;
	[tilespmem:s9+$0x6A80] =	vst.msk vm5, v18;
	vm4 =	vmand vm4, vm6;
	p2 =	slt.s32 s7, $0x200;
	s16 =	sadd.s32 s24, s7;
	vm5 =	vmmov vm13  }
0x29c: {  	s24 =	spop (v2sf);
	[tilespmem:s23+$0x6800] =	vst.msk vm4, v14;
	vm5 =	vmneg @p2 vm5;
	s16 =	sadd.s32 $0x80000000, s16  }
0x29d: {  	s9 =	sadd.s32 s18, s22;
	[tilespmem:s23+$0x6A80] =	vst.msk vm4, v16;
	vm1 =	vmand vm1, vm5;
	p2 =	slt.s32 s16, $0x200;
	s18 =	sadd.s32 s24, s16;
	vm4 =	vmmov vm13  }
0x29e: {  	[tilespmem:s7+$0x6800] =	vst.msk vm1, v10;
	vm4 =	vmneg @p2 vm4;
	s18 =	sadd.s32 $0x80000000, s18  }
0x29f: {  	[tilespmem:s7+$0x6A80] =	vst.msk vm1, v15;
	vm1 =	vmand vm3, vm4;
	p2 =	slt.s32 s18, $0x200;
	vm3 =	vmmov vm13  }
0x2a0: {  	s24 =	spop (v2sf);
	[tilespmem:s16+$0x6800] =	vst.msk vm1, v11;
	vm3 =	vmneg @p2 vm3  }
0x2a1: {  	s8 =	sadd.s32 s10, s22;
	s7 =	sadd.s32 s24, s18;
	[tilespmem:s16+$0x6A80] =	vst.msk vm1, v20;
	vm1 =	vmand vm2, vm3  }
0x2a2: {  	s10 =	sadd.s32 s25, s22;
	s25 =	spop (v2sf);
	s23 =	sadd.s32 $0x80000000, s7;
	[tilespmem:s18+$0x6800] =	vst.msk vm1, v13  }
0x2a3: {  	p2 =	slt.s32 s23, $0x200;
	s7 =	sadd.s32 s25, s23;
	[tilespmem:s18+$0x6A80] =	vst.msk vm1, v4;
	vm1 =	vmmov vm13  }
0x2a4: {  	s25 =	sadd.s32 $0x80000000, s7;
	vm1 =	vmneg @p2 vm1  }
0x2a5: {  	vm2 =	vmmov vm13;
	p2 =	slt.s32 s25, $0x200;
	vm1 =	vmand vm15, vm1  }
0x2a6: {  	vm2 =	vmneg @p2 vm2;
	[tilespmem:s23+$0x6800] =	vst.msk vm1, v7  }
0x2a7: {  	[tilespmem:s23+$0x6A80] =	vst.msk vm1, v12;
	vm1 =	vmand vm14, vm2  }
0x2a8: {  	[tilespmem:s25+$0x6800] =	vst.msk vm1, v8  }
0x2a9: {  	s4 =	sadd.s32 $0x80, s4;
	[tilespmem:s25+$0x6A80] =	vst.msk vm1, v9  }
0x2aa: {  	v19 =	vld [tilespmem:s4+$0xFFFFFFC0];
	_ =	sdelay $0x2  }
0x2ab: {  	v17 =	vld [tilespmem:s4+$0xFFFFFFD0]  }
0x2ac: {  	v5 =	vmov v21;
	v14 =	vld [tilespmem:s4+$0xFFFFFFE0]  }
0x2ad: {  	vm1 =	vlt.s32 v5, v0;
	vm4 =	vge.f32 v19, v6  }
0x2ae: {  	v18 =	vor.u32 s11, v1;
	v16 =	vor.u32 s14, v1;
	v10 =	vld [tilespmem:s4+$0xFFFFFFF0];
	vm6 =	vmand vm1, vm4  }
0x2af: {  	v15 =	vor.u32 s12, v1;
	vm3 =	vlt.s32 v18, v0;
	v7 =	vmpcnt.ones.xlane vm6  }
0x2b0: {  	v20 =	vor.u32 s8, v1;
	vm1 =	vge.f32 v17, v6;
	vm4 =	vlt.s32 v16, v0  }
0x2b1: {  	v11 =	vld [tilespmem:s4+$0x0];
	vm5 =	vmand vm3, vm1;
	vm1 =	vge.f32 v14, v6;
	v9 =	vxor.u32 $0x80000000, v7  }
0x2b2: {  	v4 =	vor.u32 s15, v1;
	v13 =	vld [tilespmem:s4+$0x10];
	v8 =	vmpcnt.ones.xlane vm5;
	vm4 =	vmand vm4, vm1;
	(xrf0) =	vmax.scan.msk.u32 $0xffff, v9  }
0x2b3: {  	vm3 =	vlt.s32 v15, v0;
	vm1 =	vge.f32 v10, v6;
	v7 =	vld [tilespmem:s4+$0x20];
	v22 =	vmpcnt.ones.xlane vm4  }
0x2b4: {  	vm2 =	vlt.s32 v4, v0;
	vm1 =	vmand vm3, vm1;
	v21 =	vxor.u32 $0x80000000, v8;
	v8 =	vld [tilespmem:s4+$0x30]  }
0x2b5: {  	v12 =	vor.u32 s10, v1;
	(xrf0) =	vmax.scan.msk.u32 $0xffff, v21;
	v21 =	vxor.u32 $0x80000000, v22;
	v22 =	vmpcnt.ones.xlane vm1  }
0x2b6: {  	vm15 =	vlt.s32 v12, v0;
	vm7 =	vge.f32 v11, v6;
	vm3 =	vlt.s32 v20, v0  }
0x2b7: {  	vm14 =	vge.f32 v13, v6;
	vm3 =	vmand vm3, vm7;
	(xrf0) =	vmax.scan.msk.u32 $0xffff, v21;
	v21 =	vxor.u32 $0x80000000, v22  }
0x2b8: {  	vm2 =	vmand vm2, vm14;
	v9 =	vor.u32 s9, v1;
	v22 =	vmpcnt.ones.xlane vm3;
	v23, _, _ =	vpop (xrf0);
	(xrf0) =	vmax.scan.msk.u32 $0xffff, v21  }
0x2b9: {  	p1 =	sne.s32 s6, $0x6780;
	vm8 =	vlt.s32 v9, v0;
	vm7 =	vge.f32 v7, v6;
	vm14 =	vge.f32 v8, v6  }
.Ltmp15:
0x2ba: {  	vm15 =	vmand vm15, vm7;
	v21 =	vxor.u32 $0x80000000, v22;
	v22 =	vmpcnt.ones.xlane vm2;
	(pc) =	sbr.rel @p1 .LBB2_28-.Ltmp15, $4  }
0x2bb: {  	s24 =	spop (v2sf);
	vm14 =	vmand vm8, vm14;
	v25 =	vmpcnt.ones.xlane vm15  }
0x2bc: {  	s7 =	sadd.s32 s24, s25;
	(v2sf) =	vpush v23, $0xF;
	v26 =	vmpcnt.ones.xlane vm14;
	v24, _, _ =	vpop (xrf0);
	(xrf0) =	vmax.scan.msk.u32 $0xffff, v21;
	v27 =	vxor.u32 $0x80000000, v22  }
0x2bd: {  	s7 =	sadd.s32 $0x80000000, s7;
	(v2sf) =	vpush v24, $0xF;
	v23, _, _ =	vpop (xrf0);
	v63 =	vxor.u32 $0x80000000, v25;
	(xrf0) =	vmax.scan.msk.u32 $0xffff, v27  }
0x2be: {  	s6 =	sadd.s32 $0x80, s6;
	p2 =	slt.s32 s7, $0x200;
	v21 =	vxor.u32 $0x80000000, v26;
	(v2sf) =	vpush v23, $0xF;
	v22, _, _ =	vpop (xrf0);
	(xrf0) =	vmax.scan.msk.u32 $0xffff, v63  }
0x2bf: {  	_ =	sdelay $0x2  }
0x2c0: {  	(v2sf) =	vpush v22, $0xF  }
0x2c1: {  	v6, _, _ =	vpop (xrf0);
	(xrf0) =	vmax.scan.msk.u32 $0xffff, v21  }
0x2c2: {  	(v2sf) =	vpush v6, $0xF  }
0x2c3: {  	v61, _, _ =	vpop (xrf0)  }
0x2c4: {  	(v2sf) =	vpush v61, $0xF  }
0x2c5: {  	v62, _, _ =	vpop (xrf0)  }
0x2c6: {  	(v2sf) =	vpush v62, $0xF  }
0x2c7: {  	v63, _, _ =	vpop (xrf0)  }
0x2c8: {  	(v2sf) =	vpush v63, $0xF  }
0x2c9: {  	s4 =	spop (v2sf)  }
0x2ca: {  	vm7 =	vmmov vm13;
	s4 =	sadd.s32 s4, s7  }
0x2cb: {  	vm7 =	vmneg @p2 vm7;
	s5 =	spop (v2sf);
	s4 =	sadd.s32 $0x80000000, s4  }
0x2cc: {  	vm6 =	vmand vm7, vm6;
	vm7 =	vmmov vm13;
	p1 =	slt.s32 s4, $0x200;
	s5 =	sadd.s32 s5, s4  }
0x2cd: {  	[tilespmem:s7+$0x6800] =	vst.msk vm6, v19;
	s6 =	spop (v2sf);
	vm7 =	vmneg @p1 vm7;
	s5 =	sadd.s32 $0x80000000, s5  }
0x2ce: {  	[tilespmem:s7+$0x6A80] =	vst.msk vm6, v5;
	vm6 =	vmmov vm13;
	vm5 =	vmand vm5, vm7;
	p1 =	slt.s32 s5, $0x200;
	s6 =	sadd.s32 s6, s5  }
0x2cf: {  	s8 =	spop (v2sf);
	[tilespmem:s4+$0x6800] =	vst.msk vm5, v17;
	vm6 =	vmneg @p1 vm6;
	s6 =	sadd.s32 $0x80000000, s6  }
0x2d0: {  	[tilespmem:s4+$0x6A80] =	vst.msk vm5, v18;
	vm4 =	vmand vm4, vm6;
	p1 =	slt.s32 s6, $0x200;
	s9 =	sadd.s32 s8, s6;
	vm5 =	vmmov vm13  }
0x2d1: {  	s10 =	spop (v2sf);
	[tilespmem:s5+$0x6800] =	vst.msk vm4, v14;
	vm5 =	vmneg @p1 vm5;
	s4 =	sadd.s32 $0x80000000, s9  }
0x2d2: {  	[tilespmem:s5+$0x6A80] =	vst.msk vm4, v16;
	vm1 =	vmand vm1, vm5;
	p1 =	slt.s32 s4, $0x200;
	s11 =	sadd.s32 s10, s4;
	vm4 =	vmmov vm13  }
0x2d3: {  	s12 =	spop (v2sf);
	[tilespmem:s6+$0x6800] =	vst.msk vm1, v10;
	vm4 =	vmneg @p1 vm4;
	s5 =	sadd.s32 $0x80000000, s11  }
0x2d4: {  	[tilespmem:s6+$0x6A80] =	vst.msk vm1, v15;
	vm1 =	vmand vm3, vm4;
	p1 =	slt.s32 s5, $0x200;
	vm3 =	vmmov vm13;
	s14 =	sadd.s32 s12, s5  }
0x2d5: {  	s15 =	spop (v2sf);
	[tilespmem:s4+$0x6800] =	vst.msk vm1, v11;
	vm3 =	vmneg @p1 vm3;
	s6 =	sadd.s32 $0x80000000, s14  }
0x2d6: {  	[tilespmem:s4+$0x6A80] =	vst.msk vm1, v20;
	vm1 =	vmand vm2, vm3;
	p1 =	slt.s32 s6, $0x200;
	s16 =	sadd.s32 s15, s6;
	vm2 =	vmmov vm13  }
0x2d7: {  	s18 =	spop (v2sf);
	[tilespmem:s5+$0x6800] =	vst.msk vm1, v13;
	vm2 =	vmneg @p1 vm2;
	s4 =	sadd.s32 $0x80000000, s16  }
0x2d8: {  	[tilespmem:s5+$0x6A80] =	vst.msk vm1, v4;
	vm1 =	vmand vm15, vm2;
	p1 =	slt.s32 s4, $0x200;
	s22 =	sadd.s32 s18, s4;
	vm2 =	vmmov vm13  }
0x2d9: {  	[tilespmem:s6+$0x6800] =	vst.msk vm1, v7;
	vm2 =	vmneg @p1 vm2;
	s5 =	sadd.s32 $0x80000000, s22  }
0x2da: {  	[tilespmem:s6+$0x6A80] =	vst.msk vm1, v12;
	vm1 =	vmand vm14, vm2;
	p1 =	slt.s32 s5, $0x200  }
0x2db: {  	[tilespmem:s4+$0x6800] =	vst.msk vm1, v8;
	s5 =	simm.s32 @!p1 $0x200  }
0x2dc: {  	[tilespmem:s4+$0x6A80] =	vst.msk vm1, v9;
	v4 =	vmov s5  }
0x2dd: {  	s23 =	simm.s32 $0x8580;
	[tilespmem:$0x8580] =	vst v4  }
0x2de: {  	[spmem:s21] =	stream.linear.scatter [tilespmem:s23], [sflag:$0x2], $0x80, $0x38;
	[tilespmem:$0x8F00] =	vst v63  }
0x2df: {  	_ =	swait.ge [sflag:s30], $0x80  }
0x2e0: {  	[sflag:s30] =	ssyncset.done $0x0  }
0x2e1: {  	s24 =	simm.s32 $0x6800;
	[sflag:s30] =	ssyncadd.s32 $0xFFFFFF80  }
0x2e2: {  	[spmem:s19] =	stream.strided.scatter [tilespmem:s24], [sflag:$0x2], $0x280, s0, s31, $0x38;
	[tilespmem:$0x8F00] =	vst v63  }
0x2e3: {  	_ =	swait.ge [sflag:s30], $0x280  }
0x2e4: {  	[sflag:s30] =	ssyncset.done $0x0  }
0x2e5: {  	s25 =	simm.s32 $0x6A80;
	[sflag:s30] =	ssyncadd.s32 $0xFFFFFD80  }
0x2e6: {  	[spmem:s20] =	stream.strided.scatter [tilespmem:s25], [sflag:$0x2], $0x280, s0, s31, $0x38;
	[tilespmem:$0x8F00] =	vst v63  }
.Ltmp16:
0x2e7: {  	_ =	swait.ge [sflag:s30], $0x280;
	(pc) =	sbr.rel @p0 .LBB2_35-.Ltmp16, $3  }
0x2e8: {  	[sflag:s30] =	ssyncset.done $0x0  }
0x2e9: {  	[sflag:s30] =	ssyncadd.s32 $0xFFFFFD80  }
0x2ea: {  	[bflag:$0x0] =	sbarrier.arrive $0xFFFF;
	_ =	sdelay $0x1  }
0x2eb: {  	s4 =	simm.s32 $0x6D00  }
0x2ec: {  	[tilespmem:s4], [sflag:$0x2] =	stream.strided.gather [spmem:s19], $0x280, s0, s31, $0x38;
	[tilespmem:$0x8F00] =	vst v63  }
0x2ed: {  	_ =	swait.ge [sflag:s30], $0x280  }
0x2ee: {  	[sflag:s30] =	ssyncset.done $0x0  }
0x2ef: {  	s5 =	simm.s32 $0x7700;
	[sflag:s30] =	ssyncadd.s32 $0xFFFFFD80  }
0x2f0: {  	[tilespmem:s5], [sflag:$0x2] =	stream.strided.gather [spmem:s20], $0x280, s0, s31, $0x38;
	[tilespmem:$0x8F00] =	vst v63  }
0x2f1: {  	_ =	swait.ge [sflag:s30], $0x280  }
0x2f2: {  	[sflag:s30] =	ssyncset.done $0x0  }
0x2f3: {  	s11 =	simm.s32 $0x8100;
	[sflag:s30] =	ssyncadd.s32 $0xFFFFFD80  }
0x2f4: {  	[tilespmem:s11], [sflag:$0x2] =	stream.linear.gather [spmem:s21], $0x80, $0x38;
	[tilespmem:$0x8F00] =	vst v63  }
0x2f5: {  	_ =	swait.ge [sflag:s30], $0x80  }
0x2f6: {  	[sflag:s30] =	ssyncset.done $0x0  }
0x2f7: {  	s6 =	simm.s32 $0x6F80;
	s12 =	rddreg [dreg:$0x1f];
	[sflag:s30] =	ssyncadd.s32 $0xFFFFFF80  }
0x2f8: {  	[tilespmem:s6], [sflag:$0x2] =	stream.strided.gather [spmem:s12], $0x280, s0, s31, $0x38;
	[tilespmem:$0x8F00] =	vst v63  }
0x2f9: {  	_ =	swait.ge [sflag:s30], $0x280  }
0x2fa: {  	s14 =	sld [smem:$0x7EF]  }
0x2fb: {  	[sflag:s30] =	ssyncset.done $0x0  }
0x2fc: {  	s15 =	simm.s32 $0x7980;
	[sflag:s30] =	ssyncadd.s32 $0xFFFFFD80  }
0x2fd: {  	[tilespmem:s15], [sflag:$0x2] =	stream.strided.gather [spmem:s14], $0x280, s0, s31, $0x38;
	[tilespmem:$0x8F00] =	vst v63  }
0x2fe: {  	_ =	swait.ge [sflag:s30], $0x280  }
0x2ff: {  	[sflag:s30] =	ssyncset.done $0x0  }
0x300: {  	s18 =	simm.s32 $0x8180;
	s16 =	rddreg [dreg:$0x1e];
	[sflag:s30] =	ssyncadd.s32 $0xFFFFFD80  }
0x301: {  	[tilespmem:s18], [sflag:$0x2] =	stream.linear.gather [spmem:s16], $0x80, $0x38;
	[tilespmem:$0x8F00] =	vst v63  }
0x302: {  	_ =	swait.ge [sflag:s30], $0x80  }
0x303: {  	s22 =	sld [smem:$0x7F0]  }
0x304: {  	[sflag:s30] =	ssyncset.done $0x0  }
0x305: {  	s23 =	simm.s32 $0x7200;
	[sflag:s30] =	ssyncadd.s32 $0xFFFFFF80  }
0x306: {  	[tilespmem:s23], [sflag:$0x2] =	stream.strided.gather [spmem:s22], $0x280, s0, s31, $0x38;
	[tilespmem:$0x8F00] =	vst v63  }
0x307: {  	_ =	swait.ge [sflag:s30], $0x280  }
0x308: {  	s24 =	sld [smem:$0x7F1]  }
0x309: {  	[sflag:s30] =	ssyncset.done $0x0  }
0x30a: {  	s25 =	simm.s32 $0x7C00;
	[sflag:s30] =	ssyncadd.s32 $0xFFFFFD80  }
0x30b: {  	[tilespmem:s25], [sflag:$0x2] =	stream.strided.gather [spmem:s24], $0x280, s0, s31, $0x38;
	[tilespmem:$0x8F00] =	vst v63  }
0x30c: {  	_ =	swait.ge [sflag:s30], $0x280  }
0x30d: {  	s7 =	sld [smem:$0x7FC]  }
0x30e: {  	[sflag:s30] =	ssyncset.done $0x0  }
0x30f: {  	s8 =	simm.s32 $0x8200;
	[sflag:s30] =	ssyncadd.s32 $0xFFFFFD80  }
0x310: {  	[tilespmem:s8], [sflag:$0x2] =	stream.linear.gather [spmem:s7], $0x80, $0x38;
	[tilespmem:$0x8F00] =	vst v63  }
0x311: {  	_ =	swait.ge [sflag:s30], $0x80  }
0x312: {  	s9 =	sld [smem:$0x7F2]  }
0x313: {  	[sflag:s30] =	ssyncset.done $0x0  }
0x314: {  	s10 =	simm.s32 $0x7480;
	[sflag:s30] =	ssyncadd.s32 $0xFFFFFF80  }
0x315: {  	[tilespmem:s10], [sflag:$0x2] =	stream.strided.gather [spmem:s9], $0x280, s0, s31, $0x38;
	[tilespmem:$0x8F00] =	vst v63  }
0x316: {  	_ =	swait.ge [sflag:s30], $0x280  }
0x317: {  	s11 =	sld [smem:$0x7F3]  }
0x318: {  	[sflag:s30] =	ssyncset.done $0x0  }
0x319: {  	s12 =	simm.s32 $0x7E80;
	[sflag:s30] =	ssyncadd.s32 $0xFFFFFD80  }
0x31a: {  	[tilespmem:s12], [sflag:$0x2] =	stream.strided.gather [spmem:s11], $0x280, s0, s31, $0x38;
	[tilespmem:$0x8F00] =	vst v63  }
0x31b: {  	_ =	swait.ge [sflag:s30], $0x280  }
0x31c: {  	s14 =	sld [smem:$0x7FD]  }
0x31d: {  	[sflag:s30] =	ssyncset.done $0x0  }
0x31e: {  	s15 =	simm.s32 $0x8280;
	[sflag:s30] =	ssyncadd.s32 $0xFFFFFD80  }
0x31f: {  	[tilespmem:s15], [sflag:$0x2] =	stream.linear.gather [spmem:s14], $0x80, $0x38;
	[tilespmem:$0x8F00] =	vst v63  }
0x320: {  	_ =	swait.ge [sflag:s30], $0x80  }
0x321: {  	s16 =	sld [smem:$0x7F6]  }
0x322: {  	[sflag:s30] =	ssyncset.done $0x0  }
0x323: {  	s5 =	simm.s32 $0x0;
	s7 =	simm.s32 $0x8800;
	[sflag:s30] =	ssyncadd.s32 $0xFFFFFF80  }
0x324: {  	[tilespmem:s7], [sflag:$0x2] =	stream.linear.gather [hbm4b:s16+s5], $0x80, $0x38;
	[tilespmem:$0x8F00] =	vst v63  }
0x325: {  	_ =	swait.ge [sflag:s30], $0x80  }
0x326: {  	s18 =	sld [smem:$0x7F7]  }
0x327: {  	[sflag:s30] =	ssyncset.done $0x0  }
0x328: {  	s22 =	simm.s32 $0x8880;
	s23 =	smul.u32 $0xCD, s5;
	[sflag:s30] =	ssyncadd.s32 $0xFFFFFF80  }
0x329: {  	[tilespmem:s22], [sflag:$0x2] =	stream.linear.gather [hbm4b:s18+s5], $0x80, $0x38;
	[tilespmem:$0x8F00] =	vst v63  }
0x32a: {  	_ =	swait.ge [sflag:s30], $0x80  }
0x32b: {  	s6 =	sshrl.u32 s23, $0x6;
	s24 =	smulhi.u32 $0xCCCCCCCD, s5;
	[sflag:s30] =	ssyncset.done $0x0  }
0x32c: {  	s6 =	sand.u32 $0x380, s6;
	[sflag:s30] =	ssyncadd.s32 $0xFFFFFF80  }
0x32d: {  	s7 =	sshrl.u32 s24, $0x5;
	v4 =	vld [tilespmem:s6+$0x8100]  }
0x32e: {  	s25 =	smul.u32 $0x280, s7;
	v5 =	vld [tilespmem:s4+$0x0];
	_ =	sdelay $0x1  }
0x32f: {  	s6 =	ssub.s32 $0x0, s25  }
0x330: {  	v6 =	vor.u32 s6, v1  }
0x331: {  	vm1 =	vlt.s32 v6, v4  }
0x332: {  	v4 =	vnsel vm1, $0xFF800000, v5  }
0x333: {  	(xrf0) =	vmax.scan.msk.f32 $0xffff, v4;
	_ =	sdelay $0x3  }
0x334: {  	[tilespmem:s4+$0x0] =	vst v4;
	v4 =	vmov s5  }
0x335: {  	s6 =	simm.s32 $0x1  }
0x336: {  	s7 =	simm.s32 $0x2;
	s8 =	smul.u32 $0xCD, s6;
	v5, _, _ =	vpop (xrf0)  }
.LBB2_31:
0x337: {  	p1 =	sne.s32 s7, $0x9F;
	v5 =	vbroadcast v5, $0xF  }
0x338: {  	s9 =	smulhi.u32 $0xCCCCCCCD, s6;
	s8 =	sshrl.u32 s8, $0x6  }
0x339: {  	s8 =	sand.u32 $0x380, s8;
	[tilespmem:v4+s1+$0x0] =	vst.idx.msk $0x1, v5  }
0x33a: {  	s4 =	sadd.s32 $0x10, s4;
	s9 =	sshrl.u32 s9, $0x5;
	v4 =	vld [tilespmem:s8+$0x8100]  }
0x33b: {  	s8 =	smul.u32 $0x280, s9;
	v5 =	vld [tilespmem:s4+$0x0]  }
0x33c: {  	s5 =	sadd.s32 $0x10, s5  }
0x33d: {  	s8 =	ssub.s32 s5, s8  }
0x33e: {  	v6 =	vor.u32 s8, v1  }
0x33f: {  	vm1 =	vlt.s32 v6, v4  }
0x340: {  	v4 =	vnsel vm1, $0xFF800000, v5  }
0x341: {  	[tilespmem:s4+$0x0] =	vst v4;
	(xrf0) =	vmax.scan.msk.f32 $0xffff, v4;
	_ =	sdelay $0x1  }
.Ltmp17:
0x342: {  	(pc) =	sbr.rel @p1 .LBB2_31-.Ltmp17, $3  }
0x343: {  	_ = 	snop  }
0x344: {  	v4 =	vmov s6;
	s6 =	smov.u32 s7;
	_ =	sdelay $0x1  }
0x345: {  	s7 =	sadd.s32 $0x1, s7;
	s8 =	smul.u32 $0xCD, s6;
	v5, _, _ =	vpop (xrf0)  }
0x346: {  	_ =	sdelay $0x1  }
0x347: {  	v5 =	vbroadcast v5, $0xF  }
0x348: {  	s7 =	smulhi.u32 $0xCCCCCCCD, s6;
	s8 =	sshrl.u32 s8, $0x6  }
0x349: {  	s8 =	sand.u32 $0x380, s8;
	[tilespmem:v4+s1+$0x0] =	vst.idx.msk $0x1, v5  }
0x34a: {  	s4 =	sadd.s32 $0x10, s4;
	s7 =	sshrl.u32 s7, $0x5;
	v4 =	vld [tilespmem:s8+$0x8100]  }
0x34b: {  	s7 =	smul.u32 $0x280, s7;
	v5 =	vld [tilespmem:s4+$0x0]  }
0x34c: {  	s5 =	sadd.s32 $0x10, s5  }
0x34d: {  	s5 =	ssub.s32 s5, s7  }
0x34e: {  	v6 =	vor.u32 s5, v1  }
0x34f: {  	vm1 =	vlt.s32 v6, v4  }
0x350: {  	v4 =	vnsel vm1, $0xFF800000, v5  }
0x351: {  	(xrf0) =	vmax.scan.msk.f32 $0xffff, v4;
	_ =	sdelay $0x3  }
0x352: {  	v5 =	vmov s6;
	_ =	sdelay $0x1  }
0x353: {  	v6, _, _ =	vpop (xrf0)  }
0x354: {  	v6 =	vbroadcast v6, $0xF  }
0x355: {  	[tilespmem:s4+$0x0] =	vst v4  }
0x356: {  	[tilespmem:v5+s1+$0x0] =	vst.idx.msk $0x1, v6  }
0x357: {  	v13 =	vld [tilespmem:$0x8300]  }
0x358: {  	v12 =	vld [tilespmem:$0x8310]  }
0x359: {  	v11 =	vld [tilespmem:$0x8320]  }
0x35a: {  	v10 =	vld [tilespmem:$0x8330]  }
0x35b: {  	v9 =	vld [tilespmem:$0x8340]  }
0x35c: {  	v8 =	vld [tilespmem:$0x8350]  }
0x35d: {  	v14 =	vld [tilespmem:$0x8360];
	v4 =	vmax.f32 v13, v12  }
0x35e: {  	v7 =	vld [tilespmem:$0x8370];
	v4 =	vmax.f32 v4, v11  }
0x35f: {  	v6 =	vld [tilespmem:$0x8380];
	v4 =	vmax.f32 v4, v10  }
0x360: {  	v5 =	vld [tilespmem:$0x8390];
	v4 =	vmax.f32 v4, v9  }
0x361: {  	v4 =	vmax.f32 v4, v8  }
0x362: {  	v4 =	vmax.f32 v4, v14  }
0x363: {  	v4 =	vmax.f32 v4, v7  }
0x364: {  	v4 =	vmax.f32 v4, v6  }
0x365: {  	v4 =	vmax.f32 v4, v5  }
0x366: {  	(xrf0) =	vmax.scan.msk.f32 $0xffff, v4;
	_ =	sdelay $0x5  }
0x367: {  	v4, _, _ =	vpop (xrf0)  }
0x368: {  	v16 =	vbroadcast v4, $0xF;
	_ =	sdelay $0x1  }
0x369: {  	v4 =	vor.u32 $0x80000090, v1;
	vm1 =	veq.f32 v5, v16  }
0x36a: {  	v5 =	vor.u32 $0x80000080, v1;
	vm2 =	veq.f32 v6, v16;
	v15 =	vnsel vm1, $0xFFFFFFFF, v4  }
0x36b: {  	v6 =	vor.u32 $0x80000070, v1;
	vm1 =	veq.f32 v7, v16;
	v15 =	vsel vm2, v5, v15  }
0x36c: {  	v7 =	vor.u32 $0x80000060, v1;
	vm2 =	veq.f32 v14, v16;
	v14 =	vsel vm1, v6, v15  }
0x36d: {  	vm1 =	veq.f32 v8, v16;
	v8 =	vor.u32 $0x80000050, v1;
	v14 =	vsel vm2, v7, v14  }
0x36e: {  	vm2 =	veq.f32 v9, v16;
	v9 =	vor.u32 $0x80000040, v1;
	v14 =	vsel vm1, v8, v14  }
0x36f: {  	vm1 =	veq.f32 v10, v16;
	v10 =	vor.u32 $0x80000030, v1;
	v14 =	vsel vm2, v9, v14  }
0x370: {  	vm2 =	veq.f32 v11, v16;
	v11 =	vor.u32 $0x80000020, v1;
	v14 =	vsel vm1, v10, v14  }
0x371: {  	vm1 =	veq.f32 v12, v16;
	v12 =	vor.u32 $0x80000010, v1;
	v14 =	vsel vm2, v11, v14  }
0x372: {  	vm2 =	veq.f32 v13, v16;
	v13 =	vor.u32 $0x80000000, v1;
	v14 =	vsel vm1, v12, v14  }
0x373: {  	v14 =	vsel vm2, v13, v14  }
0x374: {  	(xrf0) =	vmin.scan.msk.u32 $0xffff, v14;
	_ =	sdelay $0x5  }
0x375: {  	v14, _, _ =	vpop (xrf0)  }
0x376: {  	(v2sf) =	vpush v14, $0xF  }
0x377: {  	[tilespmem:$0x8400] =	vst v2  }
0x378: {  	[tilespmem:$0x8480] =	vst v3  }
0x379: {  	[tilespmem:$0x8410] =	vst v2  }
0x37a: {  	[tilespmem:$0x8490] =	vst v3  }
0x37b: {  	[tilespmem:$0x8420] =	vst v2  }
0x37c: {  	[tilespmem:$0x84A0] =	vst v3  }
0x37d: {  	[tilespmem:$0x8430] =	vst v2  }
0x37e: {  	[tilespmem:$0x84B0] =	vst v3  }
0x37f: {  	[tilespmem:$0x8440] =	vst v2  }
0x380: {  	[tilespmem:$0x84C0] =	vst v3  }
0x381: {  	[tilespmem:$0x8450] =	vst v2  }
0x382: {  	[tilespmem:$0x84D0] =	vst v3  }
0x383: {  	[tilespmem:$0x8460] =	vst v2  }
0x384: {  	[tilespmem:$0x84E0] =	vst v3  }
0x385: {  	[tilespmem:$0x8470] =	vst v2;
	s16 =	spop (v2sf)  }
0x386: {  	[tilespmem:$0x84F0] =	vst v3;
	s18 =	sshll.u32 s16, $0x4  }
0x387: {  	v14 =	vld [tilespmem:s18+$0x6D00];
	_ =	sdelay $0x4  }
0x388: {  	vm1 =	veq.f32 v14, v16  }
0x389: {  	v15 =	vmctz.xlane vm1;
	_ =	sdelay $0x1  }
0x38a: {  	v15 =	vxor.u32 $0x80000000, v15  }
0x38b: {  	(xrf0) =	vmax.scan.msk.u32 $0xffff, v15;
	_ =	sdelay $0x5  }
0x38c: {  	v15, _, _ =	vpop (xrf0)  }
0x38d: {  	(v2sf) =	vpush v15, $0xF;
	_ =	sdelay $0xc  }
0x38e: {  	v15 =	vld [tilespmem:s18+$0x7700];
	_ =	sdelay $0x1  }
0x38f: {  	s22 =	spop (v2sf)  }
0x390: {  	s6 =	sxor.u32 $0x80000000, s22  }
0x391: {  	v17 =	vmov s6  }
0x392: {  	v15 =	vxor.u32 $0x80000000, v15;
	vm1 =	veq.s32 v17, v1  }
0x393: {  	v15 =	vnsel vm1, $0xFFFFFFFF, v15  }
0x394: {  	(xrf0) =	vmin.scan.msk.u32 $0xffff, v15;
	_ =	sdelay $0x5  }
0x395: {  	v15, _, _ =	vpop (xrf0)  }
0x396: {  	(v2sf) =	vpush v15, $0xF;
	_ =	sdelay $0x5  }
0x397: {  	v14 =	vsel vm1, $0xFF800000, v14  }
0x398: {  	(xrf0) =	vmax.scan.msk.f32 $0xffff, v14;
	_ =	sdelay $0x2  }
0x399: {  	s4 =	sxor.u32 $0x80000000, s16  }
0x39a: {  	s23 =	simm.s32 $0x0;
	v17 =	vmov s4  }
0x39b: {  	v15 =	vmov s23  }
0x39c: {  	v18, _, _ =	vpop (xrf0)  }
0x39d: {  	v18 =	vbroadcast v18, $0xF  }
0x39e: {  	[tilespmem:s18+$0x6D00] =	vst v14;
	s24 =	spop (v2sf)  }
0x39f: {  	[tilespmem:v17+s1+$0x0] =	vst.idx.msk $0x1, v18;
	s25 =	sxor.u32 $0x80000000, s24  }
0x3a0: {  	s4 =	simm.s32 $0x1;
	[tilespmem:v15+s26+$0x0] =	vst.idx.msk $0x1, v16;
	v14 =	vmov s25  }
.LBB2_33:
0x3a1: {  	p1 =	sne.s32 s4, $0x31;
	[tilespmem:v15+s28+$0x0] =	vst.idx.msk $0x1, v14;
	s5 =	smov.u32 s4;
	s4 =	sadd.s32 $0x1, s4  }
0x3a2: {  	v15 =	vld [tilespmem:$0x8300]  }
0x3a3: {  	v16 =	vld [tilespmem:$0x8310]  }
0x3a4: {  	v17 =	vld [tilespmem:$0x8320]  }
0x3a5: {  	v18 =	vld [tilespmem:$0x8330]  }
0x3a6: {  	v19 =	vld [tilespmem:$0x8340]  }
0x3a7: {  	v20 =	vld [tilespmem:$0x8350]  }
0x3a8: {  	v14 =	vmax.f32 v15, v16;
	v21 =	vld [tilespmem:$0x8360]  }
0x3a9: {  	v14 =	vmax.f32 v14, v17;
	v22 =	vld [tilespmem:$0x8370]  }
0x3aa: {  	v14 =	vmax.f32 v14, v18;
	v23 =	vld [tilespmem:$0x8380]  }
0x3ab: {  	v14 =	vmax.f32 v14, v19;
	v24 =	vld [tilespmem:$0x8390]  }
0x3ac: {  	v14 =	vmax.f32 v14, v20  }
0x3ad: {  	v14 =	vmax.f32 v14, v21  }
0x3ae: {  	v14 =	vmax.f32 v14, v22  }
0x3af: {  	v14 =	vmax.f32 v14, v23  }
0x3b0: {  	v14 =	vmax.f32 v14, v24  }
0x3b1: {  	(xrf0) =	vmax.scan.msk.f32 $0xffff, v14;
	_ =	sdelay $0x5  }
0x3b2: {  	v14, _, _ =	vpop (xrf0)  }
0x3b3: {  	v14 =	vbroadcast v14, $0xF;
	_ =	sdelay $0x1  }
0x3b4: {  	vm1 =	veq.f32 v18, v14;
	vm2 =	veq.f32 v19, v14;
	vm3 =	veq.f32 v24, v14  }
0x3b5: {  	vm4 =	veq.f32 v17, v14;
	vm5 =	veq.f32 v23, v14;
	v17 =	vnsel vm3, $0xFFFFFFFF, v4  }
0x3b6: {  	vm6 =	veq.f32 v22, v14;
	vm3 =	veq.f32 v16, v14;
	v16 =	vsel vm5, v5, v17  }
0x3b7: {  	vm7 =	veq.f32 v21, v14;
	vm5 =	veq.f32 v15, v14;
	v15 =	vsel vm6, v6, v16  }
0x3b8: {  	vm6 =	veq.f32 v20, v14;
	v15 =	vsel vm7, v7, v15  }
0x3b9: {  	v15 =	vsel vm6, v8, v15  }
0x3ba: {  	v15 =	vsel vm2, v9, v15  }
0x3bb: {  	v15 =	vsel vm1, v10, v15  }
0x3bc: {  	v15 =	vsel vm4, v11, v15  }
0x3bd: {  	v15 =	vsel vm3, v12, v15  }
0x3be: {  	v15 =	vsel vm5, v13, v15  }
0x3bf: {  	(xrf0) =	vmin.scan.msk.u32 $0xffff, v15;
	_ =	sdelay $0x5  }
0x3c0: {  	v15, _, _ =	vpop (xrf0)  }
0x3c1: {  	(v2sf) =	vpush v15, $0xF;
	_ =	sdelay $0xe  }
0x3c2: {  	s6 =	spop (v2sf)  }
0x3c3: {  	s7 =	sxor.u32 $0x80000000, s6;
	s6 =	sshll.u32 s6, $0x4  }
0x3c4: {  	v15 =	vld [tilespmem:s6+$0x6D00];
	_ =	sdelay $0x4  }
0x3c5: {  	vm1 =	veq.f32 v15, v14  }
0x3c6: {  	v16 =	vmctz.xlane vm1;
	_ =	sdelay $0x1  }
0x3c7: {  	v16 =	vxor.u32 $0x80000000, v16  }
0x3c8: {  	(xrf0) =	vmax.scan.msk.u32 $0xffff, v16;
	_ =	sdelay $0x5  }
0x3c9: {  	v16, _, _ =	vpop (xrf0)  }
0x3ca: {  	(v2sf) =	vpush v16, $0xF;
	_ =	sdelay $0xc  }
0x3cb: {  	v16 =	vld [tilespmem:s6+$0x7700];
	_ =	sdelay $0x1  }
0x3cc: {  	s8 =	spop (v2sf)  }
0x3cd: {  	s8 =	sxor.u32 $0x80000000, s8  }
0x3ce: {  	v17 =	vmov s8  }
0x3cf: {  	vm1 =	veq.s32 v17, v1;
	v16 =	vxor.u32 $0x80000000, v16  }
0x3d0: {  	v16 =	vnsel vm1, $0xFFFFFFFF, v16;
	v15 =	vsel vm1, $0xFF800000, v15  }
0x3d1: {  	[tilespmem:s6+$0x6D00] =	vst v15;
	(xrf0) =	vmin.scan.msk.u32 $0xffff, v16  }
0x3d2: {  	(xrf0) =	vmax.scan.msk.f32 $0xffff, v15;
	_ =	sdelay $0x3  }
0x3d3: {  	v16 =	vmov s7  }
0x3d4: {  	v15 =	vmov s5;
	v17, _, _ =	vpop (xrf0)  }
0x3d5: {  	(v2sf) =	vpush v17, $0xF;
	v17, _, _ =	vpop (xrf0)  }
0x3d6: {  	v17 =	vbroadcast v17, $0xF;
	_ =	sdelay $0x1  }
0x3d7: {  	[tilespmem:v16+s1+$0x0] =	vst.idx.msk $0x1, v17  }
0x3d8: {  	[tilespmem:v15+s26+$0x0] =	vst.idx.msk $0x1, v14;
	_ =	sdelay $0x8  }
.Ltmp18:
0x3d9: {  	(pc) =	sbr.rel @p1 .LBB2_33-.Ltmp18, $4  }
0x3da: {  	_ = 	snop  }
0x3db: {  	s5 =	spop (v2sf)  }
0x3dc: {  	s5 =	sxor.u32 $0x80000000, s5  }
0x3dd: {  	v14 =	vmov s5  }
.Ltmp19:
0x3de: {  	_ = 	snop;
	(pc) =	sbr.rel .LBB2_34-.Ltmp19, $1  }
0x3df: {  	_ =	sdelay $0x3  }
.LBB2_36:
0x3e0: {  	_ =	sfence.sel $0x180000  }
0x3e1: {  	[bflag:$0x0] =	sbarrier.arrive $0xFFFF  }
0x3e2: {  	_ =	strace $0x90000047  }
0x3e3: {  	s0 =	stileid.u32;
	[bflag:$0x2] =	sbarrier.arrive $0xFFFF  }
0x3e4: {  	p0 =	sne.s32 s0, $0x0;
	s0 =	rddreg [dreg:$0x7]  }
0x3e5: {  	s0 =	sadd.s32 @!p0 $0x100000, s0  }
0x3e6: {  	[sflag:s0] =	ssyncadd.tile.s32 @!p0 $0x1;
	_ =	shalt  }
.Lfunc_end2:
_tile_overlayer_lowered:
.L_overlay_start_2:
0x3e7: {  	(tag) =	ssettag $0x2  }
0x3e8: {  	s0 =	rddreg [dreg:$0x0];
	s2 =	stileid.u32  }
0x3e9: {  	s1 =	rddreg [dreg:$0x1];
	p0 =	sne.s32 s2, $0x0  }
0x3ea: {  	s3 =	rddreg [dreg:$0x2];
	[bflag:$0x3] =	sbarrier.arrive $0xFFFF;
	s2 =	simm.s32 @!p0 $0x1C02  }
0x3eb: {  	[timem:s3], [sflag:s2] =	dma.local @!p0 [hbm:s0], s1  }
0x3ec: {  	s0 =	simm.s32 @!p0 $0x2  }
0x3ed: {  	_ =	swait.ge @!p0 [sflag:s0], s1  }
0x3ee: {  	s1 =	ssub.s32 @!p0 $0x0, s1;
	[sflag:s0] =	ssyncset.done @!p0 $0x0  }
0x3ef: {  	[sflag:s0] =	ssyncadd.s32 @!p0 s1  }
0x3f0: {  	[bflag:$0x3] =	sbarrier.arrive $0xFFFF  }
0x3f1: {  	_ =	shalt  }

</sc_bundles>
